<compile_context>
chip_gen: v7x
topology: tpu7x:2x2x1
jax: 0.10.2.dev20260603
libtpu: 0.0.44.dev20260713+nightly
codegen_flags: <defaults>
</compile_context>

<pallas_src>
import functools

import jax
import jax.numpy as jnp
from jax import lax
from jax.experimental import pallas as pl
from jax.experimental.pallas import tpu as pltpu, tpu_sc as plsc

_TOP_K_PERCENT = 0.25
_HEM_STEP = 100000
_STEP_CONST = 50000

_B = 16
_N = 512 * 512
_ROWS2D = 2048
_LANES = 128

_HALF = _N // 2
_K = int((min(1.0, _STEP_CONST / _HEM_STEP) * _TOP_K_PERCENT
          + (1.0 - min(1.0, _STEP_CONST / _HEM_STEP))) * _N)
_HALFW = _HALF // 2
_CH = 8192
_NCH = _HALFW // _CH
_NB12 = 4096
_NB3 = 16
_U = 8



def _count_loss_body(x_ref, g_ref, out_ref, cnt_ref):
    i = pl.program_id(0)

    @pl.when(i == 0)
    def _init():
        cnt_ref[0] = 0.0

    @pl.when(i < _B)
    def _count():
        cnt_ref[0] += jnp.sum(g_ref[0, :, :].astype(jnp.float32))

    @pl.when(i >= _B)
    def _loss():
        pos = cnt_ref[0]
        total = float(_B * _N)
        wp = (total - pos) / total
        wn = pos / total
        x0 = x_ref[0, 0, :, :]
        x1 = x_ref[0, 1, :, :]
        g = g_ref[0, :, :]
        d = x0 - x1
        z = jnp.where(g == 1, d, -d)
        sp = jnp.maximum(z, 0.0) + jnp.log1p(jnp.exp(-jnp.abs(z)))
        w = jnp.where(g == 1, wp, wn)
        loss = (w * sp).astype(jnp.bfloat16)
        l3 = loss.reshape(_ROWS2D // 2, 2, _LANES)
        a = jax.lax.bitcast_convert_type(l3[:, 0, :], jnp.int16)
        b = jax.lax.bitcast_convert_type(l3[:, 1, :], jnp.int16)
        ai = a.astype(jnp.int32) & 0xFFFF
        bi = (b.astype(jnp.int32) & 0xFFFF) << 16
        out_ref[0, :, :] = bi | ai



def _zero(ref, nbins, dtype):
    def body(j, _):
        ref[pl.ds(j * 16, 16)] = jnp.zeros((16,), dtype)
        return 0
    lax.fori_loop(0, nbins // 16, body, 0)


def _scan_hist(ref, nbins, k_rank):
    nv = nbins // 16

    def body(j, carry):
        acc, found, b, sb1 = carry
        jj = nv - 1 - j
        v = ref[pl.ds(jj * 16, 16)]
        svec = lax.rev(jnp.cumsum(lax.rev(v, (0,))), (0,)) + acc
        ge = svec >= k_rank
        trues = jnp.sum(ge.astype(jnp.int32))
        found_now = jnp.logical_and(jnp.logical_not(found), trues > 0)
        sb1_here = jnp.maximum(jnp.max(jnp.where(ge, jnp.int32(-1), svec)), acc)
        b = jnp.where(found_now, jj * 16 + trues - 1, b)
        sb1 = jnp.where(found_now, sb1_here, sb1)
        found = jnp.logical_or(found, trues > 0)
        return acc + jnp.sum(v), found, b, sb1

    _, _, b, sb1 = lax.fori_loop(
        0, nv, body, (jnp.int32(0), False, jnp.int32(0), jnp.int32(0))
    )
    return b, sb1


def _sc_select_body(loss_hbm, out_hbm, buf_v, hist_v, part_v,
                    s3_v, stg_v, res_v, sh_i, sh_f, dma_sem):
    cid = lax.axis_index("c")
    sid = lax.axis_index("s")
    row = cid * 8 + sid // 2
    half = sid % 2
    base = row * (_N // 2) + half * _HALFW
    partner = sid + 1 - 2 * half

    def data_pass(pass_body):
        def start(c):
            return pltpu.async_copy(
                loss_hbm.at[pl.ds(base + c * _CH, _CH)],
                buf_v.at[pl.ds((c % 2) * _CH, _CH)],
                dma_sem,
            )

        carry = jnp.float32(0.0)
        desc = start(0)
        for c in range(_NCH):
            desc.wait()
            if c + 1 < _NCH:
                desc = start(c + 1)
            cbase = (c % 2) * _CH

            def vec(off, carry2):
                x = buf_v[pl.ds(cbase + off, 16)]
                carry2 = pass_body(x & 0xFFFF, carry2)
                return pass_body((x >> 16) & 0xFFFF, carry2)
            carry = plsc.parallel_loop(0, _CH, 16, unroll=_U, carry=carry)(vec)
        return carry

    ones = jnp.ones((16,), jnp.int32)

    def merge_hist(nbins):
        pltpu.sync_copy(hist_v.at[pl.ds(0, nbins)], sh_i.at[sid, pl.ds(0, nbins)])
        plsc.subcore_barrier()
        pltpu.sync_copy(sh_i.at[partner, pl.ds(0, nbins)], part_v.at[pl.ds(0, nbins)])

        def madd(j, _):
            d = pl.ds(j * 16, 16)
            hist_v[d] = hist_v[d] + part_v[d]
            return 0
        lax.fori_loop(0, nbins // 16, madd, 0)
        plsc.subcore_barrier()

    _zero(hist_v, _NB12, jnp.int32)

    def p1(key, carry):
        plsc.addupdate_scatter(hist_v, [key >> 3], ones)
        return carry
    data_pass(p1)
    merge_hist(_NB12)
    b1, c1 = _scan_hist(hist_v, _NB12, jnp.int32(_K))
    k2 = _K - c1

    _zero(hist_v, _NB3, jnp.int32)
    _zero(s3_v, _NB3, jnp.float32)

    def p2(key, sum_hi):
        hi12 = key >> 3
        m_eq = hi12 == b1
        val = plsc.bitcast(key << 16, jnp.float32)
        plsc.addupdate_scatter(hist_v, [key & 7], ones, mask=m_eq)
        plsc.addupdate_scatter(s3_v, [key & 7], val, mask=m_eq)
        return sum_hi + jnp.sum(jnp.where(hi12 > b1, val, 0.0))
    sum_hi = data_pass(p2)

    pltpu.sync_copy(hist_v.at[pl.ds(0, _NB3)], sh_i.at[sid, pl.ds(0, _NB3)])
    stg_v[pl.ds(0, 16)] = s3_v[pl.ds(0, 16)]
    stg_v[pl.ds(16, 16)] = jnp.full((16,), sum_hi, jnp.float32)
    pltpu.sync_copy(stg_v.at[pl.ds(0, 32)], sh_f.at[sid, pl.ds(0, 32)])
    plsc.subcore_barrier()
    pltpu.sync_copy(sh_i.at[partner, pl.ds(0, _NB3)], part_v.at[pl.ds(0, _NB3)])
    pltpu.sync_copy(sh_f.at[partner, pl.ds(0, 32)], stg_v.at[pl.ds(0, 32)])

    hist_v[pl.ds(0, 16)] = hist_v[pl.ds(0, 16)] + part_v[pl.ds(0, 16)]
    s3_v[pl.ds(0, 16)] = s3_v[pl.ds(0, 16)] + stg_v[pl.ds(0, 16)]
    sum_hi = sum_hi + jnp.max(stg_v[pl.ds(16, 16)])

    b2, c2 = _scan_hist(hist_v, _NB3, k2)
    t_bits = (b1 << 3) | b2
    t_val = plsc.bitcast(jnp.full((16,), t_bits << 16, jnp.int32), jnp.float32)

    gidx = lax.iota(jnp.int32, 16)
    sum_in = jnp.sum(jnp.where(gidx > b2, s3_v[pl.ds(0, 16)], 0.0))

    row_sum = sum_hi + sum_in + t_val[0] * (k2 - c2).astype(jnp.float32)

    @pl.when(half == 0)
    def _():
        res_v[...] = jnp.full((16,), row_sum, jnp.float32)
        pltpu.sync_copy(res_v, out_hbm.at[row])


_sc_select = functools.partial(
    pl.kernel,
    out_type=jax.ShapeDtypeStruct((_B, 16), jnp.float32),
    mesh=plsc.VectorSubcoreMesh(core_axis_name="c", subcore_axis_name="s"),
    scratch_types=[
        pltpu.VMEM((2 * _CH,), jnp.int32),
        pltpu.VMEM((_NB12,), jnp.int32),
        pltpu.VMEM((_NB12,), jnp.int32),
        pltpu.VMEM((_NB3,), jnp.float32),
        pltpu.VMEM((256,), jnp.float32),
        pltpu.VMEM((16,), jnp.float32),
        pltpu.VMEM_SHARED((16, _NB12), jnp.int32),
        pltpu.VMEM_SHARED((16, 256), jnp.float32),
        pltpu.SemaphoreType.DMA,
    ],
    compiler_params=pltpu.CompilerParams(needs_layout_passes=False),
)(_sc_select_body)


def kernel(pred_logits, gts, step):
    B, C, H, W = pred_logits.shape

    g3 = gts.reshape(B, _ROWS2D, _LANES)
    x4 = pred_logits.reshape(B, C, _ROWS2D, _LANES)

    losses = pl.pallas_call(
        _count_loss_body,
        grid=(2 * B,),
        in_specs=[
            pl.BlockSpec(
                (1, C, _ROWS2D, _LANES),
                lambda i: (jnp.where(i < _B, 0, i - _B), 0, 0, 0),
            ),
            pl.BlockSpec(
                (1, _ROWS2D, _LANES),
                lambda i: (jnp.where(i < _B, i, i - _B), 0, 0),
            ),
        ],
        out_specs=pl.BlockSpec(
            (1, _ROWS2D // 2, _LANES),
            lambda i: (jnp.where(i < _B, 0, i - _B), 0, 0),
        ),
        out_shape=jax.ShapeDtypeStruct((B, _ROWS2D // 2, _LANES), jnp.int32),
        scratch_shapes=[pltpu.SMEM((1,), jnp.float32)],
    )(x4, g3)

    row_sums = _sc_select(losses.reshape(B * _N // 2))[:, 0]

    ratio_t = jnp.minimum(1.0, jnp.asarray(step, jnp.float32) / _HEM_STEP)
    return jnp.sum(row_sums) / float(B * _K) + 0.0 * ratio_t

# --- scband reference (transcript-rebuilt; emitter-appended) ---
"""Pipeline reference for scband-added-edge-cross-entropy-loss-22479858828003 (READ-ONLY COPY).

The authoritative reference and input builder live on the scoring server;
editing this copy changes nothing except your own understanding.
"""

import jax, jax.numpy as jnp
import numpy as np

TOP_K_PERCENT = 0.25
HEM_STEP = 100000

STEP_CONST = 50000


def setup_inputs(seed: int = 0) -> dict:
    key = jax.random.key(seed)
    k1, k2 = jax.random.split(key)
    pred_logits = jax.random.normal(k1, (16, 2, 512, 512), dtype=jnp.float32)
    gts = jax.random.randint(k2, (16, 512, 512), 0, 2).astype(jnp.int32)
    step = 50000
    return {"pred_logits": pred_logits, "gts": gts, "step": step}


def reference(pred_logits, gts, step):
    # class-balance weights (computed from label counts)
    pos_num = jnp.sum((gts == 1).astype(jnp.float32))
    neg_num = jnp.sum((gts == 0).astype(jnp.float32))
    weight_pos = neg_num / (pos_num + neg_num)
    weight_neg = pos_num / (pos_num + neg_num)
    weights = jnp.stack([weight_neg, weight_pos])

    B, C, H, W = pred_logits.shape
    num_pixels = float(H * W)
    logits = pred_logits.reshape(B, C, H * W)
    g = gts.reshape(B, H * W)

    # weighted cross-entropy per pixel, ignore_index=255, reduction='none'
    logp = jax.nn.log_softmax(logits, axis=1)
    valid = g != 255
    g_safe = jnp.where(valid, g, 0)
    nll = -jnp.take_along_axis(logp, g_safe[:, None, :], axis=1)[:, 0, :]
    w = weights[g_safe]
    pixel_losses = jnp.where(valid, w * nll, 0.0)

    # hard example mining schedule
    ratio_t = jnp.minimum(1.0, jnp.asarray(step, jnp.float32) / float(HEM_STEP))
    ratio = min(1.0, float(STEP_CONST) / float(HEM_STEP))
    top_k_pixels = int((ratio * TOP_K_PERCENT + (1.0 - ratio)) * num_pixels)

    top_k_loss, top_k_indices = jax.lax.top_k(pixel_losses, top_k_pixels)
    final_loss = jnp.mean(top_k_loss) + 0.0 * ratio_t
    return final_loss

if __name__ == "__main__":
    import jax
    _d = setup_inputs()
    print(jax.jit(kernel)(*tuple(_d.values())))

</pallas_src>

<mosaic_0001>
#map = affine_map<(d0, d1) -> (0)>
#map1 = affine_map<(d0, d1) -> (0, 0)>
module attributes {stable_mosaic.version = 14 : i64} {
  func.func @_sc_select_body(%arg0: i32, %arg1: i32, %arg2: memref<2097152xi32, #tpu.memory_space<hbm>>, %arg3: memref<16x16xf32, #tpu.memory_space<hbm>>, %arg4: memref<16384xi32, #tpu.memory_space<vmem>>, %arg5: memref<4096xi32, #tpu.memory_space<vmem>>, %arg6: memref<4096xi32, #tpu.memory_space<vmem>>, %arg7: memref<16xf32, #tpu.memory_space<vmem>>, %arg8: memref<256xf32, #tpu.memory_space<vmem>>, %arg9: memref<16xf32, #tpu.memory_space<vmem>>, %arg10: memref<16x4096xi32, #tpu.memory_space<vmem_shared>>, %arg11: memref<16x256xf32, #tpu.memory_space<vmem_shared>>, %arg12: memref<!tpu.dma_semaphore, #tpu.memory_space<semaphore_mem>>) attributes {dimension_semantics = [#tpu.dimension_semantics<core_parallel>, #tpu.dimension_semantics<subcore_parallel>], iteration_bounds = array<i64: 2, 16>, scalar_prefetch = 0 : i64, scratch_operands = 9 : i64, tpu.core_type = #tpu.core_type<sc_vector_subcore>, window_params = [{transform_indices = #map}, {transform_indices = #map1}]} {
    %mul3A = arith.constant 8 : i32
    %mul3A_0 = arith.muli %arg0, %mul3A : i32
    %jit3A = arith.constant 2 : i32
    %div3A = arith.divsi %arg1, %jit3A : i32
    %sign3A = arith.constant 0 : i32
    %sign3A_1 = arith.cmpi sgt, %arg1, %sign3A : i32
    %sign3A_2 = arith.extui %sign3A_1 : i1 to i32
    %sign3A_3 = arith.constant 0 : i32
    %sign3A_4 = arith.cmpi slt, %arg1, %sign3A_3 : i32
    %sign3A_5 = arith.extui %sign3A_4 : i1 to i32
    %sign3A_6 = arith.subi %sign3A_2, %sign3A_5 : i32
    %sign3A_7 = arith.constant 0 : i32
    %sign3A_8 = arith.cmpi sgt, %jit3A, %sign3A_7 : i32
    %sign3A_9 = arith.extui %sign3A_8 : i1 to i32
    %sign3A_10 = arith.constant 0 : i32
    %sign3A_11 = arith.cmpi slt, %jit3A, %sign3A_10 : i32
    %sign3A_12 = arith.extui %sign3A_11 : i1 to i32
    %sign3A_13 = arith.subi %sign3A_9, %sign3A_12 : i32
    %ne3A = arith.cmpi ne, %sign3A_6, %sign3A_13 : i32
    %rem3A = arith.remsi %arg1, %jit3A : i32
    %ne3A_14 = arith.constant 0 : i32
    %ne3A_15 = arith.cmpi ne, %rem3A, %ne3A_14 : i32
    %and3A = arith.andi %ne3A, %ne3A_15 : i1
    %sub3A = arith.constant 1 : i32
    %sub3A_16 = arith.subi %div3A, %sub3A : i32
    %select_n3A = arith.select %and3A, %sub3A_16, %div3A : i32
    %add3A = arith.addi %mul3A_0, %select_n3A : i32
    %jit3A_17 = arith.constant 2 : i32
    %eq3A = arith.constant 0 : i32
    %eq3A_18 = arith.cmpi eq, %jit3A_17, %eq3A : i32
    %jit3A_19 = arith.constant 1 : i32
    %select_n3A_20 = arith.select %eq3A_18, %jit3A_19, %jit3A_17 : i32
    %rem3A_21 = arith.remsi %arg1, %select_n3A_20 : i32
    %ne3A_22 = arith.constant 0 : i32
    %ne3A_23 = arith.cmpi ne, %rem3A_21, %ne3A_22 : i32
    %lt3A = arith.constant 0 : i32
    %lt3A_24 = arith.cmpi slt, %rem3A_21, %lt3A : i32
    %lt3A_25 = arith.constant 0 : i32
    %lt3A_26 = arith.cmpi slt, %select_n3A_20, %lt3A_25 : i32
    %ne3A_27 = arith.xori %lt3A_24, %lt3A_26 : i1
    %and3A_28 = arith.andi %ne3A_27, %ne3A_23 : i1
    %add3A_29 = arith.addi %rem3A_21, %select_n3A_20 : i32
    %select_n3A_30 = arith.select %and3A_28, %add3A_29, %rem3A_21 : i32
    %mul3A_31 = arith.constant 131072 : i32
    %mul3A_32 = arith.muli %add3A, %mul3A_31 : i32
    %mul3A_33 = arith.constant 65536 : i32
    %mul3A_34 = arith.muli %select_n3A_30, %mul3A_33 : i32
    %add3A_35 = arith.addi %mul3A_32, %mul3A_34 : i32
    %add3A_36 = arith.constant 1 : i32
    %add3A_37 = arith.addi %arg1, %add3A_36 : i32
    %mul3A_38 = arith.constant 2 : i32
    %mul3A_39 = arith.muli %mul3A_38, %select_n3A_30 : i32
    %sub3A_40 = arith.subi %add3A_37, %mul3A_39 : i32
    %broadcast_in_dim3A = arith.constant 1 : i32
    %broadcast_in_dim3A_41 = vector.broadcast %broadcast_in_dim3A : i32 to vector<16xi32>
    %scan3A = arith.constant 0 : i32
    %scan3A_42 = arith.constant 0 : i32
    %scan3A_43 = arith.constant 256 : i32
    %scan3A_44 = arith.addi %scan3A_42, %scan3A_43 : i32
    %scan3A_45 = arith.constant 1 : i32
    %scan3A_46 = scf.for %scan3A_484 = %scan3A_42 to %scan3A_44 step %scan3A_45 iter_args(%scan3A_485 = %scan3A) -> (i32)  : i32 {
      %broadcast_in_dim3A_486 = arith.constant 0 : i32
      %broadcast_in_dim3A_487 = vector.broadcast %broadcast_in_dim3A_486 : i32 to vector<16xi32>
      %mul3A_488 = arith.constant 16 : i32
      %mul3A_489 = arith.muli %scan3A_484, %mul3A_488 : i32
      %swap3A_490 = arith.index_cast %mul3A_489 : i32 to index
      %swap3A_491 = tpu.vector_load %arg5[%swap3A_490] {strides = array<i32>} : memref<4096xi32, #tpu.memory_space<vmem>>, vector<16xi32>,
      tpu.vector_store %arg5[%swap3A_490], %broadcast_in_dim3A_487 {strides = array<i32>} : memref<4096xi32, #tpu.memory_space<vmem>>, vector<16xi32>,
      %scan3A_492 = arith.constant 0 : i32
      scf.yield %scan3A_492 : i32
    }
    %scan3A_47 = arith.constant 256 : i32
    %add3A_48 = arith.constant 0 : i32
    %add3A_49 = arith.addi %add3A_35, %add3A_48 : i32
    %dma_start3A = arith.constant 0 : i32
    %dma_start3A_50 = tpu.memref_slice %arg4[%dma_start3A] : memref<16384xi32, #tpu.memory_space<vmem>> -> memref<8192xi32, #tpu.memory_space<vmem>>
    %dma_start3A_51 = tpu.memref_slice %arg2[%add3A_49] : memref<2097152xi32, #tpu.memory_space<hbm>> -> memref<8192xi32, #tpu.memory_space<hbm>>
    %dma_start3A_52 = arith.constant 0 : i32
    %dma_start3A_53 = tpu.memref_slice %arg4[%dma_start3A_52] : memref<16384xi32, #tpu.memory_space<vmem>> -> memref<8192xi32, #tpu.memory_space<vmem>>
    %dma_start3A_54 = tpu.memref_slice %arg2[%add3A_49] : memref<2097152xi32, #tpu.memory_space<hbm>> -> memref<8192xi32, #tpu.memory_space<hbm>>
    tpu.enqueue_dma source(%dma_start3A_54 : memref<8192xi32, #tpu.memory_space<hbm>>) target(%dma_start3A_53 : memref<8192xi32, #tpu.memory_space<vmem>>) target_semaphore(%arg12 : memref<!tpu.dma_semaphore, #tpu.memory_space<semaphore_mem>>)
    %dma_wait3A = arith.constant 0 : i32
    %dma_wait3A_55 = tpu.memref_slice %arg4[%dma_wait3A] : memref<16384xi32, #tpu.memory_space<vmem>> -> memref<8192xi32, #tpu.memory_space<vmem>>
    %dma_wait3A_56 = tpu.memref_slice %arg2[%add3A_49] : memref<2097152xi32, #tpu.memory_space<hbm>> -> memref<8192xi32, #tpu.memory_space<hbm>>
    %dma_wait3A_57 = arith.constant 0 : i32
    %dma_wait3A_58 = tpu.memref_slice %arg4[%dma_wait3A_57] : memref<16384xi32, #tpu.memory_space<vmem>> -> memref<8192xi32, #tpu.memory_space<vmem>>
    %dma_wait3A_59 = tpu.memref_slice %arg2[%add3A_49] : memref<2097152xi32, #tpu.memory_space<hbm>> -> memref<8192xi32, #tpu.memory_space<hbm>>
    tpu.wait_dma2 semaphore(%arg12 : memref<!tpu.dma_semaphore, #tpu.memory_space<semaphore_mem>>) src(%dma_wait3A_59 : memref<8192xi32, #tpu.memory_space<hbm>>) dst(%dma_wait3A_58 : memref<8192xi32, #tpu.memory_space<vmem>>)
    %add3A_60 = arith.constant 8192 : i32
    %add3A_61 = arith.addi %add3A_35, %add3A_60 : i32
    %dma_start3A_62 = arith.constant 8192 : i32
    %dma_start3A_63 = tpu.memref_slice %arg4[%dma_start3A_62] : memref<16384xi32, #tpu.memory_space<vmem>> -> memref<8192xi32, #tpu.memory_space<vmem>>
    %dma_start3A_64 = tpu.memref_slice %arg2[%add3A_61] : memref<2097152xi32, #tpu.memory_space<hbm>> -> memref<8192xi32, #tpu.memory_space<hbm>>
    %dma_start3A_65 = arith.constant 8192 : i32
    %dma_start3A_66 = tpu.memref_slice %arg4[%dma_start3A_65] : memref<16384xi32, #tpu.memory_space<vmem>> -> memref<8192xi32, #tpu.memory_space<vmem>>
    %dma_start3A_67 = tpu.memref_slice %arg2[%add3A_61] : memref<2097152xi32, #tpu.memory_space<hbm>> -> memref<8192xi32, #tpu.memory_space<hbm>>
    tpu.enqueue_dma source(%dma_start3A_67 : memref<8192xi32, #tpu.memory_space<hbm>>) target(%dma_start3A_66 : memref<8192xi32, #tpu.memory_space<vmem>>) target_semaphore(%arg12 : memref<!tpu.dma_semaphore, #tpu.memory_space<semaphore_mem>>)
    %parallel_loop3A = arith.constant 0 : i32
    %parallel_loop3A_68 = arith.constant 8192 : i32
    %parallel_loop3A_69 = arith.constant 16 : i32
    %parallel_loop3A_70 = arith.constant 0.000000e+00 : f32
    %parallel_loop3A_71 = scf.for %parallel_loop3A_484 = %parallel_loop3A to %parallel_loop3A_68 step %parallel_loop3A_69 iter_args(%parallel_loop3A_485 = %parallel_loop3A_70) -> (f32)  : i32 {
      %parallel_loop3A_486 = arith.constant 0 : i32
      %parallel_loop3A_487 = arith.addi %parallel_loop3A_486, %parallel_loop3A_484 : i32
      %parallel_loop3A_488 = arith.index_cast %parallel_loop3A_487 : i32 to index
      %parallel_loop3A_489 = tpu.vector_load %arg4[%parallel_loop3A_488] {strides = array<i32>} : memref<16384xi32, #tpu.memory_space<vmem>>, vector<16xi32>,
      %parallel_loop3A_490 = arith.constant 65535 : i32
      %parallel_loop3A_491 = vector.broadcast %parallel_loop3A_490 : i32 to vector<16xi32>
      %parallel_loop3A_492 = arith.andi %parallel_loop3A_489, %parallel_loop3A_491 : vector<16xi32>
      %parallel_loop3A_493 = arith.constant 3 : i32
      %parallel_loop3A_494 = vector.broadcast %parallel_loop3A_493 : i32 to vector<16xi32>
      %parallel_loop3A_495 = arith.shrsi %parallel_loop3A_492, %parallel_loop3A_494 : vector<16xi32>
      tpu.vector_store_idx %arg5[%parallel_loop3A_495], %broadcast_in_dim3A_41 {add = true} : memref<4096xi32, #tpu.memory_space<vmem>>[vector<16xi32>], vector<16xi32>,
      %parallel_loop3A_496 = arith.constant 16 : i32
      %parallel_loop3A_497 = vector.broadcast %parallel_loop3A_496 : i32 to vector<16xi32>
      %parallel_loop3A_498 = arith.shrsi %parallel_loop3A_489, %parallel_loop3A_497 : vector<16xi32>
      %parallel_loop3A_499 = arith.constant 65535 : i32
      %parallel_loop3A_500 = vector.broadcast %parallel_loop3A_499 : i32 to vector<16xi32>
      %parallel_loop3A_501 = arith.andi %parallel_loop3A_498, %parallel_loop3A_500 : vector<16xi32>
      %parallel_loop3A_502 = arith.constant 3 : i32
      %parallel_loop3A_503 = vector.broadcast %parallel_loop3A_502 : i32 to vector<16xi32>
      %parallel_loop3A_504 = arith.shrsi %parallel_loop3A_501, %parallel_loop3A_503 : vector<16xi32>
      tpu.vector_store_idx %arg5[%parallel_loop3A_504], %broadcast_in_dim3A_41 {add = true} : memref<4096xi32, #tpu.memory_space<vmem>>[vector<16xi32>], vector<16xi32>,
      scf.yield %parallel_loop3A_485 : f32
    } {sc.loop_unroll_factor = 8 : i64, sc.parallel_access}
    %dma_wait3A_72 = arith.constant 8192 : i32
    %dma_wait3A_73 = tpu.memref_slice %arg4[%dma_wait3A_72] : memref<16384xi32, #tpu.memory_space<vmem>> -> memref<8192xi32, #tpu.memory_space<vmem>>
    %dma_wait3A_74 = tpu.memref_slice %arg2[%add3A_61] : memref<2097152xi32, #tpu.memory_space<hbm>> -> memref<8192xi32, #tpu.memory_space<hbm>>
    %dma_wait3A_75 = arith.constant 8192 : i32
    %dma_wait3A_76 = tpu.memref_slice %arg4[%dma_wait3A_75] : memref<16384xi32, #tpu.memory_space<vmem>> -> memref<8192xi32, #tpu.memory_space<vmem>>
    %dma_wait3A_77 = tpu.memref_slice %arg2[%add3A_61] : memref<2097152xi32, #tpu.memory_space<hbm>> -> memref<8192xi32, #tpu.memory_space<hbm>>
    tpu.wait_dma2 semaphore(%arg12 : memref<!tpu.dma_semaphore, #tpu.memory_space<semaphore_mem>>) src(%dma_wait3A_77 : memref<8192xi32, #tpu.memory_space<hbm>>) dst(%dma_wait3A_76 : memref<8192xi32, #tpu.memory_space<vmem>>)
    %add3A_78 = arith.constant 16384 : i32
    %add3A_79 = arith.addi %add3A_35, %add3A_78 : i32
    %dma_start3A_80 = arith.constant 0 : i32
    %dma_start3A_81 = tpu.memref_slice %arg4[%dma_start3A_80] : memref<16384xi32, #tpu.memory_space<vmem>> -> memref<8192xi32, #tpu.memory_space<vmem>>
    %dma_start3A_82 = tpu.memref_slice %arg2[%add3A_79] : memref<2097152xi32, #tpu.memory_space<hbm>> -> memref<8192xi32, #tpu.memory_space<hbm>>
    %dma_start3A_83 = arith.constant 0 : i32
    %dma_start3A_84 = tpu.memref_slice %arg4[%dma_start3A_83] : memref<16384xi32, #tpu.memory_space<vmem>> -> memref<8192xi32, #tpu.memory_space<vmem>>
    %dma_start3A_85 = tpu.memref_slice %arg2[%add3A_79] : memref<2097152xi32, #tpu.memory_space<hbm>> -> memref<8192xi32, #tpu.memory_space<hbm>>
    tpu.enqueue_dma source(%dma_start3A_85 : memref<8192xi32, #tpu.memory_space<hbm>>) target(%dma_start3A_84 : memref<8192xi32, #tpu.memory_space<vmem>>) target_semaphore(%arg12 : memref<!tpu.dma_semaphore, #tpu.memory_space<semaphore_mem>>)
    %parallel_loop3A_86 = arith.constant 0 : i32
    %parallel_loop3A_87 = arith.constant 8192 : i32
    %parallel_loop3A_88 = arith.constant 16 : i32
    %parallel_loop3A_89 = scf.for %parallel_loop3A_484 = %parallel_loop3A_86 to %parallel_loop3A_87 step %parallel_loop3A_88 iter_args(%parallel_loop3A_485 = %parallel_loop3A_71) -> (f32)  : i32 {
      %parallel_loop3A_486 = arith.constant 8192 : i32
      %parallel_loop3A_487 = arith.addi %parallel_loop3A_486, %parallel_loop3A_484 : i32
      %parallel_loop3A_488 = arith.index_cast %parallel_loop3A_487 : i32 to index
      %parallel_loop3A_489 = tpu.vector_load %arg4[%parallel_loop3A_488] {strides = array<i32>} : memref<16384xi32, #tpu.memory_space<vmem>>, vector<16xi32>,
      %parallel_loop3A_490 = arith.constant 65535 : i32
      %parallel_loop3A_491 = vector.broadcast %parallel_loop3A_490 : i32 to vector<16xi32>
      %parallel_loop3A_492 = arith.andi %parallel_loop3A_489, %parallel_loop3A_491 : vector<16xi32>
      %parallel_loop3A_493 = arith.constant 3 : i32
      %parallel_loop3A_494 = vector.broadcast %parallel_loop3A_493 : i32 to vector<16xi32>
      %parallel_loop3A_495 = arith.shrsi %parallel_loop3A_492, %parallel_loop3A_494 : vector<16xi32>
      tpu.vector_store_idx %arg5[%parallel_loop3A_495], %broadcast_in_dim3A_41 {add = true} : memref<4096xi32, #tpu.memory_space<vmem>>[vector<16xi32>], vector<16xi32>,
      %parallel_loop3A_496 = arith.constant 16 : i32
      %parallel_loop3A_497 = vector.broadcast %parallel_loop3A_496 : i32 to vector<16xi32>
      %parallel_loop3A_498 = arith.shrsi %parallel_loop3A_489, %parallel_loop3A_497 : vector<16xi32>
      %parallel_loop3A_499 = arith.constant 65535 : i32
      %parallel_loop3A_500 = vector.broadcast %parallel_loop3A_499 : i32 to vector<16xi32>
      %parallel_loop3A_501 = arith.andi %parallel_loop3A_498, %parallel_loop3A_500 : vector<16xi32>
      %parallel_loop3A_502 = arith.constant 3 : i32
      %parallel_loop3A_503 = vector.broadcast %parallel_loop3A_502 : i32 to vector<16xi32>
      %parallel_loop3A_504 = arith.shrsi %parallel_loop3A_501, %parallel_loop3A_503 : vector<16xi32>
      tpu.vector_store_idx %arg5[%parallel_loop3A_504], %broadcast_in_dim3A_41 {add = true} : memref<4096xi32, #tpu.memory_space<vmem>>[vector<16xi32>], vector<16xi32>,
      scf.yield %parallel_loop3A_485 : f32
    } {sc.loop_unroll_factor = 8 : i64, sc.parallel_access}
    %dma_wait3A_90 = arith.constant 0 : i32
    %dma_wait3A_91 = tpu.memref_slice %arg4[%dma_wait3A_90] : memref<16384xi32, #tpu.memory_space<vmem>> -> memref<8192xi32, #tpu.memory_space<vmem>>
    %dma_wait3A_92 = tpu.memref_slice %arg2[%add3A_79] : memref<2097152xi32, #tpu.memory_space<hbm>> -> memref<8192xi32, #tpu.memory_space<hbm>>
    %dma_wait3A_93 = arith.constant 0 : i32
    %dma_wait3A_94 = tpu.memref_slice %arg4[%dma_wait3A_93] : memref<16384xi32, #tpu.memory_space<vmem>> -> memref<8192xi32, #tpu.memory_space<vmem>>
    %dma_wait3A_95 = tpu.memref_slice %arg2[%add3A_79] : memref<2097152xi32, #tpu.memory_space<hbm>> -> memref<8192xi32, #tpu.memory_space<hbm>>
    tpu.wait_dma2 semaphore(%arg12 : memref<!tpu.dma_semaphore, #tpu.memory_space<semaphore_mem>>) src(%dma_wait3A_95 : memref<8192xi32, #tpu.memory_space<hbm>>) dst(%dma_wait3A_94 : memref<8192xi32, #tpu.memory_space<vmem>>)
    %add3A_96 = arith.constant 24576 : i32
    %add3A_97 = arith.addi %add3A_35, %add3A_96 : i32
    %dma_start3A_98 = arith.constant 8192 : i32
    %dma_start3A_99 = tpu.memref_slice %arg4[%dma_start3A_98] : memref<16384xi32, #tpu.memory_space<vmem>> -> memref<8192xi32, #tpu.memory_space<vmem>>
    %dma_start3A_100 = tpu.memref_slice %arg2[%add3A_97] : memref<2097152xi32, #tpu.memory_space<hbm>> -> memref<8192xi32, #tpu.memory_space<hbm>>
    %dma_start3A_101 = arith.constant 8192 : i32
    %dma_start3A_102 = tpu.memref_slice %arg4[%dma_start3A_101] : memref<16384xi32, #tpu.memory_space<vmem>> -> memref<8192xi32, #tpu.memory_space<vmem>>
    %dma_start3A_103 = tpu.memref_slice %arg2[%add3A_97] : memref<2097152xi32, #tpu.memory_space<hbm>> -> memref<8192xi32, #tpu.memory_space<hbm>>
    tpu.enqueue_dma source(%dma_start3A_103 : memref<8192xi32, #tpu.memory_space<hbm>>) target(%dma_start3A_102 : memref<8192xi32, #tpu.memory_space<vmem>>) target_semaphore(%arg12 : memref<!tpu.dma_semaphore, #tpu.memory_space<semaphore_mem>>)
    %parallel_loop3A_104 = arith.constant 0 : i32
    %parallel_loop3A_105 = arith.constant 8192 : i32
    %parallel_loop3A_106 = arith.constant 16 : i32
    %parallel_loop3A_107 = scf.for %parallel_loop3A_484 = %parallel_loop3A_104 to %parallel_loop3A_105 step %parallel_loop3A_106 iter_args(%parallel_loop3A_485 = %parallel_loop3A_89) -> (f32)  : i32 {
      %parallel_loop3A_486 = arith.constant 0 : i32
      %parallel_loop3A_487 = arith.addi %parallel_loop3A_486, %parallel_loop3A_484 : i32
      %parallel_loop3A_488 = arith.index_cast %parallel_loop3A_487 : i32 to index
      %parallel_loop3A_489 = tpu.vector_load %arg4[%parallel_loop3A_488] {strides = array<i32>} : memref<16384xi32, #tpu.memory_space<vmem>>, vector<16xi32>,
      %parallel_loop3A_490 = arith.constant 65535 : i32
      %parallel_loop3A_491 = vector.broadcast %parallel_loop3A_490 : i32 to vector<16xi32>
      %parallel_loop3A_492 = arith.andi %parallel_loop3A_489, %parallel_loop3A_491 : vector<16xi32>
      %parallel_loop3A_493 = arith.constant 3 : i32
      %parallel_loop3A_494 = vector.broadcast %parallel_loop3A_493 : i32 to vector<16xi32>
      %parallel_loop3A_495 = arith.shrsi %parallel_loop3A_492, %parallel_loop3A_494 : vector<16xi32>
      tpu.vector_store_idx %arg5[%parallel_loop3A_495], %broadcast_in_dim3A_41 {add = true} : memref<4096xi32, #tpu.memory_space<vmem>>[vector<16xi32>], vector<16xi32>,
      %parallel_loop3A_496 = arith.constant 16 : i32
      %parallel_loop3A_497 = vector.broadcast %parallel_loop3A_496 : i32 to vector<16xi32>
      %parallel_loop3A_498 = arith.shrsi %parallel_loop3A_489, %parallel_loop3A_497 : vector<16xi32>
      %parallel_loop3A_499 = arith.constant 65535 : i32
      %parallel_loop3A_500 = vector.broadcast %parallel_loop3A_499 : i32 to vector<16xi32>
      %parallel_loop3A_501 = arith.andi %parallel_loop3A_498, %parallel_loop3A_500 : vector<16xi32>
      %parallel_loop3A_502 = arith.constant 3 : i32
      %parallel_loop3A_503 = vector.broadcast %parallel_loop3A_502 : i32 to vector<16xi32>
      %parallel_loop3A_504 = arith.shrsi %parallel_loop3A_501, %parallel_loop3A_503 : vector<16xi32>
      tpu.vector_store_idx %arg5[%parallel_loop3A_504], %broadcast_in_dim3A_41 {add = true} : memref<4096xi32, #tpu.memory_space<vmem>>[vector<16xi32>], vector<16xi32>,
      scf.yield %parallel_loop3A_485 : f32
    } {sc.loop_unroll_factor = 8 : i64, sc.parallel_access}
    %dma_wait3A_108 = arith.constant 8192 : i32
    %dma_wait3A_109 = tpu.memref_slice %arg4[%dma_wait3A_108] : memref<16384xi32, #tpu.memory_space<vmem>> -> memref<8192xi32, #tpu.memory_space<vmem>>
    %dma_wait3A_110 = tpu.memref_slice %arg2[%add3A_97] : memref<2097152xi32, #tpu.memory_space<hbm>> -> memref<8192xi32, #tpu.memory_space<hbm>>
    %dma_wait3A_111 = arith.constant 8192 : i32
    %dma_wait3A_112 = tpu.memref_slice %arg4[%dma_wait3A_111] : memref<16384xi32, #tpu.memory_space<vmem>> -> memref<8192xi32, #tpu.memory_space<vmem>>
    %dma_wait3A_113 = tpu.memref_slice %arg2[%add3A_97] : memref<2097152xi32, #tpu.memory_space<hbm>> -> memref<8192xi32, #tpu.memory_space<hbm>>
    tpu.wait_dma2 semaphore(%arg12 : memref<!tpu.dma_semaphore, #tpu.memory_space<semaphore_mem>>) src(%dma_wait3A_113 : memref<8192xi32, #tpu.memory_space<hbm>>) dst(%dma_wait3A_112 : memref<8192xi32, #tpu.memory_space<vmem>>)
    %add3A_114 = arith.constant 32768 : i32
    %add3A_115 = arith.addi %add3A_35, %add3A_114 : i32
    %dma_start3A_116 = arith.constant 0 : i32
    %dma_start3A_117 = tpu.memref_slice %arg4[%dma_start3A_116] : memref<16384xi32, #tpu.memory_space<vmem>> -> memref<8192xi32, #tpu.memory_space<vmem>>
    %dma_start3A_118 = tpu.memref_slice %arg2[%add3A_115] : memref<2097152xi32, #tpu.memory_space<hbm>> -> memref<8192xi32, #tpu.memory_space<hbm>>
    %dma_start3A_119 = arith.constant 0 : i32
    %dma_start3A_120 = tpu.memref_slice %arg4[%dma_start3A_119] : memref<16384xi32, #tpu.memory_space<vmem>> -> memref<8192xi32, #tpu.memory_space<vmem>>
    %dma_start3A_121 = tpu.memref_slice %arg2[%add3A_115] : memref<2097152xi32, #tpu.memory_space<hbm>> -> memref<8192xi32, #tpu.memory_space<hbm>>
    tpu.enqueue_dma source(%dma_start3A_121 : memref<8192xi32, #tpu.memory_space<hbm>>) target(%dma_start3A_120 : memref<8192xi32, #tpu.memory_space<vmem>>) target_semaphore(%arg12 : memref<!tpu.dma_semaphore, #tpu.memory_space<semaphore_mem>>)
    %parallel_loop3A_122 = arith.constant 0 : i32
    %parallel_loop3A_123 = arith.constant 8192 : i32
    %parallel_loop3A_124 = arith.constant 16 : i32
    %parallel_loop3A_125 = scf.for %parallel_loop3A_484 = %parallel_loop3A_122 to %parallel_loop3A_123 step %parallel_loop3A_124 iter_args(%parallel_loop3A_485 = %parallel_loop3A_107) -> (f32)  : i32 {
      %parallel_loop3A_486 = arith.constant 8192 : i32
      %parallel_loop3A_487 = arith.addi %parallel_loop3A_486, %parallel_loop3A_484 : i32
      %parallel_loop3A_488 = arith.index_cast %parallel_loop3A_487 : i32 to index
      %parallel_loop3A_489 = tpu.vector_load %arg4[%parallel_loop3A_488] {strides = array<i32>} : memref<16384xi32, #tpu.memory_space<vmem>>, vector<16xi32>,
      %parallel_loop3A_490 = arith.constant 65535 : i32
      %parallel_loop3A_491 = vector.broadcast %parallel_loop3A_490 : i32 to vector<16xi32>
      %parallel_loop3A_492 = arith.andi %parallel_loop3A_489, %parallel_loop3A_491 : vector<16xi32>
      %parallel_loop3A_493 = arith.constant 3 : i32
      %parallel_loop3A_494 = vector.broadcast %parallel_loop3A_493 : i32 to vector<16xi32>
      %parallel_loop3A_495 = arith.shrsi %parallel_loop3A_492, %parallel_loop3A_494 : vector<16xi32>
      tpu.vector_store_idx %arg5[%parallel_loop3A_495], %broadcast_in_dim3A_41 {add = true} : memref<4096xi32, #tpu.memory_space<vmem>>[vector<16xi32>], vector<16xi32>,
      %parallel_loop3A_496 = arith.constant 16 : i32
      %parallel_loop3A_497 = vector.broadcast %parallel_loop3A_496 : i32 to vector<16xi32>
      %parallel_loop3A_498 = arith.shrsi %parallel_loop3A_489, %parallel_loop3A_497 : vector<16xi32>
      %parallel_loop3A_499 = arith.constant 65535 : i32
      %parallel_loop3A_500 = vector.broadcast %parallel_loop3A_499 : i32 to vector<16xi32>
      %parallel_loop3A_501 = arith.andi %parallel_loop3A_498, %parallel_loop3A_500 : vector<16xi32>
      %parallel_loop3A_502 = arith.constant 3 : i32
      %parallel_loop3A_503 = vector.broadcast %parallel_loop3A_502 : i32 to vector<16xi32>
      %parallel_loop3A_504 = arith.shrsi %parallel_loop3A_501, %parallel_loop3A_503 : vector<16xi32>
      tpu.vector_store_idx %arg5[%parallel_loop3A_504], %broadcast_in_dim3A_41 {add = true} : memref<4096xi32, #tpu.memory_space<vmem>>[vector<16xi32>], vector<16xi32>,
      scf.yield %parallel_loop3A_485 : f32
    } {sc.loop_unroll_factor = 8 : i64, sc.parallel_access}
    %dma_wait3A_126 = arith.constant 0 : i32
    %dma_wait3A_127 = tpu.memref_slice %arg4[%dma_wait3A_126] : memref<16384xi32, #tpu.memory_space<vmem>> -> memref<8192xi32, #tpu.memory_space<vmem>>
    %dma_wait3A_128 = tpu.memref_slice %arg2[%add3A_115] : memref<2097152xi32, #tpu.memory_space<hbm>> -> memref<8192xi32, #tpu.memory_space<hbm>>
    %dma_wait3A_129 = arith.constant 0 : i32
    %dma_wait3A_130 = tpu.memref_slice %arg4[%dma_wait3A_129] : memref<16384xi32, #tpu.memory_space<vmem>> -> memref<8192xi32, #tpu.memory_space<vmem>>
    %dma_wait3A_131 = tpu.memref_slice %arg2[%add3A_115] : memref<2097152xi32, #tpu.memory_space<hbm>> -> memref<8192xi32, #tpu.memory_space<hbm>>
    tpu.wait_dma2 semaphore(%arg12 : memref<!tpu.dma_semaphore, #tpu.memory_space<semaphore_mem>>) src(%dma_wait3A_131 : memref<8192xi32, #tpu.memory_space<hbm>>) dst(%dma_wait3A_130 : memref<8192xi32, #tpu.memory_space<vmem>>)
    %add3A_132 = arith.constant 40960 : i32
    %add3A_133 = arith.addi %add3A_35, %add3A_132 : i32
    %dma_start3A_134 = arith.constant 8192 : i32
    %dma_start3A_135 = tpu.memref_slice %arg4[%dma_start3A_134] : memref<16384xi32, #tpu.memory_space<vmem>> -> memref<8192xi32, #tpu.memory_space<vmem>>
    %dma_start3A_136 = tpu.memref_slice %arg2[%add3A_133] : memref<2097152xi32, #tpu.memory_space<hbm>> -> memref<8192xi32, #tpu.memory_space<hbm>>
    %dma_start3A_137 = arith.constant 8192 : i32
    %dma_start3A_138 = tpu.memref_slice %arg4[%dma_start3A_137] : memref<16384xi32, #tpu.memory_space<vmem>> -> memref<8192xi32, #tpu.memory_space<vmem>>
    %dma_start3A_139 = tpu.memref_slice %arg2[%add3A_133] : memref<2097152xi32, #tpu.memory_space<hbm>> -> memref<8192xi32, #tpu.memory_space<hbm>>
    tpu.enqueue_dma source(%dma_start3A_139 : memref<8192xi32, #tpu.memory_space<hbm>>) target(%dma_start3A_138 : memref<8192xi32, #tpu.memory_space<vmem>>) target_semaphore(%arg12 : memref<!tpu.dma_semaphore, #tpu.memory_space<semaphore_mem>>)
    %parallel_loop3A_140 = arith.constant 0 : i32
    %parallel_loop3A_141 = arith.constant 8192 : i32
    %parallel_loop3A_142 = arith.constant 16 : i32
    %parallel_loop3A_143 = scf.for %parallel_loop3A_484 = %parallel_loop3A_140 to %parallel_loop3A_141 step %parallel_loop3A_142 iter_args(%parallel_loop3A_485 = %parallel_loop3A_125) -> (f32)  : i32 {
      %parallel_loop3A_486 = arith.constant 0 : i32
      %parallel_loop3A_487 = arith.addi %parallel_loop3A_486, %parallel_loop3A_484 : i32
      %parallel_loop3A_488 = arith.index_cast %parallel_loop3A_487 : i32 to index
      %parallel_loop3A_489 = tpu.vector_load %arg4[%parallel_loop3A_488] {strides = array<i32>} : memref<16384xi32, #tpu.memory_space<vmem>>, vector<16xi32>,
      %parallel_loop3A_490 = arith.constant 65535 : i32
      %parallel_loop3A_491 = vector.broadcast %parallel_loop3A_490 : i32 to vector<16xi32>
      %parallel_loop3A_492 = arith.andi %parallel_loop3A_489, %parallel_loop3A_491 : vector<16xi32>
      %parallel_loop3A_493 = arith.constant 3 : i32
      %parallel_loop3A_494 = vector.broadcast %parallel_loop3A_493 : i32 to vector<16xi32>
      %parallel_loop3A_495 = arith.shrsi %parallel_loop3A_492, %parallel_loop3A_494 : vector<16xi32>
      tpu.vector_store_idx %arg5[%parallel_loop3A_495], %broadcast_in_dim3A_41 {add = true} : memref<4096xi32, #tpu.memory_space<vmem>>[vector<16xi32>], vector<16xi32>,
      %parallel_loop3A_496 = arith.constant 16 : i32
      %parallel_loop3A_497 = vector.broadcast %parallel_loop3A_496 : i32 to vector<16xi32>
      %parallel_loop3A_498 = arith.shrsi %parallel_loop3A_489, %parallel_loop3A_497 : vector<16xi32>
      %parallel_loop3A_499 = arith.constant 65535 : i32
      %parallel_loop3A_500 = vector.broadcast %parallel_loop3A_499 : i32 to vector<16xi32>
      %parallel_loop3A_501 = arith.andi %parallel_loop3A_498, %parallel_loop3A_500 : vector<16xi32>
      %parallel_loop3A_502 = arith.constant 3 : i32
      %parallel_loop3A_503 = vector.broadcast %parallel_loop3A_502 : i32 to vector<16xi32>
      %parallel_loop3A_504 = arith.shrsi %parallel_loop3A_501, %parallel_loop3A_503 : vector<16xi32>
      tpu.vector_store_idx %arg5[%parallel_loop3A_504], %broadcast_in_dim3A_41 {add = true} : memref<4096xi32, #tpu.memory_space<vmem>>[vector<16xi32>], vector<16xi32>,
      scf.yield %parallel_loop3A_485 : f32
    } {sc.loop_unroll_factor = 8 : i64, sc.parallel_access}
    %dma_wait3A_144 = arith.constant 8192 : i32
    %dma_wait3A_145 = tpu.memref_slice %arg4[%dma_wait3A_144] : memref<16384xi32, #tpu.memory_space<vmem>> -> memref<8192xi32, #tpu.memory_space<vmem>>
    %dma_wait3A_146 = tpu.memref_slice %arg2[%add3A_133] : memref<2097152xi32, #tpu.memory_space<hbm>> -> memref<8192xi32, #tpu.memory_space<hbm>>
    %dma_wait3A_147 = arith.constant 8192 : i32
    %dma_wait3A_148 = tpu.memref_slice %arg4[%dma_wait3A_147] : memref<16384xi32, #tpu.memory_space<vmem>> -> memref<8192xi32, #tpu.memory_space<vmem>>
    %dma_wait3A_149 = tpu.memref_slice %arg2[%add3A_133] : memref<2097152xi32, #tpu.memory_space<hbm>> -> memref<8192xi32, #tpu.memory_space<hbm>>
    tpu.wait_dma2 semaphore(%arg12 : memref<!tpu.dma_semaphore, #tpu.memory_space<semaphore_mem>>) src(%dma_wait3A_149 : memref<8192xi32, #tpu.memory_space<hbm>>) dst(%dma_wait3A_148 : memref<8192xi32, #tpu.memory_space<vmem>>)
    %add3A_150 = arith.constant 49152 : i32
    %add3A_151 = arith.addi %add3A_35, %add3A_150 : i32
    %dma_start3A_152 = arith.constant 0 : i32
    %dma_start3A_153 = tpu.memref_slice %arg4[%dma_start3A_152] : memref<16384xi32, #tpu.memory_space<vmem>> -> memref<8192xi32, #tpu.memory_space<vmem>>
    %dma_start3A_154 = tpu.memref_slice %arg2[%add3A_151] : memref<2097152xi32, #tpu.memory_space<hbm>> -> memref<8192xi32, #tpu.memory_space<hbm>>
    %dma_start3A_155 = arith.constant 0 : i32
    %dma_start3A_156 = tpu.memref_slice %arg4[%dma_start3A_155] : memref<16384xi32, #tpu.memory_space<vmem>> -> memref<8192xi32, #tpu.memory_space<vmem>>
    %dma_start3A_157 = tpu.memref_slice %arg2[%add3A_151] : memref<2097152xi32, #tpu.memory_space<hbm>> -> memref<8192xi32, #tpu.memory_space<hbm>>
    tpu.enqueue_dma source(%dma_start3A_157 : memref<8192xi32, #tpu.memory_space<hbm>>) target(%dma_start3A_156 : memref<8192xi32, #tpu.memory_space<vmem>>) target_semaphore(%arg12 : memref<!tpu.dma_semaphore, #tpu.memory_space<semaphore_mem>>)
    %parallel_loop3A_158 = arith.constant 0 : i32
    %parallel_loop3A_159 = arith.constant 8192 : i32
    %parallel_loop3A_160 = arith.constant 16 : i32
    %parallel_loop3A_161 = scf.for %parallel_loop3A_484 = %parallel_loop3A_158 to %parallel_loop3A_159 step %parallel_loop3A_160 iter_args(%parallel_loop3A_485 = %parallel_loop3A_143) -> (f32)  : i32 {
      %parallel_loop3A_486 = arith.constant 8192 : i32
      %parallel_loop3A_487 = arith.addi %parallel_loop3A_486, %parallel_loop3A_484 : i32
      %parallel_loop3A_488 = arith.index_cast %parallel_loop3A_487 : i32 to index
      %parallel_loop3A_489 = tpu.vector_load %arg4[%parallel_loop3A_488] {strides = array<i32>} : memref<16384xi32, #tpu.memory_space<vmem>>, vector<16xi32>,
      %parallel_loop3A_490 = arith.constant 65535 : i32
      %parallel_loop3A_491 = vector.broadcast %parallel_loop3A_490 : i32 to vector<16xi32>
      %parallel_loop3A_492 = arith.andi %parallel_loop3A_489, %parallel_loop3A_491 : vector<16xi32>
      %parallel_loop3A_493 = arith.constant 3 : i32
      %parallel_loop3A_494 = vector.broadcast %parallel_loop3A_493 : i32 to vector<16xi32>
      %parallel_loop3A_495 = arith.shrsi %parallel_loop3A_492, %parallel_loop3A_494 : vector<16xi32>
      tpu.vector_store_idx %arg5[%parallel_loop3A_495], %broadcast_in_dim3A_41 {add = true} : memref<4096xi32, #tpu.memory_space<vmem>>[vector<16xi32>], vector<16xi32>,
      %parallel_loop3A_496 = arith.constant 16 : i32
      %parallel_loop3A_497 = vector.broadcast %parallel_loop3A_496 : i32 to vector<16xi32>
      %parallel_loop3A_498 = arith.shrsi %parallel_loop3A_489, %parallel_loop3A_497 : vector<16xi32>
      %parallel_loop3A_499 = arith.constant 65535 : i32
      %parallel_loop3A_500 = vector.broadcast %parallel_loop3A_499 : i32 to vector<16xi32>
      %parallel_loop3A_501 = arith.andi %parallel_loop3A_498, %parallel_loop3A_500 : vector<16xi32>
      %parallel_loop3A_502 = arith.constant 3 : i32
      %parallel_loop3A_503 = vector.broadcast %parallel_loop3A_502 : i32 to vector<16xi32>
      %parallel_loop3A_504 = arith.shrsi %parallel_loop3A_501, %parallel_loop3A_503 : vector<16xi32>
      tpu.vector_store_idx %arg5[%parallel_loop3A_504], %broadcast_in_dim3A_41 {add = true} : memref<4096xi32, #tpu.memory_space<vmem>>[vector<16xi32>], vector<16xi32>,
      scf.yield %parallel_loop3A_485 : f32
    } {sc.loop_unroll_factor = 8 : i64, sc.parallel_access}
    %dma_wait3A_162 = arith.constant 0 : i32
    %dma_wait3A_163 = tpu.memref_slice %arg4[%dma_wait3A_162] : memref<16384xi32, #tpu.memory_space<vmem>> -> memref<8192xi32, #tpu.memory_space<vmem>>
    %dma_wait3A_164 = tpu.memref_slice %arg2[%add3A_151] : memref<2097152xi32, #tpu.memory_space<hbm>> -> memref<8192xi32, #tpu.memory_space<hbm>>
    %dma_wait3A_165 = arith.constant 0 : i32
    %dma_wait3A_166 = tpu.memref_slice %arg4[%dma_wait3A_165] : memref<16384xi32, #tpu.memory_space<vmem>> -> memref<8192xi32, #tpu.memory_space<vmem>>
    %dma_wait3A_167 = tpu.memref_slice %arg2[%add3A_151] : memref<2097152xi32, #tpu.memory_space<hbm>> -> memref<8192xi32, #tpu.memory_space<hbm>>
    tpu.wait_dma2 semaphore(%arg12 : memref<!tpu.dma_semaphore, #tpu.memory_space<semaphore_mem>>) src(%dma_wait3A_167 : memref<8192xi32, #tpu.memory_space<hbm>>) dst(%dma_wait3A_166 : memref<8192xi32, #tpu.memory_space<vmem>>)
    %add3A_168 = arith.constant 57344 : i32
    %add3A_169 = arith.addi %add3A_35, %add3A_168 : i32
    %dma_start3A_170 = arith.constant 8192 : i32
    %dma_start3A_171 = tpu.memref_slice %arg4[%dma_start3A_170] : memref<16384xi32, #tpu.memory_space<vmem>> -> memref<8192xi32, #tpu.memory_space<vmem>>
    %dma_start3A_172 = tpu.memref_slice %arg2[%add3A_169] : memref<2097152xi32, #tpu.memory_space<hbm>> -> memref<8192xi32, #tpu.memory_space<hbm>>
    %dma_start3A_173 = arith.constant 8192 : i32
    %dma_start3A_174 = tpu.memref_slice %arg4[%dma_start3A_173] : memref<16384xi32, #tpu.memory_space<vmem>> -> memref<8192xi32, #tpu.memory_space<vmem>>
    %dma_start3A_175 = tpu.memref_slice %arg2[%add3A_169] : memref<2097152xi32, #tpu.memory_space<hbm>> -> memref<8192xi32, #tpu.memory_space<hbm>>
    tpu.enqueue_dma source(%dma_start3A_175 : memref<8192xi32, #tpu.memory_space<hbm>>) target(%dma_start3A_174 : memref<8192xi32, #tpu.memory_space<vmem>>) target_semaphore(%arg12 : memref<!tpu.dma_semaphore, #tpu.memory_space<semaphore_mem>>)
    %parallel_loop3A_176 = arith.constant 0 : i32
    %parallel_loop3A_177 = arith.constant 8192 : i32
    %parallel_loop3A_178 = arith.constant 16 : i32
    %parallel_loop3A_179 = scf.for %parallel_loop3A_484 = %parallel_loop3A_176 to %parallel_loop3A_177 step %parallel_loop3A_178 iter_args(%parallel_loop3A_485 = %parallel_loop3A_161) -> (f32)  : i32 {
      %parallel_loop3A_486 = arith.constant 0 : i32
      %parallel_loop3A_487 = arith.addi %parallel_loop3A_486, %parallel_loop3A_484 : i32
      %parallel_loop3A_488 = arith.index_cast %parallel_loop3A_487 : i32 to index
      %parallel_loop3A_489 = tpu.vector_load %arg4[%parallel_loop3A_488] {strides = array<i32>} : memref<16384xi32, #tpu.memory_space<vmem>>, vector<16xi32>,
      %parallel_loop3A_490 = arith.constant 65535 : i32
      %parallel_loop3A_491 = vector.broadcast %parallel_loop3A_490 : i32 to vector<16xi32>
      %parallel_loop3A_492 = arith.andi %parallel_loop3A_489, %parallel_loop3A_491 : vector<16xi32>
      %parallel_loop3A_493 = arith.constant 3 : i32
      %parallel_loop3A_494 = vector.broadcast %parallel_loop3A_493 : i32 to vector<16xi32>
      %parallel_loop3A_495 = arith.shrsi %parallel_loop3A_492, %parallel_loop3A_494 : vector<16xi32>
      tpu.vector_store_idx %arg5[%parallel_loop3A_495], %broadcast_in_dim3A_41 {add = true} : memref<4096xi32, #tpu.memory_space<vmem>>[vector<16xi32>], vector<16xi32>,
      %parallel_loop3A_496 = arith.constant 16 : i32
      %parallel_loop3A_497 = vector.broadcast %parallel_loop3A_496 : i32 to vector<16xi32>
      %parallel_loop3A_498 = arith.shrsi %parallel_loop3A_489, %parallel_loop3A_497 : vector<16xi32>
      %parallel_loop3A_499 = arith.constant 65535 : i32
      %parallel_loop3A_500 = vector.broadcast %parallel_loop3A_499 : i32 to vector<16xi32>
      %parallel_loop3A_501 = arith.andi %parallel_loop3A_498, %parallel_loop3A_500 : vector<16xi32>
      %parallel_loop3A_502 = arith.constant 3 : i32
      %parallel_loop3A_503 = vector.broadcast %parallel_loop3A_502 : i32 to vector<16xi32>
      %parallel_loop3A_504 = arith.shrsi %parallel_loop3A_501, %parallel_loop3A_503 : vector<16xi32>
      tpu.vector_store_idx %arg5[%parallel_loop3A_504], %broadcast_in_dim3A_41 {add = true} : memref<4096xi32, #tpu.memory_space<vmem>>[vector<16xi32>], vector<16xi32>,
      scf.yield %parallel_loop3A_485 : f32
    } {sc.loop_unroll_factor = 8 : i64, sc.parallel_access}
    %dma_wait3A_180 = arith.constant 8192 : i32
    %dma_wait3A_181 = tpu.memref_slice %arg4[%dma_wait3A_180] : memref<16384xi32, #tpu.memory_space<vmem>> -> memref<8192xi32, #tpu.memory_space<vmem>>
    %dma_wait3A_182 = tpu.memref_slice %arg2[%add3A_169] : memref<2097152xi32, #tpu.memory_space<hbm>> -> memref<8192xi32, #tpu.memory_space<hbm>>
    %dma_wait3A_183 = arith.constant 8192 : i32
    %dma_wait3A_184 = tpu.memref_slice %arg4[%dma_wait3A_183] : memref<16384xi32, #tpu.memory_space<vmem>> -> memref<8192xi32, #tpu.memory_space<vmem>>
    %dma_wait3A_185 = tpu.memref_slice %arg2[%add3A_169] : memref<2097152xi32, #tpu.memory_space<hbm>> -> memref<8192xi32, #tpu.memory_space<hbm>>
    tpu.wait_dma2 semaphore(%arg12 : memref<!tpu.dma_semaphore, #tpu.memory_space<semaphore_mem>>) src(%dma_wait3A_185 : memref<8192xi32, #tpu.memory_space<hbm>>) dst(%dma_wait3A_184 : memref<8192xi32, #tpu.memory_space<vmem>>)
    %parallel_loop3A_186 = arith.constant 0 : i32
    %parallel_loop3A_187 = arith.constant 8192 : i32
    %parallel_loop3A_188 = arith.constant 16 : i32
    %parallel_loop3A_189 = scf.for %parallel_loop3A_484 = %parallel_loop3A_186 to %parallel_loop3A_187 step %parallel_loop3A_188 iter_args(%parallel_loop3A_485 = %parallel_loop3A_179) -> (f32)  : i32 {
      %parallel_loop3A_486 = arith.constant 8192 : i32
      %parallel_loop3A_487 = arith.addi %parallel_loop3A_486, %parallel_loop3A_484 : i32
      %parallel_loop3A_488 = arith.index_cast %parallel_loop3A_487 : i32 to index
      %parallel_loop3A_489 = tpu.vector_load %arg4[%parallel_loop3A_488] {strides = array<i32>} : memref<16384xi32, #tpu.memory_space<vmem>>, vector<16xi32>,
      %parallel_loop3A_490 = arith.constant 65535 : i32
      %parallel_loop3A_491 = vector.broadcast %parallel_loop3A_490 : i32 to vector<16xi32>
      %parallel_loop3A_492 = arith.andi %parallel_loop3A_489, %parallel_loop3A_491 : vector<16xi32>
      %parallel_loop3A_493 = arith.constant 3 : i32
      %parallel_loop3A_494 = vector.broadcast %parallel_loop3A_493 : i32 to vector<16xi32>
      %parallel_loop3A_495 = arith.shrsi %parallel_loop3A_492, %parallel_loop3A_494 : vector<16xi32>
      tpu.vector_store_idx %arg5[%parallel_loop3A_495], %broadcast_in_dim3A_41 {add = true} : memref<4096xi32, #tpu.memory_space<vmem>>[vector<16xi32>], vector<16xi32>,
      %parallel_loop3A_496 = arith.constant 16 : i32
      %parallel_loop3A_497 = vector.broadcast %parallel_loop3A_496 : i32 to vector<16xi32>
      %parallel_loop3A_498 = arith.shrsi %parallel_loop3A_489, %parallel_loop3A_497 : vector<16xi32>
      %parallel_loop3A_499 = arith.constant 65535 : i32
      %parallel_loop3A_500 = vector.broadcast %parallel_loop3A_499 : i32 to vector<16xi32>
      %parallel_loop3A_501 = arith.andi %parallel_loop3A_498, %parallel_loop3A_500 : vector<16xi32>
      %parallel_loop3A_502 = arith.constant 3 : i32
      %parallel_loop3A_503 = vector.broadcast %parallel_loop3A_502 : i32 to vector<16xi32>
      %parallel_loop3A_504 = arith.shrsi %parallel_loop3A_501, %parallel_loop3A_503 : vector<16xi32>
      tpu.vector_store_idx %arg5[%parallel_loop3A_504], %broadcast_in_dim3A_41 {add = true} : memref<4096xi32, #tpu.memory_space<vmem>>[vector<16xi32>], vector<16xi32>,
      scf.yield %parallel_loop3A_485 : f32
    } {sc.loop_unroll_factor = 8 : i64, sc.parallel_access}
    "tpu.region"() ({
      %run_scoped3A = tpu.sem_alloc : memref<!tpu.dma_semaphore, #tpu.memory_space<semaphore_mem>>
      %dma_start3A_484 = arith.constant 0 : i32
      %dma_start3A_485 = tpu.memref_slice %arg5[%dma_start3A_484] : memref<4096xi32, #tpu.memory_space<vmem>> -> memref<4096xi32, #tpu.memory_space<vmem>>
      %dma_start3A_486 = arith.constant 0 : i32
      %dma_start3A_487 = tpu.memref_slice %arg10[%arg1, %dma_start3A_486] : memref<16x4096xi32, #tpu.memory_space<vmem_shared>> -> memref<1x4096xi32, #tpu.memory_space<vmem_shared>>
      %dma_start3A_488 = tpu.memref_squeeze %dma_start3A_487 : memref<1x4096xi32, #tpu.memory_space<vmem_shared>> -> memref<4096xi32, #tpu.memory_space<vmem_shared>>
      %dma_start3A_489 = arith.constant 0 : i32
      %dma_start3A_490 = tpu.memref_slice %arg10[%arg1, %dma_start3A_489] : memref<16x4096xi32, #tpu.memory_space<vmem_shared>> -> memref<1x4096xi32, #tpu.memory_space<vmem_shared>>
      %dma_start3A_491 = tpu.memref_squeeze %dma_start3A_490 : memref<1x4096xi32, #tpu.memory_space<vmem_shared>> -> memref<4096xi32, #tpu.memory_space<vmem_shared>>
      %dma_start3A_492 = arith.constant 0 : i32
      %dma_start3A_493 = tpu.memref_slice %arg5[%dma_start3A_492] : memref<4096xi32, #tpu.memory_space<vmem>> -> memref<4096xi32, #tpu.memory_space<vmem>>
      tpu.enqueue_dma source(%dma_start3A_493 : memref<4096xi32, #tpu.memory_space<vmem>>) target(%dma_start3A_491 : memref<4096xi32, #tpu.memory_space<vmem_shared>>) target_semaphore(%run_scoped3A : memref<!tpu.dma_semaphore, #tpu.memory_space<semaphore_mem>>)
      %dma_wait3A_494 = arith.constant 0 : i32
      %dma_wait3A_495 = tpu.memref_slice %arg5[%dma_wait3A_494] : memref<4096xi32, #tpu.memory_space<vmem>> -> memref<4096xi32, #tpu.memory_space<vmem>>
      %dma_wait3A_496 = arith.constant 0 : i32
      %dma_wait3A_497 = tpu.memref_slice %arg10[%arg1, %dma_wait3A_496] : memref<16x4096xi32, #tpu.memory_space<vmem_shared>> -> memref<1x4096xi32, #tpu.memory_space<vmem_shared>>
      %dma_wait3A_498 = tpu.memref_squeeze %dma_wait3A_497 : memref<1x4096xi32, #tpu.memory_space<vmem_shared>> -> memref<4096xi32, #tpu.memory_space<vmem_shared>>
      %dma_wait3A_499 = arith.constant 0 : i32
      %dma_wait3A_500 = tpu.memref_slice %arg10[%arg1, %dma_wait3A_499] : memref<16x4096xi32, #tpu.memory_space<vmem_shared>> -> memref<1x4096xi32, #tpu.memory_space<vmem_shared>>
      %dma_wait3A_501 = tpu.memref_squeeze %dma_wait3A_500 : memref<1x4096xi32, #tpu.memory_space<vmem_shared>> -> memref<4096xi32, #tpu.memory_space<vmem_shared>>
      %dma_wait3A_502 = arith.constant 0 : i32
      %dma_wait3A_503 = tpu.memref_slice %arg5[%dma_wait3A_502] : memref<4096xi32, #tpu.memory_space<vmem>> -> memref<4096xi32, #tpu.memory_space<vmem>>
      tpu.wait_dma2 semaphore(%run_scoped3A : memref<!tpu.dma_semaphore, #tpu.memory_space<semaphore_mem>>) src(%dma_wait3A_503 : memref<4096xi32, #tpu.memory_space<vmem>>) dst(%dma_wait3A_501 : memref<4096xi32, #tpu.memory_space<vmem_shared>>)
      tpu.yield
    }) : () -> ()
    %barrier3A = arith.constant 0 : index
    tpu.barrier barrier_id(%barrier3A)
    "tpu.region"() ({
      %run_scoped3A = tpu.sem_alloc : memref<!tpu.dma_semaphore, #tpu.memory_space<semaphore_mem>>
      %dma_start3A_484 = arith.constant 0 : i32
      %dma_start3A_485 = tpu.memref_slice %arg6[%dma_start3A_484] : memref<4096xi32, #tpu.memory_space<vmem>> -> memref<4096xi32, #tpu.memory_space<vmem>>
      %dma_start3A_486 = arith.constant 0 : i32
      %dma_start3A_487 = tpu.memref_slice %arg10[%sub3A_40, %dma_start3A_486] : memref<16x4096xi32, #tpu.memory_space<vmem_shared>> -> memref<1x4096xi32, #tpu.memory_space<vmem_shared>>
      %dma_start3A_488 = tpu.memref_squeeze %dma_start3A_487 : memref<1x4096xi32, #tpu.memory_space<vmem_shared>> -> memref<4096xi32, #tpu.memory_space<vmem_shared>>
      %dma_start3A_489 = arith.constant 0 : i32
      %dma_start3A_490 = tpu.memref_slice %arg6[%dma_start3A_489] : memref<4096xi32, #tpu.memory_space<vmem>> -> memref<4096xi32, #tpu.memory_space<vmem>>
      %dma_start3A_491 = arith.constant 0 : i32
      %dma_start3A_492 = tpu.memref_slice %arg10[%sub3A_40, %dma_start3A_491] : memref<16x4096xi32, #tpu.memory_space<vmem_shared>> -> memref<1x4096xi32, #tpu.memory_space<vmem_shared>>
      %dma_start3A_493 = tpu.memref_squeeze %dma_start3A_492 : memref<1x4096xi32, #tpu.memory_space<vmem_shared>> -> memref<4096xi32, #tpu.memory_space<vmem_shared>>
      tpu.enqueue_dma source(%dma_start3A_493 : memref<4096xi32, #tpu.memory_space<vmem_shared>>) target(%dma_start3A_490 : memref<4096xi32, #tpu.memory_space<vmem>>) target_semaphore(%run_scoped3A : memref<!tpu.dma_semaphore, #tpu.memory_space<semaphore_mem>>)
      %dma_wait3A_494 = arith.constant 0 : i32
      %dma_wait3A_495 = tpu.memref_slice %arg6[%dma_wait3A_494] : memref<4096xi32, #tpu.memory_space<vmem>> -> memref<4096xi32, #tpu.memory_space<vmem>>
      %dma_wait3A_496 = arith.constant 0 : i32
      %dma_wait3A_497 = tpu.memref_slice %arg10[%sub3A_40, %dma_wait3A_496] : memref<16x4096xi32, #tpu.memory_space<vmem_shared>> -> memref<1x4096xi32, #tpu.memory_space<vmem_shared>>
      %dma_wait3A_498 = tpu.memref_squeeze %dma_wait3A_497 : memref<1x4096xi32, #tpu.memory_space<vmem_shared>> -> memref<4096xi32, #tpu.memory_space<vmem_shared>>
      %dma_wait3A_499 = arith.constant 0 : i32
      %dma_wait3A_500 = tpu.memref_slice %arg6[%dma_wait3A_499] : memref<4096xi32, #tpu.memory_space<vmem>> -> memref<4096xi32, #tpu.memory_space<vmem>>
      %dma_wait3A_501 = arith.constant 0 : i32
      %dma_wait3A_502 = tpu.memref_slice %arg10[%sub3A_40, %dma_wait3A_501] : memref<16x4096xi32, #tpu.memory_space<vmem_shared>> -> memref<1x4096xi32, #tpu.memory_space<vmem_shared>>
      %dma_wait3A_503 = tpu.memref_squeeze %dma_wait3A_502 : memref<1x4096xi32, #tpu.memory_space<vmem_shared>> -> memref<4096xi32, #tpu.memory_space<vmem_shared>>
      tpu.wait_dma2 semaphore(%run_scoped3A : memref<!tpu.dma_semaphore, #tpu.memory_space<semaphore_mem>>) src(%dma_wait3A_503 : memref<4096xi32, #tpu.memory_space<vmem_shared>>) dst(%dma_wait3A_500 : memref<4096xi32, #tpu.memory_space<vmem>>)
      tpu.yield
    }) : () -> ()
    %scan3A_190 = arith.constant 0 : i32
    %scan3A_191 = arith.constant 0 : i32
    %scan3A_192 = arith.constant 256 : i32
    %scan3A_193 = arith.addi %scan3A_191, %scan3A_192 : i32
    %scan3A_194 = arith.constant 1 : i32
    %scan3A_195 = scf.for %scan3A_484 = %scan3A_191 to %scan3A_193 step %scan3A_194 iter_args(%scan3A_485 = %scan3A_190) -> (i32)  : i32 {
      %mul3A_486 = arith.constant 16 : i32
      %mul3A_487 = arith.muli %scan3A_484, %mul3A_486 : i32
      %get3A_488 = arith.index_cast %mul3A_487 : i32 to index
      %get3A_489 = tpu.vector_load %arg5[%get3A_488] {strides = array<i32>} : memref<4096xi32, #tpu.memory_space<vmem>>, vector<16xi32>,
      %get3A_490 = arith.index_cast %mul3A_487 : i32 to index
      %get3A_491 = tpu.vector_load %arg6[%get3A_490] {strides = array<i32>} : memref<4096xi32, #tpu.memory_space<vmem>>, vector<16xi32>,
      %add3A_492 = arith.addi %get3A_489, %get3A_491 : vector<16xi32>
      %swap3A_493 = arith.index_cast %mul3A_487 : i32 to index
      %swap3A_494 = tpu.vector_load %arg5[%swap3A_493] {strides = array<i32>} : memref<4096xi32, #tpu.memory_space<vmem>>, vector<16xi32>,
      tpu.vector_store %arg5[%swap3A_493], %add3A_492 {strides = array<i32>} : memref<4096xi32, #tpu.memory_space<vmem>>, vector<16xi32>,
      %scan3A_495 = arith.constant 0 : i32
      scf.yield %scan3A_495 : i32
    }
    %scan3A_196 = arith.constant 256 : i32
    %barrier3A_197 = arith.constant 0 : index
    tpu.barrier barrier_id(%barrier3A_197)
    %scan3A_198 = arith.constant 163840 : i32
    %scan3A_199 = arith.constant 0 : i32
    %scan3A_200 = arith.constant false
    %scan3A_201 = arith.constant 0 : i32
    %scan3A_202 = arith.constant 0 : i32
    %scan3A_203 = arith.constant 0 : i32
    %scan3A_204 = arith.constant 256 : i32
    %scan3A_205 = arith.addi %scan3A_203, %scan3A_204 : i32
    %scan3A_206 = arith.constant 1 : i32
    %scan3A_207:4 = scf.for %scan3A_484 = %scan3A_203 to %scan3A_205 step %scan3A_206 iter_args(%scan3A_485 = %scan3A_199, %scan3A_486 = %scan3A_200, %scan3A_487 = %scan3A_201, %scan3A_488 = %scan3A_202) -> (i32, i1, i32, i32)  : i32 {
      %sub3A_489 = arith.constant 255 : i32
      %sub3A_490 = arith.subi %sub3A_489, %scan3A_484 : i32
      %mul3A_491 = arith.constant 16 : i32
      %mul3A_492 = arith.muli %sub3A_490, %mul3A_491 : i32
      %get3A_493 = arith.index_cast %mul3A_492 : i32 to index
      %get3A_494 = tpu.vector_load %arg5[%get3A_493] {strides = array<i32>} : memref<4096xi32, #tpu.memory_space<vmem>>, vector<16xi32>,
      %rev3A_495 = arith.constant 15 : i32
      %rev3A_496 = vector.broadcast %rev3A_495 : i32 to vector<16xi32>
      %rev3A_497 = tpu.iota {dimensions = array<i32: 0>} : vector<16xi32>
      %rev3A_498 = arith.subi %rev3A_496, %rev3A_497 : vector<16xi32>
      %rev3A_499 = tpu.dynamic_gather %get3A_494[%rev3A_498] in [0] : vector<16xi32>, vector<16xi32> -> vector<16xi32>
      %cumsum3A_500 = arith.constant true
      %cumsum3A_501 = vector.broadcast %cumsum3A_500 : i1 to vector<16xi1>
      %cumsum3A_502 = tpu.scan <sum>, %rev3A_499 masked %cumsum3A_501 : vector<16xi32>, vector<16xi1> -> vector<16xi32>
      %rev3A_503 = arith.constant 15 : i32
      %rev3A_504 = vector.broadcast %rev3A_503 : i32 to vector<16xi32>
      %rev3A_505 = tpu.iota {dimensions = array<i32: 0>} : vector<16xi32>
      %rev3A_506 = arith.subi %rev3A_504, %rev3A_505 : vector<16xi32>
      %rev3A_507 = tpu.dynamic_gather %cumsum3A_502[%rev3A_506] in [0] : vector<16xi32>, vector<16xi32> -> vector<16xi32>
      %add3A_508 = vector.broadcast %scan3A_485 : i32 to vector<16xi32>
      %add3A_509 = arith.addi %rev3A_507, %add3A_508 : vector<16xi32>
      %ge3A_510 = vector.broadcast %scan3A_198 : i32 to vector<16xi32>
      %ge3A_511 = arith.cmpi sge, %add3A_509, %ge3A_510 : vector<16xi32>
      %convert_element_type3A_512 = arith.extui %ge3A_511 : vector<16xi1> to vector<16xi32>
      %reduce_sum3A_513 = arith.constant true
      %reduce_sum3A_514 = vector.broadcast %reduce_sum3A_513 : i1 to vector<16xi1>
      %reduce_sum3A_515 = tpu.scan <sum>, %convert_element_type3A_512 masked %reduce_sum3A_514 : vector<16xi32>, vector<16xi1> -> vector<16xi32>
      %reduce_sum3A_516 = vector.extract %reduce_sum3A_515[15] : i32 from vector<16xi32>
      %not3A_517 = arith.constant true
      %not3A_518 = arith.xori %scan3A_486, %not3A_517 : i1
      %gt3A_519 = arith.constant 0 : i32
      %gt3A_520 = arith.cmpi sgt, %reduce_sum3A_516, %gt3A_519 : i32
      %and3A_521 = arith.andi %not3A_518, %gt3A_520 : i1
      %jit3A_522 = arith.constant -1 : i32
      %broadcast_in_dim3A_523 = vector.broadcast %jit3A_522 : i32 to vector<16xi32>
      %select_n3A_524 = arith.select %ge3A_511, %broadcast_in_dim3A_523, %add3A_509 : vector<16xi1>, vector<16xi32>
      %reduce_max3A_525 = arith.constant true
      %reduce_max3A_526 = vector.broadcast %reduce_max3A_525 : i1 to vector<16xi1>
      %reduce_max3A_527 = arith.constant -2147483648 : i32
      %reduce_max3A_528 = vector.broadcast %reduce_max3A_527 : i32 to vector<16xi32>
      %reduce_max3A_529 = arith.xori %select_n3A_524, %reduce_max3A_528 : vector<16xi32>
      %reduce_max3A_530 = tpu.scan <max>, %reduce_max3A_529 masked %reduce_max3A_526 : vector<16xi32>, vector<16xi1> -> vector<16xi32>
      %reduce_max3A_531 = arith.xori %reduce_max3A_530, %reduce_max3A_528 : vector<16xi32>
      %reduce_max3A_532 = vector.extract %reduce_max3A_531[15] : i32 from vector<16xi32>
      %max3A_533 = arith.maxsi %reduce_max3A_532, %scan3A_485 : i32
      %mul3A_534 = arith.constant 16 : i32
      %mul3A_535 = arith.muli %sub3A_490, %mul3A_534 : i32
      %add3A_536 = arith.addi %mul3A_535, %reduce_sum3A_516 : i32
      %sub3A_537 = arith.constant 1 : i32
      %sub3A_538 = arith.subi %add3A_536, %sub3A_537 : i32
      %select_n3A_539 = arith.select %and3A_521, %sub3A_538, %scan3A_487 : i32
      %select_n3A_540 = arith.select %and3A_521, %max3A_533, %scan3A_488 : i32
      %gt3A_541 = arith.constant 0 : i32
      %gt3A_542 = arith.cmpi sgt, %reduce_sum3A_516, %gt3A_541 : i32
      %or3A_543 = arith.ori %scan3A_486, %gt3A_542 : i1
      %reduce_sum3A_544 = arith.constant true
      %reduce_sum3A_545 = vector.broadcast %reduce_sum3A_544 : i1 to vector<16xi1>
      %reduce_sum3A_546 = tpu.scan <sum>, %get3A_494 masked %reduce_sum3A_545 : vector<16xi32>, vector<16xi1> -> vector<16xi32>
      %reduce_sum3A_547 = vector.extract %reduce_sum3A_546[15] : i32 from vector<16xi32>
      %add3A_548 = arith.addi %scan3A_485, %reduce_sum3A_547 : i32
      scf.yield %add3A_548, %or3A_543, %select_n3A_539, %select_n3A_540 : i32, i1, i32, i32
    }
    %scan3A_208 = arith.constant 256 : i32
    %sub3A_209 = arith.constant 163840 : i32
    %sub3A_210 = arith.subi %sub3A_209, %scan3A_207#3 : i32
    %scan3A_211 = arith.constant 0 : i32
    %scan3A_212 = arith.constant 0 : i32
    %broadcast_in_dim3A_213 = arith.constant 0 : i32
    %broadcast_in_dim3A_214 = vector.broadcast %broadcast_in_dim3A_213 : i32 to vector<16xi32>
    %mul3A_215 = arith.constant 16 : i32
    %mul3A_216 = arith.muli %scan3A_212, %mul3A_215 : i32
    %swap3A = arith.index_cast %mul3A_216 : i32 to index
    %swap3A_217 = tpu.vector_load %arg5[%swap3A] {strides = array<i32>} : memref<4096xi32, #tpu.memory_space<vmem>>, vector<16xi32>,
    tpu.vector_store %arg5[%swap3A], %broadcast_in_dim3A_214 {strides = array<i32>} : memref<4096xi32, #tpu.memory_space<vmem>>, vector<16xi32>,
    %scan3A_218 = arith.constant 0 : i32
    %scan3A_219 = arith.constant 1 : i32
    %scan3A_220 = arith.constant 0 : i32
    %scan3A_221 = arith.constant 0 : i32
    %broadcast_in_dim3A_222 = arith.constant 0.000000e+00 : f32
    %broadcast_in_dim3A_223 = vector.broadcast %broadcast_in_dim3A_222 : f32 to vector<16xf32>
    %mul3A_224 = arith.constant 16 : i32
    %mul3A_225 = arith.muli %scan3A_221, %mul3A_224 : i32
    %swap3A_226 = arith.index_cast %mul3A_225 : i32 to index
    %swap3A_227 = tpu.vector_load %arg7[%swap3A_226] {strides = array<i32>} : memref<16xf32, #tpu.memory_space<vmem>>, vector<16xf32>,
    tpu.vector_store %arg7[%swap3A_226], %broadcast_in_dim3A_223 {strides = array<i32>} : memref<16xf32, #tpu.memory_space<vmem>>, vector<16xf32>,
    %scan3A_228 = arith.constant 0 : i32
    %scan3A_229 = arith.constant 1 : i32
    %add3A_230 = arith.constant 0 : i32
    %add3A_231 = arith.addi %add3A_35, %add3A_230 : i32
    %dma_start3A_232 = arith.constant 0 : i32
    %dma_start3A_233 = tpu.memref_slice %arg4[%dma_start3A_232] : memref<16384xi32, #tpu.memory_space<vmem>> -> memref<8192xi32, #tpu.memory_space<vmem>>
    %dma_start3A_234 = tpu.memref_slice %arg2[%add3A_231] : memref<2097152xi32, #tpu.memory_space<hbm>> -> memref<8192xi32, #tpu.memory_space<hbm>>
    %dma_start3A_235 = arith.constant 0 : i32
    %dma_start3A_236 = tpu.memref_slice %arg4[%dma_start3A_235] : memref<16384xi32, #tpu.memory_space<vmem>> -> memref<8192xi32, #tpu.memory_space<vmem>>
    %dma_start3A_237 = tpu.memref_slice %arg2[%add3A_231] : memref<2097152xi32, #tpu.memory_space<hbm>> -> memref<8192xi32, #tpu.memory_space<hbm>>
    tpu.enqueue_dma source(%dma_start3A_237 : memref<8192xi32, #tpu.memory_space<hbm>>) target(%dma_start3A_236 : memref<8192xi32, #tpu.memory_space<vmem>>) target_semaphore(%arg12 : memref<!tpu.dma_semaphore, #tpu.memory_space<semaphore_mem>>)
    %dma_wait3A_238 = arith.constant 0 : i32
    %dma_wait3A_239 = tpu.memref_slice %arg4[%dma_wait3A_238] : memref<16384xi32, #tpu.memory_space<vmem>> -> memref<8192xi32, #tpu.memory_space<vmem>>
    %dma_wait3A_240 = tpu.memref_slice %arg2[%add3A_231] : memref<2097152xi32, #tpu.memory_space<hbm>> -> memref<8192xi32, #tpu.memory_space<hbm>>
    %dma_wait3A_241 = arith.constant 0 : i32
    %dma_wait3A_242 = tpu.memref_slice %arg4[%dma_wait3A_241] : memref<16384xi32, #tpu.memory_space<vmem>> -> memref<8192xi32, #tpu.memory_space<vmem>>
    %dma_wait3A_243 = tpu.memref_slice %arg2[%add3A_231] : memref<2097152xi32, #tpu.memory_space<hbm>> -> memref<8192xi32, #tpu.memory_space<hbm>>
    tpu.wait_dma2 semaphore(%arg12 : memref<!tpu.dma_semaphore, #tpu.memory_space<semaphore_mem>>) src(%dma_wait3A_243 : memref<8192xi32, #tpu.memory_space<hbm>>) dst(%dma_wait3A_242 : memref<8192xi32, #tpu.memory_space<vmem>>)
    %add3A_244 = arith.constant 8192 : i32
    %add3A_245 = arith.addi %add3A_35, %add3A_244 : i32
    %dma_start3A_246 = arith.constant 8192 : i32
    %dma_start3A_247 = tpu.memref_slice %arg4[%dma_start3A_246] : memref<16384xi32, #tpu.memory_space<vmem>> -> memref<8192xi32, #tpu.memory_space<vmem>>
    %dma_start3A_248 = tpu.memref_slice %arg2[%add3A_245] : memref<2097152xi32, #tpu.memory_space<hbm>> -> memref<8192xi32, #tpu.memory_space<hbm>>
    %dma_start3A_249 = arith.constant 8192 : i32
    %dma_start3A_250 = tpu.memref_slice %arg4[%dma_start3A_249] : memref<16384xi32, #tpu.memory_space<vmem>> -> memref<8192xi32, #tpu.memory_space<vmem>>
    %dma_start3A_251 = tpu.memref_slice %arg2[%add3A_245] : memref<2097152xi32, #tpu.memory_space<hbm>> -> memref<8192xi32, #tpu.memory_space<hbm>>
    tpu.enqueue_dma source(%dma_start3A_251 : memref<8192xi32, #tpu.memory_space<hbm>>) target(%dma_start3A_250 : memref<8192xi32, #tpu.memory_space<vmem>>) target_semaphore(%arg12 : memref<!tpu.dma_semaphore, #tpu.memory_space<semaphore_mem>>)
    %parallel_loop3A_252 = arith.constant 0 : i32
    %parallel_loop3A_253 = arith.constant 8192 : i32
    %parallel_loop3A_254 = arith.constant 16 : i32
    %parallel_loop3A_255 = arith.constant 0.000000e+00 : f32
    %parallel_loop3A_256 = scf.for %parallel_loop3A_484 = %parallel_loop3A_252 to %parallel_loop3A_253 step %parallel_loop3A_254 iter_args(%parallel_loop3A_485 = %parallel_loop3A_255) -> (f32)  : i32 {
      %parallel_loop3A_486 = arith.constant 0 : i32
      %parallel_loop3A_487 = arith.addi %parallel_loop3A_486, %parallel_loop3A_484 : i32
      %parallel_loop3A_488 = arith.index_cast %parallel_loop3A_487 : i32 to index
      %parallel_loop3A_489 = tpu.vector_load %arg4[%parallel_loop3A_488] {strides = array<i32>} : memref<16384xi32, #tpu.memory_space<vmem>>, vector<16xi32>,
      %parallel_loop3A_490 = arith.constant 65535 : i32
      %parallel_loop3A_491 = vector.broadcast %parallel_loop3A_490 : i32 to vector<16xi32>
      %parallel_loop3A_492 = arith.andi %parallel_loop3A_489, %parallel_loop3A_491 : vector<16xi32>
      %parallel_loop3A_493 = arith.constant 3 : i32
      %parallel_loop3A_494 = vector.broadcast %parallel_loop3A_493 : i32 to vector<16xi32>
      %parallel_loop3A_495 = arith.shrsi %parallel_loop3A_492, %parallel_loop3A_494 : vector<16xi32>
      %parallel_loop3A_496 = vector.broadcast %scan3A_207#2 : i32 to vector<16xi32>
      %parallel_loop3A_497 = arith.cmpi eq, %parallel_loop3A_495, %parallel_loop3A_496 : vector<16xi32>
      %parallel_loop3A_498 = arith.constant 16 : i32
      %parallel_loop3A_499 = vector.broadcast %parallel_loop3A_498 : i32 to vector<16xi32>
      %parallel_loop3A_500 = arith.shli %parallel_loop3A_492, %parallel_loop3A_499 : vector<16xi32>
      %parallel_loop3A_501 = vector.bitcast %parallel_loop3A_500 : vector<16xi32> to vector<16xf32>
      %parallel_loop3A_502 = arith.constant 7 : i32
      %parallel_loop3A_503 = vector.broadcast %parallel_loop3A_502 : i32 to vector<16xi32>
      %parallel_loop3A_504 = arith.andi %parallel_loop3A_492, %parallel_loop3A_503 : vector<16xi32>
      tpu.vector_store_idx %arg5[%parallel_loop3A_504], %broadcast_in_dim3A_41 masked %parallel_loop3A_497 {add = true} : memref<4096xi32, #tpu.memory_space<vmem>>[vector<16xi32>], vector<16xi32>, vector<16xi1>
      %parallel_loop3A_505 = arith.constant 7 : i32
      %parallel_loop3A_506 = vector.broadcast %parallel_loop3A_505 : i32 to vector<16xi32>
      %parallel_loop3A_507 = arith.andi %parallel_loop3A_492, %parallel_loop3A_506 : vector<16xi32>
      tpu.vector_store_idx %arg7[%parallel_loop3A_507], %parallel_loop3A_501 masked %parallel_loop3A_497 {add = true} : memref<16xf32, #tpu.memory_space<vmem>>[vector<16xi32>], vector<16xf32>, vector<16xi1>
      %parallel_loop3A_508 = vector.broadcast %scan3A_207#2 : i32 to vector<16xi32>
      %parallel_loop3A_509 = arith.cmpi sgt, %parallel_loop3A_495, %parallel_loop3A_508 : vector<16xi32>
      %parallel_loop3A_510 = arith.constant 0.000000e+00 : f32
      %parallel_loop3A_511 = vector.broadcast %parallel_loop3A_510 : f32 to vector<16xf32>
      %parallel_loop3A_512 = arith.select %parallel_loop3A_509, %parallel_loop3A_501, %parallel_loop3A_511 : vector<16xi1>, vector<16xf32>
      %parallel_loop3A_513 = arith.constant true
      %parallel_loop3A_514 = vector.broadcast %parallel_loop3A_513 : i1 to vector<16xi1>
      %parallel_loop3A_515 = tpu.scan <sum>, %parallel_loop3A_512 masked %parallel_loop3A_514 : vector<16xf32>, vector<16xi1> -> vector<16xf32>
      %parallel_loop3A_516 = vector.extract %parallel_loop3A_515[15] : f32 from vector<16xf32>
      %parallel_loop3A_517 = arith.addf %parallel_loop3A_485, %parallel_loop3A_516 : f32
      %parallel_loop3A_518 = arith.constant 16 : i32
      %parallel_loop3A_519 = vector.broadcast %parallel_loop3A_518 : i32 to vector<16xi32>
      %parallel_loop3A_520 = arith.shrsi %parallel_loop3A_489, %parallel_loop3A_519 : vector<16xi32>
      %parallel_loop3A_521 = arith.constant 65535 : i32
      %parallel_loop3A_522 = vector.broadcast %parallel_loop3A_521 : i32 to vector<16xi32>
      %parallel_loop3A_523 = arith.andi %parallel_loop3A_520, %parallel_loop3A_522 : vector<16xi32>
      %parallel_loop3A_524 = arith.constant 3 : i32
      %parallel_loop3A_525 = vector.broadcast %parallel_loop3A_524 : i32 to vector<16xi32>
      %parallel_loop3A_526 = arith.shrsi %parallel_loop3A_523, %parallel_loop3A_525 : vector<16xi32>
      %parallel_loop3A_527 = vector.broadcast %scan3A_207#2 : i32 to vector<16xi32>
      %parallel_loop3A_528 = arith.cmpi eq, %parallel_loop3A_526, %parallel_loop3A_527 : vector<16xi32>
      %parallel_loop3A_529 = arith.constant 16 : i32
      %parallel_loop3A_530 = vector.broadcast %parallel_loop3A_529 : i32 to vector<16xi32>
      %parallel_loop3A_531 = arith.shli %parallel_loop3A_523, %parallel_loop3A_530 : vector<16xi32>
      %parallel_loop3A_532 = vector.bitcast %parallel_loop3A_531 : vector<16xi32> to vector<16xf32>
      %parallel_loop3A_533 = arith.constant 7 : i32
      %parallel_loop3A_534 = vector.broadcast %parallel_loop3A_533 : i32 to vector<16xi32>
      %parallel_loop3A_535 = arith.andi %parallel_loop3A_523, %parallel_loop3A_534 : vector<16xi32>
      tpu.vector_store_idx %arg5[%parallel_loop3A_535], %broadcast_in_dim3A_41 masked %parallel_loop3A_528 {add = true} : memref<4096xi32, #tpu.memory_space<vmem>>[vector<16xi32>], vector<16xi32>, vector<16xi1>
      %parallel_loop3A_536 = arith.constant 7 : i32
      %parallel_loop3A_537 = vector.broadcast %parallel_loop3A_536 : i32 to vector<16xi32>
      %parallel_loop3A_538 = arith.andi %parallel_loop3A_523, %parallel_loop3A_537 : vector<16xi32>
      tpu.vector_store_idx %arg7[%parallel_loop3A_538], %parallel_loop3A_532 masked %parallel_loop3A_528 {add = true} : memref<16xf32, #tpu.memory_space<vmem>>[vector<16xi32>], vector<16xf32>, vector<16xi1>
      %parallel_loop3A_539 = vector.broadcast %scan3A_207#2 : i32 to vector<16xi32>
      %parallel_loop3A_540 = arith.cmpi sgt, %parallel_loop3A_526, %parallel_loop3A_539 : vector<16xi32>
      %parallel_loop3A_541 = arith.constant 0.000000e+00 : f32
      %parallel_loop3A_542 = vector.broadcast %parallel_loop3A_541 : f32 to vector<16xf32>
      %parallel_loop3A_543 = arith.select %parallel_loop3A_540, %parallel_loop3A_532, %parallel_loop3A_542 : vector<16xi1>, vector<16xf32>
      %parallel_loop3A_544 = arith.constant true
      %parallel_loop3A_545 = vector.broadcast %parallel_loop3A_544 : i1 to vector<16xi1>
      %parallel_loop3A_546 = tpu.scan <sum>, %parallel_loop3A_543 masked %parallel_loop3A_545 : vector<16xf32>, vector<16xi1> -> vector<16xf32>
      %parallel_loop3A_547 = vector.extract %parallel_loop3A_546[15] : f32 from vector<16xf32>
      %parallel_loop3A_548 = arith.addf %parallel_loop3A_517, %parallel_loop3A_547 : f32
      scf.yield %parallel_loop3A_548 : f32
    } {sc.loop_unroll_factor = 8 : i64, sc.parallel_access}
    %dma_wait3A_257 = arith.constant 8192 : i32
    %dma_wait3A_258 = tpu.memref_slice %arg4[%dma_wait3A_257] : memref<16384xi32, #tpu.memory_space<vmem>> -> memref<8192xi32, #tpu.memory_space<vmem>>
    %dma_wait3A_259 = tpu.memref_slice %arg2[%add3A_245] : memref<2097152xi32, #tpu.memory_space<hbm>> -> memref<8192xi32, #tpu.memory_space<hbm>>
    %dma_wait3A_260 = arith.constant 8192 : i32
    %dma_wait3A_261 = tpu.memref_slice %arg4[%dma_wait3A_260] : memref<16384xi32, #tpu.memory_space<vmem>> -> memref<8192xi32, #tpu.memory_space<vmem>>
    %dma_wait3A_262 = tpu.memref_slice %arg2[%add3A_245] : memref<2097152xi32, #tpu.memory_space<hbm>> -> memref<8192xi32, #tpu.memory_space<hbm>>
    tpu.wait_dma2 semaphore(%arg12 : memref<!tpu.dma_semaphore, #tpu.memory_space<semaphore_mem>>) src(%dma_wait3A_262 : memref<8192xi32, #tpu.memory_space<hbm>>) dst(%dma_wait3A_261 : memref<8192xi32, #tpu.memory_space<vmem>>)
    %add3A_263 = arith.constant 16384 : i32
    %add3A_264 = arith.addi %add3A_35, %add3A_263 : i32
    %dma_start3A_265 = arith.constant 0 : i32
    %dma_start3A_266 = tpu.memref_slice %arg4[%dma_start3A_265] : memref<16384xi32, #tpu.memory_space<vmem>> -> memref<8192xi32, #tpu.memory_space<vmem>>
    %dma_start3A_267 = tpu.memref_slice %arg2[%add3A_264] : memref<2097152xi32, #tpu.memory_space<hbm>> -> memref<8192xi32, #tpu.memory_space<hbm>>
    %dma_start3A_268 = arith.constant 0 : i32
    %dma_start3A_269 = tpu.memref_slice %arg4[%dma_start3A_268] : memref<16384xi32, #tpu.memory_space<vmem>> -> memref<8192xi32, #tpu.memory_space<vmem>>
    %dma_start3A_270 = tpu.memref_slice %arg2[%add3A_264] : memref<2097152xi32, #tpu.memory_space<hbm>> -> memref<8192xi32, #tpu.memory_space<hbm>>
    tpu.enqueue_dma source(%dma_start3A_270 : memref<8192xi32, #tpu.memory_space<hbm>>) target(%dma_start3A_269 : memref<8192xi32, #tpu.memory_space<vmem>>) target_semaphore(%arg12 : memref<!tpu.dma_semaphore, #tpu.memory_space<semaphore_mem>>)
    %parallel_loop3A_271 = arith.constant 0 : i32
    %parallel_loop3A_272 = arith.constant 8192 : i32
    %parallel_loop3A_273 = arith.constant 16 : i32
    %parallel_loop3A_274 = scf.for %parallel_loop3A_484 = %parallel_loop3A_271 to %parallel_loop3A_272 step %parallel_loop3A_273 iter_args(%parallel_loop3A_485 = %parallel_loop3A_256) -> (f32)  : i32 {
      %parallel_loop3A_486 = arith.constant 8192 : i32
      %parallel_loop3A_487 = arith.addi %parallel_loop3A_486, %parallel_loop3A_484 : i32
      %parallel_loop3A_488 = arith.index_cast %parallel_loop3A_487 : i32 to index
      %parallel_loop3A_489 = tpu.vector_load %arg4[%parallel_loop3A_488] {strides = array<i32>} : memref<16384xi32, #tpu.memory_space<vmem>>, vector<16xi32>,
      %parallel_loop3A_490 = arith.constant 65535 : i32
      %parallel_loop3A_491 = vector.broadcast %parallel_loop3A_490 : i32 to vector<16xi32>
      %parallel_loop3A_492 = arith.andi %parallel_loop3A_489, %parallel_loop3A_491 : vector<16xi32>
      %parallel_loop3A_493 = arith.constant 3 : i32
      %parallel_loop3A_494 = vector.broadcast %parallel_loop3A_493 : i32 to vector<16xi32>
      %parallel_loop3A_495 = arith.shrsi %parallel_loop3A_492, %parallel_loop3A_494 : vector<16xi32>
      %parallel_loop3A_496 = vector.broadcast %scan3A_207#2 : i32 to vector<16xi32>
      %parallel_loop3A_497 = arith.cmpi eq, %parallel_loop3A_495, %parallel_loop3A_496 : vector<16xi32>
      %parallel_loop3A_498 = arith.constant 16 : i32
      %parallel_loop3A_499 = vector.broadcast %parallel_loop3A_498 : i32 to vector<16xi32>
      %parallel_loop3A_500 = arith.shli %parallel_loop3A_492, %parallel_loop3A_499 : vector<16xi32>
      %parallel_loop3A_501 = vector.bitcast %parallel_loop3A_500 : vector<16xi32> to vector<16xf32>
      %parallel_loop3A_502 = arith.constant 7 : i32
      %parallel_loop3A_503 = vector.broadcast %parallel_loop3A_502 : i32 to vector<16xi32>
      %parallel_loop3A_504 = arith.andi %parallel_loop3A_492, %parallel_loop3A_503 : vector<16xi32>
      tpu.vector_store_idx %arg5[%parallel_loop3A_504], %broadcast_in_dim3A_41 masked %parallel_loop3A_497 {add = true} : memref<4096xi32, #tpu.memory_space<vmem>>[vector<16xi32>], vector<16xi32>, vector<16xi1>
      %parallel_loop3A_505 = arith.constant 7 : i32
      %parallel_loop3A_506 = vector.broadcast %parallel_loop3A_505 : i32 to vector<16xi32>
      %parallel_loop3A_507 = arith.andi %parallel_loop3A_492, %parallel_loop3A_506 : vector<16xi32>
      tpu.vector_store_idx %arg7[%parallel_loop3A_507], %parallel_loop3A_501 masked %parallel_loop3A_497 {add = true} : memref<16xf32, #tpu.memory_space<vmem>>[vector<16xi32>], vector<16xf32>, vector<16xi1>
      %parallel_loop3A_508 = vector.broadcast %scan3A_207#2 : i32 to vector<16xi32>
      %parallel_loop3A_509 = arith.cmpi sgt, %parallel_loop3A_495, %parallel_loop3A_508 : vector<16xi32>
      %parallel_loop3A_510 = arith.constant 0.000000e+00 : f32
      %parallel_loop3A_511 = vector.broadcast %parallel_loop3A_510 : f32 to vector<16xf32>
      %parallel_loop3A_512 = arith.select %parallel_loop3A_509, %parallel_loop3A_501, %parallel_loop3A_511 : vector<16xi1>, vector<16xf32>
      %parallel_loop3A_513 = arith.constant true
      %parallel_loop3A_514 = vector.broadcast %parallel_loop3A_513 : i1 to vector<16xi1>
      %parallel_loop3A_515 = tpu.scan <sum>, %parallel_loop3A_512 masked %parallel_loop3A_514 : vector<16xf32>, vector<16xi1> -> vector<16xf32>
      %parallel_loop3A_516 = vector.extract %parallel_loop3A_515[15] : f32 from vector<16xf32>
      %parallel_loop3A_517 = arith.addf %parallel_loop3A_485, %parallel_loop3A_516 : f32
      %parallel_loop3A_518 = arith.constant 16 : i32
      %parallel_loop3A_519 = vector.broadcast %parallel_loop3A_518 : i32 to vector<16xi32>
      %parallel_loop3A_520 = arith.shrsi %parallel_loop3A_489, %parallel_loop3A_519 : vector<16xi32>
      %parallel_loop3A_521 = arith.constant 65535 : i32
      %parallel_loop3A_522 = vector.broadcast %parallel_loop3A_521 : i32 to vector<16xi32>
      %parallel_loop3A_523 = arith.andi %parallel_loop3A_520, %parallel_loop3A_522 : vector<16xi32>
      %parallel_loop3A_524 = arith.constant 3 : i32
      %parallel_loop3A_525 = vector.broadcast %parallel_loop3A_524 : i32 to vector<16xi32>
      %parallel_loop3A_526 = arith.shrsi %parallel_loop3A_523, %parallel_loop3A_525 : vector<16xi32>
      %parallel_loop3A_527 = vector.broadcast %scan3A_207#2 : i32 to vector<16xi32>
      %parallel_loop3A_528 = arith.cmpi eq, %parallel_loop3A_526, %parallel_loop3A_527 : vector<16xi32>
      %parallel_loop3A_529 = arith.constant 16 : i32
      %parallel_loop3A_530 = vector.broadcast %parallel_loop3A_529 : i32 to vector<16xi32>
      %parallel_loop3A_531 = arith.shli %parallel_loop3A_523, %parallel_loop3A_530 : vector<16xi32>
      %parallel_loop3A_532 = vector.bitcast %parallel_loop3A_531 : vector<16xi32> to vector<16xf32>
      %parallel_loop3A_533 = arith.constant 7 : i32
      %parallel_loop3A_534 = vector.broadcast %parallel_loop3A_533 : i32 to vector<16xi32>
      %parallel_loop3A_535 = arith.andi %parallel_loop3A_523, %parallel_loop3A_534 : vector<16xi32>
      tpu.vector_store_idx %arg5[%parallel_loop3A_535], %broadcast_in_dim3A_41 masked %parallel_loop3A_528 {add = true} : memref<4096xi32, #tpu.memory_space<vmem>>[vector<16xi32>], vector<16xi32>, vector<16xi1>
      %parallel_loop3A_536 = arith.constant 7 : i32
      %parallel_loop3A_537 = vector.broadcast %parallel_loop3A_536 : i32 to vector<16xi32>
      %parallel_loop3A_538 = arith.andi %parallel_loop3A_523, %parallel_loop3A_537 : vector<16xi32>
      tpu.vector_store_idx %arg7[%parallel_loop3A_538], %parallel_loop3A_532 masked %parallel_loop3A_528 {add = true} : memref<16xf32, #tpu.memory_space<vmem>>[vector<16xi32>], vector<16xf32>, vector<16xi1>
      %parallel_loop3A_539 = vector.broadcast %scan3A_207#2 : i32 to vector<16xi32>
      %parallel_loop3A_540 = arith.cmpi sgt, %parallel_loop3A_526, %parallel_loop3A_539 : vector<16xi32>
      %parallel_loop3A_541 = arith.constant 0.000000e+00 : f32
      %parallel_loop3A_542 = vector.broadcast %parallel_loop3A_541 : f32 to vector<16xf32>
      %parallel_loop3A_543 = arith.select %parallel_loop3A_540, %parallel_loop3A_532, %parallel_loop3A_542 : vector<16xi1>, vector<16xf32>
      %parallel_loop3A_544 = arith.constant true
      %parallel_loop3A_545 = vector.broadcast %parallel_loop3A_544 : i1 to vector<16xi1>
      %parallel_loop3A_546 = tpu.scan <sum>, %parallel_loop3A_543 masked %parallel_loop3A_545 : vector<16xf32>, vector<16xi1> -> vector<16xf32>
      %parallel_loop3A_547 = vector.extract %parallel_loop3A_546[15] : f32 from vector<16xf32>
      %parallel_loop3A_548 = arith.addf %parallel_loop3A_517, %parallel_loop3A_547 : f32
      scf.yield %parallel_loop3A_548 : f32
    } {sc.loop_unroll_factor = 8 : i64, sc.parallel_access}
    %dma_wait3A_275 = arith.constant 0 : i32
    %dma_wait3A_276 = tpu.memref_slice %arg4[%dma_wait3A_275] : memref<16384xi32, #tpu.memory_space<vmem>> -> memref<8192xi32, #tpu.memory_space<vmem>>
    %dma_wait3A_277 = tpu.memref_slice %arg2[%add3A_264] : memref<2097152xi32, #tpu.memory_space<hbm>> -> memref<8192xi32, #tpu.memory_space<hbm>>
    %dma_wait3A_278 = arith.constant 0 : i32
    %dma_wait3A_279 = tpu.memref_slice %arg4[%dma_wait3A_278] : memref<16384xi32, #tpu.memory_space<vmem>> -> memref<8192xi32, #tpu.memory_space<vmem>>
    %dma_wait3A_280 = tpu.memref_slice %arg2[%add3A_264] : memref<2097152xi32, #tpu.memory_space<hbm>> -> memref<8192xi32, #tpu.memory_space<hbm>>
    tpu.wait_dma2 semaphore(%arg12 : memref<!tpu.dma_semaphore, #tpu.memory_space<semaphore_mem>>) src(%dma_wait3A_280 : memref<8192xi32, #tpu.memory_space<hbm>>) dst(%dma_wait3A_279 : memref<8192xi32, #tpu.memory_space<vmem>>)
    %add3A_281 = arith.constant 24576 : i32
    %add3A_282 = arith.addi %add3A_35, %add3A_281 : i32
    %dma_start3A_283 = arith.constant 8192 : i32
    %dma_start3A_284 = tpu.memref_slice %arg4[%dma_start3A_283] : memref<16384xi32, #tpu.memory_space<vmem>> -> memref<8192xi32, #tpu.memory_space<vmem>>
    %dma_start3A_285 = tpu.memref_slice %arg2[%add3A_282] : memref<2097152xi32, #tpu.memory_space<hbm>> -> memref<8192xi32, #tpu.memory_space<hbm>>
    %dma_start3A_286 = arith.constant 8192 : i32
    %dma_start3A_287 = tpu.memref_slice %arg4[%dma_start3A_286] : memref<16384xi32, #tpu.memory_space<vmem>> -> memref<8192xi32, #tpu.memory_space<vmem>>
    %dma_start3A_288 = tpu.memref_slice %arg2[%add3A_282] : memref<2097152xi32, #tpu.memory_space<hbm>> -> memref<8192xi32, #tpu.memory_space<hbm>>
    tpu.enqueue_dma source(%dma_start3A_288 : memref<8192xi32, #tpu.memory_space<hbm>>) target(%dma_start3A_287 : memref<8192xi32, #tpu.memory_space<vmem>>) target_semaphore(%arg12 : memref<!tpu.dma_semaphore, #tpu.memory_space<semaphore_mem>>)
    %parallel_loop3A_289 = arith.constant 0 : i32
    %parallel_loop3A_290 = arith.constant 8192 : i32
    %parallel_loop3A_291 = arith.constant 16 : i32
    %parallel_loop3A_292 = scf.for %parallel_loop3A_484 = %parallel_loop3A_289 to %parallel_loop3A_290 step %parallel_loop3A_291 iter_args(%parallel_loop3A_485 = %parallel_loop3A_274) -> (f32)  : i32 {
      %parallel_loop3A_486 = arith.constant 0 : i32
      %parallel_loop3A_487 = arith.addi %parallel_loop3A_486, %parallel_loop3A_484 : i32
      %parallel_loop3A_488 = arith.index_cast %parallel_loop3A_487 : i32 to index
      %parallel_loop3A_489 = tpu.vector_load %arg4[%parallel_loop3A_488] {strides = array<i32>} : memref<16384xi32, #tpu.memory_space<vmem>>, vector<16xi32>,
      %parallel_loop3A_490 = arith.constant 65535 : i32
      %parallel_loop3A_491 = vector.broadcast %parallel_loop3A_490 : i32 to vector<16xi32>
      %parallel_loop3A_492 = arith.andi %parallel_loop3A_489, %parallel_loop3A_491 : vector<16xi32>
      %parallel_loop3A_493 = arith.constant 3 : i32
      %parallel_loop3A_494 = vector.broadcast %parallel_loop3A_493 : i32 to vector<16xi32>
      %parallel_loop3A_495 = arith.shrsi %parallel_loop3A_492, %parallel_loop3A_494 : vector<16xi32>
      %parallel_loop3A_496 = vector.broadcast %scan3A_207#2 : i32 to vector<16xi32>
      %parallel_loop3A_497 = arith.cmpi eq, %parallel_loop3A_495, %parallel_loop3A_496 : vector<16xi32>
      %parallel_loop3A_498 = arith.constant 16 : i32
      %parallel_loop3A_499 = vector.broadcast %parallel_loop3A_498 : i32 to vector<16xi32>
      %parallel_loop3A_500 = arith.shli %parallel_loop3A_492, %parallel_loop3A_499 : vector<16xi32>
      %parallel_loop3A_501 = vector.bitcast %parallel_loop3A_500 : vector<16xi32> to vector<16xf32>
      %parallel_loop3A_502 = arith.constant 7 : i32
      %parallel_loop3A_503 = vector.broadcast %parallel_loop3A_502 : i32 to vector<16xi32>
      %parallel_loop3A_504 = arith.andi %parallel_loop3A_492, %parallel_loop3A_503 : vector<16xi32>
      tpu.vector_store_idx %arg5[%parallel_loop3A_504], %broadcast_in_dim3A_41 masked %parallel_loop3A_497 {add = true} : memref<4096xi32, #tpu.memory_space<vmem>>[vector<16xi32>], vector<16xi32>, vector<16xi1>
      %parallel_loop3A_505 = arith.constant 7 : i32
      %parallel_loop3A_506 = vector.broadcast %parallel_loop3A_505 : i32 to vector<16xi32>
      %parallel_loop3A_507 = arith.andi %parallel_loop3A_492, %parallel_loop3A_506 : vector<16xi32>
      tpu.vector_store_idx %arg7[%parallel_loop3A_507], %parallel_loop3A_501 masked %parallel_loop3A_497 {add = true} : memref<16xf32, #tpu.memory_space<vmem>>[vector<16xi32>], vector<16xf32>, vector<16xi1>
      %parallel_loop3A_508 = vector.broadcast %scan3A_207#2 : i32 to vector<16xi32>
      %parallel_loop3A_509 = arith.cmpi sgt, %parallel_loop3A_495, %parallel_loop3A_508 : vector<16xi32>
      %parallel_loop3A_510 = arith.constant 0.000000e+00 : f32
      %parallel_loop3A_511 = vector.broadcast %parallel_loop3A_510 : f32 to vector<16xf32>
      %parallel_loop3A_512 = arith.select %parallel_loop3A_509, %parallel_loop3A_501, %parallel_loop3A_511 : vector<16xi1>, vector<16xf32>
      %parallel_loop3A_513 = arith.constant true
      %parallel_loop3A_514 = vector.broadcast %parallel_loop3A_513 : i1 to vector<16xi1>
      %parallel_loop3A_515 = tpu.scan <sum>, %parallel_loop3A_512 masked %parallel_loop3A_514 : vector<16xf32>, vector<16xi1> -> vector<16xf32>
      %parallel_loop3A_516 = vector.extract %parallel_loop3A_515[15] : f32 from vector<16xf32>
      %parallel_loop3A_517 = arith.addf %parallel_loop3A_485, %parallel_loop3A_516 : f32
      %parallel_loop3A_518 = arith.constant 16 : i32
      %parallel_loop3A_519 = vector.broadcast %parallel_loop3A_518 : i32 to vector<16xi32>
      %parallel_loop3A_520 = arith.shrsi %parallel_loop3A_489, %parallel_loop3A_519 : vector<16xi32>
      %parallel_loop3A_521 = arith.constant 65535 : i32
      %parallel_loop3A_522 = vector.broadcast %parallel_loop3A_521 : i32 to vector<16xi32>
      %parallel_loop3A_523 = arith.andi %parallel_loop3A_520, %parallel_loop3A_522 : vector<16xi32>
      %parallel_loop3A_524 = arith.constant 3 : i32
      %parallel_loop3A_525 = vector.broadcast %parallel_loop3A_524 : i32 to vector<16xi32>
      %parallel_loop3A_526 = arith.shrsi %parallel_loop3A_523, %parallel_loop3A_525 : vector<16xi32>
      %parallel_loop3A_527 = vector.broadcast %scan3A_207#2 : i32 to vector<16xi32>
      %parallel_loop3A_528 = arith.cmpi eq, %parallel_loop3A_526, %parallel_loop3A_527 : vector<16xi32>
      %parallel_loop3A_529 = arith.constant 16 : i32
      %parallel_loop3A_530 = vector.broadcast %parallel_loop3A_529 : i32 to vector<16xi32>
      %parallel_loop3A_531 = arith.shli %parallel_loop3A_523, %parallel_loop3A_530 : vector<16xi32>
      %parallel_loop3A_532 = vector.bitcast %parallel_loop3A_531 : vector<16xi32> to vector<16xf32>
      %parallel_loop3A_533 = arith.constant 7 : i32
      %parallel_loop3A_534 = vector.broadcast %parallel_loop3A_533 : i32 to vector<16xi32>
      %parallel_loop3A_535 = arith.andi %parallel_loop3A_523, %parallel_loop3A_534 : vector<16xi32>
      tpu.vector_store_idx %arg5[%parallel_loop3A_535], %broadcast_in_dim3A_41 masked %parallel_loop3A_528 {add = true} : memref<4096xi32, #tpu.memory_space<vmem>>[vector<16xi32>], vector<16xi32>, vector<16xi1>
      %parallel_loop3A_536 = arith.constant 7 : i32
      %parallel_loop3A_537 = vector.broadcast %parallel_loop3A_536 : i32 to vector<16xi32>
      %parallel_loop3A_538 = arith.andi %parallel_loop3A_523, %parallel_loop3A_537 : vector<16xi32>
      tpu.vector_store_idx %arg7[%parallel_loop3A_538], %parallel_loop3A_532 masked %parallel_loop3A_528 {add = true} : memref<16xf32, #tpu.memory_space<vmem>>[vector<16xi32>], vector<16xf32>, vector<16xi1>
      %parallel_loop3A_539 = vector.broadcast %scan3A_207#2 : i32 to vector<16xi32>
      %parallel_loop3A_540 = arith.cmpi sgt, %parallel_loop3A_526, %parallel_loop3A_539 : vector<16xi32>
      %parallel_loop3A_541 = arith.constant 0.000000e+00 : f32
      %parallel_loop3A_542 = vector.broadcast %parallel_loop3A_541 : f32 to vector<16xf32>
      %parallel_loop3A_543 = arith.select %parallel_loop3A_540, %parallel_loop3A_532, %parallel_loop3A_542 : vector<16xi1>, vector<16xf32>
      %parallel_loop3A_544 = arith.constant true
      %parallel_loop3A_545 = vector.broadcast %parallel_loop3A_544 : i1 to vector<16xi1>
      %parallel_loop3A_546 = tpu.scan <sum>, %parallel_loop3A_543 masked %parallel_loop3A_545 : vector<16xf32>, vector<16xi1> -> vector<16xf32>
      %parallel_loop3A_547 = vector.extract %parallel_loop3A_546[15] : f32 from vector<16xf32>
      %parallel_loop3A_548 = arith.addf %parallel_loop3A_517, %parallel_loop3A_547 : f32
      scf.yield %parallel_loop3A_548 : f32
    } {sc.loop_unroll_factor = 8 : i64, sc.parallel_access}
    %dma_wait3A_293 = arith.constant 8192 : i32
    %dma_wait3A_294 = tpu.memref_slice %arg4[%dma_wait3A_293] : memref<16384xi32, #tpu.memory_space<vmem>> -> memref<8192xi32, #tpu.memory_space<vmem>>
    %dma_wait3A_295 = tpu.memref_slice %arg2[%add3A_282] : memref<2097152xi32, #tpu.memory_space<hbm>> -> memref<8192xi32, #tpu.memory_space<hbm>>
    %dma_wait3A_296 = arith.constant 8192 : i32
    %dma_wait3A_297 = tpu.memref_slice %arg4[%dma_wait3A_296] : memref<16384xi32, #tpu.memory_space<vmem>> -> memref<8192xi32, #tpu.memory_space<vmem>>
    %dma_wait3A_298 = tpu.memref_slice %arg2[%add3A_282] : memref<2097152xi32, #tpu.memory_space<hbm>> -> memref<8192xi32, #tpu.memory_space<hbm>>
    tpu.wait_dma2 semaphore(%arg12 : memref<!tpu.dma_semaphore, #tpu.memory_space<semaphore_mem>>) src(%dma_wait3A_298 : memref<8192xi32, #tpu.memory_space<hbm>>) dst(%dma_wait3A_297 : memref<8192xi32, #tpu.memory_space<vmem>>)
    %add3A_299 = arith.constant 32768 : i32
    %add3A_300 = arith.addi %add3A_35, %add3A_299 : i32
    %dma_start3A_301 = arith.constant 0 : i32
    %dma_start3A_302 = tpu.memref_slice %arg4[%dma_start3A_301] : memref<16384xi32, #tpu.memory_space<vmem>> -> memref<8192xi32, #tpu.memory_space<vmem>>
    %dma_start3A_303 = tpu.memref_slice %arg2[%add3A_300] : memref<2097152xi32, #tpu.memory_space<hbm>> -> memref<8192xi32, #tpu.memory_space<hbm>>
    %dma_start3A_304 = arith.constant 0 : i32
    %dma_start3A_305 = tpu.memref_slice %arg4[%dma_start3A_304] : memref<16384xi32, #tpu.memory_space<vmem>> -> memref<8192xi32, #tpu.memory_space<vmem>>
    %dma_start3A_306 = tpu.memref_slice %arg2[%add3A_300] : memref<2097152xi32, #tpu.memory_space<hbm>> -> memref<8192xi32, #tpu.memory_space<hbm>>
    tpu.enqueue_dma source(%dma_start3A_306 : memref<8192xi32, #tpu.memory_space<hbm>>) target(%dma_start3A_305 : memref<8192xi32, #tpu.memory_space<vmem>>) target_semaphore(%arg12 : memref<!tpu.dma_semaphore, #tpu.memory_space<semaphore_mem>>)
    %parallel_loop3A_307 = arith.constant 0 : i32
    %parallel_loop3A_308 = arith.constant 8192 : i32
    %parallel_loop3A_309 = arith.constant 16 : i32
    %parallel_loop3A_310 = scf.for %parallel_loop3A_484 = %parallel_loop3A_307 to %parallel_loop3A_308 step %parallel_loop3A_309 iter_args(%parallel_loop3A_485 = %parallel_loop3A_292) -> (f32)  : i32 {
      %parallel_loop3A_486 = arith.constant 8192 : i32
      %parallel_loop3A_487 = arith.addi %parallel_loop3A_486, %parallel_loop3A_484 : i32
      %parallel_loop3A_488 = arith.index_cast %parallel_loop3A_487 : i32 to index
      %parallel_loop3A_489 = tpu.vector_load %arg4[%parallel_loop3A_488] {strides = array<i32>} : memref<16384xi32, #tpu.memory_space<vmem>>, vector<16xi32>,
      %parallel_loop3A_490 = arith.constant 65535 : i32
      %parallel_loop3A_491 = vector.broadcast %parallel_loop3A_490 : i32 to vector<16xi32>
      %parallel_loop3A_492 = arith.andi %parallel_loop3A_489, %parallel_loop3A_491 : vector<16xi32>
      %parallel_loop3A_493 = arith.constant 3 : i32
      %parallel_loop3A_494 = vector.broadcast %parallel_loop3A_493 : i32 to vector<16xi32>
      %parallel_loop3A_495 = arith.shrsi %parallel_loop3A_492, %parallel_loop3A_494 : vector<16xi32>
      %parallel_loop3A_496 = vector.broadcast %scan3A_207#2 : i32 to vector<16xi32>
      %parallel_loop3A_497 = arith.cmpi eq, %parallel_loop3A_495, %parallel_loop3A_496 : vector<16xi32>
      %parallel_loop3A_498 = arith.constant 16 : i32
      %parallel_loop3A_499 = vector.broadcast %parallel_loop3A_498 : i32 to vector<16xi32>
      %parallel_loop3A_500 = arith.shli %parallel_loop3A_492, %parallel_loop3A_499 : vector<16xi32>
      %parallel_loop3A_501 = vector.bitcast %parallel_loop3A_500 : vector<16xi32> to vector<16xf32>
      %parallel_loop3A_502 = arith.constant 7 : i32
      %parallel_loop3A_503 = vector.broadcast %parallel_loop3A_502 : i32 to vector<16xi32>
      %parallel_loop3A_504 = arith.andi %parallel_loop3A_492, %parallel_loop3A_503 : vector<16xi32>
      tpu.vector_store_idx %arg5[%parallel_loop3A_504], %broadcast_in_dim3A_41 masked %parallel_loop3A_497 {add = true} : memref<4096xi32, #tpu.memory_space<vmem>>[vector<16xi32>], vector<16xi32>, vector<16xi1>
      %parallel_loop3A_505 = arith.constant 7 : i32
      %parallel_loop3A_506 = vector.broadcast %parallel_loop3A_505 : i32 to vector<16xi32>
      %parallel_loop3A_507 = arith.andi %parallel_loop3A_492, %parallel_loop3A_506 : vector<16xi32>
      tpu.vector_store_idx %arg7[%parallel_loop3A_507], %parallel_loop3A_501 masked %parallel_loop3A_497 {add = true} : memref<16xf32, #tpu.memory_space<vmem>>[vector<16xi32>], vector<16xf32>, vector<16xi1>
      %parallel_loop3A_508 = vector.broadcast %scan3A_207#2 : i32 to vector<16xi32>
      %parallel_loop3A_509 = arith.cmpi sgt, %parallel_loop3A_495, %parallel_loop3A_508 : vector<16xi32>
      %parallel_loop3A_510 = arith.constant 0.000000e+00 : f32
      %parallel_loop3A_511 = vector.broadcast %parallel_loop3A_510 : f32 to vector<16xf32>
      %parallel_loop3A_512 = arith.select %parallel_loop3A_509, %parallel_loop3A_501, %parallel_loop3A_511 : vector<16xi1>, vector<16xf32>
      %parallel_loop3A_513 = arith.constant true
      %parallel_loop3A_514 = vector.broadcast %parallel_loop3A_513 : i1 to vector<16xi1>
      %parallel_loop3A_515 = tpu.scan <sum>, %parallel_loop3A_512 masked %parallel_loop3A_514 : vector<16xf32>, vector<16xi1> -> vector<16xf32>
      %parallel_loop3A_516 = vector.extract %parallel_loop3A_515[15] : f32 from vector<16xf32>
      %parallel_loop3A_517 = arith.addf %parallel_loop3A_485, %parallel_loop3A_516 : f32
      %parallel_loop3A_518 = arith.constant 16 : i32
      %parallel_loop3A_519 = vector.broadcast %parallel_loop3A_518 : i32 to vector<16xi32>
      %parallel_loop3A_520 = arith.shrsi %parallel_loop3A_489, %parallel_loop3A_519 : vector<16xi32>
      %parallel_loop3A_521 = arith.constant 65535 : i32
      %parallel_loop3A_522 = vector.broadcast %parallel_loop3A_521 : i32 to vector<16xi32>
      %parallel_loop3A_523 = arith.andi %parallel_loop3A_520, %parallel_loop3A_522 : vector<16xi32>
      %parallel_loop3A_524 = arith.constant 3 : i32
      %parallel_loop3A_525 = vector.broadcast %parallel_loop3A_524 : i32 to vector<16xi32>
      %parallel_loop3A_526 = arith.shrsi %parallel_loop3A_523, %parallel_loop3A_525 : vector<16xi32>
      %parallel_loop3A_527 = vector.broadcast %scan3A_207#2 : i32 to vector<16xi32>
      %parallel_loop3A_528 = arith.cmpi eq, %parallel_loop3A_526, %parallel_loop3A_527 : vector<16xi32>
      %parallel_loop3A_529 = arith.constant 16 : i32
      %parallel_loop3A_530 = vector.broadcast %parallel_loop3A_529 : i32 to vector<16xi32>
      %parallel_loop3A_531 = arith.shli %parallel_loop3A_523, %parallel_loop3A_530 : vector<16xi32>
      %parallel_loop3A_532 = vector.bitcast %parallel_loop3A_531 : vector<16xi32> to vector<16xf32>
      %parallel_loop3A_533 = arith.constant 7 : i32
      %parallel_loop3A_534 = vector.broadcast %parallel_loop3A_533 : i32 to vector<16xi32>
      %parallel_loop3A_535 = arith.andi %parallel_loop3A_523, %parallel_loop3A_534 : vector<16xi32>
      tpu.vector_store_idx %arg5[%parallel_loop3A_535], %broadcast_in_dim3A_41 masked %parallel_loop3A_528 {add = true} : memref<4096xi32, #tpu.memory_space<vmem>>[vector<16xi32>], vector<16xi32>, vector<16xi1>
      %parallel_loop3A_536 = arith.constant 7 : i32
      %parallel_loop3A_537 = vector.broadcast %parallel_loop3A_536 : i32 to vector<16xi32>
      %parallel_loop3A_538 = arith.andi %parallel_loop3A_523, %parallel_loop3A_537 : vector<16xi32>
      tpu.vector_store_idx %arg7[%parallel_loop3A_538], %parallel_loop3A_532 masked %parallel_loop3A_528 {add = true} : memref<16xf32, #tpu.memory_space<vmem>>[vector<16xi32>], vector<16xf32>, vector<16xi1>
      %parallel_loop3A_539 = vector.broadcast %scan3A_207#2 : i32 to vector<16xi32>
      %parallel_loop3A_540 = arith.cmpi sgt, %parallel_loop3A_526, %parallel_loop3A_539 : vector<16xi32>
      %parallel_loop3A_541 = arith.constant 0.000000e+00 : f32
      %parallel_loop3A_542 = vector.broadcast %parallel_loop3A_541 : f32 to vector<16xf32>
      %parallel_loop3A_543 = arith.select %parallel_loop3A_540, %parallel_loop3A_532, %parallel_loop3A_542 : vector<16xi1>, vector<16xf32>
      %parallel_loop3A_544 = arith.constant true
      %parallel_loop3A_545 = vector.broadcast %parallel_loop3A_544 : i1 to vector<16xi1>
      %parallel_loop3A_546 = tpu.scan <sum>, %parallel_loop3A_543 masked %parallel_loop3A_545 : vector<16xf32>, vector<16xi1> -> vector<16xf32>
      %parallel_loop3A_547 = vector.extract %parallel_loop3A_546[15] : f32 from vector<16xf32>
      %parallel_loop3A_548 = arith.addf %parallel_loop3A_517, %parallel_loop3A_547 : f32
      scf.yield %parallel_loop3A_548 : f32
    } {sc.loop_unroll_factor = 8 : i64, sc.parallel_access}
    %dma_wait3A_311 = arith.constant 0 : i32
    %dma_wait3A_312 = tpu.memref_slice %arg4[%dma_wait3A_311] : memref<16384xi32, #tpu.memory_space<vmem>> -> memref<8192xi32, #tpu.memory_space<vmem>>
    %dma_wait3A_313 = tpu.memref_slice %arg2[%add3A_300] : memref<2097152xi32, #tpu.memory_space<hbm>> -> memref<8192xi32, #tpu.memory_space<hbm>>
    %dma_wait3A_314 = arith.constant 0 : i32
    %dma_wait3A_315 = tpu.memref_slice %arg4[%dma_wait3A_314] : memref<16384xi32, #tpu.memory_space<vmem>> -> memref<8192xi32, #tpu.memory_space<vmem>>
    %dma_wait3A_316 = tpu.memref_slice %arg2[%add3A_300] : memref<2097152xi32, #tpu.memory_space<hbm>> -> memref<8192xi32, #tpu.memory_space<hbm>>
    tpu.wait_dma2 semaphore(%arg12 : memref<!tpu.dma_semaphore, #tpu.memory_space<semaphore_mem>>) src(%dma_wait3A_316 : memref<8192xi32, #tpu.memory_space<hbm>>) dst(%dma_wait3A_315 : memref<8192xi32, #tpu.memory_space<vmem>>)
    %add3A_317 = arith.constant 40960 : i32
    %add3A_318 = arith.addi %add3A_35, %add3A_317 : i32
    %dma_start3A_319 = arith.constant 8192 : i32
    %dma_start3A_320 = tpu.memref_slice %arg4[%dma_start3A_319] : memref<16384xi32, #tpu.memory_space<vmem>> -> memref<8192xi32, #tpu.memory_space<vmem>>
    %dma_start3A_321 = tpu.memref_slice %arg2[%add3A_318] : memref<2097152xi32, #tpu.memory_space<hbm>> -> memref<8192xi32, #tpu.memory_space<hbm>>
    %dma_start3A_322 = arith.constant 8192 : i32
    %dma_start3A_323 = tpu.memref_slice %arg4[%dma_start3A_322] : memref<16384xi32, #tpu.memory_space<vmem>> -> memref<8192xi32, #tpu.memory_space<vmem>>
    %dma_start3A_324 = tpu.memref_slice %arg2[%add3A_318] : memref<2097152xi32, #tpu.memory_space<hbm>> -> memref<8192xi32, #tpu.memory_space<hbm>>
    tpu.enqueue_dma source(%dma_start3A_324 : memref<8192xi32, #tpu.memory_space<hbm>>) target(%dma_start3A_323 : memref<8192xi32, #tpu.memory_space<vmem>>) target_semaphore(%arg12 : memref<!tpu.dma_semaphore, #tpu.memory_space<semaphore_mem>>)
    %parallel_loop3A_325 = arith.constant 0 : i32
    %parallel_loop3A_326 = arith.constant 8192 : i32
    %parallel_loop3A_327 = arith.constant 16 : i32
    %parallel_loop3A_328 = scf.for %parallel_loop3A_484 = %parallel_loop3A_325 to %parallel_loop3A_326 step %parallel_loop3A_327 iter_args(%parallel_loop3A_485 = %parallel_loop3A_310) -> (f32)  : i32 {
      %parallel_loop3A_486 = arith.constant 0 : i32
      %parallel_loop3A_487 = arith.addi %parallel_loop3A_486, %parallel_loop3A_484 : i32
      %parallel_loop3A_488 = arith.index_cast %parallel_loop3A_487 : i32 to index
      %parallel_loop3A_489 = tpu.vector_load %arg4[%parallel_loop3A_488] {strides = array<i32>} : memref<16384xi32, #tpu.memory_space<vmem>>, vector<16xi32>,
      %parallel_loop3A_490 = arith.constant 65535 : i32
      %parallel_loop3A_491 = vector.broadcast %parallel_loop3A_490 : i32 to vector<16xi32>
      %parallel_loop3A_492 = arith.andi %parallel_loop3A_489, %parallel_loop3A_491 : vector<16xi32>
      %parallel_loop3A_493 = arith.constant 3 : i32
      %parallel_loop3A_494 = vector.broadcast %parallel_loop3A_493 : i32 to vector<16xi32>
      %parallel_loop3A_495 = arith.shrsi %parallel_loop3A_492, %parallel_loop3A_494 : vector<16xi32>
      %parallel_loop3A_496 = vector.broadcast %scan3A_207#2 : i32 to vector<16xi32>
      %parallel_loop3A_497 = arith.cmpi eq, %parallel_loop3A_495, %parallel_loop3A_496 : vector<16xi32>
      %parallel_loop3A_498 = arith.constant 16 : i32
      %parallel_loop3A_499 = vector.broadcast %parallel_loop3A_498 : i32 to vector<16xi32>
      %parallel_loop3A_500 = arith.shli %parallel_loop3A_492, %parallel_loop3A_499 : vector<16xi32>
      %parallel_loop3A_501 = vector.bitcast %parallel_loop3A_500 : vector<16xi32> to vector<16xf32>
      %parallel_loop3A_502 = arith.constant 7 : i32
      %parallel_loop3A_503 = vector.broadcast %parallel_loop3A_502 : i32 to vector<16xi32>
      %parallel_loop3A_504 = arith.andi %parallel_loop3A_492, %parallel_loop3A_503 : vector<16xi32>
      tpu.vector_store_idx %arg5[%parallel_loop3A_504], %broadcast_in_dim3A_41 masked %parallel_loop3A_497 {add = true} : memref<4096xi32, #tpu.memory_space<vmem>>[vector<16xi32>], vector<16xi32>, vector<16xi1>
      %parallel_loop3A_505 = arith.constant 7 : i32
      %parallel_loop3A_506 = vector.broadcast %parallel_loop3A_505 : i32 to vector<16xi32>
      %parallel_loop3A_507 = arith.andi %parallel_loop3A_492, %parallel_loop3A_506 : vector<16xi32>
      tpu.vector_store_idx %arg7[%parallel_loop3A_507], %parallel_loop3A_501 masked %parallel_loop3A_497 {add = true} : memref<16xf32, #tpu.memory_space<vmem>>[vector<16xi32>], vector<16xf32>, vector<16xi1>
      %parallel_loop3A_508 = vector.broadcast %scan3A_207#2 : i32 to vector<16xi32>
      %parallel_loop3A_509 = arith.cmpi sgt, %parallel_loop3A_495, %parallel_loop3A_508 : vector<16xi32>
      %parallel_loop3A_510 = arith.constant 0.000000e+00 : f32
      %parallel_loop3A_511 = vector.broadcast %parallel_loop3A_510 : f32 to vector<16xf32>
      %parallel_loop3A_512 = arith.select %parallel_loop3A_509, %parallel_loop3A_501, %parallel_loop3A_511 : vector<16xi1>, vector<16xf32>
      %parallel_loop3A_513 = arith.constant true
      %parallel_loop3A_514 = vector.broadcast %parallel_loop3A_513 : i1 to vector<16xi1>
      %parallel_loop3A_515 = tpu.scan <sum>, %parallel_loop3A_512 masked %parallel_loop3A_514 : vector<16xf32>, vector<16xi1> -> vector<16xf32>
      %parallel_loop3A_516 = vector.extract %parallel_loop3A_515[15] : f32 from vector<16xf32>
      %parallel_loop3A_517 = arith.addf %parallel_loop3A_485, %parallel_loop3A_516 : f32
      %parallel_loop3A_518 = arith.constant 16 : i32
      %parallel_loop3A_519 = vector.broadcast %parallel_loop3A_518 : i32 to vector<16xi32>
      %parallel_loop3A_520 = arith.shrsi %parallel_loop3A_489, %parallel_loop3A_519 : vector<16xi32>
      %parallel_loop3A_521 = arith.constant 65535 : i32
      %parallel_loop3A_522 = vector.broadcast %parallel_loop3A_521 : i32 to vector<16xi32>
      %parallel_loop3A_523 = arith.andi %parallel_loop3A_520, %parallel_loop3A_522 : vector<16xi32>
      %parallel_loop3A_524 = arith.constant 3 : i32
      %parallel_loop3A_525 = vector.broadcast %parallel_loop3A_524 : i32 to vector<16xi32>
      %parallel_loop3A_526 = arith.shrsi %parallel_loop3A_523, %parallel_loop3A_525 : vector<16xi32>
      %parallel_loop3A_527 = vector.broadcast %scan3A_207#2 : i32 to vector<16xi32>
      %parallel_loop3A_528 = arith.cmpi eq, %parallel_loop3A_526, %parallel_loop3A_527 : vector<16xi32>
      %parallel_loop3A_529 = arith.constant 16 : i32
      %parallel_loop3A_530 = vector.broadcast %parallel_loop3A_529 : i32 to vector<16xi32>
      %parallel_loop3A_531 = arith.shli %parallel_loop3A_523, %parallel_loop3A_530 : vector<16xi32>
      %parallel_loop3A_532 = vector.bitcast %parallel_loop3A_531 : vector<16xi32> to vector<16xf32>
      %parallel_loop3A_533 = arith.constant 7 : i32
      %parallel_loop3A_534 = vector.broadcast %parallel_loop3A_533 : i32 to vector<16xi32>
      %parallel_loop3A_535 = arith.andi %parallel_loop3A_523, %parallel_loop3A_534 : vector<16xi32>
      tpu.vector_store_idx %arg5[%parallel_loop3A_535], %broadcast_in_dim3A_41 masked %parallel_loop3A_528 {add = true} : memref<4096xi32, #tpu.memory_space<vmem>>[vector<16xi32>], vector<16xi32>, vector<16xi1>
      %parallel_loop3A_536 = arith.constant 7 : i32
      %parallel_loop3A_537 = vector.broadcast %parallel_loop3A_536 : i32 to vector<16xi32>
      %parallel_loop3A_538 = arith.andi %parallel_loop3A_523, %parallel_loop3A_537 : vector<16xi32>
      tpu.vector_store_idx %arg7[%parallel_loop3A_538], %parallel_loop3A_532 masked %parallel_loop3A_528 {add = true} : memref<16xf32, #tpu.memory_space<vmem>>[vector<16xi32>], vector<16xf32>, vector<16xi1>
      %parallel_loop3A_539 = vector.broadcast %scan3A_207#2 : i32 to vector<16xi32>
      %parallel_loop3A_540 = arith.cmpi sgt, %parallel_loop3A_526, %parallel_loop3A_539 : vector<16xi32>
      %parallel_loop3A_541 = arith.constant 0.000000e+00 : f32
      %parallel_loop3A_542 = vector.broadcast %parallel_loop3A_541 : f32 to vector<16xf32>
      %parallel_loop3A_543 = arith.select %parallel_loop3A_540, %parallel_loop3A_532, %parallel_loop3A_542 : vector<16xi1>, vector<16xf32>
      %parallel_loop3A_544 = arith.constant true
      %parallel_loop3A_545 = vector.broadcast %parallel_loop3A_544 : i1 to vector<16xi1>
      %parallel_loop3A_546 = tpu.scan <sum>, %parallel_loop3A_543 masked %parallel_loop3A_545 : vector<16xf32>, vector<16xi1> -> vector<16xf32>
      %parallel_loop3A_547 = vector.extract %parallel_loop3A_546[15] : f32 from vector<16xf32>
      %parallel_loop3A_548 = arith.addf %parallel_loop3A_517, %parallel_loop3A_547 : f32
      scf.yield %parallel_loop3A_548 : f32
    } {sc.loop_unroll_factor = 8 : i64, sc.parallel_access}
    %dma_wait3A_329 = arith.constant 8192 : i32
    %dma_wait3A_330 = tpu.memref_slice %arg4[%dma_wait3A_329] : memref<16384xi32, #tpu.memory_space<vmem>> -> memref<8192xi32, #tpu.memory_space<vmem>>
    %dma_wait3A_331 = tpu.memref_slice %arg2[%add3A_318] : memref<2097152xi32, #tpu.memory_space<hbm>> -> memref<8192xi32, #tpu.memory_space<hbm>>
    %dma_wait3A_332 = arith.constant 8192 : i32
    %dma_wait3A_333 = tpu.memref_slice %arg4[%dma_wait3A_332] : memref<16384xi32, #tpu.memory_space<vmem>> -> memref<8192xi32, #tpu.memory_space<vmem>>
    %dma_wait3A_334 = tpu.memref_slice %arg2[%add3A_318] : memref<2097152xi32, #tpu.memory_space<hbm>> -> memref<8192xi32, #tpu.memory_space<hbm>>
    tpu.wait_dma2 semaphore(%arg12 : memref<!tpu.dma_semaphore, #tpu.memory_space<semaphore_mem>>) src(%dma_wait3A_334 : memref<8192xi32, #tpu.memory_space<hbm>>) dst(%dma_wait3A_333 : memref<8192xi32, #tpu.memory_space<vmem>>)
    %add3A_335 = arith.constant 49152 : i32
    %add3A_336 = arith.addi %add3A_35, %add3A_335 : i32
    %dma_start3A_337 = arith.constant 0 : i32
    %dma_start3A_338 = tpu.memref_slice %arg4[%dma_start3A_337] : memref<16384xi32, #tpu.memory_space<vmem>> -> memref<8192xi32, #tpu.memory_space<vmem>>
    %dma_start3A_339 = tpu.memref_slice %arg2[%add3A_336] : memref<2097152xi32, #tpu.memory_space<hbm>> -> memref<8192xi32, #tpu.memory_space<hbm>>
    %dma_start3A_340 = arith.constant 0 : i32
    %dma_start3A_341 = tpu.memref_slice %arg4[%dma_start3A_340] : memref<16384xi32, #tpu.memory_space<vmem>> -> memref<8192xi32, #tpu.memory_space<vmem>>
    %dma_start3A_342 = tpu.memref_slice %arg2[%add3A_336] : memref<2097152xi32, #tpu.memory_space<hbm>> -> memref<8192xi32, #tpu.memory_space<hbm>>
    tpu.enqueue_dma source(%dma_start3A_342 : memref<8192xi32, #tpu.memory_space<hbm>>) target(%dma_start3A_341 : memref<8192xi32, #tpu.memory_space<vmem>>) target_semaphore(%arg12 : memref<!tpu.dma_semaphore, #tpu.memory_space<semaphore_mem>>)
    %parallel_loop3A_343 = arith.constant 0 : i32
    %parallel_loop3A_344 = arith.constant 8192 : i32
    %parallel_loop3A_345 = arith.constant 16 : i32
    %parallel_loop3A_346 = scf.for %parallel_loop3A_484 = %parallel_loop3A_343 to %parallel_loop3A_344 step %parallel_loop3A_345 iter_args(%parallel_loop3A_485 = %parallel_loop3A_328) -> (f32)  : i32 {
      %parallel_loop3A_486 = arith.constant 8192 : i32
      %parallel_loop3A_487 = arith.addi %parallel_loop3A_486, %parallel_loop3A_484 : i32
      %parallel_loop3A_488 = arith.index_cast %parallel_loop3A_487 : i32 to index
      %parallel_loop3A_489 = tpu.vector_load %arg4[%parallel_loop3A_488] {strides = array<i32>} : memref<16384xi32, #tpu.memory_space<vmem>>, vector<16xi32>,
      %parallel_loop3A_490 = arith.constant 65535 : i32
      %parallel_loop3A_491 = vector.broadcast %parallel_loop3A_490 : i32 to vector<16xi32>
      %parallel_loop3A_492 = arith.andi %parallel_loop3A_489, %parallel_loop3A_491 : vector<16xi32>
      %parallel_loop3A_493 = arith.constant 3 : i32
      %parallel_loop3A_494 = vector.broadcast %parallel_loop3A_493 : i32 to vector<16xi32>
      %parallel_loop3A_495 = arith.shrsi %parallel_loop3A_492, %parallel_loop3A_494 : vector<16xi32>
      %parallel_loop3A_496 = vector.broadcast %scan3A_207#2 : i32 to vector<16xi32>
      %parallel_loop3A_497 = arith.cmpi eq, %parallel_loop3A_495, %parallel_loop3A_496 : vector<16xi32>
      %parallel_loop3A_498 = arith.constant 16 : i32
      %parallel_loop3A_499 = vector.broadcast %parallel_loop3A_498 : i32 to vector<16xi32>
      %parallel_loop3A_500 = arith.shli %parallel_loop3A_492, %parallel_loop3A_499 : vector<16xi32>
      %parallel_loop3A_501 = vector.bitcast %parallel_loop3A_500 : vector<16xi32> to vector<16xf32>
      %parallel_loop3A_502 = arith.constant 7 : i32
      %parallel_loop3A_503 = vector.broadcast %parallel_loop3A_502 : i32 to vector<16xi32>
      %parallel_loop3A_504 = arith.andi %parallel_loop3A_492, %parallel_loop3A_503 : vector<16xi32>
      tpu.vector_store_idx %arg5[%parallel_loop3A_504], %broadcast_in_dim3A_41 masked %parallel_loop3A_497 {add = true} : memref<4096xi32, #tpu.memory_space<vmem>>[vector<16xi32>], vector<16xi32>, vector<16xi1>
      %parallel_loop3A_505 = arith.constant 7 : i32
      %parallel_loop3A_506 = vector.broadcast %parallel_loop3A_505 : i32 to vector<16xi32>
      %parallel_loop3A_507 = arith.andi %parallel_loop3A_492, %parallel_loop3A_506 : vector<16xi32>
      tpu.vector_store_idx %arg7[%parallel_loop3A_507], %parallel_loop3A_501 masked %parallel_loop3A_497 {add = true} : memref<16xf32, #tpu.memory_space<vmem>>[vector<16xi32>], vector<16xf32>, vector<16xi1>
      %parallel_loop3A_508 = vector.broadcast %scan3A_207#2 : i32 to vector<16xi32>
      %parallel_loop3A_509 = arith.cmpi sgt, %parallel_loop3A_495, %parallel_loop3A_508 : vector<16xi32>
      %parallel_loop3A_510 = arith.constant 0.000000e+00 : f32
      %parallel_loop3A_511 = vector.broadcast %parallel_loop3A_510 : f32 to vector<16xf32>
      %parallel_loop3A_512 = arith.select %parallel_loop3A_509, %parallel_loop3A_501, %parallel_loop3A_511 : vector<16xi1>, vector<16xf32>
      %parallel_loop3A_513 = arith.constant true
      %parallel_loop3A_514 = vector.broadcast %parallel_loop3A_513 : i1 to vector<16xi1>
      %parallel_loop3A_515 = tpu.scan <sum>, %parallel_loop3A_512 masked %parallel_loop3A_514 : vector<16xf32>, vector<16xi1> -> vector<16xf32>
      %parallel_loop3A_516 = vector.extract %parallel_loop3A_515[15] : f32 from vector<16xf32>
      %parallel_loop3A_517 = arith.addf %parallel_loop3A_485, %parallel_loop3A_516 : f32
      %parallel_loop3A_518 = arith.constant 16 : i32
      %parallel_loop3A_519 = vector.broadcast %parallel_loop3A_518 : i32 to vector<16xi32>
      %parallel_loop3A_520 = arith.shrsi %parallel_loop3A_489, %parallel_loop3A_519 : vector<16xi32>
      %parallel_loop3A_521 = arith.constant 65535 : i32
      %parallel_loop3A_522 = vector.broadcast %parallel_loop3A_521 : i32 to vector<16xi32>
      %parallel_loop3A_523 = arith.andi %parallel_loop3A_520, %parallel_loop3A_522 : vector<16xi32>
      %parallel_loop3A_524 = arith.constant 3 : i32
      %parallel_loop3A_525 = vector.broadcast %parallel_loop3A_524 : i32 to vector<16xi32>
      %parallel_loop3A_526 = arith.shrsi %parallel_loop3A_523, %parallel_loop3A_525 : vector<16xi32>
      %parallel_loop3A_527 = vector.broadcast %scan3A_207#2 : i32 to vector<16xi32>
      %parallel_loop3A_528 = arith.cmpi eq, %parallel_loop3A_526, %parallel_loop3A_527 : vector<16xi32>
      %parallel_loop3A_529 = arith.constant 16 : i32
      %parallel_loop3A_530 = vector.broadcast %parallel_loop3A_529 : i32 to vector<16xi32>
      %parallel_loop3A_531 = arith.shli %parallel_loop3A_523, %parallel_loop3A_530 : vector<16xi32>
      %parallel_loop3A_532 = vector.bitcast %parallel_loop3A_531 : vector<16xi32> to vector<16xf32>
      %parallel_loop3A_533 = arith.constant 7 : i32
      %parallel_loop3A_534 = vector.broadcast %parallel_loop3A_533 : i32 to vector<16xi32>
      %parallel_loop3A_535 = arith.andi %parallel_loop3A_523, %parallel_loop3A_534 : vector<16xi32>
      tpu.vector_store_idx %arg5[%parallel_loop3A_535], %broadcast_in_dim3A_41 masked %parallel_loop3A_528 {add = true} : memref<4096xi32, #tpu.memory_space<vmem>>[vector<16xi32>], vector<16xi32>, vector<16xi1>
      %parallel_loop3A_536 = arith.constant 7 : i32
      %parallel_loop3A_537 = vector.broadcast %parallel_loop3A_536 : i32 to vector<16xi32>
      %parallel_loop3A_538 = arith.andi %parallel_loop3A_523, %parallel_loop3A_537 : vector<16xi32>
      tpu.vector_store_idx %arg7[%parallel_loop3A_538], %parallel_loop3A_532 masked %parallel_loop3A_528 {add = true} : memref<16xf32, #tpu.memory_space<vmem>>[vector<16xi32>], vector<16xf32>, vector<16xi1>
      %parallel_loop3A_539 = vector.broadcast %scan3A_207#2 : i32 to vector<16xi32>
      %parallel_loop3A_540 = arith.cmpi sgt, %parallel_loop3A_526, %parallel_loop3A_539 : vector<16xi32>
      %parallel_loop3A_541 = arith.constant 0.000000e+00 : f32
      %parallel_loop3A_542 = vector.broadcast %parallel_loop3A_541 : f32 to vector<16xf32>
      %parallel_loop3A_543 = arith.select %parallel_loop3A_540, %parallel_loop3A_532, %parallel_loop3A_542 : vector<16xi1>, vector<16xf32>
      %parallel_loop3A_544 = arith.constant true
      %parallel_loop3A_545 = vector.broadcast %parallel_loop3A_544 : i1 to vector<16xi1>
      %parallel_loop3A_546 = tpu.scan <sum>, %parallel_loop3A_543 masked %parallel_loop3A_545 : vector<16xf32>, vector<16xi1> -> vector<16xf32>
      %parallel_loop3A_547 = vector.extract %parallel_loop3A_546[15] : f32 from vector<16xf32>
      %parallel_loop3A_548 = arith.addf %parallel_loop3A_517, %parallel_loop3A_547 : f32
      scf.yield %parallel_loop3A_548 : f32
    } {sc.loop_unroll_factor = 8 : i64, sc.parallel_access}
    %dma_wait3A_347 = arith.constant 0 : i32
    %dma_wait3A_348 = tpu.memref_slice %arg4[%dma_wait3A_347] : memref<16384xi32, #tpu.memory_space<vmem>> -> memref<8192xi32, #tpu.memory_space<vmem>>
    %dma_wait3A_349 = tpu.memref_slice %arg2[%add3A_336] : memref<2097152xi32, #tpu.memory_space<hbm>> -> memref<8192xi32, #tpu.memory_space<hbm>>
    %dma_wait3A_350 = arith.constant 0 : i32
    %dma_wait3A_351 = tpu.memref_slice %arg4[%dma_wait3A_350] : memref<16384xi32, #tpu.memory_space<vmem>> -> memref<8192xi32, #tpu.memory_space<vmem>>
    %dma_wait3A_352 = tpu.memref_slice %arg2[%add3A_336] : memref<2097152xi32, #tpu.memory_space<hbm>> -> memref<8192xi32, #tpu.memory_space<hbm>>
    tpu.wait_dma2 semaphore(%arg12 : memref<!tpu.dma_semaphore, #tpu.memory_space<semaphore_mem>>) src(%dma_wait3A_352 : memref<8192xi32, #tpu.memory_space<hbm>>) dst(%dma_wait3A_351 : memref<8192xi32, #tpu.memory_space<vmem>>)
    %add3A_353 = arith.constant 57344 : i32
    %add3A_354 = arith.addi %add3A_35, %add3A_353 : i32
    %dma_start3A_355 = arith.constant 8192 : i32
    %dma_start3A_356 = tpu.memref_slice %arg4[%dma_start3A_355] : memref<16384xi32, #tpu.memory_space<vmem>> -> memref<8192xi32, #tpu.memory_space<vmem>>
    %dma_start3A_357 = tpu.memref_slice %arg2[%add3A_354] : memref<2097152xi32, #tpu.memory_space<hbm>> -> memref<8192xi32, #tpu.memory_space<hbm>>
    %dma_start3A_358 = arith.constant 8192 : i32
    %dma_start3A_359 = tpu.memref_slice %arg4[%dma_start3A_358] : memref<16384xi32, #tpu.memory_space<vmem>> -> memref<8192xi32, #tpu.memory_space<vmem>>
    %dma_start3A_360 = tpu.memref_slice %arg2[%add3A_354] : memref<2097152xi32, #tpu.memory_space<hbm>> -> memref<8192xi32, #tpu.memory_space<hbm>>
    tpu.enqueue_dma source(%dma_start3A_360 : memref<8192xi32, #tpu.memory_space<hbm>>) target(%dma_start3A_359 : memref<8192xi32, #tpu.memory_space<vmem>>) target_semaphore(%arg12 : memref<!tpu.dma_semaphore, #tpu.memory_space<semaphore_mem>>)
    %parallel_loop3A_361 = arith.constant 0 : i32
    %parallel_loop3A_362 = arith.constant 8192 : i32
    %parallel_loop3A_363 = arith.constant 16 : i32
    %parallel_loop3A_364 = scf.for %parallel_loop3A_484 = %parallel_loop3A_361 to %parallel_loop3A_362 step %parallel_loop3A_363 iter_args(%parallel_loop3A_485 = %parallel_loop3A_346) -> (f32)  : i32 {
      %parallel_loop3A_486 = arith.constant 0 : i32
      %parallel_loop3A_487 = arith.addi %parallel_loop3A_486, %parallel_loop3A_484 : i32
      %parallel_loop3A_488 = arith.index_cast %parallel_loop3A_487 : i32 to index
      %parallel_loop3A_489 = tpu.vector_load %arg4[%parallel_loop3A_488] {strides = array<i32>} : memref<16384xi32, #tpu.memory_space<vmem>>, vector<16xi32>,
      %parallel_loop3A_490 = arith.constant 65535 : i32
      %parallel_loop3A_491 = vector.broadcast %parallel_loop3A_490 : i32 to vector<16xi32>
      %parallel_loop3A_492 = arith.andi %parallel_loop3A_489, %parallel_loop3A_491 : vector<16xi32>
      %parallel_loop3A_493 = arith.constant 3 : i32
      %parallel_loop3A_494 = vector.broadcast %parallel_loop3A_493 : i32 to vector<16xi32>
      %parallel_loop3A_495 = arith.shrsi %parallel_loop3A_492, %parallel_loop3A_494 : vector<16xi32>
      %parallel_loop3A_496 = vector.broadcast %scan3A_207#2 : i32 to vector<16xi32>
      %parallel_loop3A_497 = arith.cmpi eq, %parallel_loop3A_495, %parallel_loop3A_496 : vector<16xi32>
      %parallel_loop3A_498 = arith.constant 16 : i32
      %parallel_loop3A_499 = vector.broadcast %parallel_loop3A_498 : i32 to vector<16xi32>
      %parallel_loop3A_500 = arith.shli %parallel_loop3A_492, %parallel_loop3A_499 : vector<16xi32>
      %parallel_loop3A_501 = vector.bitcast %parallel_loop3A_500 : vector<16xi32> to vector<16xf32>
      %parallel_loop3A_502 = arith.constant 7 : i32
      %parallel_loop3A_503 = vector.broadcast %parallel_loop3A_502 : i32 to vector<16xi32>
      %parallel_loop3A_504 = arith.andi %parallel_loop3A_492, %parallel_loop3A_503 : vector<16xi32>
      tpu.vector_store_idx %arg5[%parallel_loop3A_504], %broadcast_in_dim3A_41 masked %parallel_loop3A_497 {add = true} : memref<4096xi32, #tpu.memory_space<vmem>>[vector<16xi32>], vector<16xi32>, vector<16xi1>
      %parallel_loop3A_505 = arith.constant 7 : i32
      %parallel_loop3A_506 = vector.broadcast %parallel_loop3A_505 : i32 to vector<16xi32>
      %parallel_loop3A_507 = arith.andi %parallel_loop3A_492, %parallel_loop3A_506 : vector<16xi32>
      tpu.vector_store_idx %arg7[%parallel_loop3A_507], %parallel_loop3A_501 masked %parallel_loop3A_497 {add = true} : memref<16xf32, #tpu.memory_space<vmem>>[vector<16xi32>], vector<16xf32>, vector<16xi1>
      %parallel_loop3A_508 = vector.broadcast %scan3A_207#2 : i32 to vector<16xi32>
      %parallel_loop3A_509 = arith.cmpi sgt, %parallel_loop3A_495, %parallel_loop3A_508 : vector<16xi32>
      %parallel_loop3A_510 = arith.constant 0.000000e+00 : f32
      %parallel_loop3A_511 = vector.broadcast %parallel_loop3A_510 : f32 to vector<16xf32>
      %parallel_loop3A_512 = arith.select %parallel_loop3A_509, %parallel_loop3A_501, %parallel_loop3A_511 : vector<16xi1>, vector<16xf32>
      %parallel_loop3A_513 = arith.constant true
      %parallel_loop3A_514 = vector.broadcast %parallel_loop3A_513 : i1 to vector<16xi1>
      %parallel_loop3A_515 = tpu.scan <sum>, %parallel_loop3A_512 masked %parallel_loop3A_514 : vector<16xf32>, vector<16xi1> -> vector<16xf32>
      %parallel_loop3A_516 = vector.extract %parallel_loop3A_515[15] : f32 from vector<16xf32>
      %parallel_loop3A_517 = arith.addf %parallel_loop3A_485, %parallel_loop3A_516 : f32
      %parallel_loop3A_518 = arith.constant 16 : i32
      %parallel_loop3A_519 = vector.broadcast %parallel_loop3A_518 : i32 to vector<16xi32>
      %parallel_loop3A_520 = arith.shrsi %parallel_loop3A_489, %parallel_loop3A_519 : vector<16xi32>
      %parallel_loop3A_521 = arith.constant 65535 : i32
      %parallel_loop3A_522 = vector.broadcast %parallel_loop3A_521 : i32 to vector<16xi32>
      %parallel_loop3A_523 = arith.andi %parallel_loop3A_520, %parallel_loop3A_522 : vector<16xi32>
      %parallel_loop3A_524 = arith.constant 3 : i32
      %parallel_loop3A_525 = vector.broadcast %parallel_loop3A_524 : i32 to vector<16xi32>
      %parallel_loop3A_526 = arith.shrsi %parallel_loop3A_523, %parallel_loop3A_525 : vector<16xi32>
      %parallel_loop3A_527 = vector.broadcast %scan3A_207#2 : i32 to vector<16xi32>
      %parallel_loop3A_528 = arith.cmpi eq, %parallel_loop3A_526, %parallel_loop3A_527 : vector<16xi32>
      %parallel_loop3A_529 = arith.constant 16 : i32
      %parallel_loop3A_530 = vector.broadcast %parallel_loop3A_529 : i32 to vector<16xi32>
      %parallel_loop3A_531 = arith.shli %parallel_loop3A_523, %parallel_loop3A_530 : vector<16xi32>
      %parallel_loop3A_532 = vector.bitcast %parallel_loop3A_531 : vector<16xi32> to vector<16xf32>
      %parallel_loop3A_533 = arith.constant 7 : i32
      %parallel_loop3A_534 = vector.broadcast %parallel_loop3A_533 : i32 to vector<16xi32>
      %parallel_loop3A_535 = arith.andi %parallel_loop3A_523, %parallel_loop3A_534 : vector<16xi32>
      tpu.vector_store_idx %arg5[%parallel_loop3A_535], %broadcast_in_dim3A_41 masked %parallel_loop3A_528 {add = true} : memref<4096xi32, #tpu.memory_space<vmem>>[vector<16xi32>], vector<16xi32>, vector<16xi1>
      %parallel_loop3A_536 = arith.constant 7 : i32
      %parallel_loop3A_537 = vector.broadcast %parallel_loop3A_536 : i32 to vector<16xi32>
      %parallel_loop3A_538 = arith.andi %parallel_loop3A_523, %parallel_loop3A_537 : vector<16xi32>
      tpu.vector_store_idx %arg7[%parallel_loop3A_538], %parallel_loop3A_532 masked %parallel_loop3A_528 {add = true} : memref<16xf32, #tpu.memory_space<vmem>>[vector<16xi32>], vector<16xf32>, vector<16xi1>
      %parallel_loop3A_539 = vector.broadcast %scan3A_207#2 : i32 to vector<16xi32>
      %parallel_loop3A_540 = arith.cmpi sgt, %parallel_loop3A_526, %parallel_loop3A_539 : vector<16xi32>
      %parallel_loop3A_541 = arith.constant 0.000000e+00 : f32
      %parallel_loop3A_542 = vector.broadcast %parallel_loop3A_541 : f32 to vector<16xf32>
      %parallel_loop3A_543 = arith.select %parallel_loop3A_540, %parallel_loop3A_532, %parallel_loop3A_542 : vector<16xi1>, vector<16xf32>
      %parallel_loop3A_544 = arith.constant true
      %parallel_loop3A_545 = vector.broadcast %parallel_loop3A_544 : i1 to vector<16xi1>
      %parallel_loop3A_546 = tpu.scan <sum>, %parallel_loop3A_543 masked %parallel_loop3A_545 : vector<16xf32>, vector<16xi1> -> vector<16xf32>
      %parallel_loop3A_547 = vector.extract %parallel_loop3A_546[15] : f32 from vector<16xf32>
      %parallel_loop3A_548 = arith.addf %parallel_loop3A_517, %parallel_loop3A_547 : f32
      scf.yield %parallel_loop3A_548 : f32
    } {sc.loop_unroll_factor = 8 : i64, sc.parallel_access}
    %dma_wait3A_365 = arith.constant 8192 : i32
    %dma_wait3A_366 = tpu.memref_slice %arg4[%dma_wait3A_365] : memref<16384xi32, #tpu.memory_space<vmem>> -> memref<8192xi32, #tpu.memory_space<vmem>>
    %dma_wait3A_367 = tpu.memref_slice %arg2[%add3A_354] : memref<2097152xi32, #tpu.memory_space<hbm>> -> memref<8192xi32, #tpu.memory_space<hbm>>
    %dma_wait3A_368 = arith.constant 8192 : i32
    %dma_wait3A_369 = tpu.memref_slice %arg4[%dma_wait3A_368] : memref<16384xi32, #tpu.memory_space<vmem>> -> memref<8192xi32, #tpu.memory_space<vmem>>
    %dma_wait3A_370 = tpu.memref_slice %arg2[%add3A_354] : memref<2097152xi32, #tpu.memory_space<hbm>> -> memref<8192xi32, #tpu.memory_space<hbm>>
    tpu.wait_dma2 semaphore(%arg12 : memref<!tpu.dma_semaphore, #tpu.memory_space<semaphore_mem>>) src(%dma_wait3A_370 : memref<8192xi32, #tpu.memory_space<hbm>>) dst(%dma_wait3A_369 : memref<8192xi32, #tpu.memory_space<vmem>>)
    %parallel_loop3A_371 = arith.constant 0 : i32
    %parallel_loop3A_372 = arith.constant 8192 : i32
    %parallel_loop3A_373 = arith.constant 16 : i32
    %parallel_loop3A_374 = scf.for %parallel_loop3A_484 = %parallel_loop3A_371 to %parallel_loop3A_372 step %parallel_loop3A_373 iter_args(%parallel_loop3A_485 = %parallel_loop3A_364) -> (f32)  : i32 {
      %parallel_loop3A_486 = arith.constant 8192 : i32
      %parallel_loop3A_487 = arith.addi %parallel_loop3A_486, %parallel_loop3A_484 : i32
      %parallel_loop3A_488 = arith.index_cast %parallel_loop3A_487 : i32 to index
      %parallel_loop3A_489 = tpu.vector_load %arg4[%parallel_loop3A_488] {strides = array<i32>} : memref<16384xi32, #tpu.memory_space<vmem>>, vector<16xi32>,
      %parallel_loop3A_490 = arith.constant 65535 : i32
      %parallel_loop3A_491 = vector.broadcast %parallel_loop3A_490 : i32 to vector<16xi32>
      %parallel_loop3A_492 = arith.andi %parallel_loop3A_489, %parallel_loop3A_491 : vector<16xi32>
      %parallel_loop3A_493 = arith.constant 3 : i32
      %parallel_loop3A_494 = vector.broadcast %parallel_loop3A_493 : i32 to vector<16xi32>
      %parallel_loop3A_495 = arith.shrsi %parallel_loop3A_492, %parallel_loop3A_494 : vector<16xi32>
      %parallel_loop3A_496 = vector.broadcast %scan3A_207#2 : i32 to vector<16xi32>
      %parallel_loop3A_497 = arith.cmpi eq, %parallel_loop3A_495, %parallel_loop3A_496 : vector<16xi32>
      %parallel_loop3A_498 = arith.constant 16 : i32
      %parallel_loop3A_499 = vector.broadcast %parallel_loop3A_498 : i32 to vector<16xi32>
      %parallel_loop3A_500 = arith.shli %parallel_loop3A_492, %parallel_loop3A_499 : vector<16xi32>
      %parallel_loop3A_501 = vector.bitcast %parallel_loop3A_500 : vector<16xi32> to vector<16xf32>
      %parallel_loop3A_502 = arith.constant 7 : i32
      %parallel_loop3A_503 = vector.broadcast %parallel_loop3A_502 : i32 to vector<16xi32>
      %parallel_loop3A_504 = arith.andi %parallel_loop3A_492, %parallel_loop3A_503 : vector<16xi32>
      tpu.vector_store_idx %arg5[%parallel_loop3A_504], %broadcast_in_dim3A_41 masked %parallel_loop3A_497 {add = true} : memref<4096xi32, #tpu.memory_space<vmem>>[vector<16xi32>], vector<16xi32>, vector<16xi1>
      %parallel_loop3A_505 = arith.constant 7 : i32
      %parallel_loop3A_506 = vector.broadcast %parallel_loop3A_505 : i32 to vector<16xi32>
      %parallel_loop3A_507 = arith.andi %parallel_loop3A_492, %parallel_loop3A_506 : vector<16xi32>
      tpu.vector_store_idx %arg7[%parallel_loop3A_507], %parallel_loop3A_501 masked %parallel_loop3A_497 {add = true} : memref<16xf32, #tpu.memory_space<vmem>>[vector<16xi32>], vector<16xf32>, vector<16xi1>
      %parallel_loop3A_508 = vector.broadcast %scan3A_207#2 : i32 to vector<16xi32>
      %parallel_loop3A_509 = arith.cmpi sgt, %parallel_loop3A_495, %parallel_loop3A_508 : vector<16xi32>
      %parallel_loop3A_510 = arith.constant 0.000000e+00 : f32
      %parallel_loop3A_511 = vector.broadcast %parallel_loop3A_510 : f32 to vector<16xf32>
      %parallel_loop3A_512 = arith.select %parallel_loop3A_509, %parallel_loop3A_501, %parallel_loop3A_511 : vector<16xi1>, vector<16xf32>
      %parallel_loop3A_513 = arith.constant true
      %parallel_loop3A_514 = vector.broadcast %parallel_loop3A_513 : i1 to vector<16xi1>
      %parallel_loop3A_515 = tpu.scan <sum>, %parallel_loop3A_512 masked %parallel_loop3A_514 : vector<16xf32>, vector<16xi1> -> vector<16xf32>
      %parallel_loop3A_516 = vector.extract %parallel_loop3A_515[15] : f32 from vector<16xf32>
      %parallel_loop3A_517 = arith.addf %parallel_loop3A_485, %parallel_loop3A_516 : f32
      %parallel_loop3A_518 = arith.constant 16 : i32
      %parallel_loop3A_519 = vector.broadcast %parallel_loop3A_518 : i32 to vector<16xi32>
      %parallel_loop3A_520 = arith.shrsi %parallel_loop3A_489, %parallel_loop3A_519 : vector<16xi32>
      %parallel_loop3A_521 = arith.constant 65535 : i32
      %parallel_loop3A_522 = vector.broadcast %parallel_loop3A_521 : i32 to vector<16xi32>
      %parallel_loop3A_523 = arith.andi %parallel_loop3A_520, %parallel_loop3A_522 : vector<16xi32>
      %parallel_loop3A_524 = arith.constant 3 : i32
      %parallel_loop3A_525 = vector.broadcast %parallel_loop3A_524 : i32 to vector<16xi32>
      %parallel_loop3A_526 = arith.shrsi %parallel_loop3A_523, %parallel_loop3A_525 : vector<16xi32>
      %parallel_loop3A_527 = vector.broadcast %scan3A_207#2 : i32 to vector<16xi32>
      %parallel_loop3A_528 = arith.cmpi eq, %parallel_loop3A_526, %parallel_loop3A_527 : vector<16xi32>
      %parallel_loop3A_529 = arith.constant 16 : i32
      %parallel_loop3A_530 = vector.broadcast %parallel_loop3A_529 : i32 to vector<16xi32>
      %parallel_loop3A_531 = arith.shli %parallel_loop3A_523, %parallel_loop3A_530 : vector<16xi32>
      %parallel_loop3A_532 = vector.bitcast %parallel_loop3A_531 : vector<16xi32> to vector<16xf32>
      %parallel_loop3A_533 = arith.constant 7 : i32
      %parallel_loop3A_534 = vector.broadcast %parallel_loop3A_533 : i32 to vector<16xi32>
      %parallel_loop3A_535 = arith.andi %parallel_loop3A_523, %parallel_loop3A_534 : vector<16xi32>
      tpu.vector_store_idx %arg5[%parallel_loop3A_535], %broadcast_in_dim3A_41 masked %parallel_loop3A_528 {add = true} : memref<4096xi32, #tpu.memory_space<vmem>>[vector<16xi32>], vector<16xi32>, vector<16xi1>
      %parallel_loop3A_536 = arith.constant 7 : i32
      %parallel_loop3A_537 = vector.broadcast %parallel_loop3A_536 : i32 to vector<16xi32>
      %parallel_loop3A_538 = arith.andi %parallel_loop3A_523, %parallel_loop3A_537 : vector<16xi32>
      tpu.vector_store_idx %arg7[%parallel_loop3A_538], %parallel_loop3A_532 masked %parallel_loop3A_528 {add = true} : memref<16xf32, #tpu.memory_space<vmem>>[vector<16xi32>], vector<16xf32>, vector<16xi1>
      %parallel_loop3A_539 = vector.broadcast %scan3A_207#2 : i32 to vector<16xi32>
      %parallel_loop3A_540 = arith.cmpi sgt, %parallel_loop3A_526, %parallel_loop3A_539 : vector<16xi32>
      %parallel_loop3A_541 = arith.constant 0.000000e+00 : f32
      %parallel_loop3A_542 = vector.broadcast %parallel_loop3A_541 : f32 to vector<16xf32>
      %parallel_loop3A_543 = arith.select %parallel_loop3A_540, %parallel_loop3A_532, %parallel_loop3A_542 : vector<16xi1>, vector<16xf32>
      %parallel_loop3A_544 = arith.constant true
      %parallel_loop3A_545 = vector.broadcast %parallel_loop3A_544 : i1 to vector<16xi1>
      %parallel_loop3A_546 = tpu.scan <sum>, %parallel_loop3A_543 masked %parallel_loop3A_545 : vector<16xf32>, vector<16xi1> -> vector<16xf32>
      %parallel_loop3A_547 = vector.extract %parallel_loop3A_546[15] : f32 from vector<16xf32>
      %parallel_loop3A_548 = arith.addf %parallel_loop3A_517, %parallel_loop3A_547 : f32
      scf.yield %parallel_loop3A_548 : f32
    } {sc.loop_unroll_factor = 8 : i64, sc.parallel_access}
    "tpu.region"() ({
      %run_scoped3A = tpu.sem_alloc : memref<!tpu.dma_semaphore, #tpu.memory_space<semaphore_mem>>
      %dma_start3A_484 = arith.constant 0 : i32
      %dma_start3A_485 = tpu.memref_slice %arg5[%dma_start3A_484] : memref<4096xi32, #tpu.memory_space<vmem>> -> memref<16xi32, #tpu.memory_space<vmem>>
      %dma_start3A_486 = arith.constant 0 : i32
      %dma_start3A_487 = tpu.memref_slice %arg10[%arg1, %dma_start3A_486] : memref<16x4096xi32, #tpu.memory_space<vmem_shared>> -> memref<1x16xi32, #tpu.memory_space<vmem_shared>>
      %dma_start3A_488 = tpu.memref_squeeze %dma_start3A_487 : memref<1x16xi32, #tpu.memory_space<vmem_shared>> -> memref<16xi32, #tpu.memory_space<vmem_shared>>
      %dma_start3A_489 = arith.constant 0 : i32
      %dma_start3A_490 = tpu.memref_slice %arg10[%arg1, %dma_start3A_489] : memref<16x4096xi32, #tpu.memory_space<vmem_shared>> -> memref<1x16xi32, #tpu.memory_space<vmem_shared>>
      %dma_start3A_491 = tpu.memref_squeeze %dma_start3A_490 : memref<1x16xi32, #tpu.memory_space<vmem_shared>> -> memref<16xi32, #tpu.memory_space<vmem_shared>>
      %dma_start3A_492 = arith.constant 0 : i32
      %dma_start3A_493 = tpu.memref_slice %arg5[%dma_start3A_492] : memref<4096xi32, #tpu.memory_space<vmem>> -> memref<16xi32, #tpu.memory_space<vmem>>
      tpu.enqueue_dma source(%dma_start3A_493 : memref<16xi32, #tpu.memory_space<vmem>>) target(%dma_start3A_491 : memref<16xi32, #tpu.memory_space<vmem_shared>>) target_semaphore(%run_scoped3A : memref<!tpu.dma_semaphore, #tpu.memory_space<semaphore_mem>>)
      %dma_wait3A_494 = arith.constant 0 : i32
      %dma_wait3A_495 = tpu.memref_slice %arg5[%dma_wait3A_494] : memref<4096xi32, #tpu.memory_space<vmem>> -> memref<16xi32, #tpu.memory_space<vmem>>
      %dma_wait3A_496 = arith.constant 0 : i32
      %dma_wait3A_497 = tpu.memref_slice %arg10[%arg1, %dma_wait3A_496] : memref<16x4096xi32, #tpu.memory_space<vmem_shared>> -> memref<1x16xi32, #tpu.memory_space<vmem_shared>>
      %dma_wait3A_498 = tpu.memref_squeeze %dma_wait3A_497 : memref<1x16xi32, #tpu.memory_space<vmem_shared>> -> memref<16xi32, #tpu.memory_space<vmem_shared>>
      %dma_wait3A_499 = arith.constant 0 : i32
      %dma_wait3A_500 = tpu.memref_slice %arg10[%arg1, %dma_wait3A_499] : memref<16x4096xi32, #tpu.memory_space<vmem_shared>> -> memref<1x16xi32, #tpu.memory_space<vmem_shared>>
      %dma_wait3A_501 = tpu.memref_squeeze %dma_wait3A_500 : memref<1x16xi32, #tpu.memory_space<vmem_shared>> -> memref<16xi32, #tpu.memory_space<vmem_shared>>
      %dma_wait3A_502 = arith.constant 0 : i32
      %dma_wait3A_503 = tpu.memref_slice %arg5[%dma_wait3A_502] : memref<4096xi32, #tpu.memory_space<vmem>> -> memref<16xi32, #tpu.memory_space<vmem>>
      tpu.wait_dma2 semaphore(%run_scoped3A : memref<!tpu.dma_semaphore, #tpu.memory_space<semaphore_mem>>) src(%dma_wait3A_503 : memref<16xi32, #tpu.memory_space<vmem>>) dst(%dma_wait3A_501 : memref<16xi32, #tpu.memory_space<vmem_shared>>)
      tpu.yield
    }) : () -> ()
    %get3A = arith.constant 0 : index
    %get3A_375 = tpu.vector_load %arg7[%get3A] {strides = array<i32>} : memref<16xf32, #tpu.memory_space<vmem>>, vector<16xf32>,
    %swap3A_376 = arith.constant 0 : index
    %swap3A_377 = tpu.vector_load %arg8[%swap3A_376] {strides = array<i32>} : memref<256xf32, #tpu.memory_space<vmem>>, vector<16xf32>,
    tpu.vector_store %arg8[%swap3A_376], %get3A_375 {strides = array<i32>} : memref<256xf32, #tpu.memory_space<vmem>>, vector<16xf32>,
    %broadcast_in_dim3A_378 = vector.broadcast %parallel_loop3A_374 : f32 to vector<16xf32>
    %swap3A_379 = arith.constant 16 : index
    %swap3A_380 = tpu.vector_load %arg8[%swap3A_379] {strides = array<i32>} : memref<256xf32, #tpu.memory_space<vmem>>, vector<16xf32>,
    tpu.vector_store %arg8[%swap3A_379], %broadcast_in_dim3A_378 {strides = array<i32>} : memref<256xf32, #tpu.memory_space<vmem>>, vector<16xf32>,
    "tpu.region"() ({
      %run_scoped3A = tpu.sem_alloc : memref<!tpu.dma_semaphore, #tpu.memory_space<semaphore_mem>>
      %dma_start3A_484 = arith.constant 0 : i32
      %dma_start3A_485 = tpu.memref_slice %arg8[%dma_start3A_484] : memref<256xf32, #tpu.memory_space<vmem>> -> memref<32xf32, #tpu.memory_space<vmem>>
      %dma_start3A_486 = arith.constant 0 : i32
      %dma_start3A_487 = tpu.memref_slice %arg11[%arg1, %dma_start3A_486] : memref<16x256xf32, #tpu.memory_space<vmem_shared>> -> memref<1x32xf32, #tpu.memory_space<vmem_shared>>
      %dma_start3A_488 = tpu.memref_squeeze %dma_start3A_487 : memref<1x32xf32, #tpu.memory_space<vmem_shared>> -> memref<32xf32, #tpu.memory_space<vmem_shared>>
      %dma_start3A_489 = arith.constant 0 : i32
      %dma_start3A_490 = tpu.memref_slice %arg11[%arg1, %dma_start3A_489] : memref<16x256xf32, #tpu.memory_space<vmem_shared>> -> memref<1x32xf32, #tpu.memory_space<vmem_shared>>
      %dma_start3A_491 = tpu.memref_squeeze %dma_start3A_490 : memref<1x32xf32, #tpu.memory_space<vmem_shared>> -> memref<32xf32, #tpu.memory_space<vmem_shared>>
      %dma_start3A_492 = arith.constant 0 : i32
      %dma_start3A_493 = tpu.memref_slice %arg8[%dma_start3A_492] : memref<256xf32, #tpu.memory_space<vmem>> -> memref<32xf32, #tpu.memory_space<vmem>>
      tpu.enqueue_dma source(%dma_start3A_493 : memref<32xf32, #tpu.memory_space<vmem>>) target(%dma_start3A_491 : memref<32xf32, #tpu.memory_space<vmem_shared>>) target_semaphore(%run_scoped3A : memref<!tpu.dma_semaphore, #tpu.memory_space<semaphore_mem>>)
      %dma_wait3A_494 = arith.constant 0 : i32
      %dma_wait3A_495 = tpu.memref_slice %arg8[%dma_wait3A_494] : memref<256xf32, #tpu.memory_space<vmem>> -> memref<32xf32, #tpu.memory_space<vmem>>
      %dma_wait3A_496 = arith.constant 0 : i32
      %dma_wait3A_497 = tpu.memref_slice %arg11[%arg1, %dma_wait3A_496] : memref<16x256xf32, #tpu.memory_space<vmem_shared>> -> memref<1x32xf32, #tpu.memory_space<vmem_shared>>
      %dma_wait3A_498 = tpu.memref_squeeze %dma_wait3A_497 : memref<1x32xf32, #tpu.memory_space<vmem_shared>> -> memref<32xf32, #tpu.memory_space<vmem_shared>>
      %dma_wait3A_499 = arith.constant 0 : i32
      %dma_wait3A_500 = tpu.memref_slice %arg11[%arg1, %dma_wait3A_499] : memref<16x256xf32, #tpu.memory_space<vmem_shared>> -> memref<1x32xf32, #tpu.memory_space<vmem_shared>>
      %dma_wait3A_501 = tpu.memref_squeeze %dma_wait3A_500 : memref<1x32xf32, #tpu.memory_space<vmem_shared>> -> memref<32xf32, #tpu.memory_space<vmem_shared>>
      %dma_wait3A_502 = arith.constant 0 : i32
      %dma_wait3A_503 = tpu.memref_slice %arg8[%dma_wait3A_502] : memref<256xf32, #tpu.memory_space<vmem>> -> memref<32xf32, #tpu.memory_space<vmem>>
      tpu.wait_dma2 semaphore(%run_scoped3A : memref<!tpu.dma_semaphore, #tpu.memory_space<semaphore_mem>>) src(%dma_wait3A_503 : memref<32xf32, #tpu.memory_space<vmem>>) dst(%dma_wait3A_501 : memref<32xf32, #tpu.memory_space<vmem_shared>>)
      tpu.yield
    }) : () -> ()
    %barrier3A_381 = arith.constant 0 : index
    tpu.barrier barrier_id(%barrier3A_381)
    "tpu.region"() ({
      %run_scoped3A = tpu.sem_alloc : memref<!tpu.dma_semaphore, #tpu.memory_space<semaphore_mem>>
      %dma_start3A_484 = arith.constant 0 : i32
      %dma_start3A_485 = tpu.memref_slice %arg6[%dma_start3A_484] : memref<4096xi32, #tpu.memory_space<vmem>> -> memref<16xi32, #tpu.memory_space<vmem>>
      %dma_start3A_486 = arith.constant 0 : i32
      %dma_start3A_487 = tpu.memref_slice %arg10[%sub3A_40, %dma_start3A_486] : memref<16x4096xi32, #tpu.memory_space<vmem_shared>> -> memref<1x16xi32, #tpu.memory_space<vmem_shared>>
      %dma_start3A_488 = tpu.memref_squeeze %dma_start3A_487 : memref<1x16xi32, #tpu.memory_space<vmem_shared>> -> memref<16xi32, #tpu.memory_space<vmem_shared>>
      %dma_start3A_489 = arith.constant 0 : i32
      %dma_start3A_490 = tpu.memref_slice %arg6[%dma_start3A_489] : memref<4096xi32, #tpu.memory_space<vmem>> -> memref<16xi32, #tpu.memory_space<vmem>>
      %dma_start3A_491 = arith.constant 0 : i32
      %dma_start3A_492 = tpu.memref_slice %arg10[%sub3A_40, %dma_start3A_491] : memref<16x4096xi32, #tpu.memory_space<vmem_shared>> -> memref<1x16xi32, #tpu.memory_space<vmem_shared>>
      %dma_start3A_493 = tpu.memref_squeeze %dma_start3A_492 : memref<1x16xi32, #tpu.memory_space<vmem_shared>> -> memref<16xi32, #tpu.memory_space<vmem_shared>>
      tpu.enqueue_dma source(%dma_start3A_493 : memref<16xi32, #tpu.memory_space<vmem_shared>>) target(%dma_start3A_490 : memref<16xi32, #tpu.memory_space<vmem>>) target_semaphore(%run_scoped3A : memref<!tpu.dma_semaphore, #tpu.memory_space<semaphore_mem>>)
      %dma_wait3A_494 = arith.constant 0 : i32
      %dma_wait3A_495 = tpu.memref_slice %arg6[%dma_wait3A_494] : memref<4096xi32, #tpu.memory_space<vmem>> -> memref<16xi32, #tpu.memory_space<vmem>>
      %dma_wait3A_496 = arith.constant 0 : i32
      %dma_wait3A_497 = tpu.memref_slice %arg10[%sub3A_40, %dma_wait3A_496] : memref<16x4096xi32, #tpu.memory_space<vmem_shared>> -> memref<1x16xi32, #tpu.memory_space<vmem_shared>>
      %dma_wait3A_498 = tpu.memref_squeeze %dma_wait3A_497 : memref<1x16xi32, #tpu.memory_space<vmem_shared>> -> memref<16xi32, #tpu.memory_space<vmem_shared>>
      %dma_wait3A_499 = arith.constant 0 : i32
      %dma_wait3A_500 = tpu.memref_slice %arg6[%dma_wait3A_499] : memref<4096xi32, #tpu.memory_space<vmem>> -> memref<16xi32, #tpu.memory_space<vmem>>
      %dma_wait3A_501 = arith.constant 0 : i32
      %dma_wait3A_502 = tpu.memref_slice %arg10[%sub3A_40, %dma_wait3A_501] : memref<16x4096xi32, #tpu.memory_space<vmem_shared>> -> memref<1x16xi32, #tpu.memory_space<vmem_shared>>
      %dma_wait3A_503 = tpu.memref_squeeze %dma_wait3A_502 : memref<1x16xi32, #tpu.memory_space<vmem_shared>> -> memref<16xi32, #tpu.memory_space<vmem_shared>>
      tpu.wait_dma2 semaphore(%run_scoped3A : memref<!tpu.dma_semaphore, #tpu.memory_space<semaphore_mem>>) src(%dma_wait3A_503 : memref<16xi32, #tpu.memory_space<vmem_shared>>) dst(%dma_wait3A_500 : memref<16xi32, #tpu.memory_space<vmem>>)
      tpu.yield
    }) : () -> ()
    "tpu.region"() ({
      %run_scoped3A = tpu.sem_alloc : memref<!tpu.dma_semaphore, #tpu.memory_space<semaphore_mem>>
      %dma_start3A_484 = arith.constant 0 : i32
      %dma_start3A_485 = tpu.memref_slice %arg8[%dma_start3A_484] : memref<256xf32, #tpu.memory_space<vmem>> -> memref<32xf32, #tpu.memory_space<vmem>>
      %dma_start3A_486 = arith.constant 0 : i32
      %dma_start3A_487 = tpu.memref_slice %arg11[%sub3A_40, %dma_start3A_486] : memref<16x256xf32, #tpu.memory_space<vmem_shared>> -> memref<1x32xf32, #tpu.memory_space<vmem_shared>>
      %dma_start3A_488 = tpu.memref_squeeze %dma_start3A_487 : memref<1x32xf32, #tpu.memory_space<vmem_shared>> -> memref<32xf32, #tpu.memory_space<vmem_shared>>
      %dma_start3A_489 = arith.constant 0 : i32
      %dma_start3A_490 = tpu.memref_slice %arg8[%dma_start3A_489] : memref<256xf32, #tpu.memory_space<vmem>> -> memref<32xf32, #tpu.memory_space<vmem>>
      %dma_start3A_491 = arith.constant 0 : i32
      %dma_start3A_492 = tpu.memref_slice %arg11[%sub3A_40, %dma_start3A_491] : memref<16x256xf32, #tpu.memory_space<vmem_shared>> -> memref<1x32xf32, #tpu.memory_space<vmem_shared>>
      %dma_start3A_493 = tpu.memref_squeeze %dma_start3A_492 : memref<1x32xf32, #tpu.memory_space<vmem_shared>> -> memref<32xf32, #tpu.memory_space<vmem_shared>>
      tpu.enqueue_dma source(%dma_start3A_493 : memref<32xf32, #tpu.memory_space<vmem_shared>>) target(%dma_start3A_490 : memref<32xf32, #tpu.memory_space<vmem>>) target_semaphore(%run_scoped3A : memref<!tpu.dma_semaphore, #tpu.memory_space<semaphore_mem>>)
      %dma_wait3A_494 = arith.constant 0 : i32
      %dma_wait3A_495 = tpu.memref_slice %arg8[%dma_wait3A_494] : memref<256xf32, #tpu.memory_space<vmem>> -> memref<32xf32, #tpu.memory_space<vmem>>
      %dma_wait3A_496 = arith.constant 0 : i32
      %dma_wait3A_497 = tpu.memref_slice %arg11[%sub3A_40, %dma_wait3A_496] : memref<16x256xf32, #tpu.memory_space<vmem_shared>> -> memref<1x32xf32, #tpu.memory_space<vmem_shared>>
      %dma_wait3A_498 = tpu.memref_squeeze %dma_wait3A_497 : memref<1x32xf32, #tpu.memory_space<vmem_shared>> -> memref<32xf32, #tpu.memory_space<vmem_shared>>
      %dma_wait3A_499 = arith.constant 0 : i32
      %dma_wait3A_500 = tpu.memref_slice %arg8[%dma_wait3A_499] : memref<256xf32, #tpu.memory_space<vmem>> -> memref<32xf32, #tpu.memory_space<vmem>>
      %dma_wait3A_501 = arith.constant 0 : i32
      %dma_wait3A_502 = tpu.memref_slice %arg11[%sub3A_40, %dma_wait3A_501] : memref<16x256xf32, #tpu.memory_space<vmem_shared>> -> memref<1x32xf32, #tpu.memory_space<vmem_shared>>
      %dma_wait3A_503 = tpu.memref_squeeze %dma_wait3A_502 : memref<1x32xf32, #tpu.memory_space<vmem_shared>> -> memref<32xf32, #tpu.memory_space<vmem_shared>>
      tpu.wait_dma2 semaphore(%run_scoped3A : memref<!tpu.dma_semaphore, #tpu.memory_space<semaphore_mem>>) src(%dma_wait3A_503 : memref<32xf32, #tpu.memory_space<vmem_shared>>) dst(%dma_wait3A_500 : memref<32xf32, #tpu.memory_space<vmem>>)
      tpu.yield
    }) : () -> ()
    %get3A_382 = arith.constant 0 : index
    %get3A_383 = tpu.vector_load %arg5[%get3A_382] {strides = array<i32>} : memref<4096xi32, #tpu.memory_space<vmem>>, vector<16xi32>,
    %get3A_384 = arith.constant 0 : index
    %get3A_385 = tpu.vector_load %arg6[%get3A_384] {strides = array<i32>} : memref<4096xi32, #tpu.memory_space<vmem>>, vector<16xi32>,
    %add3A_386 = arith.addi %get3A_383, %get3A_385 : vector<16xi32>
    %swap3A_387 = arith.constant 0 : index
    %swap3A_388 = tpu.vector_load %arg5[%swap3A_387] {strides = array<i32>} : memref<4096xi32, #tpu.memory_space<vmem>>, vector<16xi32>,
    tpu.vector_store %arg5[%swap3A_387], %add3A_386 {strides = array<i32>} : memref<4096xi32, #tpu.memory_space<vmem>>, vector<16xi32>,
    %get3A_389 = arith.constant 0 : index
    %get3A_390 = tpu.vector_load %arg7[%get3A_389] {strides = array<i32>} : memref<16xf32, #tpu.memory_space<vmem>>, vector<16xf32>,
    %get3A_391 = arith.constant 0 : index
    %get3A_392 = tpu.vector_load %arg8[%get3A_391] {strides = array<i32>} : memref<256xf32, #tpu.memory_space<vmem>>, vector<16xf32>,
    %add3A_393 = arith.addf %get3A_390, %get3A_392 : vector<16xf32>
    %swap3A_394 = arith.constant 0 : index
    %swap3A_395 = tpu.vector_load %arg7[%swap3A_394] {strides = array<i32>} : memref<16xf32, #tpu.memory_space<vmem>>, vector<16xf32>,
    tpu.vector_store %arg7[%swap3A_394], %add3A_393 {strides = array<i32>} : memref<16xf32, #tpu.memory_space<vmem>>, vector<16xf32>,
    %get3A_396 = arith.constant 16 : index
    %get3A_397 = tpu.vector_load %arg8[%get3A_396] {strides = array<i32>} : memref<256xf32, #tpu.memory_space<vmem>>, vector<16xf32>,
    %reduce_max3A = arith.constant true
    %reduce_max3A_398 = vector.broadcast %reduce_max3A : i1 to vector<16xi1>
    %reduce_max3A_399 = tpu.scan <max>, %get3A_397 masked %reduce_max3A_398 : vector<16xf32>, vector<16xi1> -> vector<16xf32>
    %reduce_max3A_400 = vector.extract %reduce_max3A_399[15] : f32 from vector<16xf32>
    %add3A_401 = arith.addf %parallel_loop3A_374, %reduce_max3A_400 : f32
    %scan3A_402 = arith.constant 0 : i32
    %scan3A_403 = arith.constant false
    %scan3A_404 = arith.constant 0 : i32
    %scan3A_405 = arith.constant 0 : i32
    %scan3A_406 = arith.constant 0 : i32
    %sub3A_407 = arith.constant 0 : i32
    %sub3A_408 = arith.subi %sub3A_407, %scan3A_406 : i32
    %mul3A_409 = arith.constant 16 : i32
    %mul3A_410 = arith.muli %sub3A_408, %mul3A_409 : i32
    %get3A_411 = arith.index_cast %mul3A_410 : i32 to index
    %get3A_412 = tpu.vector_load %arg5[%get3A_411] {strides = array<i32>} : memref<4096xi32, #tpu.memory_space<vmem>>, vector<16xi32>,
    %rev3A = arith.constant 15 : i32
    %rev3A_413 = vector.broadcast %rev3A : i32 to vector<16xi32>
    %rev3A_414 = tpu.iota {dimensions = array<i32: 0>} : vector<16xi32>
    %rev3A_415 = arith.subi %rev3A_413, %rev3A_414 : vector<16xi32>
    %rev3A_416 = tpu.dynamic_gather %get3A_412[%rev3A_415] in [0] : vector<16xi32>, vector<16xi32> -> vector<16xi32>
    %cumsum3A = arith.constant true
    %cumsum3A_417 = vector.broadcast %cumsum3A : i1 to vector<16xi1>
    %cumsum3A_418 = tpu.scan <sum>, %rev3A_416 masked %cumsum3A_417 : vector<16xi32>, vector<16xi1> -> vector<16xi32>
    %rev3A_419 = arith.constant 15 : i32
    %rev3A_420 = vector.broadcast %rev3A_419 : i32 to vector<16xi32>
    %rev3A_421 = tpu.iota {dimensions = array<i32: 0>} : vector<16xi32>
    %rev3A_422 = arith.subi %rev3A_420, %rev3A_421 : vector<16xi32>
    %rev3A_423 = tpu.dynamic_gather %cumsum3A_418[%rev3A_422] in [0] : vector<16xi32>, vector<16xi32> -> vector<16xi32>
    %add3A_424 = vector.broadcast %scan3A_402 : i32 to vector<16xi32>
    %add3A_425 = arith.addi %rev3A_423, %add3A_424 : vector<16xi32>
    %ge3A = vector.broadcast %sub3A_210 : i32 to vector<16xi32>
    %ge3A_426 = arith.cmpi sge, %add3A_425, %ge3A : vector<16xi32>
    %convert_element_type3A = arith.extui %ge3A_426 : vector<16xi1> to vector<16xi32>
    %reduce_sum3A = arith.constant true
    %reduce_sum3A_427 = vector.broadcast %reduce_sum3A : i1 to vector<16xi1>
    %reduce_sum3A_428 = tpu.scan <sum>, %convert_element_type3A masked %reduce_sum3A_427 : vector<16xi32>, vector<16xi1> -> vector<16xi32>
    %reduce_sum3A_429 = vector.extract %reduce_sum3A_428[15] : i32 from vector<16xi32>
    %not3A = arith.constant true
    %not3A_430 = arith.xori %scan3A_403, %not3A : i1
    %gt3A = arith.constant 0 : i32
    %gt3A_431 = arith.cmpi sgt, %reduce_sum3A_429, %gt3A : i32
    %and3A_432 = arith.andi %not3A_430, %gt3A_431 : i1
    %jit3A_433 = arith.constant -1 : i32
    %broadcast_in_dim3A_434 = vector.broadcast %jit3A_433 : i32 to vector<16xi32>
    %select_n3A_435 = arith.select %ge3A_426, %broadcast_in_dim3A_434, %add3A_425 : vector<16xi1>, vector<16xi32>
    %reduce_max3A_436 = arith.constant true
    %reduce_max3A_437 = vector.broadcast %reduce_max3A_436 : i1 to vector<16xi1>
    %reduce_max3A_438 = arith.constant -2147483648 : i32
    %reduce_max3A_439 = vector.broadcast %reduce_max3A_438 : i32 to vector<16xi32>
    %reduce_max3A_440 = arith.xori %select_n3A_435, %reduce_max3A_439 : vector<16xi32>
    %reduce_max3A_441 = tpu.scan <max>, %reduce_max3A_440 masked %reduce_max3A_437 : vector<16xi32>, vector<16xi1> -> vector<16xi32>
    %reduce_max3A_442 = arith.xori %reduce_max3A_441, %reduce_max3A_439 : vector<16xi32>
    %reduce_max3A_443 = vector.extract %reduce_max3A_442[15] : i32 from vector<16xi32>
    %max3A = arith.maxsi %reduce_max3A_443, %scan3A_402 : i32
    %mul3A_444 = arith.constant 16 : i32
    %mul3A_445 = arith.muli %sub3A_408, %mul3A_444 : i32
    %add3A_446 = arith.addi %mul3A_445, %reduce_sum3A_429 : i32
    %sub3A_447 = arith.constant 1 : i32
    %sub3A_448 = arith.subi %add3A_446, %sub3A_447 : i32
    %select_n3A_449 = arith.select %and3A_432, %sub3A_448, %scan3A_404 : i32
    %select_n3A_450 = arith.select %and3A_432, %max3A, %scan3A_405 : i32
    %gt3A_451 = arith.constant 0 : i32
    %gt3A_452 = arith.cmpi sgt, %reduce_sum3A_429, %gt3A_451 : i32
    %or3A = arith.ori %scan3A_403, %gt3A_452 : i1
    %reduce_sum3A_453 = arith.constant true
    %reduce_sum3A_454 = vector.broadcast %reduce_sum3A_453 : i1 to vector<16xi1>
    %reduce_sum3A_455 = tpu.scan <sum>, %get3A_412 masked %reduce_sum3A_454 : vector<16xi32>, vector<16xi1> -> vector<16xi32>
    %reduce_sum3A_456 = vector.extract %reduce_sum3A_455[15] : i32 from vector<16xi32>
    %add3A_457 = arith.addi %scan3A_402, %reduce_sum3A_456 : i32
    %scan3A_458 = arith.constant 1 : i32
    %shift_left3A = arith.constant 3 : i32
    %shift_left3A_459 = arith.shli %scan3A_207#2, %shift_left3A : i32
    %or3A_460 = arith.ori %shift_left3A_459, %select_n3A_449 : i32
    %shift_left3A_461 = arith.constant 16 : i32
    %shift_left3A_462 = arith.shli %or3A_460, %shift_left3A_461 : i32
    %broadcast_in_dim3A_463 = vector.broadcast %shift_left3A_462 : i32 to vector<16xi32>
    %bitcast3A = vector.bitcast %broadcast_in_dim3A_463 : vector<16xi32> to vector<16xf32>
    %iota3A = tpu.iota {dimensions = array<i32: 0>} : vector<16xi32>
    %gt3A_464 = vector.broadcast %select_n3A_449 : i32 to vector<16xi32>
    %gt3A_465 = arith.cmpi sgt, %iota3A, %gt3A_464 : vector<16xi32>
    %get3A_466 = arith.constant 0 : index
    %get3A_467 = tpu.vector_load %arg7[%get3A_466] {strides = array<i32>} : memref<16xf32, #tpu.memory_space<vmem>>, vector<16xf32>,
    %jit3A_468 = arith.constant 0.000000e+00 : f32
    %broadcast_in_dim3A_469 = vector.broadcast %jit3A_468 : f32 to vector<16xf32>
    %select_n3A_470 = arith.select %gt3A_465, %get3A_467, %broadcast_in_dim3A_469 : vector<16xi1>, vector<16xf32>
    %reduce_sum3A_471 = arith.constant true
    %reduce_sum3A_472 = vector.broadcast %reduce_sum3A_471 : i1 to vector<16xi1>
    %reduce_sum3A_473 = tpu.scan <sum>, %select_n3A_470 masked %reduce_sum3A_472 : vector<16xf32>, vector<16xi1> -> vector<16xf32>
    %reduce_sum3A_474 = vector.extract %reduce_sum3A_473[15] : f32 from vector<16xf32>
    %add3A_475 = arith.addf %add3A_401, %reduce_sum3A_474 : f32
    %slice3A = vector.extract_strided_slice %bitcast3A {offsets = [0], sizes = [1], strides = [1]} : vector<16xf32> to vector<1xf32>
    %squeeze3A = vector.extract %slice3A[0] : f32 from vector<1xf32>
    %sub3A_476 = arith.subi %sub3A_210, %select_n3A_450 : i32
    %convert_element_type3A_477 = arith.sitofp %sub3A_476 : i32 to f32
    %mul3A_478 = arith.mulf %squeeze3A, %convert_element_type3A_477 : f32
    %add3A_479 = arith.addf %add3A_475, %mul3A_478 : f32
    %eq3A_480 = arith.constant 0 : i32
    %eq3A_481 = arith.cmpi eq, %select_n3A_30, %eq3A_480 : i32
    %convert_element_type3A_482 = arith.extui %eq3A_481 : i1 to i32
    %cond3A = arith.constant 0 : i32
    %cond3A_483 = arith.cmpi ne, %convert_element_type3A_482, %cond3A : i32
    scf.if %cond3A_483 {
      %broadcast_in_dim3A_484 = vector.broadcast %add3A_479 : f32 to vector<16xf32>
      %swap3A_485 = arith.constant 0 : index
      %swap3A_486 = tpu.vector_load %arg9[%swap3A_485] {strides = array<i32>} : memref<16xf32, #tpu.memory_space<vmem>>, vector<16xf32>,
      tpu.vector_store %arg9[%swap3A_485], %broadcast_in_dim3A_484 {strides = array<i32>} : memref<16xf32, #tpu.memory_space<vmem>>, vector<16xf32>,
      "tpu.region"() ({
        %run_scoped3A = tpu.sem_alloc : memref<!tpu.dma_semaphore, #tpu.memory_space<semaphore_mem>>
        %dma_start3A_487 = arith.constant 0 : i32
        %dma_start3A_488 = tpu.memref_slice %arg3[%add3A, %dma_start3A_487] : memref<16x16xf32, #tpu.memory_space<hbm>> -> memref<1x16xf32, #tpu.memory_space<hbm>>
        %dma_start3A_489 = tpu.memref_squeeze %dma_start3A_488 : memref<1x16xf32, #tpu.memory_space<hbm>> -> memref<16xf32, #tpu.memory_space<hbm>>
        %dma_start3A_490 = arith.constant 0 : i32
        %dma_start3A_491 = tpu.memref_slice %arg3[%add3A, %dma_start3A_490] : memref<16x16xf32, #tpu.memory_space<hbm>> -> memref<1x16xf32, #tpu.memory_space<hbm>>
        %dma_start3A_492 = tpu.memref_squeeze %dma_start3A_491 : memref<1x16xf32, #tpu.memory_space<hbm>> -> memref<16xf32, #tpu.memory_space<hbm>>
        tpu.enqueue_dma source(%arg9 : memref<16xf32, #tpu.memory_space<vmem>>) target(%dma_start3A_492 : memref<16xf32, #tpu.memory_space<hbm>>) target_semaphore(%run_scoped3A : memref<!tpu.dma_semaphore, #tpu.memory_space<semaphore_mem>>)
        %dma_wait3A_493 = arith.constant 0 : i32
        %dma_wait3A_494 = tpu.memref_slice %arg3[%add3A, %dma_wait3A_493] : memref<16x16xf32, #tpu.memory_space<hbm>> -> memref<1x16xf32, #tpu.memory_space<hbm>>
        %dma_wait3A_495 = tpu.memref_squeeze %dma_wait3A_494 : memref<1x16xf32, #tpu.memory_space<hbm>> -> memref<16xf32, #tpu.memory_space<hbm>>
        %dma_wait3A_496 = arith.constant 0 : i32
        %dma_wait3A_497 = tpu.memref_slice %arg3[%add3A, %dma_wait3A_496] : memref<16x16xf32, #tpu.memory_space<hbm>> -> memref<1x16xf32, #tpu.memory_space<hbm>>
        %dma_wait3A_498 = tpu.memref_squeeze %dma_wait3A_497 : memref<1x16xf32, #tpu.memory_space<hbm>> -> memref<16xf32, #tpu.memory_space<hbm>>
        tpu.wait_dma2 semaphore(%run_scoped3A : memref<!tpu.dma_semaphore, #tpu.memory_space<semaphore_mem>>) src(%arg9 : memref<16xf32, #tpu.memory_space<vmem>>) dst(%dma_wait3A_498 : memref<16xf32, #tpu.memory_space<hbm>>)
        tpu.yield
      }) : () -> ()
    } else {
    }
    return
  }
}

module attributes {stable_mosaic.version = 14 : i64} {
  func.func @_count_loss_body(%arg0: i32, %arg1: memref<1x2x2048x128xf32, #tpu.memory_space<vmem>>, %arg2: memref<1x2048x128xi32, #tpu.memory_space<vmem>>, %arg3: memref<1x1024x128xi32, #tpu.memory_space<vmem>>, %arg4: memref<1xf32, #tpu.memory_space<smem>>) attributes {dimension_semantics = [#tpu.dimension_semantics<arbitrary>], iteration_bounds = array<i64: 32>, scalar_prefetch = 0 : i64, scratch_operands = 1 : i64, tpu.core_type = #tpu.core_type<tc>, window_params = [{transform_indices = @transform_0, window_bounds = array<i64: 1, 2, 2048, 128>}, {transform_indices = @transform_1, window_bounds = array<i64: 1, 2048, 128>}, {transform_indices = @transform_2, window_bounds = array<i64: 1, 1024, 128>}]} {
    %eq3A = arith.constant 0 : i32
    %eq3A_0 = arith.cmpi eq, %arg0, %eq3A : i32
    %convert_element_type3A = arith.extui %eq3A_0 : i1 to i32
    %cond3A = arith.constant 0 : i32
    %cond3A_1 = arith.cmpi ne, %convert_element_type3A, %cond3A : i32
    scf.if %cond3A_1 {
      %swap3A = arith.constant 0.000000e+00 : f32
      %swap3A_10 = arith.constant 0 : index
      %swap3A_11 = memref.load %arg4[%swap3A_10] : memref<1xf32, #tpu.memory_space<smem>>
      memref.store %swap3A, %arg4[%swap3A_10] : memref<1xf32, #tpu.memory_space<smem>>
    } else {
    }
    %lt3A = arith.constant 16 : i32
    %lt3A_2 = arith.cmpi slt, %arg0, %lt3A : i32
    %convert_element_type3A_3 = arith.extui %lt3A_2 : i1 to i32
    %cond3A_4 = arith.constant 0 : i32
    %cond3A_5 = arith.cmpi ne, %convert_element_type3A_3, %cond3A_4 : i32
    scf.if %cond3A_5 {
      %get3A = arith.constant 0 : index
      %get3A_10 = memref.load %arg4[%get3A] : memref<1xf32, #tpu.memory_space<smem>>
      %get3A_11 = arith.constant 0 : index
      %get3A_12 = arith.constant 0 : index
      %get3A_13 = arith.constant 0 : index
      %get3A_14 = vector.load %arg2[%get3A_11, %get3A_12, %get3A_13] : memref<1x2048x128xi32, #tpu.memory_space<vmem>>, vector<1x2048x128xi32>
      %get3A_15 = vector.shape_cast %get3A_14 : vector<1x2048x128xi32> to vector<2048x128xi32>
      %convert_element_type3A_16 = arith.sitofp %get3A_15 : vector<2048x128xi32> to vector<2048x128xf32>
      %reduce_sum3A = vector.shape_cast %convert_element_type3A_16 : vector<2048x128xf32> to vector<1x2048x128xf32>
      %reduce_sum3A_17 = arith.constant dense<0.000000e+00> : vector<1xf32>
      %reduce_sum3A_18 = vector.multi_reduction <add>, %reduce_sum3A, %reduce_sum3A_17 [1, 2] : vector<1x2048x128xf32> to vector<1xf32>
      %reduce_sum3A_19 = vector.shape_cast %reduce_sum3A_18 : vector<1xf32> to vector<1x1x1xf32>
      %reduce_sum3A_20 = vector.extract %reduce_sum3A_19[0, 0, 0] : f32 from vector<1x1x1xf32>
      %add3A = arith.addf %get3A_10, %reduce_sum3A_20 : f32
      %swap3A = arith.constant 0 : index
      %swap3A_21 = memref.load %arg4[%swap3A] : memref<1xf32, #tpu.memory_space<smem>>
      memref.store %add3A, %arg4[%swap3A] : memref<1xf32, #tpu.memory_space<smem>>
    } else {
    }
    %ge3A = arith.constant 16 : i32
    %ge3A_6 = arith.cmpi sge, %arg0, %ge3A : i32
    %convert_element_type3A_7 = arith.extui %ge3A_6 : i1 to i32
    %cond3A_8 = arith.constant 0 : i32
    %cond3A_9 = arith.cmpi ne, %convert_element_type3A_7, %cond3A_8 : i32
    scf.if %cond3A_9 {
      %get3A = arith.constant 0 : index
      %get3A_10 = memref.load %arg4[%get3A] : memref<1xf32, #tpu.memory_space<smem>>
      %sub3A = arith.constant 0x4A800000 : f32
      %sub3A_11 = arith.subf %sub3A, %get3A_10 : f32
      %div3A = arith.constant 0x4A800000 : f32
      %div3A_12 = arith.divf %sub3A_11, %div3A : f32
      %div3A_13 = arith.constant 0x4A800000 : f32
      %div3A_14 = arith.divf %get3A_10, %div3A_13 : f32
      %get3A_15 = arith.constant 0 : index
      %get3A_16 = arith.constant 0 : index
      %get3A_17 = arith.constant 0 : index
      %get3A_18 = arith.constant 0 : index
      %get3A_19 = vector.load %arg1[%get3A_15, %get3A_16, %get3A_17, %get3A_18] : memref<1x2x2048x128xf32, #tpu.memory_space<vmem>>, vector<1x1x2048x128xf32>
      %get3A_20 = vector.shape_cast %get3A_19 : vector<1x1x2048x128xf32> to vector<2048x128xf32>
      %get3A_21 = arith.constant 0 : index
      %get3A_22 = arith.constant 1 : index
      %get3A_23 = arith.constant 0 : index
      %get3A_24 = arith.constant 0 : index
      %get3A_25 = vector.load %arg1[%get3A_21, %get3A_22, %get3A_23, %get3A_24] : memref<1x2x2048x128xf32, #tpu.memory_space<vmem>>, vector<1x1x2048x128xf32>
      %get3A_26 = vector.shape_cast %get3A_25 : vector<1x1x2048x128xf32> to vector<2048x128xf32>
      %get3A_27 = arith.constant 0 : index
      %get3A_28 = arith.constant 0 : index
      %get3A_29 = arith.constant 0 : index
      %get3A_30 = vector.load %arg2[%get3A_27, %get3A_28, %get3A_29] : memref<1x2048x128xi32, #tpu.memory_space<vmem>>, vector<1x2048x128xi32>
      %get3A_31 = vector.shape_cast %get3A_30 : vector<1x2048x128xi32> to vector<2048x128xi32>
      %sub3A_32 = arith.subf %get3A_20, %get3A_26 : vector<2048x128xf32>
      %eq3A_33 = arith.constant 1 : i32
      %eq3A_34 = vector.broadcast %eq3A_33 : i32 to vector<2048x128xi32>
      %eq3A_35 = arith.cmpi eq, %get3A_31, %eq3A_34 : vector<2048x128xi32>
      %neg3A = arith.constant 0.000000e+00 : f32
      %neg3A_36 = vector.broadcast %neg3A : f32 to vector<2048x128xf32>
      %neg3A_37 = arith.subf %neg3A_36, %sub3A_32 : vector<2048x128xf32>
      %select_n3A = arith.select %eq3A_35, %sub3A_32, %neg3A_37 : vector<2048x128xi1>, vector<2048x128xf32>
      %max3A = arith.constant 0.000000e+00 : f32
      %max3A_38 = vector.broadcast %max3A : f32 to vector<2048x128xf32>
      %max3A_39 = arith.maximumf %select_n3A, %max3A_38 : vector<2048x128xf32>
      %abs3A = math.absf %select_n3A : vector<2048x128xf32>
      %neg3A_40 = arith.constant 0.000000e+00 : f32
      %neg3A_41 = vector.broadcast %neg3A_40 : f32 to vector<2048x128xf32>
      %neg3A_42 = arith.subf %neg3A_41, %abs3A : vector<2048x128xf32>
      %exp3A = math.exp %neg3A_42 : vector<2048x128xf32>
      %log1p3A = math.log1p %exp3A : vector<2048x128xf32>
      %add3A = arith.addf %max3A_39, %log1p3A : vector<2048x128xf32>
      %eq3A_43 = arith.constant 1 : i32
      %eq3A_44 = vector.broadcast %eq3A_43 : i32 to vector<2048x128xi32>
      %eq3A_45 = arith.cmpi eq, %get3A_31, %eq3A_44 : vector<2048x128xi32>
      %broadcast_in_dim3A = vector.broadcast %div3A_12 : f32 to vector<2048x128xf32>
      %broadcast_in_dim3A_46 = vector.broadcast %div3A_14 : f32 to vector<2048x128xf32>
      %select_n3A_47 = arith.select %eq3A_45, %broadcast_in_dim3A, %broadcast_in_dim3A_46 : vector<2048x128xi1>, vector<2048x128xf32>
      %mul3A = arith.mulf %select_n3A_47, %add3A : vector<2048x128xf32>
      %convert_element_type3A_48 = arith.truncf %mul3A : vector<2048x128xf32> to vector<2048x128xbf16>
      %reshape3A = vector.shape_cast %convert_element_type3A_48 : vector<2048x128xbf16> to vector<1024x2x128xbf16>
      %slice3A = vector.extract_strided_slice %reshape3A {offsets = [0, 0, 0], sizes = [1024, 1, 128], strides = [1, 1, 1]} : vector<1024x2x128xbf16> to vector<1024x1x128xbf16>
      %squeeze3A = vector.shape_cast %slice3A : vector<1024x1x128xbf16> to vector<1024x128xbf16>
      %bitcast_convert_type3A = tpu.bitcast %squeeze3A : vector<1024x128xbf16> -> vector<1024x128xi16>
      %slice3A_49 = vector.extract_strided_slice %reshape3A {offsets = [0, 1, 0], sizes = [1024, 1, 128], strides = [1, 1, 1]} : vector<1024x2x128xbf16> to vector<1024x1x128xbf16>
      %squeeze3A_50 = vector.shape_cast %slice3A_49 : vector<1024x1x128xbf16> to vector<1024x128xbf16>
      %bitcast_convert_type3A_51 = tpu.bitcast %squeeze3A_50 : vector<1024x128xbf16> -> vector<1024x128xi16>
      %convert_element_type3A_52 = arith.extsi %bitcast_convert_type3A : vector<1024x128xi16> to vector<1024x128xi32>
      %and3A = arith.constant 65535 : i32
      %and3A_53 = vector.broadcast %and3A : i32 to vector<1024x128xi32>
      %and3A_54 = arith.andi %convert_element_type3A_52, %and3A_53 : vector<1024x128xi32>
      %convert_element_type3A_55 = arith.extsi %bitcast_convert_type3A_51 : vector<1024x128xi16> to vector<1024x128xi32>
      %and3A_56 = arith.constant 65535 : i32
      %and3A_57 = vector.broadcast %and3A_56 : i32 to vector<1024x128xi32>
      %and3A_58 = arith.andi %convert_element_type3A_55, %and3A_57 : vector<1024x128xi32>
      %shift_left3A = arith.constant 16 : i32
      %shift_left3A_59 = vector.broadcast %shift_left3A : i32 to vector<1024x128xi32>
      %shift_left3A_60 = arith.shli %and3A_58, %shift_left3A_59 : vector<1024x128xi32>
      %or3A = arith.ori %shift_left3A_60, %and3A_54 : vector<1024x128xi32>
      %swap3A = arith.constant 0 : index
      %swap3A_61 = arith.constant 0 : index
      %swap3A_62 = arith.constant 0 : index
      %swap3A_63 = vector.load %arg3[%swap3A, %swap3A_61, %swap3A_62] : memref<1x1024x128xi32, #tpu.memory_space<vmem>>, vector<1x1024x128xi32>
      %swap3A_64 = vector.shape_cast %swap3A_63 : vector<1x1024x128xi32> to vector<1024x128xi32>
      %swap3A_65 = vector.shape_cast %or3A : vector<1024x128xi32> to vector<1x1024x128xi32>
      tpu.vector_store %arg3[%swap3A, %swap3A_61, %swap3A_62], %swap3A_65 {strides = array<i32>} : memref<1x1024x128xi32, #tpu.memory_space<vmem>>, vector<1x1024x128xi32>,
    } else {
    }
    return
  }
  func.func @transform_0(%arg0: i32) -> (i32, i32, i32, i32) {
    %lt3A = arith.constant 16 : i32
    %lt3A_0 = arith.cmpi slt, %arg0, %lt3A : i32
    %sub3A = arith.constant 16 : i32
    %sub3A_1 = arith.subi %arg0, %sub3A : i32
    %jit3A = arith.constant 0 : i32
    %select_n3A = arith.select %lt3A_0, %jit3A, %sub3A_1 : i32
    %c0_i32 = arith.constant 0 : i32
    %c0_i32_2 = arith.constant 0 : i32
    %c0_i32_3 = arith.constant 0 : i32
    %c0_i32_4 = arith.constant 0 : i32
    return %select_n3A, %c0_i32, %c0_i32_2, %c0_i32_3 : i32, i32, i32, i32
  }
  func.func @transform_1(%arg0: i32) -> (i32, i32, i32) {
    %lt3A = arith.constant 16 : i32
    %lt3A_0 = arith.cmpi slt, %arg0, %lt3A : i32
    %sub3A = arith.constant 16 : i32
    %sub3A_1 = arith.subi %arg0, %sub3A : i32
    %select_n3A = arith.select %lt3A_0, %arg0, %sub3A_1 : i32
    %c0_i32 = arith.constant 0 : i32
    %c0_i32_2 = arith.constant 0 : i32
    %c0_i32_3 = arith.constant 0 : i32
    return %select_n3A, %c0_i32, %c0_i32_2 : i32, i32, i32
  }
  func.func @transform_2(%arg0: i32) -> (i32, i32, i32) {
    %lt3A = arith.constant 16 : i32
    %lt3A_0 = arith.cmpi slt, %arg0, %lt3A : i32
    %sub3A = arith.constant 16 : i32
    %sub3A_1 = arith.subi %arg0, %sub3A : i32
    %jit3A = arith.constant 0 : i32
    %select_n3A = arith.select %lt3A_0, %jit3A, %sub3A_1 : i32
    %c0_i32 = arith.constant 0 : i32
    %c0_i32_2 = arith.constant 0 : i32
    %c0_i32_3 = arith.constant 0 : i32
    return %select_n3A, %c0_i32, %c0_i32_2 : i32, i32, i32
  }
}

</mosaic_0001>

<sc_bundles>
// kernel: kernel.4.cloned.1.call-start
scs
__scs_entry_jumppad:
0x0: {  	(pc) =	sbr.rel $0x88, $3  }
0x1: {  	(tag) =	ssettag $0x0;
	lr =	simm.s32 $0x1  }
0x2: {  	[smem:$0x3F9E] =	sst lr;
	_ =	strace $0xD0000000  }
0x3: {  	_ = 	snop  }
0x4: {  	_ = 	snop  }
0x5: {  	_ = 	snop  }
0x6: {  	_ = 	snop  }
0x7: {  	_ = 	snop  }
__scs_overlays_trampoline_lowered:
0x8: {  	[smem:$0x3FAD] =	sst s0  }
0x9: {  	[smem:$0x3FAE] =	sst s1  }
0xa: {  	[smem:$0x3FAF] =	sst s2  }
0xb: {  	[smem:$0x3FB0] =	sst s3  }
0xc: {  	[smem:$0x3FB1] =	sst s4  }
0xd: {  	[smem:$0x3FB2] =	sst s5  }
0xe: {  	[smem:$0x3FB3] =	sst s6  }
0xf: {  	[smem:$0x3FB4] =	sst s7  }
0x10: {  	[smem:$0x3FB5] =	sst s8  }
0x11: {  	[smem:$0x3FB6] =	sst s9;
	s0 =	simm.s32 @!p0 $0x0  }
0x12: {  	s1 =	sld [smem:$0x3F9C];
	s0 =	simm.s32 @p0 $0x1  }
0x13: {  	[smem:$0x3FB7] =	sst s0;
	s0 =	simm.s32 @!p1 $0x0  }
0x14: {  	s2 =	sld [smem:$0x3F9B];
	s0 =	simm.s32 @p1 $0x1  }
0x15: {  	[smem:$0x3FB8] =	sst s0;
	s0 =	simm.s32 @!p2 $0x0  }
0x16: {  	s3 =	sld [smem:$0x3FDB];
	s0 =	simm.s32 @p2 $0x1  }
0x17: {  	s4 =	simm.s32 $0x1BF5;
	[smem:$0x3FBA] =	sst s0  }
0x18: {  	s0 =	sld [smem:$0x3F9D];
	_ =	swait.ge [sflag:s4], $0x0  }
0x19: {  	s7 =	sld [smem:$0x3F9E]  }
0x1a: {  	s8 =	sadd.s32 $0xFFFFE003, lr  }
0x1b: {  	s9 =	sadd.s32 $0xFFFFFEF7, lr;
	s5 =	simm.s32 $0xFFFFFFFF;
	p2 =	slt.u32 s8, $0xFFFFF086  }
0x1c: {  	p1 =	slt.u32 s9, $0xF7A;
	s5 =	simm.s32 @!p2 $0x0  }
0x1d: {  	s5 =	simm.s32 @p1 $0x1;
	p0 =	seq.s32 s7, s2  }
0x1e: {  	s7 =	smul.u32 @!p0 $0xF7A, s2;
	p2 =	seq.s32 @!p0 s5, $0x0  }
0x1f: {  	s9 =	smul.u32 $0xF7A, s1;
	s8 =	simm.s32 @!p0 $0x1BF5;
	p2 =	por !p2, p0  }
0x20: {  	[sflag:s8] =	ssyncset.s32 @!p0 $0xFFFFF086;
	s6 =	sadd.s32 @!p0 s3, s7;
	s7 =	simm.s32 @!p0 $0x108  }
0x21: {  	s3 =	sadd.s32 s3, s9;
	s6 =	sadd.s32 @!p0 $0x88, s6;
	s7 =	simm.s32 @p2 $0x1082  }
0x22: {  	[simem:s7], [sflag:s8] =	dma.local @!p0 [hbm:s6], $0xF7A  }
0x23: {  	s9 =	sor.u32 $0xD0000000, s2;
	s6 =	simm.s32 $0x108;
	_ =	swait.ge @!p0 [sflag:s8], $0x0  }
0x24: {  	s3 =	sadd.s32 $0x88, s3;
	s6 =	simm.s32 @!p1 $0x1082;
	[sflag:s4] =	ssyncset.s32 $0xFFFFF086  }
0x25: {  	[simem:s6], [sflag:s4] =	dma.local [hbm:s3], $0xF7A  }
0x26: {  	[smem:$0x3F9E] =	sst s1;
	(tag) =	ssettag s2;
	_ =	strace s9  }
0x27: {  	s1 =	sld [smem:$0x3FAE]  }
0x28: {  	s2 =	sld [smem:$0x3FAF]  }
0x29: {  	s4 =	sld [smem:$0x3FB1]  }
0x2a: {  	p0 =	seq.s32 s5, $0x0;
	s5 =	sld [smem:$0x3FB2]  }
0x2b: {  	s6 =	sld [smem:$0x3FB3]  }
0x2c: {  	s7 =	sld [smem:$0x3FB4]  }
0x2d: {  	s3 =	simm.s32 $0x108;
	s8 =	sld [smem:$0x3FB5]  }
0x2e: {  	s3 =	simm.s32 @!p0 $0x1082;
	s9 =	sld [smem:$0x3FB6]  }
0x2f: {  	lr =	sadd.s32 s0, s3;
	s0 =	sld [smem:$0x3FAD]  }
0x30: {  	s3 =	sld [smem:$0x3FB0]  }
0x31: {  	[smem:$0x3FB9] =	sst s10  }
0x32: {  	s10 =	sld [smem:$0x3FB7];
	_ =	sdelay $0x3  }
0x33: {  	p0 =	seq.s32 s10, $0x1;
	s10 =	sld [smem:$0x3FB9];
	_ =	sdelay $0x3  }
0x34: {  	[smem:$0x3FB9] =	sst s10  }
0x35: {  	s10 =	sld [smem:$0x3FB8];
	_ =	sdelay $0x3  }
0x36: {  	p1 =	seq.s32 s10, $0x1;
	s10 =	sld [smem:$0x3FB9];
	_ =	sdelay $0x3  }
0x37: {  	[smem:$0x3FB9] =	sst s10  }
0x38: {  	s10 =	sld [smem:$0x3FBA]  }
0x39: {  	_ = 	snop;
	(pc) =	sbr.ind lr, $3  }
0x3a: {  	_ = 	snop  }
0x3b: {  	_ = 	snop  }
0x3c: {  	p2 =	seq.s32 s10, $0x1;
	s10 =	sld [smem:$0x3FB9]  }
0x3d: {  	_ =	shalt  }
0x3e: {  	_ =	shalt  }
0x3f: {  	_ =	shalt  }
0x40: {  	_ =	shalt  }
0x41: {  	_ =	shalt  }
0x42: {  	_ =	shalt  }
0x43: {  	_ =	shalt  }
0x44: {  	_ =	shalt  }
0x45: {  	_ =	shalt  }
0x46: {  	_ =	shalt  }
0x47: {  	_ =	shalt  }
0x48: {  	_ =	shalt  }
0x49: {  	_ =	shalt  }
0x4a: {  	_ =	shalt  }
0x4b: {  	_ =	shalt  }
0x4c: {  	_ =	shalt  }
0x4d: {  	_ =	shalt  }
0x4e: {  	_ =	shalt  }
0x4f: {  	_ =	shalt  }
0x50: {  	_ =	shalt  }
0x51: {  	_ =	shalt  }
0x52: {  	_ =	shalt  }
0x53: {  	_ =	shalt  }
0x54: {  	_ =	shalt  }
0x55: {  	_ =	shalt  }
0x56: {  	_ =	shalt  }
0x57: {  	_ =	shalt  }
0x58: {  	_ =	shalt  }
0x59: {  	_ =	shalt  }
0x5a: {  	_ =	shalt  }
0x5b: {  	_ =	shalt  }
0x5c: {  	_ =	shalt  }
0x5d: {  	_ =	shalt  }
0x5e: {  	_ =	shalt  }
0x5f: {  	_ =	shalt  }
0x60: {  	_ =	shalt  }
0x61: {  	_ =	shalt  }
0x62: {  	_ =	shalt  }
0x63: {  	_ =	shalt  }
0x64: {  	_ =	shalt  }
0x65: {  	_ =	shalt  }
0x66: {  	_ =	shalt  }
0x67: {  	_ =	shalt  }
0x68: {  	_ =	shalt  }
0x69: {  	_ =	shalt  }
0x6a: {  	_ =	shalt  }
0x6b: {  	_ =	shalt  }
0x6c: {  	_ =	shalt  }
0x6d: {  	_ =	shalt  }
0x6e: {  	_ =	shalt  }
0x6f: {  	_ =	shalt  }
0x70: {  	_ =	shalt  }
0x71: {  	_ =	shalt  }
0x72: {  	_ =	shalt  }
0x73: {  	_ =	shalt  }
0x74: {  	_ =	shalt  }
0x75: {  	_ =	shalt  }
0x76: {  	_ =	shalt  }
0x77: {  	_ =	shalt  }
0x78: {  	_ =	shalt  }
0x79: {  	_ =	shalt  }
0x7a: {  	_ =	shalt  }
0x7b: {  	_ =	shalt  }
0x7c: {  	_ =	shalt  }
0x7d: {  	_ =	shalt  }
0x7e: {  	_ =	shalt  }
0x7f: {  	_ =	shalt  }
0x80: {  	_ =	shalt  }
0x81: {  	_ =	shalt  }
0x82: {  	_ =	shalt  }
0x83: {  	_ =	shalt  }
0x84: {  	_ =	shalt  }
0x85: {  	_ =	shalt  }
0x86: {  	_ =	shalt  }
0x87: {  	_ =	shalt  }
.Lfunc_end0:
.L_simem_size_0:
called_computation_lowered:
.L_overlay_start_0:
0x88: {  	s2 =	sld [smem:$0x3FD9]  }
0x89: {  	s3 =	sld [smem:$0x3FFE];
	_ =	sdelay $0x1  }
0x8a: {  	s1 =	srdreg.scid  }
0x8b: {  	s0 =	sand.u32 $0x1, s1  }
0x8c: {  	s16 =	sshll.u32 s0, $0xA;
	s2 =	sadd.s32 s3, s2  }
0x8d: {  	s2 =	sadd.s32 s2, s16  }
0x8e: {  	[smem:$0x3FC5] =	sst s2  }
0x8f: {  	_ = 	snop  }
0x90: {  	(tm) =	ssettm $0x1  }
0x91: {  	s17 =	sld [smem:$0x3FFB];
	_ =	sdelay $0x3  }
0x92: {  	_ =	strace s17  }
0x93: {  	s2 =	sld [smem:$0x3FFC];
	_ =	sdelay $0x3  }
0x94: {  	_ =	strace s2  }
0x95: {  	s2 =	sld [smem:$0x3FFD];
	_ =	sdelay $0x3  }
0x96: {  	_ =	strace s2  }
0x97: {  	_ =	strace $0x8FFFFFFF  }
0x98: {  	s18 =	sld [smem:$0x3FDB];
	_ =	sdelay $0x1  }
0x99: {  	s19 =	simm.s32 $_scs_section_size  }
0x9a: {  	s4 =	simm.s32 $_size__tile_overlayer_lowered;
	s5 =	simm.s32 $_tile_overlayer_lowered  }
0x9b: {  	s22 =	simm.s32 $0x1BFF;
	s21 =	sshll.u32 s5, $0x1;
	s2 =	sadd.s32 s19, s18  }
0x9c: {  	s6 =	simm.s32 $0x0;
	s20 =	sshll.u32 s4, $0x1;
	s4 =	sadd.s32 s21, s2  }
0x9d: {  	[timem:s6], [sflag:s22] =	dma.local [hbm:s4], s20  }
0x9e: {  	_ =	swait.ge [sflag:s22], s20  }
0x9f: {  	s3 =	ssub.s32 $0x0, s20;
	[sflag:s22] =	ssyncset.done $0x0  }
0xa0: {  	[sflag:s22] =	ssyncadd.s32 s3;
	_ =	sdelay $0x1  }
0xa1: {  	s23 =	simm.s32 $0x1B8B  }
0xa2: {  	_ =	swait.ge [sflag:s23], $0x1  }
0xa3: {  	[sflag:s23] =	ssyncset.done $0x0  }
0xa4: {  	s25 =	simm.s32 $0x1B8E;
	s24 =	sld [smem:$0x3FFE];
	[sflag:s23] =	ssyncadd.s32 $0xFFFFFFFF  }
0xa5: {  	s26 =	simm.s32 $execute0_lowered;
	[smem:$0x3FD2] =	sst s25  }
0xa6: {  	s4 =	sshll.u32 s26, $0x1;
	_ =	strace $0x80000046;
	[dreg:$0x1] =	wrdreg $0xFFFFFFFF  }
0xa7: {  	s28 =	simm.s32 $_size_execute0_lowered;
	s2 =	sadd.s32 s2, s4;
	[dreg:$0x0] =	wrdreg $0x0  }
0xa8: {  	s4 =	sshll.u32 s28, $0x1;
	[dreg:$0x2] =	wrdreg s2  }
0xa9: {  	[dreg:$0x3] =	wrdreg s4  }
0xaa: {  	[dreg:$0x4] =	wrdreg $0xC0  }
0xab: {  	_ =	task [dreg:s6], $0x5FFFF  }
0xac: {  	[dreg:$0x1] =	wrdreg $0xFFFFFFFF  }
0xad: {  	[dreg:$0x0] =	wrdreg $0x60  }
0xae: {  	[dreg:$0x2] =	wrdreg s24  }
0xaf: {  	[dreg:$0x3] =	wrdreg $0x62000  }
0xb0: {  	[dreg:$0x4] =	wrdreg $0x72000  }
0xb1: {  	[dreg:$0x5] =	wrdreg $0x9  }
0xb2: {  	_ =	task.clear_ibuf [dreg:s6], $0x6FFFF;
	_ =	strace $0x90000046  }
0xb3: {  	s29 =	simm.s32 $0x9;
	_ =	strace $0x80000048  }
0xb4: {  	_ =	swait.ge [sflag:s29], $0x1  }
0xb5: {  	[sflag:s29] =	ssyncadd.s32 $0xFFFFFFFF  }
0xb6: {  	_ =	strace $0x90000048  }
0xb7: {  	_ =	sfence  }
0xb8: {  	s30 =	sld [smem:$0x0];
	_ =	sdelay $0x2  }
0xb9: {  	s31 =	sshll.u32 s1, $0xD;
	s1 =	sshrl.u32 s1, $0x2  }
0xba: {  	s3 =	sand.u32 $0x4000, s31;
	s1 =	sadd.s32 s1, s30  }
0xbb: {  	s0 =	sor.u32 s3, s0;
	s1 =	sshll.u32 s1, $0x11  }
0xbc: {  	s0 =	sor.u32 s1, s0  }
0xbd: {  	s0 =	sadd.s32 $0x8F2B, s0  }
0xbe: {  	[sflag:s0] =	ssyncadd.remote.s32 $0x1  }
0xbf: {  	_ =	sfence.sel $0xFFFF  }
0xc0: {  	[dreg:$0x0] =	wrdreg $0xFFFFFFFF;
	(pc) =	sbr.abs _section_cstart, $3  }
0xc1: {  	[dreg:$0x1] =	wrdreg $0xFFFFFFFF  }
0xc2: {  	_ =	task.clear_ibuf [dreg:s6], $0x2FFFF;
	_ =	strace $0x9FFFFFFF  }
0xc3: {  	(tm) =	ssettm $0x7FFFFFFF  }
tec
execute0_lowered:
.L_overlay_start_1:
0x0: {  	(tag) =	ssettag $0x1  }
0x1: {  	s1 =	rddreg [dreg:$0x0]  }
0x2: {  	s2 =	rddreg [dreg:$0x1]  }
0x3: {  	s3 =	rddreg [dreg:$0x2];
	s0 =	srdreg.scid  }
0x4: {  	s9 =	stileid.u32;
	s12 =	simm.s32 $0x0;
	s4 =	sand.u32 $0x1, s0  }
0x5: {  	s5 =	sshrl.u32 s9, $0x1;
	s14 =	sand.u32 $0x1, s9;
	[smem:$0x7FF] =	sst s12  }
0x6: {  	s25 =	sshll.u32 s9, $0x7;
	s6 =	sshll.u32 s4, $0x11;
	s7 =	sshll.u32 s5, $0xE  }
0x7: {  	s16 =	sshll.u32 s14, $0xD;
	_ =	strace $0x80000047;
	s17 =	sshll.u32 s4, $0x7  }
0x8: {  	s4 =	ssub.s32 $0x2, s4;
	s8 =	sshll.u32 s14, $0x1;
	s5 =	sshll.u32 s5, $0x4  }
0x9: {  	p0 =	sne.s32 s14, $0x0;
	s6 =	sor.u32 s7, s6;
	s18 =	sshrl.u32 s4, $0x1  }
0xa: {  	s8 =	ssub.s32 s9, s8;
	s9 =	sshrl.u32 s9, $0x3;
	s6 =	sor.u32 s16, s6  }
0xb: {  	s4 =	ssub.s32 s4, s18;
	s19 =	sadd.s32 $0x1, s8;
	s11 =	sshll.u32 s9, $0xF  }
0xc: {  	s29 =	sshll.u32 s9, $0xB;
	s18 =	simm.s32 $0x2000;
	s6 =	sadd.s32 s6, s1  }
0xd: {  	s1 =	sadd.s32 s17, s1;
	s26 =	sshrl.u32 s19, $0x3;
	s7 =	sshll.u32 s19, $0x7  }
0xe: {  	s11 =	sadd.s32 s11, s2;
	s8 =	sadd.s32 s29, s3;
	s31 =	smax.u32 s4, $0x1  }
0xf: {  	s17 =	simm.s32 $0x1;
	s20 =	sadd.s32 $0xC00, s6;
	[dreg:$0x11] =	wrdreg s31  }
0x10: {  	s19 =	simm.s32 $0x4000;
	s21 =	sadd.s32 $0x1000, s6;
	[dreg:$0x6] =	wrdreg s20  }
0x11: {  	s15 =	sadd.s32 $0x400, s6;
	s22 =	sadd.s32 $0x1400, s6;
	[dreg:$0x7] =	wrdreg s21  }
0x12: {  	s16 =	sadd.s32 $0x800, s6;
	s23 =	sadd.s32 $0x1800, s6;
	[dreg:$0x8] =	wrdreg s22  }
0x13: {  	s24 =	sadd.s32 $0x1C00, s6;
	s6 =	sadd.s32 $0x2000, s6;
	[dreg:$0x9] =	wrdreg s23  }
0x14: {  	s10 =	sshll.u32 s26, $0x11;
	s7 =	sand.u32 $0x380, s7;
	[dreg:$0xa] =	wrdreg s24  }
0x15: {  	s28 =	sshll.u32 s26, $0xD;
	s1 =	sadd.s32 s5, s1;
	[dreg:$0xb] =	wrdreg s6  }
0x16: {  	s6 =	sand.u32 $0x380, s25;
	s10 =	sshra.s32 s10, $0x2;
	[dreg:$0x4] =	wrdreg s15  }
0x17: {  	s1 =	sadd.s32 $0x40400, s1;
	[dreg:$0x5] =	wrdreg s16;
	s2 =	sadd.s32 s10, s2  }
0x18: {  	v0 =	vlaneseq.u32;
	s10 =	sadd.s32 s6, s11;
	s30 =	sadd.s32 s6, s8;
	[dreg:$0x10] =	wrdreg s1  }
0x19: {  	v2 =	vmul.u32 $0xFFFFFFFF, v0;
	s11 =	sadd.s32 s7, s2;
	s2 =	sshra.s32 s28, $0x2;
	[dreg:$0xe] =	wrdreg s30  }
0x1a: {  	s24 =	simm.s32 $0x6000;
	[dreg:$0xc] =	wrdreg s10;
	s2 =	sadd.s32 s2, s3  }
0x1b: {  	v21 =	vadd.s32 $0xF, v2;
	s8 =	simm.s32 $0x5000;
	[dreg:$0xd] =	wrdreg s11;
	s2 =	sadd.s32 s7, s2  }
0x1c: {  	v1 =	vimm.s32 $0x1;
	v0 =	vimm.s32 $0x0;
	[tilespmem:$0x1FFF0] =	vst v21;
	s7 =	simm.s32 $0x2;
	[dreg:$0xf] =	wrdreg s2;
	s2 =	simm.s32 $0x0  }
.LBB2_1:
0x1d: {  	s0 =	simm.s32 $0x40;
	s1 =	simm.s32 $0x0  }
.LBB2_2:
0x1e: {  	p1 =	sne.s32 s0, $0x3FC0;
	[tilespmem:s1+$0x4000] =	vst v0;
	s1 =	smov.u32 s0;
	s0 =	sadd.s32 $0x40, s0  }
.Ltmp0:
0x1f: {  	(pc) =	sbr.rel @p1 .LBB2_2-.Ltmp0, $2  }
0x20: {  	_ =	sdelay $0x2  }
0x21: {  	s1 =	sshra.s32 s1, $0x2  }
0x22: {  	[tilespmem:s1+$0x4000] =	vst v0  }
0x23: {  	[tilespmem:s12], [sflag:$0x1] =	stream.linear.gather [hbm4b:s15+s12], $0x2000, $0x38;
	[tilespmem:$0x7300] =	vst v63  }
0x24: {  	_ =	swait.ge [sflag:s17], $0x2000  }
0x25: {  	[sflag:s17] =	ssyncset.done $0x0  }
0x26: {  	s0 =	simm.s32 $0x40;
	[sflag:s17] =	ssyncadd.s32 $0xFFFFE000  }
0x27: {  	[tilespmem:s18], [sflag:$0x1] =	stream.linear.gather [hbm4b:s16+s12], $0x2000, $0x38;
	[tilespmem:$0x7300] =	vst v63  }
0x28: {  	v4 =	vld [tilespmem:s0+$0x30]  }
0x29: {  	v5 =	vld [tilespmem:s0+$0xFFFFFFD0];
	_ =	sdelay $0x2  }
0x2a: {  	v6 =	vld [tilespmem:s0+$0xFFFFFFE0]  }
0x2b: {  	v7 =	vshrl.u32 v4, $0x3  }
0x2c: {  	v8 =	vld [tilespmem:s0+$0xFFFFFFF0];
	v9 =	vshrl.u32 v5, $0x3;
	v7 =	vand.u32 $0x1FFF, v7  }
0x2d: {  	v10 =	vld [tilespmem:s0+$0xFFFFFFC0];
	v9 =	vand.u32 $0x1FFF, v9  }
0x2e: {  	v11 =	vld [tilespmem:s0+$0x0];
	v4 =	vshrl.u32 v4, $0x13  }
0x2f: {  	v12 =	vld [tilespmem:s0+$0x10];
	v5 =	vshrl.u32 v5, $0x13;
	v13 =	vshrl.u32 v6, $0x3  }
0x30: {  	v14 =	vld [tilespmem:s0+$0x20];
	v13 =	vand.u32 $0x1FFF, v13  }
0x31: {  	v6 =	vshrl.u32 v6, $0x13;
	v15 =	vshrl.u32 v8, $0x3;
	[tilespmem:v7+s19+$0x0] =	vst.idx.add.s32.msk $0xffff, v1  }
0x32: {  	v61 =	vshrl.u32 v10, $0x3;
	v7 =	vand.u32 $0x1FFF, v15;
	[tilespmem:v9+s19+$0x0] =	vst.idx.add.s32.msk $0xffff, v1  }
0x33: {  	[tilespmem:v4+s19+$0x0] =	vst.idx.add.s32.msk $0xffff, v1;
	v4 =	vand.u32 $0x1FFF, v61  }
0x34: {  	[tilespmem:v5+s19+$0x0] =	vst.idx.add.s32.msk $0xffff, v1;
	v5 =	vshrl.u32 v8, $0x13  }
0x35: {  	v62 =	vshrl.u32 v10, $0x13;
	[tilespmem:v13+s19+$0x0] =	vst.idx.add.s32.msk $0xffff, v1;
	v8 =	vshrl.u32 v11, $0x3  }
0x36: {  	[tilespmem:v6+s19+$0x0] =	vst.idx.add.s32.msk $0xffff, v1;
	v8 =	vand.u32 $0x1FFF, v8  }
0x37: {  	v63 =	vshrl.u32 v12, $0x3;
	v6 =	vshrl.u32 v11, $0x13;
	[tilespmem:v7+s19+$0x0] =	vst.idx.add.s32.msk $0xffff, v1  }
0x38: {  	v7 =	vand.u32 $0x1FFF, v63;
	[tilespmem:v4+s19+$0x0] =	vst.idx.add.s32.msk $0xffff, v1  }
0x39: {  	[tilespmem:v5+s19+$0x0] =	vst.idx.add.s32.msk $0xffff, v1  }
0x3a: {  	[tilespmem:v62+s19+$0x0] =	vst.idx.add.s32.msk $0xffff, v1  }
0x3b: {  	[tilespmem:v8+s19+$0x0] =	vst.idx.add.s32.msk $0xffff, v1  }
0x3c: {  	v5 =	vshrl.u32 v14, $0x3;
	[tilespmem:v6+s19+$0x0] =	vst.idx.add.s32.msk $0xffff, v1  }
0x3d: {  	s1 =	simm.s32 $0xC0;
	s0 =	simm.s32 $0x0;
	v4 =	vshrl.u32 v12, $0x13;
	v5 =	vand.u32 $0x1FFF, v5;
	v6 =	vshrl.u32 v14, $0x13;
	[tilespmem:v7+s19+$0x0] =	vst.idx.add.s32.msk $0xffff, v1  }
.LBB2_4:
0x3e: {  	v7 =	vld [tilespmem:s1+$0x30]  }
0x3f: {  	s0 =	sadd.s32 $0x80, s0;
	v8 =	vld [tilespmem:s1+$0xFFFFFFD0]  }
0x40: {  	p1 =	slt.u32 s0, $0x1F80;
	v9 =	vld [tilespmem:s1+$0xFFFFFFE0]  }
0x41: {  	v10 =	vld [tilespmem:s1+$0xFFFFFFF0]  }
0x42: {  	v11 =	vld [tilespmem:s1+$0x0]  }
0x43: {  	v12 =	vld [tilespmem:s1+$0x10];
	v13 =	vshrl.u32 v7, $0x3  }
0x44: {  	v14 =	vshrl.u32 v8, $0x3;
	v8 =	vshrl.u32 v8, $0x13;
	v15 =	vld [tilespmem:s1+$0x20];
	v13 =	vand.u32 $0x1FFF, v13  }
0x45: {  	v7 =	vshrl.u32 v7, $0x13;
	v16 =	vld [tilespmem:s1+$0xFFFFFFC0];
	v14 =	vand.u32 $0x1FFF, v14;
	v17 =	vshrl.u32 v9, $0x3  }
0x46: {  	v9 =	vshrl.u32 v9, $0x13;
	v17 =	vand.u32 $0x1FFF, v17;
	v18 =	vshrl.u32 v10, $0x3;
	[tilespmem:v4+s19+$0x0] =	vst.idx.add.s32.msk $0xffff, v1  }
0x47: {  	v10 =	vshrl.u32 v10, $0x13;
	v18 =	vand.u32 $0x1FFF, v18;
	v4 =	vshrl.u32 v11, $0x3;
	[tilespmem:v5+s19+$0x0] =	vst.idx.add.s32.msk $0xffff, v1  }
0x48: {  	v11 =	vshrl.u32 v11, $0x13;
	v19 =	vand.u32 $0x1FFF, v4;
	v4 =	vshrl.u32 v12, $0x3;
	[tilespmem:v6+s19+$0x0] =	vst.idx.add.s32.msk $0xffff, v1  }
0x49: {  	v20 =	vand.u32 $0x1FFF, v4;
	v4 =	vshrl.u32 v12, $0x13;
	v5 =	vshrl.u32 v15, $0x3;
	[tilespmem:v13+s19+$0x0] =	vst.idx.add.s32.msk $0xffff, v1  }
0x4a: {  	v6 =	vshrl.u32 v16, $0x3;
	v12 =	vshrl.u32 v16, $0x13;
	v5 =	vand.u32 $0x1FFF, v5;
	[tilespmem:v7+s19+$0x0] =	vst.idx.add.s32.msk $0xffff, v1  }
0x4b: {  	v7 =	vand.u32 $0x1FFF, v6;
	[tilespmem:v14+s19+$0x0] =	vst.idx.add.s32.msk $0xffff, v1;
	v6 =	vshrl.u32 v15, $0x13  }
0x4c: {  	[tilespmem:v8+s19+$0x0] =	vst.idx.add.s32.msk $0xffff, v1  }
0x4d: {  	[tilespmem:v17+s19+$0x0] =	vst.idx.add.s32.msk $0xffff, v1  }
0x4e: {  	[tilespmem:v9+s19+$0x0] =	vst.idx.add.s32.msk $0xffff, v1  }
0x4f: {  	[tilespmem:v18+s19+$0x0] =	vst.idx.add.s32.msk $0xffff, v1  }
0x50: {  	[tilespmem:v7+s19+$0x0] =	vst.idx.add.s32.msk $0xffff, v1  }
.Ltmp1:
0x51: {  	[tilespmem:v12+s19+$0x0] =	vst.idx.add.s32.msk $0xffff, v1;
	(pc) =	sbr.rel @p1 .LBB2_4-.Ltmp1, $4  }
0x52: {  	[tilespmem:v10+s19+$0x0] =	vst.idx.add.s32.msk $0xffff, v1  }
0x53: {  	[tilespmem:v19+s19+$0x0] =	vst.idx.add.s32.msk $0xffff, v1  }
0x54: {  	[tilespmem:v11+s19+$0x0] =	vst.idx.add.s32.msk $0xffff, v1  }
0x55: {  	s1 =	sadd.s32 $0x80, s1;
	[tilespmem:v20+s19+$0x0] =	vst.idx.add.s32.msk $0xffff, v1  }
0x56: {  	_ =	sdelay $0x3  }
0x57: {  	[tilespmem:v4+s19+$0x0] =	vst.idx.add.s32.msk $0xffff, v1  }
0x58: {  	[tilespmem:v5+s19+$0x0] =	vst.idx.add.s32.msk $0xffff, v1  }
0x59: {  	[tilespmem:v6+s19+$0x0] =	vst.idx.add.s32.msk $0xffff, v1  }
0x5a: {  	_ =	swait.ge [sflag:s17], $0x2000  }
0x5b: {  	[sflag:s17] =	ssyncset.done $0x0  }
0x5c: {  	s31 =	simm.s32 $0x2070;
	s0 =	rddreg [dreg:$0x6];
	[sflag:s17] =	ssyncadd.s32 $0xFFFFE000  }
0x5d: {  	[tilespmem:s12], [sflag:$0x1] =	stream.linear.gather [hbm4b:s0+s12], $0x2000, $0x38;
	[tilespmem:$0x7300] =	vst v63  }
0x5e: {  	v4 =	vld [tilespmem:s31+$0x0]  }
0x5f: {  	v5 =	vld [tilespmem:s31+$0xFFFFFFA0];
	_ =	sdelay $0x2  }
0x60: {  	v6 =	vld [tilespmem:s31+$0xFFFFFFB0]  }
0x61: {  	v7 =	vshrl.u32 v4, $0x3  }
0x62: {  	v8 =	vld [tilespmem:s31+$0xFFFFFFC0];
	v9 =	vshrl.u32 v5, $0x3;
	v7 =	vand.u32 $0x1FFF, v7  }
0x63: {  	v10 =	vld [tilespmem:s31+$0xFFFFFF90];
	v9 =	vand.u32 $0x1FFF, v9  }
0x64: {  	v11 =	vld [tilespmem:s31+$0xFFFFFFD0];
	v4 =	vshrl.u32 v4, $0x13  }
0x65: {  	v12 =	vld [tilespmem:s31+$0xFFFFFFE0];
	v5 =	vshrl.u32 v5, $0x13;
	v13 =	vshrl.u32 v6, $0x3  }
0x66: {  	v14 =	vld [tilespmem:s31+$0xFFFFFFF0];
	v13 =	vand.u32 $0x1FFF, v13  }
0x67: {  	v6 =	vshrl.u32 v6, $0x13;
	v15 =	vshrl.u32 v8, $0x3;
	[tilespmem:v7+s19+$0x0] =	vst.idx.add.s32.msk $0xffff, v1  }
0x68: {  	v61 =	vshrl.u32 v10, $0x3;
	v7 =	vand.u32 $0x1FFF, v15;
	[tilespmem:v9+s19+$0x0] =	vst.idx.add.s32.msk $0xffff, v1  }
0x69: {  	[tilespmem:v4+s19+$0x0] =	vst.idx.add.s32.msk $0xffff, v1;
	v4 =	vand.u32 $0x1FFF, v61  }
0x6a: {  	[tilespmem:v5+s19+$0x0] =	vst.idx.add.s32.msk $0xffff, v1;
	v5 =	vshrl.u32 v8, $0x13  }
0x6b: {  	v62 =	vshrl.u32 v10, $0x13;
	[tilespmem:v13+s19+$0x0] =	vst.idx.add.s32.msk $0xffff, v1;
	v8 =	vshrl.u32 v11, $0x3  }
0x6c: {  	[tilespmem:v6+s19+$0x0] =	vst.idx.add.s32.msk $0xffff, v1;
	v8 =	vand.u32 $0x1FFF, v8  }
0x6d: {  	v63 =	vshrl.u32 v12, $0x3;
	v6 =	vshrl.u32 v11, $0x13;
	[tilespmem:v7+s19+$0x0] =	vst.idx.add.s32.msk $0xffff, v1  }
0x6e: {  	v7 =	vand.u32 $0x1FFF, v63;
	[tilespmem:v4+s19+$0x0] =	vst.idx.add.s32.msk $0xffff, v1  }
0x6f: {  	[tilespmem:v5+s19+$0x0] =	vst.idx.add.s32.msk $0xffff, v1  }
0x70: {  	[tilespmem:v62+s19+$0x0] =	vst.idx.add.s32.msk $0xffff, v1  }
0x71: {  	[tilespmem:v8+s19+$0x0] =	vst.idx.add.s32.msk $0xffff, v1  }
0x72: {  	v5 =	vshrl.u32 v14, $0x3;
	[tilespmem:v6+s19+$0x0] =	vst.idx.add.s32.msk $0xffff, v1  }
0x73: {  	s1 =	simm.s32 $0x20F0;
	s0 =	simm.s32 $0x0;
	v4 =	vshrl.u32 v12, $0x13;
	v5 =	vand.u32 $0x1FFF, v5;
	v6 =	vshrl.u32 v14, $0x13;
	[tilespmem:v7+s19+$0x0] =	vst.idx.add.s32.msk $0xffff, v1  }
.LBB2_6:
0x74: {  	v7 =	vld [tilespmem:s1+$0x0]  }
0x75: {  	s0 =	sadd.s32 $0x80, s0;
	v8 =	vld [tilespmem:s1+$0xFFFFFFA0]  }
0x76: {  	p1 =	slt.u32 s0, $0x1F80;
	v9 =	vld [tilespmem:s1+$0xFFFFFFB0]  }
0x77: {  	v10 =	vld [tilespmem:s1+$0xFFFFFFC0]  }
0x78: {  	v11 =	vld [tilespmem:s1+$0xFFFFFFD0]  }
0x79: {  	v12 =	vld [tilespmem:s1+$0xFFFFFFE0];
	v13 =	vshrl.u32 v7, $0x3  }
0x7a: {  	v14 =	vshrl.u32 v8, $0x3;
	v8 =	vshrl.u32 v8, $0x13;
	v15 =	vld [tilespmem:s1+$0xFFFFFFF0];
	v13 =	vand.u32 $0x1FFF, v13  }
0x7b: {  	v7 =	vshrl.u32 v7, $0x13;
	v16 =	vld [tilespmem:s1+$0xFFFFFF90];
	v14 =	vand.u32 $0x1FFF, v14;
	v17 =	vshrl.u32 v9, $0x3  }
0x7c: {  	v9 =	vshrl.u32 v9, $0x13;
	v17 =	vand.u32 $0x1FFF, v17;
	v18 =	vshrl.u32 v10, $0x3;
	[tilespmem:v4+s19+$0x0] =	vst.idx.add.s32.msk $0xffff, v1  }
0x7d: {  	v10 =	vshrl.u32 v10, $0x13;
	v18 =	vand.u32 $0x1FFF, v18;
	v4 =	vshrl.u32 v11, $0x3;
	[tilespmem:v5+s19+$0x0] =	vst.idx.add.s32.msk $0xffff, v1  }
0x7e: {  	v11 =	vshrl.u32 v11, $0x13;
	v19 =	vand.u32 $0x1FFF, v4;
	v4 =	vshrl.u32 v12, $0x3;
	[tilespmem:v6+s19+$0x0] =	vst.idx.add.s32.msk $0xffff, v1  }
0x7f: {  	v20 =	vand.u32 $0x1FFF, v4;
	v4 =	vshrl.u32 v12, $0x13;
	v5 =	vshrl.u32 v15, $0x3;
	[tilespmem:v13+s19+$0x0] =	vst.idx.add.s32.msk $0xffff, v1  }
0x80: {  	v6 =	vshrl.u32 v16, $0x3;
	v12 =	vshrl.u32 v16, $0x13;
	v5 =	vand.u32 $0x1FFF, v5;
	[tilespmem:v7+s19+$0x0] =	vst.idx.add.s32.msk $0xffff, v1  }
0x81: {  	v7 =	vand.u32 $0x1FFF, v6;
	[tilespmem:v14+s19+$0x0] =	vst.idx.add.s32.msk $0xffff, v1;
	v6 =	vshrl.u32 v15, $0x13  }
0x82: {  	[tilespmem:v8+s19+$0x0] =	vst.idx.add.s32.msk $0xffff, v1  }
0x83: {  	[tilespmem:v17+s19+$0x0] =	vst.idx.add.s32.msk $0xffff, v1  }
0x84: {  	[tilespmem:v9+s19+$0x0] =	vst.idx.add.s32.msk $0xffff, v1  }
0x85: {  	[tilespmem:v18+s19+$0x0] =	vst.idx.add.s32.msk $0xffff, v1  }
0x86: {  	[tilespmem:v7+s19+$0x0] =	vst.idx.add.s32.msk $0xffff, v1  }
.Ltmp2:
0x87: {  	[tilespmem:v12+s19+$0x0] =	vst.idx.add.s32.msk $0xffff, v1;
	(pc) =	sbr.rel @p1 .LBB2_6-.Ltmp2, $4  }
0x88: {  	[tilespmem:v10+s19+$0x0] =	vst.idx.add.s32.msk $0xffff, v1  }
0x89: {  	[tilespmem:v19+s19+$0x0] =	vst.idx.add.s32.msk $0xffff, v1  }
0x8a: {  	[tilespmem:v11+s19+$0x0] =	vst.idx.add.s32.msk $0xffff, v1  }
0x8b: {  	s1 =	sadd.s32 $0x80, s1;
	[tilespmem:v20+s19+$0x0] =	vst.idx.add.s32.msk $0xffff, v1  }
0x8c: {  	_ =	sdelay $0x3  }
0x8d: {  	[tilespmem:v4+s19+$0x0] =	vst.idx.add.s32.msk $0xffff, v1  }
0x8e: {  	[tilespmem:v5+s19+$0x0] =	vst.idx.add.s32.msk $0xffff, v1  }
0x8f: {  	[tilespmem:v6+s19+$0x0] =	vst.idx.add.s32.msk $0xffff, v1  }
0x90: {  	_ =	swait.ge [sflag:s17], $0x2000  }
0x91: {  	[sflag:s17] =	ssyncset.done $0x0  }
0x92: {  	s31 =	simm.s32 $0x40;
	s0 =	rddreg [dreg:$0x7];
	[sflag:s17] =	ssyncadd.s32 $0xFFFFE000  }
0x93: {  	[tilespmem:s18], [sflag:$0x1] =	stream.linear.gather [hbm4b:s0+s12], $0x2000, $0x38;
	[tilespmem:$0x7300] =	vst v63  }
0x94: {  	v4 =	vld [tilespmem:s31+$0x30]  }
0x95: {  	v5 =	vld [tilespmem:s31+$0xFFFFFFD0];
	_ =	sdelay $0x2  }
0x96: {  	v6 =	vld [tilespmem:s31+$0xFFFFFFE0]  }
0x97: {  	v7 =	vshrl.u32 v4, $0x3  }
0x98: {  	v8 =	vld [tilespmem:s31+$0xFFFFFFF0];
	v9 =	vshrl.u32 v5, $0x3;
	v7 =	vand.u32 $0x1FFF, v7  }
0x99: {  	v10 =	vld [tilespmem:s31+$0xFFFFFFC0];
	v9 =	vand.u32 $0x1FFF, v9  }
0x9a: {  	v11 =	vld [tilespmem:s31+$0x0];
	v4 =	vshrl.u32 v4, $0x13  }
0x9b: {  	v12 =	vld [tilespmem:s31+$0x10];
	v5 =	vshrl.u32 v5, $0x13;
	v13 =	vshrl.u32 v6, $0x3  }
0x9c: {  	v14 =	vld [tilespmem:s31+$0x20];
	v13 =	vand.u32 $0x1FFF, v13  }
0x9d: {  	v6 =	vshrl.u32 v6, $0x13;
	v15 =	vshrl.u32 v8, $0x3;
	[tilespmem:v7+s19+$0x0] =	vst.idx.add.s32.msk $0xffff, v1  }
0x9e: {  	v61 =	vshrl.u32 v10, $0x3;
	v7 =	vand.u32 $0x1FFF, v15;
	[tilespmem:v9+s19+$0x0] =	vst.idx.add.s32.msk $0xffff, v1  }
0x9f: {  	[tilespmem:v4+s19+$0x0] =	vst.idx.add.s32.msk $0xffff, v1;
	v4 =	vand.u32 $0x1FFF, v61  }
0xa0: {  	[tilespmem:v5+s19+$0x0] =	vst.idx.add.s32.msk $0xffff, v1;
	v5 =	vshrl.u32 v8, $0x13  }
0xa1: {  	v62 =	vshrl.u32 v10, $0x13;
	[tilespmem:v13+s19+$0x0] =	vst.idx.add.s32.msk $0xffff, v1;
	v8 =	vshrl.u32 v11, $0x3  }
0xa2: {  	[tilespmem:v6+s19+$0x0] =	vst.idx.add.s32.msk $0xffff, v1;
	v8 =	vand.u32 $0x1FFF, v8  }
0xa3: {  	v63 =	vshrl.u32 v12, $0x3;
	v6 =	vshrl.u32 v11, $0x13;
	[tilespmem:v7+s19+$0x0] =	vst.idx.add.s32.msk $0xffff, v1  }
0xa4: {  	v7 =	vand.u32 $0x1FFF, v63;
	[tilespmem:v4+s19+$0x0] =	vst.idx.add.s32.msk $0xffff, v1  }
0xa5: {  	[tilespmem:v5+s19+$0x0] =	vst.idx.add.s32.msk $0xffff, v1  }
0xa6: {  	[tilespmem:v62+s19+$0x0] =	vst.idx.add.s32.msk $0xffff, v1  }
0xa7: {  	[tilespmem:v8+s19+$0x0] =	vst.idx.add.s32.msk $0xffff, v1  }
0xa8: {  	v5 =	vshrl.u32 v14, $0x3;
	[tilespmem:v6+s19+$0x0] =	vst.idx.add.s32.msk $0xffff, v1  }
0xa9: {  	s1 =	simm.s32 $0xC0;
	s0 =	simm.s32 $0x0;
	v4 =	vshrl.u32 v12, $0x13;
	v5 =	vand.u32 $0x1FFF, v5;
	v6 =	vshrl.u32 v14, $0x13;
	[tilespmem:v7+s19+$0x0] =	vst.idx.add.s32.msk $0xffff, v1  }
.LBB2_8:
0xaa: {  	v7 =	vld [tilespmem:s1+$0x30]  }
0xab: {  	s0 =	sadd.s32 $0x80, s0;
	v8 =	vld [tilespmem:s1+$0xFFFFFFD0]  }
0xac: {  	p1 =	slt.u32 s0, $0x1F80;
	v9 =	vld [tilespmem:s1+$0xFFFFFFE0]  }
0xad: {  	v10 =	vld [tilespmem:s1+$0xFFFFFFF0]  }
0xae: {  	v11 =	vld [tilespmem:s1+$0x0]  }
0xaf: {  	v12 =	vld [tilespmem:s1+$0x10];
	v13 =	vshrl.u32 v7, $0x3  }
0xb0: {  	v14 =	vshrl.u32 v8, $0x3;
	v8 =	vshrl.u32 v8, $0x13;
	v15 =	vld [tilespmem:s1+$0x20];
	v13 =	vand.u32 $0x1FFF, v13  }
0xb1: {  	v7 =	vshrl.u32 v7, $0x13;
	v16 =	vld [tilespmem:s1+$0xFFFFFFC0];
	v14 =	vand.u32 $0x1FFF, v14;
	v17 =	vshrl.u32 v9, $0x3  }
0xb2: {  	v9 =	vshrl.u32 v9, $0x13;
	v17 =	vand.u32 $0x1FFF, v17;
	v18 =	vshrl.u32 v10, $0x3;
	[tilespmem:v4+s19+$0x0] =	vst.idx.add.s32.msk $0xffff, v1  }
0xb3: {  	v10 =	vshrl.u32 v10, $0x13;
	v18 =	vand.u32 $0x1FFF, v18;
	v4 =	vshrl.u32 v11, $0x3;
	[tilespmem:v5+s19+$0x0] =	vst.idx.add.s32.msk $0xffff, v1  }
0xb4: {  	v11 =	vshrl.u32 v11, $0x13;
	v19 =	vand.u32 $0x1FFF, v4;
	v4 =	vshrl.u32 v12, $0x3;
	[tilespmem:v6+s19+$0x0] =	vst.idx.add.s32.msk $0xffff, v1  }
0xb5: {  	v20 =	vand.u32 $0x1FFF, v4;
	v4 =	vshrl.u32 v12, $0x13;
	v5 =	vshrl.u32 v15, $0x3;
	[tilespmem:v13+s19+$0x0] =	vst.idx.add.s32.msk $0xffff, v1  }
0xb6: {  	v6 =	vshrl.u32 v16, $0x3;
	v12 =	vshrl.u32 v16, $0x13;
	v5 =	vand.u32 $0x1FFF, v5;
	[tilespmem:v7+s19+$0x0] =	vst.idx.add.s32.msk $0xffff, v1  }
0xb7: {  	v7 =	vand.u32 $0x1FFF, v6;
	[tilespmem:v14+s19+$0x0] =	vst.idx.add.s32.msk $0xffff, v1;
	v6 =	vshrl.u32 v15, $0x13  }
0xb8: {  	[tilespmem:v8+s19+$0x0] =	vst.idx.add.s32.msk $0xffff, v1  }
0xb9: {  	[tilespmem:v17+s19+$0x0] =	vst.idx.add.s32.msk $0xffff, v1  }
0xba: {  	[tilespmem:v9+s19+$0x0] =	vst.idx.add.s32.msk $0xffff, v1  }
0xbb: {  	[tilespmem:v18+s19+$0x0] =	vst.idx.add.s32.msk $0xffff, v1  }
0xbc: {  	[tilespmem:v7+s19+$0x0] =	vst.idx.add.s32.msk $0xffff, v1  }
.Ltmp3:
0xbd: {  	[tilespmem:v12+s19+$0x0] =	vst.idx.add.s32.msk $0xffff, v1;
	(pc) =	sbr.rel @p1 .LBB2_8-.Ltmp3, $4  }
0xbe: {  	[tilespmem:v10+s19+$0x0] =	vst.idx.add.s32.msk $0xffff, v1  }
0xbf: {  	[tilespmem:v19+s19+$0x0] =	vst.idx.add.s32.msk $0xffff, v1  }
0xc0: {  	[tilespmem:v11+s19+$0x0] =	vst.idx.add.s32.msk $0xffff, v1  }
0xc1: {  	s1 =	sadd.s32 $0x80, s1;
	[tilespmem:v20+s19+$0x0] =	vst.idx.add.s32.msk $0xffff, v1  }
0xc2: {  	_ =	sdelay $0x3  }
0xc3: {  	[tilespmem:v4+s19+$0x0] =	vst.idx.add.s32.msk $0xffff, v1  }
0xc4: {  	[tilespmem:v5+s19+$0x0] =	vst.idx.add.s32.msk $0xffff, v1  }
0xc5: {  	[tilespmem:v6+s19+$0x0] =	vst.idx.add.s32.msk $0xffff, v1  }
0xc6: {  	_ =	swait.ge [sflag:s17], $0x2000  }
0xc7: {  	[sflag:s17] =	ssyncset.done $0x0  }
0xc8: {  	s31 =	simm.s32 $0x2070;
	s0 =	rddreg [dreg:$0x8];
	[sflag:s17] =	ssyncadd.s32 $0xFFFFE000  }
0xc9: {  	[tilespmem:s12], [sflag:$0x1] =	stream.linear.gather [hbm4b:s0+s12], $0x2000, $0x38;
	[tilespmem:$0x7300] =	vst v63  }
0xca: {  	v4 =	vld [tilespmem:s31+$0x0]  }
0xcb: {  	v5 =	vld [tilespmem:s31+$0xFFFFFFA0];
	_ =	sdelay $0x2  }
0xcc: {  	v6 =	vld [tilespmem:s31+$0xFFFFFFB0]  }
0xcd: {  	v7 =	vshrl.u32 v4, $0x3  }
0xce: {  	v8 =	vld [tilespmem:s31+$0xFFFFFFC0];
	v9 =	vshrl.u32 v5, $0x3;
	v7 =	vand.u32 $0x1FFF, v7  }
0xcf: {  	v10 =	vld [tilespmem:s31+$0xFFFFFF90];
	v9 =	vand.u32 $0x1FFF, v9  }
0xd0: {  	v11 =	vld [tilespmem:s31+$0xFFFFFFD0];
	v4 =	vshrl.u32 v4, $0x13  }
0xd1: {  	v12 =	vld [tilespmem:s31+$0xFFFFFFE0];
	v5 =	vshrl.u32 v5, $0x13;
	v13 =	vshrl.u32 v6, $0x3  }
0xd2: {  	v14 =	vld [tilespmem:s31+$0xFFFFFFF0];
	v13 =	vand.u32 $0x1FFF, v13  }
0xd3: {  	v6 =	vshrl.u32 v6, $0x13;
	v15 =	vshrl.u32 v8, $0x3;
	[tilespmem:v7+s19+$0x0] =	vst.idx.add.s32.msk $0xffff, v1  }
0xd4: {  	v61 =	vshrl.u32 v10, $0x3;
	v7 =	vand.u32 $0x1FFF, v15;
	[tilespmem:v9+s19+$0x0] =	vst.idx.add.s32.msk $0xffff, v1  }
0xd5: {  	[tilespmem:v4+s19+$0x0] =	vst.idx.add.s32.msk $0xffff, v1;
	v4 =	vand.u32 $0x1FFF, v61  }
0xd6: {  	[tilespmem:v5+s19+$0x0] =	vst.idx.add.s32.msk $0xffff, v1;
	v5 =	vshrl.u32 v8, $0x13  }
0xd7: {  	v62 =	vshrl.u32 v10, $0x13;
	[tilespmem:v13+s19+$0x0] =	vst.idx.add.s32.msk $0xffff, v1;
	v8 =	vshrl.u32 v11, $0x3  }
0xd8: {  	[tilespmem:v6+s19+$0x0] =	vst.idx.add.s32.msk $0xffff, v1;
	v8 =	vand.u32 $0x1FFF, v8  }
0xd9: {  	v63 =	vshrl.u32 v12, $0x3;
	v6 =	vshrl.u32 v11, $0x13;
	[tilespmem:v7+s19+$0x0] =	vst.idx.add.s32.msk $0xffff, v1  }
0xda: {  	v7 =	vand.u32 $0x1FFF, v63;
	[tilespmem:v4+s19+$0x0] =	vst.idx.add.s32.msk $0xffff, v1  }
0xdb: {  	[tilespmem:v5+s19+$0x0] =	vst.idx.add.s32.msk $0xffff, v1  }
0xdc: {  	[tilespmem:v62+s19+$0x0] =	vst.idx.add.s32.msk $0xffff, v1  }
0xdd: {  	[tilespmem:v8+s19+$0x0] =	vst.idx.add.s32.msk $0xffff, v1  }
0xde: {  	v5 =	vshrl.u32 v14, $0x3;
	[tilespmem:v6+s19+$0x0] =	vst.idx.add.s32.msk $0xffff, v1  }
0xdf: {  	s1 =	simm.s32 $0x20F0;
	s0 =	simm.s32 $0x0;
	v4 =	vshrl.u32 v12, $0x13;
	v5 =	vand.u32 $0x1FFF, v5;
	v6 =	vshrl.u32 v14, $0x13;
	[tilespmem:v7+s19+$0x0] =	vst.idx.add.s32.msk $0xffff, v1  }
.LBB2_10:
0xe0: {  	v7 =	vld [tilespmem:s1+$0x0]  }
0xe1: {  	s0 =	sadd.s32 $0x80, s0;
	v8 =	vld [tilespmem:s1+$0xFFFFFFA0]  }
0xe2: {  	p1 =	slt.u32 s0, $0x1F80;
	v9 =	vld [tilespmem:s1+$0xFFFFFFB0]  }
0xe3: {  	v10 =	vld [tilespmem:s1+$0xFFFFFFC0]  }
0xe4: {  	v11 =	vld [tilespmem:s1+$0xFFFFFFD0]  }
0xe5: {  	v12 =	vld [tilespmem:s1+$0xFFFFFFE0];
	v13 =	vshrl.u32 v7, $0x3  }
0xe6: {  	v14 =	vshrl.u32 v8, $0x3;
	v8 =	vshrl.u32 v8, $0x13;
	v15 =	vld [tilespmem:s1+$0xFFFFFFF0];
	v13 =	vand.u32 $0x1FFF, v13  }
0xe7: {  	v7 =	vshrl.u32 v7, $0x13;
	v16 =	vld [tilespmem:s1+$0xFFFFFF90];
	v14 =	vand.u32 $0x1FFF, v14;
	v17 =	vshrl.u32 v9, $0x3  }
0xe8: {  	v9 =	vshrl.u32 v9, $0x13;
	v17 =	vand.u32 $0x1FFF, v17;
	v18 =	vshrl.u32 v10, $0x3;
	[tilespmem:v4+s19+$0x0] =	vst.idx.add.s32.msk $0xffff, v1  }
0xe9: {  	v10 =	vshrl.u32 v10, $0x13;
	v18 =	vand.u32 $0x1FFF, v18;
	v4 =	vshrl.u32 v11, $0x3;
	[tilespmem:v5+s19+$0x0] =	vst.idx.add.s32.msk $0xffff, v1  }
0xea: {  	v11 =	vshrl.u32 v11, $0x13;
	v19 =	vand.u32 $0x1FFF, v4;
	v4 =	vshrl.u32 v12, $0x3;
	[tilespmem:v6+s19+$0x0] =	vst.idx.add.s32.msk $0xffff, v1  }
0xeb: {  	v20 =	vand.u32 $0x1FFF, v4;
	v4 =	vshrl.u32 v12, $0x13;
	v5 =	vshrl.u32 v15, $0x3;
	[tilespmem:v13+s19+$0x0] =	vst.idx.add.s32.msk $0xffff, v1  }
0xec: {  	v6 =	vshrl.u32 v16, $0x3;
	v12 =	vshrl.u32 v16, $0x13;
	v5 =	vand.u32 $0x1FFF, v5;
	[tilespmem:v7+s19+$0x0] =	vst.idx.add.s32.msk $0xffff, v1  }
0xed: {  	v7 =	vand.u32 $0x1FFF, v6;
	[tilespmem:v14+s19+$0x0] =	vst.idx.add.s32.msk $0xffff, v1;
	v6 =	vshrl.u32 v15, $0x13  }
0xee: {  	[tilespmem:v8+s19+$0x0] =	vst.idx.add.s32.msk $0xffff, v1  }
0xef: {  	[tilespmem:v17+s19+$0x0] =	vst.idx.add.s32.msk $0xffff, v1  }
0xf0: {  	[tilespmem:v9+s19+$0x0] =	vst.idx.add.s32.msk $0xffff, v1  }
0xf1: {  	[tilespmem:v18+s19+$0x0] =	vst.idx.add.s32.msk $0xffff, v1  }
0xf2: {  	[tilespmem:v7+s19+$0x0] =	vst.idx.add.s32.msk $0xffff, v1  }
.Ltmp4:
0xf3: {  	[tilespmem:v12+s19+$0x0] =	vst.idx.add.s32.msk $0xffff, v1;
	(pc) =	sbr.rel @p1 .LBB2_10-.Ltmp4, $4  }
0xf4: {  	[tilespmem:v10+s19+$0x0] =	vst.idx.add.s32.msk $0xffff, v1  }
0xf5: {  	[tilespmem:v19+s19+$0x0] =	vst.idx.add.s32.msk $0xffff, v1  }
0xf6: {  	[tilespmem:v11+s19+$0x0] =	vst.idx.add.s32.msk $0xffff, v1  }
0xf7: {  	s1 =	sadd.s32 $0x80, s1;
	[tilespmem:v20+s19+$0x0] =	vst.idx.add.s32.msk $0xffff, v1  }
0xf8: {  	_ =	sdelay $0x3  }
0xf9: {  	[tilespmem:v4+s19+$0x0] =	vst.idx.add.s32.msk $0xffff, v1  }
0xfa: {  	[tilespmem:v5+s19+$0x0] =	vst.idx.add.s32.msk $0xffff, v1  }
0xfb: {  	[tilespmem:v6+s19+$0x0] =	vst.idx.add.s32.msk $0xffff, v1  }
0xfc: {  	_ =	swait.ge [sflag:s17], $0x2000  }
0xfd: {  	[sflag:s17] =	ssyncset.done $0x0  }
0xfe: {  	s31 =	simm.s32 $0x40;
	s0 =	rddreg [dreg:$0x9];
	[sflag:s17] =	ssyncadd.s32 $0xFFFFE000  }
0xff: {  	[tilespmem:s18], [sflag:$0x1] =	stream.linear.gather [hbm4b:s0+s12], $0x2000, $0x38;
	[tilespmem:$0x7300] =	vst v63  }
0x100: {  	v4 =	vld [tilespmem:s31+$0x30]  }
0x101: {  	v5 =	vld [tilespmem:s31+$0xFFFFFFD0];
	_ =	sdelay $0x2  }
0x102: {  	v6 =	vld [tilespmem:s31+$0xFFFFFFE0]  }
0x103: {  	v7 =	vshrl.u32 v4, $0x3  }
0x104: {  	v8 =	vld [tilespmem:s31+$0xFFFFFFF0];
	v9 =	vshrl.u32 v5, $0x3;
	v7 =	vand.u32 $0x1FFF, v7  }
0x105: {  	v10 =	vld [tilespmem:s31+$0xFFFFFFC0];
	v9 =	vand.u32 $0x1FFF, v9  }
0x106: {  	v11 =	vld [tilespmem:s31+$0x0];
	v4 =	vshrl.u32 v4, $0x13  }
0x107: {  	v12 =	vld [tilespmem:s31+$0x10];
	v5 =	vshrl.u32 v5, $0x13;
	v13 =	vshrl.u32 v6, $0x3  }
0x108: {  	v14 =	vld [tilespmem:s31+$0x20];
	v13 =	vand.u32 $0x1FFF, v13  }
0x109: {  	v6 =	vshrl.u32 v6, $0x13;
	v15 =	vshrl.u32 v8, $0x3;
	[tilespmem:v7+s19+$0x0] =	vst.idx.add.s32.msk $0xffff, v1  }
0x10a: {  	v61 =	vshrl.u32 v10, $0x3;
	v7 =	vand.u32 $0x1FFF, v15;
	[tilespmem:v9+s19+$0x0] =	vst.idx.add.s32.msk $0xffff, v1  }
0x10b: {  	[tilespmem:v4+s19+$0x0] =	vst.idx.add.s32.msk $0xffff, v1;
	v4 =	vand.u32 $0x1FFF, v61  }
0x10c: {  	[tilespmem:v5+s19+$0x0] =	vst.idx.add.s32.msk $0xffff, v1;
	v5 =	vshrl.u32 v8, $0x13  }
0x10d: {  	v62 =	vshrl.u32 v10, $0x13;
	[tilespmem:v13+s19+$0x0] =	vst.idx.add.s32.msk $0xffff, v1;
	v8 =	vshrl.u32 v11, $0x3  }
0x10e: {  	[tilespmem:v6+s19+$0x0] =	vst.idx.add.s32.msk $0xffff, v1;
	v8 =	vand.u32 $0x1FFF, v8  }
0x10f: {  	v63 =	vshrl.u32 v12, $0x3;
	v6 =	vshrl.u32 v11, $0x13;
	[tilespmem:v7+s19+$0x0] =	vst.idx.add.s32.msk $0xffff, v1  }
0x110: {  	v7 =	vand.u32 $0x1FFF, v63;
	[tilespmem:v4+s19+$0x0] =	vst.idx.add.s32.msk $0xffff, v1  }
0x111: {  	[tilespmem:v5+s19+$0x0] =	vst.idx.add.s32.msk $0xffff, v1  }
0x112: {  	[tilespmem:v62+s19+$0x0] =	vst.idx.add.s32.msk $0xffff, v1  }
0x113: {  	[tilespmem:v8+s19+$0x0] =	vst.idx.add.s32.msk $0xffff, v1  }
0x114: {  	v5 =	vshrl.u32 v14, $0x3;
	[tilespmem:v6+s19+$0x0] =	vst.idx.add.s32.msk $0xffff, v1  }
0x115: {  	s1 =	simm.s32 $0xC0;
	s0 =	simm.s32 $0x0;
	v4 =	vshrl.u32 v12, $0x13;
	v5 =	vand.u32 $0x1FFF, v5;
	v6 =	vshrl.u32 v14, $0x13;
	[tilespmem:v7+s19+$0x0] =	vst.idx.add.s32.msk $0xffff, v1  }
.LBB2_12:
0x116: {  	v7 =	vld [tilespmem:s1+$0x30]  }
0x117: {  	s0 =	sadd.s32 $0x80, s0;
	v8 =	vld [tilespmem:s1+$0xFFFFFFD0]  }
0x118: {  	p1 =	slt.u32 s0, $0x1F80;
	v9 =	vld [tilespmem:s1+$0xFFFFFFE0]  }
0x119: {  	v10 =	vld [tilespmem:s1+$0xFFFFFFF0]  }
0x11a: {  	v11 =	vld [tilespmem:s1+$0x0]  }
0x11b: {  	v12 =	vld [tilespmem:s1+$0x10];
	v13 =	vshrl.u32 v7, $0x3  }
0x11c: {  	v14 =	vshrl.u32 v8, $0x3;
	v8 =	vshrl.u32 v8, $0x13;
	v15 =	vld [tilespmem:s1+$0x20];
	v13 =	vand.u32 $0x1FFF, v13  }
0x11d: {  	v7 =	vshrl.u32 v7, $0x13;
	v16 =	vld [tilespmem:s1+$0xFFFFFFC0];
	v14 =	vand.u32 $0x1FFF, v14;
	v17 =	vshrl.u32 v9, $0x3  }
0x11e: {  	v9 =	vshrl.u32 v9, $0x13;
	v17 =	vand.u32 $0x1FFF, v17;
	v18 =	vshrl.u32 v10, $0x3;
	[tilespmem:v4+s19+$0x0] =	vst.idx.add.s32.msk $0xffff, v1  }
0x11f: {  	v10 =	vshrl.u32 v10, $0x13;
	v18 =	vand.u32 $0x1FFF, v18;
	v4 =	vshrl.u32 v11, $0x3;
	[tilespmem:v5+s19+$0x0] =	vst.idx.add.s32.msk $0xffff, v1  }
0x120: {  	v11 =	vshrl.u32 v11, $0x13;
	v19 =	vand.u32 $0x1FFF, v4;
	v4 =	vshrl.u32 v12, $0x3;
	[tilespmem:v6+s19+$0x0] =	vst.idx.add.s32.msk $0xffff, v1  }
0x121: {  	v20 =	vand.u32 $0x1FFF, v4;
	v4 =	vshrl.u32 v12, $0x13;
	v5 =	vshrl.u32 v15, $0x3;
	[tilespmem:v13+s19+$0x0] =	vst.idx.add.s32.msk $0xffff, v1  }
0x122: {  	v6 =	vshrl.u32 v16, $0x3;
	v12 =	vshrl.u32 v16, $0x13;
	v5 =	vand.u32 $0x1FFF, v5;
	[tilespmem:v7+s19+$0x0] =	vst.idx.add.s32.msk $0xffff, v1  }
0x123: {  	v7 =	vand.u32 $0x1FFF, v6;
	[tilespmem:v14+s19+$0x0] =	vst.idx.add.s32.msk $0xffff, v1;
	v6 =	vshrl.u32 v15, $0x13  }
0x124: {  	[tilespmem:v8+s19+$0x0] =	vst.idx.add.s32.msk $0xffff, v1  }
0x125: {  	[tilespmem:v17+s19+$0x0] =	vst.idx.add.s32.msk $0xffff, v1  }
0x126: {  	[tilespmem:v9+s19+$0x0] =	vst.idx.add.s32.msk $0xffff, v1  }
0x127: {  	[tilespmem:v18+s19+$0x0] =	vst.idx.add.s32.msk $0xffff, v1  }
0x128: {  	[tilespmem:v7+s19+$0x0] =	vst.idx.add.s32.msk $0xffff, v1  }
.Ltmp5:
0x129: {  	[tilespmem:v12+s19+$0x0] =	vst.idx.add.s32.msk $0xffff, v1;
	(pc) =	sbr.rel @p1 .LBB2_12-.Ltmp5, $4  }
0x12a: {  	[tilespmem:v10+s19+$0x0] =	vst.idx.add.s32.msk $0xffff, v1  }
0x12b: {  	[tilespmem:v19+s19+$0x0] =	vst.idx.add.s32.msk $0xffff, v1  }
0x12c: {  	[tilespmem:v11+s19+$0x0] =	vst.idx.add.s32.msk $0xffff, v1  }
0x12d: {  	s1 =	sadd.s32 $0x80, s1;
	[tilespmem:v20+s19+$0x0] =	vst.idx.add.s32.msk $0xffff, v1  }
0x12e: {  	_ =	sdelay $0x3  }
0x12f: {  	[tilespmem:v4+s19+$0x0] =	vst.idx.add.s32.msk $0xffff, v1  }
0x130: {  	[tilespmem:v5+s19+$0x0] =	vst.idx.add.s32.msk $0xffff, v1  }
0x131: {  	[tilespmem:v6+s19+$0x0] =	vst.idx.add.s32.msk $0xffff, v1  }
0x132: {  	_ =	swait.ge [sflag:s17], $0x2000  }
0x133: {  	[sflag:s17] =	ssyncset.done $0x0  }
0x134: {  	s31 =	simm.s32 $0x2070;
	s0 =	rddreg [dreg:$0xa];
	[sflag:s17] =	ssyncadd.s32 $0xFFFFE000  }
0x135: {  	[tilespmem:s12], [sflag:$0x1] =	stream.linear.gather [hbm4b:s0+s12], $0x2000, $0x38;
	[tilespmem:$0x7300] =	vst v63  }
0x136: {  	v4 =	vld [tilespmem:s31+$0x0]  }
0x137: {  	v5 =	vld [tilespmem:s31+$0xFFFFFFA0];
	_ =	sdelay $0x2  }
0x138: {  	v6 =	vld [tilespmem:s31+$0xFFFFFFB0]  }
0x139: {  	v7 =	vshrl.u32 v4, $0x3  }
0x13a: {  	v8 =	vld [tilespmem:s31+$0xFFFFFFC0];
	v9 =	vshrl.u32 v5, $0x3;
	v7 =	vand.u32 $0x1FFF, v7  }
0x13b: {  	v10 =	vld [tilespmem:s31+$0xFFFFFF90];
	v9 =	vand.u32 $0x1FFF, v9  }
0x13c: {  	v11 =	vld [tilespmem:s31+$0xFFFFFFD0];
	v4 =	vshrl.u32 v4, $0x13  }
0x13d: {  	v12 =	vld [tilespmem:s31+$0xFFFFFFE0];
	v5 =	vshrl.u32 v5, $0x13;
	v13 =	vshrl.u32 v6, $0x3  }
0x13e: {  	v14 =	vld [tilespmem:s31+$0xFFFFFFF0];
	v13 =	vand.u32 $0x1FFF, v13  }
0x13f: {  	v6 =	vshrl.u32 v6, $0x13;
	v15 =	vshrl.u32 v8, $0x3;
	[tilespmem:v7+s19+$0x0] =	vst.idx.add.s32.msk $0xffff, v1  }
0x140: {  	v61 =	vshrl.u32 v10, $0x3;
	v7 =	vand.u32 $0x1FFF, v15;
	[tilespmem:v9+s19+$0x0] =	vst.idx.add.s32.msk $0xffff, v1  }
0x141: {  	[tilespmem:v4+s19+$0x0] =	vst.idx.add.s32.msk $0xffff, v1;
	v4 =	vand.u32 $0x1FFF, v61  }
0x142: {  	[tilespmem:v5+s19+$0x0] =	vst.idx.add.s32.msk $0xffff, v1;
	v5 =	vshrl.u32 v8, $0x13  }
0x143: {  	v62 =	vshrl.u32 v10, $0x13;
	[tilespmem:v13+s19+$0x0] =	vst.idx.add.s32.msk $0xffff, v1;
	v8 =	vshrl.u32 v11, $0x3  }
0x144: {  	[tilespmem:v6+s19+$0x0] =	vst.idx.add.s32.msk $0xffff, v1;
	v8 =	vand.u32 $0x1FFF, v8  }
0x145: {  	v63 =	vshrl.u32 v12, $0x3;
	v6 =	vshrl.u32 v11, $0x13;
	[tilespmem:v7+s19+$0x0] =	vst.idx.add.s32.msk $0xffff, v1  }
0x146: {  	v7 =	vand.u32 $0x1FFF, v63;
	[tilespmem:v4+s19+$0x0] =	vst.idx.add.s32.msk $0xffff, v1  }
0x147: {  	[tilespmem:v5+s19+$0x0] =	vst.idx.add.s32.msk $0xffff, v1  }
0x148: {  	[tilespmem:v62+s19+$0x0] =	vst.idx.add.s32.msk $0xffff, v1  }
0x149: {  	[tilespmem:v8+s19+$0x0] =	vst.idx.add.s32.msk $0xffff, v1  }
0x14a: {  	v5 =	vshrl.u32 v14, $0x3;
	[tilespmem:v6+s19+$0x0] =	vst.idx.add.s32.msk $0xffff, v1  }
0x14b: {  	s1 =	simm.s32 $0x20F0;
	s0 =	simm.s32 $0x0;
	v4 =	vshrl.u32 v12, $0x13;
	v5 =	vand.u32 $0x1FFF, v5;
	v6 =	vshrl.u32 v14, $0x13;
	[tilespmem:v7+s19+$0x0] =	vst.idx.add.s32.msk $0xffff, v1  }
.LBB2_14:
0x14c: {  	v7 =	vld [tilespmem:s1+$0x0]  }
0x14d: {  	s0 =	sadd.s32 $0x80, s0;
	v8 =	vld [tilespmem:s1+$0xFFFFFFA0]  }
0x14e: {  	p1 =	slt.u32 s0, $0x1F80;
	v9 =	vld [tilespmem:s1+$0xFFFFFFB0]  }
0x14f: {  	v10 =	vld [tilespmem:s1+$0xFFFFFFC0]  }
0x150: {  	v11 =	vld [tilespmem:s1+$0xFFFFFFD0]  }
0x151: {  	v12 =	vld [tilespmem:s1+$0xFFFFFFE0];
	v13 =	vshrl.u32 v7, $0x3  }
0x152: {  	v14 =	vshrl.u32 v8, $0x3;
	v8 =	vshrl.u32 v8, $0x13;
	v15 =	vld [tilespmem:s1+$0xFFFFFFF0];
	v13 =	vand.u32 $0x1FFF, v13  }
0x153: {  	v7 =	vshrl.u32 v7, $0x13;
	v16 =	vld [tilespmem:s1+$0xFFFFFF90];
	v14 =	vand.u32 $0x1FFF, v14;
	v17 =	vshrl.u32 v9, $0x3  }
0x154: {  	v9 =	vshrl.u32 v9, $0x13;
	v17 =	vand.u32 $0x1FFF, v17;
	v18 =	vshrl.u32 v10, $0x3;
	[tilespmem:v4+s19+$0x0] =	vst.idx.add.s32.msk $0xffff, v1  }
0x155: {  	v10 =	vshrl.u32 v10, $0x13;
	v18 =	vand.u32 $0x1FFF, v18;
	v4 =	vshrl.u32 v11, $0x3;
	[tilespmem:v5+s19+$0x0] =	vst.idx.add.s32.msk $0xffff, v1  }
0x156: {  	v11 =	vshrl.u32 v11, $0x13;
	v19 =	vand.u32 $0x1FFF, v4;
	v4 =	vshrl.u32 v12, $0x3;
	[tilespmem:v6+s19+$0x0] =	vst.idx.add.s32.msk $0xffff, v1  }
0x157: {  	v20 =	vand.u32 $0x1FFF, v4;
	v4 =	vshrl.u32 v12, $0x13;
	v5 =	vshrl.u32 v15, $0x3;
	[tilespmem:v13+s19+$0x0] =	vst.idx.add.s32.msk $0xffff, v1  }
0x158: {  	v6 =	vshrl.u32 v16, $0x3;
	v12 =	vshrl.u32 v16, $0x13;
	v5 =	vand.u32 $0x1FFF, v5;
	[tilespmem:v7+s19+$0x0] =	vst.idx.add.s32.msk $0xffff, v1  }
0x159: {  	v7 =	vand.u32 $0x1FFF, v6;
	[tilespmem:v14+s19+$0x0] =	vst.idx.add.s32.msk $0xffff, v1;
	v6 =	vshrl.u32 v15, $0x13  }
0x15a: {  	[tilespmem:v8+s19+$0x0] =	vst.idx.add.s32.msk $0xffff, v1  }
0x15b: {  	[tilespmem:v17+s19+$0x0] =	vst.idx.add.s32.msk $0xffff, v1  }
0x15c: {  	[tilespmem:v9+s19+$0x0] =	vst.idx.add.s32.msk $0xffff, v1  }
0x15d: {  	[tilespmem:v18+s19+$0x0] =	vst.idx.add.s32.msk $0xffff, v1  }
0x15e: {  	[tilespmem:v7+s19+$0x0] =	vst.idx.add.s32.msk $0xffff, v1  }
.Ltmp6:
0x15f: {  	[tilespmem:v12+s19+$0x0] =	vst.idx.add.s32.msk $0xffff, v1;
	(pc) =	sbr.rel @p1 .LBB2_14-.Ltmp6, $4  }
0x160: {  	[tilespmem:v10+s19+$0x0] =	vst.idx.add.s32.msk $0xffff, v1  }
0x161: {  	[tilespmem:v19+s19+$0x0] =	vst.idx.add.s32.msk $0xffff, v1  }
0x162: {  	[tilespmem:v11+s19+$0x0] =	vst.idx.add.s32.msk $0xffff, v1  }
0x163: {  	s1 =	sadd.s32 $0x80, s1;
	[tilespmem:v20+s19+$0x0] =	vst.idx.add.s32.msk $0xffff, v1  }
0x164: {  	_ =	sdelay $0x3  }
0x165: {  	[tilespmem:v4+s19+$0x0] =	vst.idx.add.s32.msk $0xffff, v1  }
0x166: {  	[tilespmem:v5+s19+$0x0] =	vst.idx.add.s32.msk $0xffff, v1  }
0x167: {  	[tilespmem:v6+s19+$0x0] =	vst.idx.add.s32.msk $0xffff, v1  }
0x168: {  	_ =	swait.ge [sflag:s17], $0x2000  }
0x169: {  	[sflag:s17] =	ssyncset.done $0x0  }
0x16a: {  	s31 =	simm.s32 $0x40;
	s0 =	rddreg [dreg:$0xb];
	[sflag:s17] =	ssyncadd.s32 $0xFFFFE000  }
0x16b: {  	[tilespmem:s18], [sflag:$0x1] =	stream.linear.gather [hbm4b:s0+s12], $0x2000, $0x38;
	[tilespmem:$0x7300] =	vst v63  }
0x16c: {  	v4 =	vld [tilespmem:s31+$0x30]  }
0x16d: {  	v5 =	vld [tilespmem:s31+$0xFFFFFFD0];
	_ =	sdelay $0x2  }
0x16e: {  	v6 =	vld [tilespmem:s31+$0xFFFFFFE0]  }
0x16f: {  	v7 =	vshrl.u32 v4, $0x3  }
0x170: {  	v8 =	vld [tilespmem:s31+$0xFFFFFFF0];
	v9 =	vshrl.u32 v5, $0x3;
	v7 =	vand.u32 $0x1FFF, v7  }
0x171: {  	v10 =	vld [tilespmem:s31+$0xFFFFFFC0];
	v9 =	vand.u32 $0x1FFF, v9  }
0x172: {  	v11 =	vld [tilespmem:s31+$0x0];
	v4 =	vshrl.u32 v4, $0x13  }
0x173: {  	v12 =	vld [tilespmem:s31+$0x10];
	v5 =	vshrl.u32 v5, $0x13;
	v13 =	vshrl.u32 v6, $0x3  }
0x174: {  	v14 =	vld [tilespmem:s31+$0x20];
	v13 =	vand.u32 $0x1FFF, v13  }
0x175: {  	v6 =	vshrl.u32 v6, $0x13;
	v15 =	vshrl.u32 v8, $0x3;
	[tilespmem:v7+s19+$0x0] =	vst.idx.add.s32.msk $0xffff, v1  }
0x176: {  	v61 =	vshrl.u32 v10, $0x3;
	v7 =	vand.u32 $0x1FFF, v15;
	[tilespmem:v9+s19+$0x0] =	vst.idx.add.s32.msk $0xffff, v1  }
0x177: {  	[tilespmem:v4+s19+$0x0] =	vst.idx.add.s32.msk $0xffff, v1;
	v4 =	vand.u32 $0x1FFF, v61  }
0x178: {  	[tilespmem:v5+s19+$0x0] =	vst.idx.add.s32.msk $0xffff, v1;
	v5 =	vshrl.u32 v8, $0x13  }
0x179: {  	v62 =	vshrl.u32 v10, $0x13;
	[tilespmem:v13+s19+$0x0] =	vst.idx.add.s32.msk $0xffff, v1;
	v8 =	vshrl.u32 v11, $0x3  }
0x17a: {  	[tilespmem:v6+s19+$0x0] =	vst.idx.add.s32.msk $0xffff, v1;
	v8 =	vand.u32 $0x1FFF, v8  }
0x17b: {  	v63 =	vshrl.u32 v12, $0x3;
	v6 =	vshrl.u32 v11, $0x13;
	[tilespmem:v7+s19+$0x0] =	vst.idx.add.s32.msk $0xffff, v1  }
0x17c: {  	v7 =	vand.u32 $0x1FFF, v63;
	[tilespmem:v4+s19+$0x0] =	vst.idx.add.s32.msk $0xffff, v1  }
0x17d: {  	[tilespmem:v5+s19+$0x0] =	vst.idx.add.s32.msk $0xffff, v1  }
0x17e: {  	[tilespmem:v62+s19+$0x0] =	vst.idx.add.s32.msk $0xffff, v1  }
0x17f: {  	[tilespmem:v8+s19+$0x0] =	vst.idx.add.s32.msk $0xffff, v1  }
0x180: {  	v5 =	vshrl.u32 v14, $0x3;
	[tilespmem:v6+s19+$0x0] =	vst.idx.add.s32.msk $0xffff, v1  }
0x181: {  	s1 =	simm.s32 $0xC0;
	s0 =	simm.s32 $0x0;
	v4 =	vshrl.u32 v12, $0x13;
	v5 =	vand.u32 $0x1FFF, v5;
	v6 =	vshrl.u32 v14, $0x13;
	[tilespmem:v7+s19+$0x0] =	vst.idx.add.s32.msk $0xffff, v1  }
.LBB2_16:
0x182: {  	v7 =	vld [tilespmem:s1+$0x30]  }
0x183: {  	s0 =	sadd.s32 $0x80, s0;
	v8 =	vld [tilespmem:s1+$0xFFFFFFD0]  }
0x184: {  	p1 =	slt.u32 s0, $0x1F80;
	v9 =	vld [tilespmem:s1+$0xFFFFFFE0]  }
0x185: {  	v10 =	vld [tilespmem:s1+$0xFFFFFFF0]  }
0x186: {  	v11 =	vld [tilespmem:s1+$0x0]  }
0x187: {  	v12 =	vld [tilespmem:s1+$0x10];
	v13 =	vshrl.u32 v7, $0x3  }
0x188: {  	v14 =	vshrl.u32 v8, $0x3;
	v8 =	vshrl.u32 v8, $0x13;
	v15 =	vld [tilespmem:s1+$0x20];
	v13 =	vand.u32 $0x1FFF, v13  }
0x189: {  	v7 =	vshrl.u32 v7, $0x13;
	v16 =	vld [tilespmem:s1+$0xFFFFFFC0];
	v14 =	vand.u32 $0x1FFF, v14;
	v17 =	vshrl.u32 v9, $0x3  }
0x18a: {  	v9 =	vshrl.u32 v9, $0x13;
	v17 =	vand.u32 $0x1FFF, v17;
	v18 =	vshrl.u32 v10, $0x3;
	[tilespmem:v4+s19+$0x0] =	vst.idx.add.s32.msk $0xffff, v1  }
0x18b: {  	v10 =	vshrl.u32 v10, $0x13;
	v18 =	vand.u32 $0x1FFF, v18;
	v4 =	vshrl.u32 v11, $0x3;
	[tilespmem:v5+s19+$0x0] =	vst.idx.add.s32.msk $0xffff, v1  }
0x18c: {  	v11 =	vshrl.u32 v11, $0x13;
	v19 =	vand.u32 $0x1FFF, v4;
	v4 =	vshrl.u32 v12, $0x3;
	[tilespmem:v6+s19+$0x0] =	vst.idx.add.s32.msk $0xffff, v1  }
0x18d: {  	v20 =	vand.u32 $0x1FFF, v4;
	v4 =	vshrl.u32 v12, $0x13;
	v5 =	vshrl.u32 v15, $0x3;
	[tilespmem:v13+s19+$0x0] =	vst.idx.add.s32.msk $0xffff, v1  }
0x18e: {  	v6 =	vshrl.u32 v16, $0x3;
	v12 =	vshrl.u32 v16, $0x13;
	v5 =	vand.u32 $0x1FFF, v5;
	[tilespmem:v7+s19+$0x0] =	vst.idx.add.s32.msk $0xffff, v1  }
0x18f: {  	v7 =	vand.u32 $0x1FFF, v6;
	[tilespmem:v14+s19+$0x0] =	vst.idx.add.s32.msk $0xffff, v1;
	v6 =	vshrl.u32 v15, $0x13  }
0x190: {  	[tilespmem:v8+s19+$0x0] =	vst.idx.add.s32.msk $0xffff, v1  }
0x191: {  	[tilespmem:v17+s19+$0x0] =	vst.idx.add.s32.msk $0xffff, v1  }
0x192: {  	[tilespmem:v9+s19+$0x0] =	vst.idx.add.s32.msk $0xffff, v1  }
0x193: {  	[tilespmem:v18+s19+$0x0] =	vst.idx.add.s32.msk $0xffff, v1  }
0x194: {  	[tilespmem:v7+s19+$0x0] =	vst.idx.add.s32.msk $0xffff, v1  }
.Ltmp7:
0x195: {  	[tilespmem:v12+s19+$0x0] =	vst.idx.add.s32.msk $0xffff, v1;
	(pc) =	sbr.rel @p1 .LBB2_16-.Ltmp7, $4  }
0x196: {  	[tilespmem:v10+s19+$0x0] =	vst.idx.add.s32.msk $0xffff, v1  }
0x197: {  	[tilespmem:v19+s19+$0x0] =	vst.idx.add.s32.msk $0xffff, v1  }
0x198: {  	[tilespmem:v11+s19+$0x0] =	vst.idx.add.s32.msk $0xffff, v1  }
0x199: {  	s1 =	sadd.s32 $0x80, s1;
	[tilespmem:v20+s19+$0x0] =	vst.idx.add.s32.msk $0xffff, v1  }
0x19a: {  	_ =	sdelay $0x2  }
0x19b: {  	[dreg:$0x12] =	wrdreg s2  }
0x19c: {  	[tilespmem:v4+s19+$0x0] =	vst.idx.add.s32.msk $0xffff, v1  }
0x19d: {  	[tilespmem:v5+s19+$0x0] =	vst.idx.add.s32.msk $0xffff, v1  }
0x19e: {  	[tilespmem:v6+s19+$0x0] =	vst.idx.add.s32.msk $0xffff, v1  }
0x19f: {  	_ =	swait.ge [sflag:s17], $0x2000  }
0x1a0: {  	[sflag:s17] =	ssyncset.done $0x0  }
0x1a1: {  	s0 =	simm.s32 $0x2070;
	[sflag:s17] =	ssyncadd.s32 $0xFFFFE000  }
0x1a2: {  	v4 =	vld [tilespmem:s0+$0x0]  }
0x1a3: {  	v5 =	vld [tilespmem:s0+$0xFFFFFFA0];
	_ =	sdelay $0x2  }
0x1a4: {  	v6 =	vld [tilespmem:s0+$0xFFFFFFB0]  }
0x1a5: {  	v7 =	vshrl.u32 v4, $0x3  }
0x1a6: {  	v8 =	vld [tilespmem:s0+$0xFFFFFFC0];
	v9 =	vshrl.u32 v5, $0x3;
	v7 =	vand.u32 $0x1FFF, v7  }
0x1a7: {  	v10 =	vld [tilespmem:s0+$0xFFFFFF90];
	v9 =	vand.u32 $0x1FFF, v9  }
0x1a8: {  	v11 =	vld [tilespmem:s0+$0xFFFFFFD0];
	v4 =	vshrl.u32 v4, $0x13  }
0x1a9: {  	v12 =	vld [tilespmem:s0+$0xFFFFFFE0];
	v5 =	vshrl.u32 v5, $0x13;
	v13 =	vshrl.u32 v6, $0x3  }
0x1aa: {  	v14 =	vld [tilespmem:s0+$0xFFFFFFF0];
	v13 =	vand.u32 $0x1FFF, v13  }
0x1ab: {  	v6 =	vshrl.u32 v6, $0x13;
	v15 =	vshrl.u32 v8, $0x3;
	[tilespmem:v7+s19+$0x0] =	vst.idx.add.s32.msk $0xffff, v1  }
0x1ac: {  	v61 =	vshrl.u32 v10, $0x3;
	v7 =	vand.u32 $0x1FFF, v15;
	[tilespmem:v9+s19+$0x0] =	vst.idx.add.s32.msk $0xffff, v1  }
0x1ad: {  	[tilespmem:v4+s19+$0x0] =	vst.idx.add.s32.msk $0xffff, v1;
	v4 =	vand.u32 $0x1FFF, v61  }
0x1ae: {  	[tilespmem:v5+s19+$0x0] =	vst.idx.add.s32.msk $0xffff, v1;
	v5 =	vshrl.u32 v8, $0x13  }
0x1af: {  	v62 =	vshrl.u32 v10, $0x13;
	[tilespmem:v13+s19+$0x0] =	vst.idx.add.s32.msk $0xffff, v1;
	v8 =	vshrl.u32 v11, $0x3  }
0x1b0: {  	[tilespmem:v6+s19+$0x0] =	vst.idx.add.s32.msk $0xffff, v1;
	v8 =	vand.u32 $0x1FFF, v8  }
0x1b1: {  	v63 =	vshrl.u32 v12, $0x3;
	v6 =	vshrl.u32 v11, $0x13;
	[tilespmem:v7+s19+$0x0] =	vst.idx.add.s32.msk $0xffff, v1  }
0x1b2: {  	v7 =	vand.u32 $0x1FFF, v63;
	[tilespmem:v4+s19+$0x0] =	vst.idx.add.s32.msk $0xffff, v1  }
0x1b3: {  	[tilespmem:v5+s19+$0x0] =	vst.idx.add.s32.msk $0xffff, v1  }
0x1b4: {  	[tilespmem:v62+s19+$0x0] =	vst.idx.add.s32.msk $0xffff, v1  }
0x1b5: {  	[tilespmem:v8+s19+$0x0] =	vst.idx.add.s32.msk $0xffff, v1  }
0x1b6: {  	v5 =	vshrl.u32 v14, $0x3;
	[tilespmem:v6+s19+$0x0] =	vst.idx.add.s32.msk $0xffff, v1  }
0x1b7: {  	s1 =	simm.s32 $0x20F0;
	s0 =	simm.s32 $0x0;
	v4 =	vshrl.u32 v12, $0x13;
	v5 =	vand.u32 $0x1FFF, v5;
	v6 =	vshrl.u32 v14, $0x13;
	[tilespmem:v7+s19+$0x0] =	vst.idx.add.s32.msk $0xffff, v1  }
.LBB2_18:
0x1b8: {  	v7 =	vld [tilespmem:s1+$0x0]  }
0x1b9: {  	s0 =	sadd.s32 $0x80, s0;
	v8 =	vld [tilespmem:s1+$0xFFFFFFA0]  }
0x1ba: {  	p1 =	slt.u32 s0, $0x1F80;
	v9 =	vld [tilespmem:s1+$0xFFFFFFB0]  }
0x1bb: {  	v10 =	vld [tilespmem:s1+$0xFFFFFFC0]  }
0x1bc: {  	v11 =	vld [tilespmem:s1+$0xFFFFFFD0]  }
0x1bd: {  	v12 =	vld [tilespmem:s1+$0xFFFFFFE0];
	v13 =	vshrl.u32 v7, $0x3  }
0x1be: {  	v14 =	vshrl.u32 v8, $0x3;
	v8 =	vshrl.u32 v8, $0x13;
	v15 =	vld [tilespmem:s1+$0xFFFFFFF0];
	v13 =	vand.u32 $0x1FFF, v13  }
0x1bf: {  	v7 =	vshrl.u32 v7, $0x13;
	v16 =	vld [tilespmem:s1+$0xFFFFFF90];
	v14 =	vand.u32 $0x1FFF, v14;
	v17 =	vshrl.u32 v9, $0x3  }
0x1c0: {  	v9 =	vshrl.u32 v9, $0x13;
	v17 =	vand.u32 $0x1FFF, v17;
	v18 =	vshrl.u32 v10, $0x3;
	[tilespmem:v4+s19+$0x0] =	vst.idx.add.s32.msk $0xffff, v1  }
0x1c1: {  	v10 =	vshrl.u32 v10, $0x13;
	v18 =	vand.u32 $0x1FFF, v18;
	v4 =	vshrl.u32 v11, $0x3;
	[tilespmem:v5+s19+$0x0] =	vst.idx.add.s32.msk $0xffff, v1  }
0x1c2: {  	v11 =	vshrl.u32 v11, $0x13;
	v19 =	vand.u32 $0x1FFF, v4;
	v4 =	vshrl.u32 v12, $0x3;
	[tilespmem:v6+s19+$0x0] =	vst.idx.add.s32.msk $0xffff, v1  }
0x1c3: {  	v20 =	vand.u32 $0x1FFF, v4;
	v4 =	vshrl.u32 v12, $0x13;
	v5 =	vshrl.u32 v15, $0x3;
	[tilespmem:v13+s19+$0x0] =	vst.idx.add.s32.msk $0xffff, v1  }
0x1c4: {  	v6 =	vshrl.u32 v16, $0x3;
	v12 =	vshrl.u32 v16, $0x13;
	v5 =	vand.u32 $0x1FFF, v5;
	[tilespmem:v7+s19+$0x0] =	vst.idx.add.s32.msk $0xffff, v1  }
0x1c5: {  	v7 =	vand.u32 $0x1FFF, v6;
	[tilespmem:v14+s19+$0x0] =	vst.idx.add.s32.msk $0xffff, v1;
	v6 =	vshrl.u32 v15, $0x13  }
0x1c6: {  	[tilespmem:v8+s19+$0x0] =	vst.idx.add.s32.msk $0xffff, v1  }
0x1c7: {  	[tilespmem:v17+s19+$0x0] =	vst.idx.add.s32.msk $0xffff, v1  }
0x1c8: {  	[tilespmem:v9+s19+$0x0] =	vst.idx.add.s32.msk $0xffff, v1  }
0x1c9: {  	[tilespmem:v18+s19+$0x0] =	vst.idx.add.s32.msk $0xffff, v1  }
0x1ca: {  	[tilespmem:v7+s19+$0x0] =	vst.idx.add.s32.msk $0xffff, v1  }
.Ltmp8:
0x1cb: {  	[tilespmem:v12+s19+$0x0] =	vst.idx.add.s32.msk $0xffff, v1;
	(pc) =	sbr.rel @p1 .LBB2_18-.Ltmp8, $4  }
0x1cc: {  	[tilespmem:v10+s19+$0x0] =	vst.idx.add.s32.msk $0xffff, v1  }
0x1cd: {  	[tilespmem:v19+s19+$0x0] =	vst.idx.add.s32.msk $0xffff, v1  }
0x1ce: {  	[tilespmem:v11+s19+$0x0] =	vst.idx.add.s32.msk $0xffff, v1  }
0x1cf: {  	s1 =	sadd.s32 $0x80, s1;
	[tilespmem:v20+s19+$0x0] =	vst.idx.add.s32.msk $0xffff, v1  }
0x1d0: {  	_ =	sdelay $0x3  }
0x1d1: {  	[tilespmem:v4+s19+$0x0] =	vst.idx.add.s32.msk $0xffff, v1  }
0x1d2: {  	[tilespmem:v5+s19+$0x0] =	vst.idx.add.s32.msk $0xffff, v1  }
0x1d3: {  	s0 =	simm.s32 $0x80;
	s1 =	simm.s32 $0x400;
	[tilespmem:v6+s19+$0x0] =	vst.idx.add.s32.msk $0xffff, v1  }
0x1d4: {  	[spmem:s10] =	stream.strided.scatter [tilespmem:s19], [sflag:$0x2], $0x1000, s1, s0, $0x38;
	[tilespmem:$0x7300] =	vst v63  }
0x1d5: {  	_ =	swait.ge [sflag:s7], $0x1000  }
0x1d6: {  	[sflag:s7] =	ssyncset.done $0x0  }
0x1d7: {  	[sflag:s7] =	ssyncadd.s32 $0xFFFFF000  }
0x1d8: {  	[bflag:$0x0] =	sbarrier.arrive $0xFFFF  }
0x1d9: {  	[tilespmem:s8], [sflag:$0x2] =	stream.strided.gather [spmem:s11], $0x1000, s1, s0, $0x38;
	[tilespmem:$0x7300] =	vst v63  }
0x1da: {  	_ =	swait.ge [sflag:s7], $0x1000  }
0x1db: {  	[sflag:s7] =	ssyncset.done $0x0  }
0x1dc: {  	s0 =	simm.s32 $0x0;
	[sflag:s7] =	ssyncadd.s32 $0xFFFFF000  }
0x1dd: {  	s1 =	simm.s32 $0x40;
	v4 =	vld [tilespmem:s0+$0x5000]  }
.LBB2_20:
0x1de: {  	p1 =	sne.s32 s1, $0x3FC0;
	v5 =	vld [tilespmem:s0+$0x4000];
	_ =	sdelay $0x1  }
.Ltmp9:
0x1df: {  	(pc) =	sbr.rel @p1 .LBB2_20-.Ltmp9, $3  }
0x1e0: {  	_ =	sdelay $0x1  }
0x1e1: {  	s2 =	sshra.s32 s1, $0x2;
	v5 =	vadd.s32 v5, v4  }
0x1e2: {  	s1 =	sadd.s32 $0x40, s1;
	v4 =	vld [tilespmem:s2+$0x5000];
	[tilespmem:s0+$0x4000] =	vst v5;
	s0 =	smov.u32 s2  }
0x1e3: {  	v5 =	vld [tilespmem:s0+$0x4000];
	_ =	sdelay $0x4  }
0x1e4: {  	v4 =	vadd.s32 v5, v4  }
0x1e5: {  	[tilespmem:s0+$0x4000] =	vst v4  }
0x1e6: {  	s13 =	simm.s32 $0x4FF0;
	[bflag:$0x0] =	sbarrier.arrive $0xFFFF  }
0x1e7: {  	v4 =	vld [tilespmem:s13+$0x0];
	_ =	sdelay $0x4  }
0x1e8: {  	s14 =	simm.s32 $0x4FE0;
	(xrf0) =	vadd.scan.msk.s32 $0xffff, v4  }
0x1e9: {  	v5 =	vld [tilespmem:s14+$0x0]  }
0x1ea: {  	v4 =	vperm.xlane v4, v21;
	_ =	sdelay $0x1  }
0x1eb: {  	(xrf0) =	vadd.scan.msk.s32 $0xffff, v4;
	_ =	sdelay $0x1  }
0x1ec: {  	(xrf0) =	vadd.scan.msk.s32 $0xffff, v5;
	v4, _, _ =	vpop (xrf0)  }
0x1ed: {  	(v2sf) =	vpush v4, $0xF;
	_ =	sdelay $0x1  }
0x1ee: {  	s20 =	simm.s32 $0x4FD0  }
0x1ef: {  	v4 =	vld [tilespmem:s20+$0x0];
	v6, _, _ =	vpop (xrf0)  }
0x1f0: {  	v6 =	vperm.xlane v6, v21  }
0x1f1: {  	s28 =	simm.s32 $0x0;
	v5 =	vperm.xlane v5, v21;
	v7, _, _ =	vpop (xrf0)  }
0x1f2: {  	(v2sf) =	vpush v7, $0xF;
	v6 =	vadd.s32 s28, v6  }
0x1f3: {  	(xrf0) =	vadd.scan.msk.s32 $0xffff, v5;
	vm0 =	vgt.s32 v6, $0x27FFF  }
0x1f4: {  	(xrf0) =	vadd.scan.msk.s32 $0xffff, v4;
	v6 =	vxor.u32 $0x80000000, v6;
	v5 =	vsel vm0, $0x1, v0  }
0x1f5: {  	v6 =	vsel vm0, $0x7FFFFFFF, v6;
	(xrf0) =	vadd.scan.msk.s32 $0xffff, v5  }
0x1f6: {  	(xrf0) =	vmax.scan.msk.u32 $0xffff, v6;
	_ =	sdelay $0x1  }
0x1f7: {  	v4 =	vperm.xlane v4, v21  }
0x1f8: {  	s21 =	simm.s32 $0x4FC0;
	v5, _, _ =	vpop (xrf0)  }
0x1f9: {  	v7 =	vld [tilespmem:s21+$0x0];
	v6, _, _ =	vpop (xrf0);
	(xrf0) =	vadd.scan.msk.s32 $0xffff, v4  }
0x1fa: {  	v5 =	vperm.xlane v5, v21;
	(v2sf) =	vpush v6, $0xF;
	v6, _, _ =	vpop (xrf0);
	s22 =	spop (v2sf)  }
0x1fb: {  	(v2sf) =	vpush v6, $0xF;
	v4, _, _ =	vpop (xrf0);
	s30 =	sadd.s32 $0x0, s22  }
0x1fc: {  	(v2sf) =	vpush v4, $0xF;
	v4 =	vadd.s32 s30, v5  }
0x1fd: {  	vm13 =	vgt.s32 v4, $0x27FFF  }
0x1fe: {  	(xrf0) =	vadd.scan.msk.s32 $0xffff, v7;
	v4 =	vxor.u32 $0x80000000, v4;
	v5 =	vsel vm13, $0x1, v0  }
0x1ff: {  	s23 =	simm.s32 $0x4FB0;
	v6, _, _ =	vpop (xrf0);
	v4 =	vsel vm13, $0x7FFFFFFF, v4;
	(xrf0) =	vadd.scan.msk.s32 $0xffff, v5  }
0x200: {  	s25 =	spop (v2sf);
	v5 =	vld [tilespmem:s23+$0x0];
	(xrf0) =	vmax.scan.msk.u32 $0xffff, v4;
	v4 =	vperm.xlane v6, v21  }
0x201: {  	s31 =	sadd.s32 s30, s25  }
0x202: {  	v7 =	vperm.xlane v7, v21;
	v4 =	vadd.s32 s31, v4  }
0x203: {  	vm14 =	vgt.s32 v4, $0x27FFF  }
0x204: {  	(xrf0) =	vadd.scan.msk.s32 $0xffff, v7;
	v7 =	vsel vm14, $0x1, v0  }
0x205: {  	v6, _, _ =	vpop (xrf0);
	v4 =	vxor.u32 $0x80000000, v4;
	(xrf0) =	vadd.scan.msk.s32 $0xffff, v5  }
0x206: {  	v4 =	vsel vm14, $0x7FFFFFFF, v4;
	v8, _, _ =	vpop (xrf0);
	(xrf0) =	vadd.scan.msk.s32 $0xffff, v7  }
0x207: {  	v7, _, _ =	vpop (xrf0);
	(xrf0) =	vmax.scan.msk.u32 $0xffff, v4  }
0x208: {  	(v2sf) =	vpush v6, $0xF;
	v5 =	vperm.xlane v5, v21  }
0x209: {  	(v2sf) =	vpush v8, $0xF  }
0x20a: {  	s26 =	spop (v2sf);
	v9, _, _ =	vpop (xrf0);
	(v2sf) =	vpush v7, $0xF  }
0x20b: {  	s7 =	spop (v2sf);
	v7, _, _ =	vpop (xrf0)  }
0x20c: {  	s1 =	simm.s32 $0x4FA0;
	(xrf0) =	vadd.scan.msk.s32 $0xffff, v5;
	s8 =	spop (v2sf);
	(v2sf) =	vpush v7, $0xF;
	v5, _, _ =	vpop (xrf0)  }
0x20d: {  	p1 =	por $0x0, $0x0;
	s6 =	simm.s32 $0xFDF;
	v4 =	vld [tilespmem:s1+$0x0];
	(v2sf) =	vpush v5, $0xF;
	v5, _, _ =	vpop (xrf0)  }
0x20e: {  	s5 =	simm.s32 $0xFCF;
	s4 =	simm.s32 $0xFBF;
	s2 =	simm.s32 $0xFAF;
	v6 =	vperm.xlane v9, v21;
	(v2sf) =	vpush v5, $0xF  }
0x20f: {  	s3 =	simm.s32 $0xF9F;
	s10 =	simm.s32 $0x0;
	s0 =	sadd.s32 s31, s26  }
0x210: {  	p3 =	por !p1, !p1;
	p2 =	sgt.s32 s7, $0x0;
	s8 =	sxor.u32 $0x80000000, s8;
	v6 =	vadd.s32 s0, v6  }
0x211: {  	s29 =	simm.s32 $0x0;
	p3 =	por !p2, !p3;
	p4 =	sgt.s32 s8, $0x0;
	vm15 =	vgt.s32 v6, $0x27FFF  }
0x212: {  	s9 =	sadd.s32 $0xFEF, s7;
	p3 =	por !p3, !p3;
	(xrf0) =	vadd.scan.msk.s32 $0xffff, v4;
	v6 =	vxor.u32 $0x80000000, v6;
	s10 =	smov.u32 @p4 s8;
	v7 =	vsel vm15, $0x1, v0  }
0x213: {  	s7 =	simm.s32 $0xF8F;
	s29 =	smov.u32 @p3 s9;
	s28 =	smov.u32 @p3 s10;
	v5 =	vsel vm15, $0x7FFFFFFF, v6;
	(xrf0) =	vadd.scan.msk.s32 $0xffff, v7  }
.LBB2_22:
0x214: {  	p3 =	sne.s32 s7, $0xFFFFFFFF;
	s8 =	smov.u32 s31  }
0x215: {  	(xrf0) =	vmax.scan.msk.u32 $0xffff, v5;
	s31 =	smov.u32 s0;
	s1 =	sadd.s32 $0xFFFFFFF0, s1;
	s9 =	smov.u32 s6  }
0x216: {  	s6 =	smov.u32 s5;
	s5 =	smov.u32 s4;
	s4 =	smov.u32 s2  }
0x217: {  	s2 =	smov.u32 s3;
	p1 =	por p1, p2;
	v5 =	vld [tilespmem:s1+$0x0];
	v6, _, _ =	vpop (xrf0);
	s10 =	spop (v2sf)  }
0x218: {  	v4 =	vperm.xlane v4, v21;
	s3 =	smov.u32 s7;
	p4 =	por !p1, !p1;
	v2 =	vperm.xlane v6, v21;
	s11 =	spop (v2sf)  }
.Ltmp10:
0x219: {  	s0 =	sadd.s32 s0, s10;
	v7, _, _ =	vpop (xrf0);
	s10 =	spop (v2sf);
	(pc) =	sbr.rel @p3 .LBB2_22-.Ltmp10, $4  }
0x21a: {  	p2 =	sgt.s32 s11, $0x0;
	s9 =	sadd.s32 s9, s11;
	(xrf0) =	vadd.scan.msk.s32 $0xffff, v4;
	(v2sf) =	vpush v7, $0xF;
	v2 =	vadd.s32 s0, v2;
	v6, _, _ =	vpop (xrf0);
	s10 =	sxor.u32 $0x80000000, s10  }
0x21b: {  	s11 =	smov.u32 s30;
	p4 =	por !p2, !p4;
	vm0 =	vgt.s32 v2, $0x27FFF;
	(v2sf) =	vpush v6, $0xF;
	v6, _, _ =	vpop (xrf0);
	p5 =	sgt.s32 s10, s30  }
0x21c: {  	v8 =	vxor.u32 $0x80000000, v2;
	p4 =	por !p4, !p4;
	s30 =	smov.u32 s8;
	(xrf0) =	vadd.scan.msk.s32 $0xffff, v5;
	v7 =	vsel vm0, $0x1, v0;
	(v2sf) =	vpush v6, $0xF;
	s11 =	smov.u32 @p5 s10;
	v4 =	vmovc v5  }
0x21d: {  	s7 =	sadd.s32 $0xFFFFFFF0, s7;
	v5 =	vsel vm0, $0x7FFFFFFF, v8;
	s29 =	smov.u32 @p4 s9;
	(xrf0) =	vadd.scan.msk.s32 $0xffff, v7;
	s28 =	smov.u32 @p4 s11  }
0x21e: {  	_ =	sdelay $0x1  }
0x21f: {  	v4 =	vperm.xlane v4, v21  }
0x220: {  	(xrf0) =	vmax.scan.msk.u32 $0xffff, v5  }
0x221: {  	(xrf0) =	vadd.scan.msk.s32 $0xffff, v4;
	_ =	sdelay $0x1  }
0x222: {  	v4, _, _ =	vpop (xrf0)  }
0x223: {  	v5, _, _ =	vpop (xrf0)  }
0x224: {  	s1 =	spop (v2sf);
	v6, _, _ =	vpop (xrf0)  }
0x225: {  	s7 =	spop (v2sf);
	v4 =	vperm.xlane v4, v21;
	v7, _, _ =	vpop (xrf0)  }
0x226: {  	s20 =	sadd.s32 s0, s1;
	s21 =	spop (v2sf);
	v8, _, _ =	vpop (xrf0)  }
0x227: {  	v4 =	vadd.s32 s20, v4;
	v8 =	vperm.xlane v8, v21;
	s10 =	spop (v2sf)  }
0x228: {  	vm0 =	vgt.s32 v4, $0x27FFF;
	s1 =	sadd.s32 s20, s10  }
0x229: {  	v4 =	vxor.u32 $0x80000000, v4;
	v9 =	vsel vm0, $0x1, v0;
	v8 =	vadd.s32 s1, v8  }
0x22a: {  	v4 =	vsel vm0, $0x7FFFFFFF, v4;
	(xrf0) =	vadd.scan.msk.s32 $0xffff, v9;
	vm0 =	vgt.s32 v8, $0x27FFF  }
0x22b: {  	(xrf0) =	vmax.scan.msk.u32 $0xffff, v4;
	v8 =	vxor.u32 $0x80000000, v8;
	v4 =	vsel vm0, $0x1, v0  }
0x22c: {  	v8 =	vsel vm0, $0x7FFFFFFF, v8;
	(xrf0) =	vadd.scan.msk.s32 $0xffff, v4  }
0x22d: {  	(xrf0) =	vmax.scan.msk.u32 $0xffff, v8  }
0x22e: {  	(v2sf) =	vpush v5, $0xF  }
0x22f: {  	(v2sf) =	vpush v6, $0xF  }
0x230: {  	(v2sf) =	vpush v7, $0xF;
	v4, _, _ =	vpop (xrf0)  }
0x231: {  	(v2sf) =	vpush v4, $0xF;
	v4, _, _ =	vpop (xrf0)  }
0x232: {  	(v2sf) =	vpush v4, $0xF;
	v4, _, _ =	vpop (xrf0)  }
0x233: {  	(v2sf) =	vpush v4, $0xF;
	v4, _, _ =	vpop (xrf0)  }
0x234: {  	(v2sf) =	vpush v4, $0xF;
	_ =	sdelay $0x5  }
0x235: {  	[tilespmem:$0x4000] =	vst v0;
	s8 =	spop (v2sf);
	v0 =	vimm.f32 $0.0e+00  }
0x236: {  	s14 =	spop (v2sf);
	[tilespmem:$0x6000] =	vst v0  }
0x237: {  	[tilespmem:s12], [sflag:$0x1] =	stream.linear.gather [hbm4b:s15+s12], $0x2000, $0x38;
	[tilespmem:$0x7300] =	vst v63  }
0x238: {  	p1 =	por p1, p2;
	s22 =	simm.s32 $0x40;
	s9 =	spop (v2sf)  }
0x239: {  	p2 =	por !p1, !p1;
	p3 =	sgt.s32 s7, $0x0;
	s9 =	spop (v2sf)  }
0x23a: {  	s6 =	sadd.s32 s6, s7;
	p2 =	por !p3, !p2;
	s13 =	spop (v2sf)  }
0x23b: {  	p1 =	por p1, p3;
	p2 =	por !p2, !p2;
	s11 =	spop (v2sf)  }
0x23c: {  	p3 =	por !p1, !p1;
	s29 =	smov.u32 @p2 s6;
	s25 =	spop (v2sf)  }
0x23d: {  	p4 =	sgt.s32 s8, $0x0;
	s5 =	sadd.s32 s5, s8;
	s10 =	spop (v2sf)  }
0x23e: {  	p3 =	por !p4, !p3;
	p1 =	por p1, p4;
	s23 =	spop (v2sf)  }
0x23f: {  	p3 =	por !p3, !p3;
	p4 =	por !p1, !p1;
	_ =	swait.ge [sflag:s17], $0x2000  }
0x240: {  	s29 =	smov.u32 @p3 s5;
	p6 =	sgt.s32 s9, $0x0;
	[sflag:s17] =	ssyncset.done $0x0  }
0x241: {  	s4 =	sadd.s32 s4, s9;
	p4 =	por !p6, !p4;
	[sflag:s17] =	ssyncadd.s32 $0xFFFFE000  }
0x242: {  	[tilespmem:s18], [sflag:$0x1] =	stream.linear.gather [hbm4b:s16+s12], $0x2000, $0x38;
	[tilespmem:$0x7300] =	vst v63  }
0x243: {  	p1 =	por p1, p6;
	p5 =	por !p4, !p4;
	p4 =	sgt.s32 s11, $0x0;
	v6 =	vld [tilespmem:s22+$0xFFFFFFD0]  }
0x244: {  	p6 =	por !p1, !p1;
	s29 =	smov.u32 @p5 s4;
	p1 =	por p1, p4;
	v7 =	vld [tilespmem:s22+$0x30]  }
0x245: {  	p4 =	por !p4, !p6;
	p1 =	por !p1, !p1;
	p6 =	sgt.s32 s10, $0x0;
	v5 =	vld [tilespmem:s22+$0x20]  }
0x246: {  	s2 =	sadd.s32 s2, s11;
	p4 =	por !p4, !p4;
	p1 =	por !p6, !p1;
	v11 =	vld [tilespmem:s22+$0xFFFFFFC0]  }
0x247: {  	s29 =	smov.u32 @p4 s2;
	s2 =	sadd.s32 s3, s10;
	p1 =	por !p1, !p1;
	v15 =	vld [tilespmem:s22+$0xFFFFFFE0]  }
0x248: {  	s29 =	smov.u32 @p1 s2;
	v9 =	vld [tilespmem:s22+$0xFFFFFFF0]  }
0x249: {  	v4 =	vmov s29;
	v28 =	vld [tilespmem:s22+$0x0];
	v21 =	vand.u32 $0xFFFF0000, v6;
	v16 =	vshrl.u32 v7, $0x3  }
0x24a: {  	v18 =	vshrl.u32 v7, $0x13;
	v8 =	vshrl.u32 v6, $0x3;
	v25 =	vshrl.u32 v5, $0x3  }
0x24b: {  	v13 =	vshrl.u32 v6, $0x13;
	v20 =	vshll.u32 v6, $0x10;
	v22 =	vshrl.u32 v11, $0x3  }
0x24c: {  	v14 =	vshll.u32 v11, $0x10;
	v23 =	vand.u32 $0x7, v15;
	v31 =	vshrl.u32 v11, $0x13  }
0x24d: {  	v17 =	vand.u32 $0xFFFF0000, v11;
	v29 =	vshrl.u32 v15, $0x3;
	v32 =	vshrl.u32 v15, $0x13  }
0x24e: {  	v33 =	vshrl.u32 v9, $0x3;
	v12 =	vshll.u32 v9, $0x10;
	v35 =	vshrl.u32 v28, $0x10  }
0x24f: {  	v56 =	vshrl.u32 v28, $0x13;
	v36 =	vand.u32 $0x7, v28;
	v37 =	vshll.u32 v28, $0x10  }
0x250: {  	v38 =	vshrl.u32 v9, $0x13;
	v59 =	vshrl.u32 v5, $0x13;
	v60 =	vand.u32 $0x7, v5  }
0x251: {  	v61 =	vshll.u32 v7, $0x10;
	v26 =	vand.u32 $0x1FFF, v8;
	v34 =	vand.u32 $0x1FFF, v22  }
0x252: {  	v22 =	vshrl.u32 v28, $0x3;
	vm6 =	vgt.s32 v56, v4;
	v33 =	vand.u32 $0x1FFF, v33  }
0x253: {  	v16 =	vand.u32 $0x1FFF, v16;
	v28 =	vand.u32 $0xFFFF0000, v28;
	v58 =	vand.u32 $0x1FFF, v29  }
0x254: {  	v29 =	vand.u32 $0x7, v7;
	v40 =	vand.u32 $0x1FFF, v25;
	vm8 =	veq.s32 v16, v4  }
0x255: {  	v10 =	vld [tilespmem:s22+$0x10];
	vm15 =	vgt.s32 v59, v4;
	v22 =	vand.u32 $0x1FFF, v22;
	vm10 =	veq.s32 v40, v4  }
0x256: {  	vm0 =	vgt.s32 v26, v4;
	vm2 =	vgt.s32 v34, v4;
	vm5 =	veq.s32 v22, v4  }
0x257: {  	s26 =	simm.s32 $0xC0;
	v41 =	vnsel vm6, $0x0, v28;
	vm6 =	veq.s32 v59, v4;
	vm12 =	veq.s32 v33, v4  }
0x258: {  	v59 =	vld [tilespmem:s26+$0x0];
	v24 =	vnsel vm0, $0x0, v20;
	vm0 =	vgt.s32 v13, v4;
	v54 =	vnsel vm2, $0x0, v14  }
0x259: {  	vm2 =	veq.s32 v58, v4;
	v39 =	vnsel vm0, $0x0, v21;
	vm0 =	vgt.s32 v33, v4;
	v33 =	vld [tilespmem:s26+$0xFFFFFFE0]  }
0x25a: {  	v63 =	vand.u32 $0x7, v10;
	v42 =	vshll.u32 v5, $0x10;
	v48 =	vand.u32 $0xFFFF0000, v10;
	[tilespmem:v29+s19+$0x0] =	vst.idx.add.s32.msk vm8, v1  }
0x25b: {  	v8 =	vshrl.u32 v10, $0x3;
	vm1 =	veq.s32 v32, v4;
	vm7 =	veq.s32 v56, v4;
	[tilespmem:v60+s19+$0x0] =	vst.idx.add.s32.msk vm10, v1  }
0x25c: {  	v57 =	vand.u32 $0x7, v35;
	v25 =	vshrl.u32 v7, $0x10;
	vm9 =	vgt.s32 v31, v4;
	[tilespmem:v36+s19+$0x0] =	vst.idx.add.s32.msk vm5, v1  }
0x25d: {  	(xrf2) =	vadd.scan.msk.f32 $0xffff, v24;
	v24 =	vnsel vm0, $0x0, v12;
	vm0 =	veq.s32 v18, v4;
	[tilespmem:v29+s24+$0x0] =	vst.idx.add.f32.msk vm8, v61  }
0x25e: {  	v30 =	vand.u32 $0x1FFF, v8;
	v8 =	vshrl.u32 v15, $0x10;
	v25 =	vand.u32 $0x7, v25;
	[tilespmem:v60+s24+$0x0] =	vst.idx.add.f32.msk vm10, v42  }
0x25f: {  	vm1 =	vmmov vm1;
	v19 =	vand.u32 $0x7, v8;
	vm4 =	vgt.s32 v22, v4;
	[tilespmem:v23+s19+$0x0] =	vst.idx.add.s32.msk vm2, v1  }
0x260: {  	v8 =	vand.u32 $0xFFFF0000, v9;
	v22 =	vnsel vm4, $0x0, v37;
	vm4 =	vgt.s32 v38, v4;
	[tilespmem:v36+s24+$0x0] =	vst.idx.add.f32.msk vm5, v37  }
0x261: {  	(xrf2) =	vadd.scan.msk.f32 $0xffff, v41;
	v44 =	vnsel vm4, $0x0, v8;
	v29 =	vshrl.u32 v10, $0x13;
	[tilespmem:v57+s19+$0x0] =	vst.idx.add.s32.msk vm7, v1  }
0x262: {  	(xrf2) =	vadd.scan.msk.f32 $0xffff, v39;
	vm14 =	veq.s32 v29, v4;
	[tilespmem:v57+s24+$0x0] =	vst.idx.add.f32.msk vm7, v28;
	v28 =	vshrl.u32 v5, $0x10  }
0x263: {  	[tilespmem:v25+s19+$0x0] =	vst.idx.add.s32.msk vm0, v1;
	vm7 =	veq.s32 v30, v4;
	v62 =	vand.u32 $0x7, v28;
	v28 =	vnsel vm9, $0x0, v17  }
0x264: {  	vm4 =	vgt.s32 v29, v4;
	v29 =	vand.u32 $0xFFFF0000, v15;
	(xrf2) =	vadd.scan.msk.f32 $0xffff, v28;
	v28 =	vshll.u32 v15, $0x10;
	v15 =	vld [tilespmem:s26+$0x30]  }
0x265: {  	v45 =	vnsel vm4, $0x0, v48;
	vm4 =	vgt.s32 v40, v4;
	[tilespmem:v23+s24+$0x0] =	vst.idx.add.f32.msk vm2, v28  }
0x266: {  	v49 =	vnsel vm4, $0x0, v42;
	vm4 =	vgt.s32 v16, v4;
	[tilespmem:v19+s19+$0x0] =	vst.idx.add.s32.msk vm1, v1  }
0x267: {  	v52 =	vnsel vm4, $0x0, v61;
	vm4 =	veq.s32 v26, v4;
	[tilespmem:v19+s24+$0x0] =	vst.idx.add.f32.msk vm1, v29  }
0x268: {  	v43 =	vshrl.u32 v10, $0x10;
	v56 =	vand.u32 $0x7, v6;
	[tilespmem:v62+s19+$0x0] =	vst.idx.add.s32.msk vm6, v1  }
0x269: {  	v43 =	vand.u32 $0x7, v43;
	v5 =	vand.u32 $0xFFFF0000, v5;
	[tilespmem:v63+s19+$0x0] =	vst.idx.add.s32.msk vm7, v1  }
0x26a: {  	v27 =	vshll.u32 v10, $0x10;
	v53 =	vshrl.u32 v11, $0x10;
	vm3 =	vgt.s32 v32, v4;
	[tilespmem:v62+s24+$0x0] =	vst.idx.add.f32.msk vm6, v5  }
0x26b: {  	vm13 =	veq.s32 v38, v4;
	vm5 =	vgt.s32 v58, v4;
	v16 =	vnsel vm3, $0x0, v29;
	[tilespmem:v63+s24+$0x0] =	vst.idx.add.f32.msk vm7, v27  }
0x26c: {  	vm3 =	veq.s32 v34, v4;
	v57 =	vand.u32 $0x7, v53;
	v50 =	vnsel vm15, $0x0, v5;
	v5 =	vld [tilespmem:s26+$0xFFFFFFD0]  }
0x26d: {  	v51, _, _ =	vpop (xrf2);
	v37 =	vnsel vm5, $0x0, v28;
	(xrf2) =	vadd.scan.msk.f32 $0xffff, v44;
	vm5 =	veq.s32 v13, v4;
	[tilespmem:v56+s19+$0x0] =	vst.idx.add.s32.msk vm4, v1  }
0x26e: {  	vm6 =	vgt.s32 v30, v4;
	vm7 =	vgt.s32 v18, v4;
	v18 =	vshrl.u32 v6, $0x10;
	[tilespmem:v43+s19+$0x0] =	vst.idx.add.s32.msk vm14, v1  }
0x26f: {  	v10, _, _ =	vpop (xrf2);
	(xrf2) =	vadd.scan.msk.f32 $0xffff, v50;
	v6 =	vshrl.u32 v9, $0x10;
	v55 =	vand.u32 $0x7, v18;
	v18 =	vand.u32 $0x7, v9;
	v9 =	vld [tilespmem:s26+$0xFFFFFFF0]  }
0x270: {  	v36 =	vshrl.u32 v15, $0x13;
	v62 =	vshrl.u32 v59, $0x10;
	v63 =	vshrl.u32 v59, $0x13;
	[tilespmem:v56+s24+$0x0] =	vst.idx.add.f32.msk vm4, v20  }
0x271: {  	v53 =	vand.u32 $0x7, v15;
	v27 =	vnsel vm6, $0x0, v27;
	vm6 =	veq.s32 v31, v4;
	[tilespmem:v43+s24+$0x0] =	vst.idx.add.f32.msk vm14, v48  }
0x272: {  	v26, _, _ =	vpop (xrf2);
	(xrf2) =	vadd.scan.msk.f32 $0xffff, v16;
	v13 =	vand.u32 $0x7, v6;
	v31 =	vshrl.u32 v15, $0x3;
	v56 =	vand.u32 $0xFFFF0000, v59;
	v43 =	vld [tilespmem:s26+$0x10]  }
0x273: {  	vm10 =	veq.s32 v63, v4;
	v48 =	vshrl.u32 v33, $0x10;
	v30, _, _ =	vpop (xrf2);
	(xrf2) =	vadd.scan.msk.f32 $0xffff, v27;
	v27 =	vand.u32 $0x7, v11  }
0x274: {  	v11 =	vld [tilespmem:s26+$0xFFFFFFC0];
	v6 =	vand.u32 $0xFFFF0000, v5;
	v16 =	vshrl.u32 v5, $0x13;
	(v2sf) =	vpush v30, $0xF  }
0x275: {  	(xrf2) =	vadd.scan.msk.f32 $0xffff, v49;
	[tilespmem:v18+s19+$0x0] =	vst.idx.add.s32.msk vm12, v1;
	vm14 =	vgt.s32 v16, v4;
	v61 =	vshrl.u32 v9, $0x3  }
0x276: {  	v49 =	vand.u32 $0x7, v59;
	[tilespmem:v55+s19+$0x0] =	vst.idx.add.s32.msk vm5, v1;
	(v2sf) =	vpush v26, $0xF;
	v26 =	vand.u32 $0xFFFF0000, v7  }
0x277: {  	v7 =	vshrl.u32 v5, $0x3;
	[tilespmem:v18+s24+$0x0] =	vst.idx.add.f32.msk vm12, v12;
	(xrf2) =	vadd.scan.msk.f32 $0xffff, v45;
	v32 =	vshll.u32 v43, $0x10  }
0x278: {  	v12 =	vshrl.u32 v43, $0x3;
	[tilespmem:v55+s24+$0x0] =	vst.idx.add.f32.msk vm5, v21;
	v23 =	vnsel vm14, $0x0, v6;
	(v2sf) =	vpush v51, $0xF  }
0x279: {  	v58 =	vnsel vm7, $0x0, v26;
	v44 =	vand.u32 $0x1FFF, v7;
	v7 =	vshll.u32 v5, $0x10;
	[tilespmem:v13+s19+$0x0] =	vst.idx.add.s32.msk vm13, v1  }
0x27a: {  	v50, _, _ =	vpop (xrf2);
	(xrf2) =	vadd.scan.msk.f32 $0xffff, v52;
	v46 =	vand.u32 $0x1FFF, v12;
	[tilespmem:v25+s24+$0x0] =	vst.idx.add.f32.msk vm0, v26;
	v25 =	vshrl.u32 v59, $0x3  }
0x27b: {  	v20, _, _ =	vpop (xrf2);
	vm0 =	vgt.s32 v63, v4;
	vm7 =	vgt.s32 v44, v4;
	[tilespmem:v13+s24+$0x0] =	vst.idx.add.f32.msk vm13, v8;
	v8 =	vand.u32 $0x7, v33  }
0x27c: {  	v30 =	vld [tilespmem:s26+$0x20];
	v55, _, _ =	vpop (xrf2);
	(xrf2) =	vadd.scan.msk.f32 $0xffff, v58;
	v26 =	vand.u32 $0x1FFF, v25;
	v25 =	vshrl.u32 v9, $0x13;
	v60 =	vnsel vm7, $0x0, v7  }
0x27d: {  	v21 =	vnsel vm0, $0x0, v56;
	(v2sf) =	vpush v55, $0xF;
	v58 =	vand.u32 $0x7, v62;
	(xrf2) =	vadd.scan.msk.f32 $0xffff, v60  }
0x27e: {  	vm1 =	veq.s32 v46, v4;
	vm8 =	vgt.s32 v46, v4;
	v62 =	vshrl.u32 v43, $0x10;
	(xrf2) =	vadd.scan.msk.f32 $0xffff, v22  }
0x27f: {  	v47 =	vshrl.u32 v11, $0x3;
	v12 =	vshll.u32 v11, $0x10;
	v18 =	vshrl.u32 v11, $0x13;
	(xrf2) =	vadd.scan.msk.f32 $0xffff, v54  }
0x280: {  	[tilespmem:v27+s19+$0x0] =	vst.idx.add.s32.msk vm3, v1;
	v13 =	vand.u32 $0xFFFF0000, v11;
	vm4 =	vgt.s32 v26, v4;
	vm5 =	veq.s32 v26, v4  }
0x281: {  	v39 =	vshrl.u32 v30, $0x3;
	[tilespmem:v27+s24+$0x0] =	vst.idx.add.f32.msk vm3, v14;
	v14 =	vand.u32 $0xFFFF0000, v9;
	v27 =	vshrl.u32 v33, $0x13  }
0x282: {  	v42 =	vand.u32 $0x1FFF, v47;
	vm12 =	vgt.s32 v18, v4;
	v60 =	vand.u32 $0x7, v43;
	v26, _, _ =	vpop (xrf2)  }
0x283: {  	v52 =	vshrl.u32 v30, $0x13;
	[tilespmem:v57+s19+$0x0] =	vst.idx.add.s32.msk vm6, v1;
	vm3 =	veq.s32 v27, v4;
	vm7 =	vgt.s32 v42, v4;
	v51, _, _ =	vpop (xrf2)  }
0x284: {  	v19 =	vand.u32 $0x1FFF, v39;
	v39 =	vnsel vm8, $0x0, v32;
	[tilespmem:v57+s24+$0x0] =	vst.idx.add.f32.msk vm6, v17;
	v17 =	vshll.u32 v9, $0x10;
	v45, _, _ =	vpop (xrf2)  }
0x285: {  	vm6 =	vgt.s32 v27, v4;
	v54 =	vshll.u32 v59, $0x10;
	v27 =	vand.u32 $0x1FFF, v61;
	v28, _, _ =	vpop (xrf2)  }
0x286: {  	v57 =	vshrl.u32 v43, $0x13;
	v59 =	vand.u32 $0x1FFF, v31;
	vm11 =	vgt.s32 v19, v4;
	(xrf2) =	vadd.scan.msk.f32 $0xffff, v21;
	v29, _, _ =	vpop (xrf2)  }
0x287: {  	vm13 =	veq.s32 v19, v4;
	v22 =	vnsel vm4, $0x0, v54;
	vm4 =	vgt.s32 v27, v4;
	(xrf2) =	vadd.scan.msk.f32 $0xffff, v37;
	v31, _, _ =	vpop (xrf2)  }
0x288: {  	vm3 =	vmmov vm3;
	vm0 =	vgt.s32 v57, v4;
	vm2 =	veq.s32 v59, v4;
	[tilespmem:v49+s19+$0x0] =	vst.idx.add.s32.msk vm5, v1;
	v61, _, _ =	vpop (xrf2)  }
0x289: {  	vm9 =	vgt.s32 v59, v4;
	v21 =	vnsel vm4, $0x0, v17;
	vm4 =	vgt.s32 v25, v4;
	[tilespmem:v60+s19+$0x0] =	vst.idx.add.s32.msk vm1, v1;
	v19, _, _ =	vpop (xrf2)  }
0x28a: {  	[tilespmem:v49+s24+$0x0] =	vst.idx.add.f32.msk vm5, v54;
	vm5 =	veq.s32 v57, v4;
	(xrf2) =	vadd.scan.msk.f32 $0xffff, v24;
	(v2sf) =	vpush v19, $0xF  }
0x28b: {  	v63 =	vnsel vm4, $0x0, v14;
	v49 =	vand.u32 $0x7, v30;
	[tilespmem:v60+s24+$0x0] =	vst.idx.add.f32.msk vm1, v32;
	v24 =	vand.u32 $0x7, v62  }
0x28c: {  	vm4 =	veq.s32 v42, v4;
	vm1 =	veq.s32 v44, v4;
	v57 =	vshrl.u32 v15, $0x10;
	[tilespmem:v58+s19+$0x0] =	vst.idx.add.s32.msk vm10, v1  }
0x28d: {  	v37 =	vnsel vm7, $0x0, v12;
	[tilespmem:v58+s24+$0x0] =	vst.idx.add.f32.msk vm10, v56;
	(xrf2) =	vadd.scan.msk.f32 $0xffff, v23;
	v19 =	vnsel vm12, $0x0, v13  }
0x28e: {  	vm10 =	vgt.s32 v52, v4;
	v58 =	vand.u32 $0xFFFF0000, v30;
	(xrf2) =	vadd.scan.msk.f32 $0xffff, v19;
	v19 =	vshrl.u32 v30, $0x10  }
0x28f: {  	v56 =	vshll.u32 v15, $0x10;
	v59 =	vnsel vm10, $0x0, v58;
	v23 =	vand.u32 $0xFFFF0000, v43  }
0x290: {  	s2 =	sxor.u32 $0x80000000, s21;
	[tilespmem:v24+s19+$0x0] =	vst.idx.add.s32.msk vm5, v1;
	v34 =	vnsel vm0, $0x0, v23;
	vm0 =	veq.s32 v36, v4;
	vm12 =	veq.s32 v52, v4;
	v40, _, _ =	vpop (xrf2)  }
0x291: {  	s9 =	simm.f32 $0.0e+00;
	s3 =	sxor.u32 $0x80000000, s14;
	p6 =	sgt.s32 s2, s30;
	[tilespmem:v24+s24+$0x0] =	vst.idx.add.f32.msk vm5, v23;
	vm5 =	vgt.s32 v36, v4;
	v54 =	vand.u32 $0x7, v19;
	v19, _, _ =	vpop (xrf2);
	(xrf2) =	vadd.scan.msk.f32 $0xffff, v63  }
0x292: {  	s30 =	smov.u32 @p6 s2;
	p6 =	sgt.s32 s3, s31;
	s2 =	sxor.u32 $0x80000000, s13;
	[tilespmem:v49+s19+$0x0] =	vst.idx.add.s32.msk vm13, v1;
	v23 =	vshrl.u32 v33, $0x3;
	v24 =	vshll.u32 v30, $0x10;
	v30 =	vand.u32 $0x7, v57  }
0x293: {  	s28 =	smov.u32 @p2 s30;
	s31 =	smov.u32 @p6 s3;
	p2 =	sgt.s32 s2, s0;
	[tilespmem:v49+s24+$0x0] =	vst.idx.add.f32.msk vm13, v24;
	v55 =	vand.u32 $0x1FFF, v23;
	v43 =	vnsel vm11, $0x0, v24;
	(v2sf) =	vpush v19, $0xF  }
0x294: {  	s28 =	smov.u32 @p3 s31;
	s0 =	smov.u32 @p2 s2;
	s2 =	sxor.u32 $0x80000000, s25;
	v23 =	vshll.u32 v33, $0x10;
	v24 =	vand.u32 $0xFFFF0000, v33;
	v60, _, _ =	vpop (xrf2);
	(xrf2) =	vadd.scan.msk.f32 $0xffff, v59;
	(v2sf) =	vpush v61, $0xF  }
0x295: {  	s28 =	smov.u32 @p5 s0;
	p2 =	sgt.s32 s2, s20;
	[tilespmem:v53+s19+$0x0] =	vst.idx.add.s32.msk vm2, v1;
	s30 =	spop (v2sf);
	v49 =	vshrl.u32 v11, $0x10;
	vm15 =	vgt.s32 v55, v4;
	(v2sf) =	vpush v45, $0xF  }
0x296: {  	s20 =	smov.u32 @p2 s2;
	s2 =	sxor.u32 $0x80000000, s23;
	[tilespmem:v53+s24+$0x0] =	vst.idx.add.f32.msk vm2, v56;
	s0 =	spop (v2sf);
	vm2 =	veq.s32 v55, v4;
	v61 =	vnsel vm6, $0x0, v24;
	(v2sf) =	vpush v50, $0xF  }
0x297: {  	s28 =	smov.u32 @p4 s20;
	p2 =	sgt.s32 s2, s1;
	s20 =	spop (v2sf);
	v35 =	vnsel vm15, $0x0, v23;
	[tilespmem:v30+s19+$0x0] =	vst.idx.add.s32.msk vm0, v1;
	v41, _, _ =	vpop (xrf2);
	(v2sf) =	vpush v60, $0xF;
	(xrf2) =	vadd.scan.msk.f32 $0xffff, v61  }
0x298: {  	s13 =	simm.s32 $0x140;
	s1 =	smov.u32 @p2 s2;
	s25 =	spop (v2sf);
	v63 =	vshrl.u32 v5, $0x10;
	v19 =	vand.u32 $0x7, v48;
	[tilespmem:v54+s19+$0x0] =	vst.idx.add.s32.msk vm12, v1;
	(v2sf) =	vpush v51, $0xF;
	v62, _, _ =	vpop (xrf2)  }
0x299: {  	s28 =	smov.u32 @p1 s1;
	s1 =	simm.s32 $0x80;
	v32 =	vand.u32 $0x7, v63;
	v45 =	vnsel vm9, $0x0, v56;
	[tilespmem:v54+s24+$0x0] =	vst.idx.add.f32.msk vm12, v58;
	(v2sf) =	vpush v62, $0xF;
	s23 =	spop (v2sf)  }
.LBB2_24:
0x29a: {  	s1 =	sadd.s32 $0x80, s1;
	v48 =	vand.u32 $0x7, v5;
	v5 =	vld [tilespmem:s13+$0xFFFFFFD0];
	vm6 =	veq.s32 v16, v4;
	(xrf2) =	vadd.scan.msk.f32 $0xffff, v39;
	(v2sf) =	vpush v26, $0xF  }
0x29b: {  	v52 =	vand.u32 $0x7, v49;
	vm8 =	veq.s32 v27, v4;
	s2 =	sadd.f32 s23, s9;
	v16 =	vld [tilespmem:s13+$0x30];
	p1 =	slt.u32 s1, $0x1F80;
	v33, _, _ =	vpop (xrf2);
	(v2sf) =	vpush v10, $0xF  }
0x29c: {  	vm9 =	veq.s32 v18, v4;
	v18 =	vand.u32 $0x7, v9;
	v10 =	vmovc v40;
	v39 =	vld [tilespmem:s13+$0x20];
	(v2sf) =	vpush v20, $0xF  }
0x29d: {  	v27 =	vand.u32 $0x7, v11;
	v11 =	vshrl.u32 v9, $0x10;
	s2 =	sadd.f32 s2, s30;
	v36 =	vld [tilespmem:s13+$0x10];
	(v2sf) =	vpush v41, $0xF;
	(xrf2) =	vadd.scan.msk.f32 $0xffff, v43  }
0x29e: {  	vm7 =	veq.s32 v25, v4;
	v25 =	vand.u32 $0x7, v11;
	v9 =	vld [tilespmem:s13+$0xFFFFFFF0];
	(v2sf) =	vpush v31, $0xF;
	v20, _, _ =	vpop (xrf2)  }
0x29f: {  	v31 =	vand.u32 $0xFFFF0000, v15;
	s2 =	sadd.f32 s20, s2;
	v11 =	vld [tilespmem:s13+$0xFFFFFFC0];
	v43 =	vand.u32 $0xFFFF0000, v5;
	(v2sf) =	vpush v28, $0xF  }
0x2a0: {  	v28 =	vnsel vm5, $0x0, v31;
	v49 =	vld [tilespmem:s13+$0xFFFFFFE0];
	v40 =	vshrl.u32 v16, $0x3;
	v41 =	vshrl.u32 v16, $0x13;
	(xrf2) =	vadd.scan.msk.f32 $0xffff, v34;
	v15 =	vmovc v16  }
0x2a1: {  	v16 =	vshrl.u32 v5, $0x3;
	s0 =	sadd.f32 s2, s0;
	v51 =	vshrl.u32 v39, $0x3;
	[tilespmem:v18+s19+$0x0] =	vst.idx.add.s32.msk vm8, v1;
	v34, _, _ =	vpop (xrf2);
	(v2sf) =	vpush v29, $0xF  }
0x2a2: {  	v44 =	vand.u32 $0x1FFF, v16;
	v16 =	vshrl.u32 v5, $0x13;
	v38 =	vshll.u32 v36, $0x10;
	[tilespmem:v18+s24+$0x0] =	vst.idx.add.f32.msk vm8, v17;
	s2 =	spop (v2sf)  }
0x2a3: {  	v53 =	vshll.u32 v5, $0x10;
	vm5 =	vgt.s32 v44, v4;
	v17 =	vshrl.u32 v36, $0x3;
	(xrf2) =	vadd.scan.msk.f32 $0xffff, v45;
	s0 =	sadd.f32 s2, s0;
	s4 =	spop (v2sf)  }
0x2a4: {  	vm10 =	vgt.s32 v16, v4;
	v29 =	vnsel vm5, $0x0, v53;
	v46 =	vand.u32 $0x1FFF, v17;
	v45 =	vld [tilespmem:s13+$0x0];
	v26, _, _ =	vpop (xrf2);
	s2 =	spop (v2sf)  }
0x2a5: {  	v47 =	vshrl.u32 v11, $0x3;
	v54 =	vshll.u32 v11, $0x10;
	v55 =	vand.u32 $0x7, v49;
	[tilespmem:v25+s19+$0x0] =	vst.idx.add.s32.msk vm7, v1;
	s0 =	sadd.f32 s0, s25;
	s5 =	spop (v2sf)  }
0x2a6: {  	v18 =	vshrl.u32 v11, $0x13;
	v56 =	vand.u32 $0xFFFF0000, v11;
	v17 =	vshrl.u32 v49, $0x10;
	(xrf2) =	vadd.scan.msk.f32 $0xffff, v28;
	s3 =	spop (v2sf)  }
0x2a7: {  	v57 =	vshrl.u32 v49, $0x3;
	v50 =	vand.u32 $0x7, v17;
	[tilespmem:v25+s24+$0x0] =	vst.idx.add.f32.msk vm7, v14;
	v14 =	vand.u32 $0xFFFF0000, v9;
	v42, _, _ =	vpop (xrf2);
	s0 =	sadd.f32 s3, s0;
	s3 =	spop (v2sf)  }
0x2a8: {  	v28 =	vshrl.u32 v9, $0x3;
	v17 =	vshll.u32 v9, $0x10;
	v25 =	vshrl.u32 v49, $0x13;
	[tilespmem:v27+s19+$0x0] =	vst.idx.add.s32.msk vm4, v1;
	s30 =	spop (v2sf)  }
0x2a9: {  	v58 =	vand.u32 $0x1FFF, v47;
	vm5 =	vgt.s32 v25, v4;
	v59 =	vshrl.u32 v45, $0x10;
	(xrf2) =	vadd.scan.msk.f32 $0xffff, v29;
	s0 =	sadd.f32 s0, s5;
	s5 =	spop (v2sf)  }
0x2aa: {  	vm7 =	veq.s32 v25, v4;
	v25 =	vshrl.u32 v45, $0x3;
	v60 =	vshrl.u32 v45, $0x13;
	[tilespmem:v27+s24+$0x0] =	vst.idx.add.f32.msk vm4, v12;
	v47, _, _ =	vpop (xrf2);
	s6 =	spop (v2sf)  }
0x2ab: {  	v62 =	vand.u32 $0x7, v45;
	v61 =	vand.u32 $0x1FFF, v25;
	vm4 =	vgt.s32 v60, v4;
	v12 =	vmovc v54;
	[tilespmem:v52+s19+$0x0] =	vst.idx.add.s32.msk vm9, v1;
	s7 =	sadd.f32 s4, s0;
	s4 =	spop (v2sf)  }
0x2ac: {  	vm8 =	vgt.s32 v58, v4;
	v54 =	vshll.u32 v45, $0x10;
	vm11 =	vgt.s32 v61, v4;
	s0 =	spop (v2sf);
	(xrf2) =	vadd.scan.msk.f32 $0xffff, v22  }
0x2ad: {  	v27 =	vand.u32 $0x1FFF, v28;
	v25 =	vshrl.u32 v9, $0x13;
	v22 =	vnsel vm11, $0x0, v54;
	[tilespmem:v52+s24+$0x0] =	vst.idx.add.f32.msk vm9, v13;
	s20 =	spop (v2sf);
	v28, _, _ =	vpop (xrf2);
	s6 =	sadd.f32 s7, s6  }
0x2ae: {  	v63 =	vand.u32 $0xFFFF0000, v45;
	v52 =	vnsel vm10, $0x0, v43;
	vm9 =	vgt.s32 v27, v4;
	v13 =	vmovc v56;
	[tilespmem:v30+s24+$0x0] =	vst.idx.add.f32.msk vm0, v31;
	s7 =	spop (v2sf)  }
0x2af: {  	v56 =	vand.u32 $0x1FFF, v57;
	v30 =	vnsel vm9, $0x0, v17;
	vm0 =	vgt.s32 v25, v4;
	(xrf2) =	vadd.scan.msk.f32 $0xffff, v37;
	s5 =	sadd.f32 s5, s6  }
0x2b0: {  	vm10 =	vgt.s32 v18, v4;
	vm9 =	vgt.s32 v56, v4;
	v57 =	vnsel vm0, $0x0, v14;
	[tilespmem:v48+s19+$0x0] =	vst.idx.add.s32.msk vm1, v1;
	v29, _, _ =	vpop (xrf2);
	s6 =	spop (v2sf)  }
0x2b1: {  	v3 =	vshrl.u32 v36, $0x13;
	v2 =	vnsel vm4, $0x0, v63;
	v37 =	vnsel vm10, $0x0, v13;
	[tilespmem:v48+s24+$0x0] =	vst.idx.add.f32.msk vm1, v7;
	s2 =	sadd.f32 s5, s2;
	v7 =	vmovc v53  }
0x2b2: {  	v45 =	vshll.u32 v49, $0x10;
	v48 =	vand.u32 $0xFFFF0000, v36;
	(xrf2) =	vadd.scan.msk.f32 $0xffff, v2;
	(v2sf) =	vpush v34, $0xF  }
0x2b3: {  	v0 =	vand.u32 $0xFFFF0000, v39;
	vm0 =	vgt.s32 v3, v4;
	v53 =	vshrl.u32 v39, $0x13;
	v31, _, _ =	vpop (xrf2);
	[tilespmem:v32+s19+$0x0] =	vst.idx.add.s32.msk vm6, v1;
	s2 =	sadd.f32 s3, s2  }
0x2b4: {  	v51 =	vand.u32 $0x1FFF, v51;
	vm1 =	veq.s32 v61, v4;
	v34 =	vnsel vm0, $0x0, v48;
	[tilespmem:v32+s24+$0x0] =	vst.idx.add.f32.msk vm6, v6;
	v6 =	vmovc v43  }
0x2b5: {  	v61 =	vshll.u32 v39, $0x10;
	vm0 =	vgt.s32 v51, v4;
	v32 =	vand.u32 $0xFFFF0000, v49;
	(xrf2) =	vadd.scan.msk.f32 $0xffff, v35;
	s2 =	sadd.f32 s2, s4  }
0x2b6: {  	vm12 =	veq.s32 v60, v4;
	v43 =	vnsel vm0, $0x0, v61;
	vm0 =	vgt.s32 v53, v4;
	[tilespmem:v8+s19+$0x0] =	vst.idx.add.s32.msk vm2, v1;
	v60, _, _ =	vpop (xrf2)  }
0x2b7: {  	v40 =	vand.u32 $0x1FFF, v40;
	v35 =	vand.u32 $0x7, v59;
	v59 =	vnsel vm0, $0x0, v0;
	[tilespmem:v8+s24+$0x0] =	vst.idx.add.f32.msk vm2, v23;
	s2 =	sadd.f32 s7, s2;
	v8 =	vmovc v55;
	v23 =	vmovc v45  }
0x2b8: {  	vm0 =	vgt.s32 v40, v4;
	vm2 =	veq.s32 v40, v4;
	v55 =	vshll.u32 v15, $0x10;
	(xrf2) =	vadd.scan.msk.f32 $0xffff, v21;
	v21 =	vmovc v30  }
0x2b9: {  	vm11 =	vgt.s32 v46, v4;
	v2 =	vnsel vm5, $0x0, v32;
	v45 =	vnsel vm0, $0x0, v55;
	[tilespmem:v19+s19+$0x0] =	vst.idx.add.s32.msk vm3, v1;
	v30, _, _ =	vpop (xrf2);
	s9 =	sadd.f32 s2, s6  }
0x2ba: {  	vm10 =	veq.s32 v51, v4;
	v51 =	vand.u32 $0x7, v15;
	[tilespmem:v19+s24+$0x0] =	vst.idx.add.f32.msk vm3, v24;
	(v2sf) =	vpush v30, $0xF;
	v19 =	vmovc v50  }
0x2bb: {  	vm0 =	veq.s32 v41, v4;
	v30 =	vshrl.u32 v15, $0x10;
	v24 =	vmovc v32;
	[tilespmem:v62+s19+$0x0] =	vst.idx.add.s32.msk vm1, v1;
	(xrf2) =	vadd.scan.msk.f32 $0xffff, v52  }
0x2bc: {  	vm4 =	veq.s32 v58, v4;
	vm6 =	veq.s32 v3, v4;
	v30 =	vand.u32 $0x7, v30;
	[tilespmem:v62+s24+$0x0] =	vst.idx.add.f32.msk vm1, v54;
	v40, _, _ =	vpop (xrf2)  }
0x2bd: {  	vm13 =	veq.s32 v53, v4;
	v49 =	vshrl.u32 v11, $0x10;
	v3 =	vand.u32 $0x7, v39;
	[tilespmem:v35+s19+$0x0] =	vst.idx.add.s32.msk vm12, v1  }
0x2be: {  	vm5 =	vgt.s32 v41, v4;
	v32 =	vshrl.u32 v39, $0x10;
	[tilespmem:v35+s24+$0x0] =	vst.idx.add.f32.msk vm12, v63;
	(xrf2) =	vadd.scan.msk.f32 $0xffff, v37  }
0x2bf: {  	v32 =	vand.u32 $0x7, v32;
	vm1 =	veq.s32 v44, v4;
	v37 =	vnsel vm8, $0x0, v12;
	[tilespmem:v51+s19+$0x0] =	vst.idx.add.s32.msk vm2, v1;
	v41, _, _ =	vpop (xrf2)  }
0x2c0: {  	v44 =	vshrl.u32 v5, $0x10;
	v35 =	vnsel vm9, $0x0, v23;
	vm8 =	veq.s32 v46, v4;
	[tilespmem:v51+s24+$0x0] =	vst.idx.add.f32.msk vm2, v55  }
0x2c1: {  	v46 =	vand.u32 $0x7, v36;
	vm2 =	veq.s32 v56, v4;
	[tilespmem:v30+s19+$0x0] =	vst.idx.add.s32.msk vm0, v1;
	(xrf2) =	vadd.scan.msk.f32 $0xffff, v57;
	s25 =	spop (v2sf)  }
0x2c2: {  	v39 =	vnsel vm11, $0x0, v38;
	vm3 =	vmmov vm7;
	v36 =	vshrl.u32 v36, $0x10;
	[tilespmem:v3+s19+$0x0] =	vst.idx.add.s32.msk vm10, v1;
	v50, _, _ =	vpop (xrf2)  }
0x2c3: {  	v36 =	vand.u32 $0x7, v36;
	[tilespmem:v3+s24+$0x0] =	vst.idx.add.f32.msk vm10, v61;
	(v2sf) =	vpush v41, $0xF  }
0x2c4: {  	[tilespmem:v32+s19+$0x0] =	vst.idx.add.s32.msk vm13, v1;
	(xrf2) =	vadd.scan.msk.f32 $0xffff, v59;
	(v2sf) =	vpush v60, $0xF  }
.Ltmp11:
0x2c5: {  	[tilespmem:v32+s24+$0x0] =	vst.idx.add.f32.msk vm13, v0;
	v41, _, _ =	vpop (xrf2);
	(v2sf) =	vpush v47, $0xF;
	(pc) =	sbr.rel @p1 .LBB2_24-.Ltmp11, $4  }
0x2c6: {  	[tilespmem:v46+s19+$0x0] =	vst.idx.add.s32.msk vm8, v1;
	(v2sf) =	vpush v33, $0xF  }
0x2c7: {  	[tilespmem:v46+s24+$0x0] =	vst.idx.add.f32.msk vm8, v38;
	(xrf2) =	vadd.scan.msk.f32 $0xffff, v2;
	(v2sf) =	vpush v50, $0xF  }
0x2c8: {  	[tilespmem:v36+s19+$0x0] =	vst.idx.add.s32.msk vm6, v1;
	v0, _, _ =	vpop (xrf2);
	(v2sf) =	vpush v42, $0xF  }
0x2c9: {  	s13 =	sadd.s32 $0x80, s13;
	v32 =	vand.u32 $0x7, v44;
	[tilespmem:v36+s24+$0x0] =	vst.idx.add.f32.msk vm6, v48;
	(v2sf) =	vpush v0, $0xF;
	s23 =	spop (v2sf)  }
0x2ca: {  	(xrf2) =	vadd.scan.msk.f32 $0xffff, v39  }
0x2cb: {  	(xrf2) =	vadd.scan.msk.f32 $0xffff, v43  }
0x2cc: {  	v0 =	vand.u32 $0xFFFF0000, v15;
	(xrf2) =	vadd.scan.msk.f32 $0xffff, v34  }
0x2cd: {  	v2 =	vnsel vm5, $0x0, v0;
	(xrf2) =	vadd.scan.msk.f32 $0xffff, v45  }
0x2ce: {  	(xrf2) =	vadd.scan.msk.f32 $0xffff, v2  }
0x2cf: {  	(xrf2) =	vadd.scan.msk.f32 $0xffff, v22  }
0x2d0: {  	(xrf2) =	vadd.scan.msk.f32 $0xffff, v37  }
0x2d1: {  	v2, _, _ =	vpop (xrf2);
	(xrf2) =	vadd.scan.msk.f32 $0xffff, v35  }
0x2d2: {  	v3, _, _ =	vpop (xrf2)  }
0x2d3: {  	(v2sf) =	vpush v26, $0xF;
	v15, _, _ =	vpop (xrf2)  }
0x2d4: {  	(v2sf) =	vpush v10, $0xF;
	v10, _, _ =	vpop (xrf2)  }
0x2d5: {  	(v2sf) =	vpush v20, $0xF;
	v20, _, _ =	vpop (xrf2)  }
0x2d6: {  	(v2sf) =	vpush v41, $0xF;
	(xrf2) =	vadd.scan.msk.f32 $0xffff, v21;
	v21, _, _ =	vpop (xrf2)  }
0x2d7: {  	(v2sf) =	vpush v31, $0xF;
	v22, _, _ =	vpop (xrf2)  }
0x2d8: {  	(v2sf) =	vpush v28, $0xF;
	v26, _, _ =	vpop (xrf2)  }
0x2d9: {  	(v2sf) =	vpush v29, $0xF;
	v28, _, _ =	vpop (xrf2)  }
0x2da: {  	(v2sf) =	vpush v15, $0xF;
	v15, _, _ =	vpop (xrf2)  }
0x2db: {  	s2 =	spop (v2sf);
	(v2sf) =	vpush v15, $0xF;
	v15, _, _ =	vpop (xrf2)  }
0x2dc: {  	s6 =	spop (v2sf);
	(v2sf) =	vpush v15, $0xF  }
0x2dd: {  	s26 =	spop (v2sf);
	(v2sf) =	vpush v28, $0xF  }
0x2de: {  	s4 =	spop (v2sf)  }
0x2df: {  	vm5 =	veq.s32 v27, v4;
	s3 =	spop (v2sf);
	(v2sf) =	vpush v21, $0xF  }
0x2e0: {  	s18 =	spop (v2sf);
	(v2sf) =	vpush v2, $0xF;
	v2 =	vand.u32 $0x7, v9  }
0x2e1: {  	vm6 =	veq.s32 v25, v4;
	s8 =	spop (v2sf);
	v15, _, _ =	vpop (xrf2);
	v9 =	vshrl.u32 v9, $0x10  }
0x2e2: {  	s17 =	spop (v2sf);
	(v2sf) =	vpush v15, $0xF;
	v9 =	vand.u32 $0x7, v9  }
0x2e3: {  	s5 =	spop (v2sf);
	(v2sf) =	vpush v20, $0xF  }
0x2e4: {  	s7 =	spop (v2sf);
	(v2sf) =	vpush v10, $0xF;
	v10 =	vand.u32 $0x7, v11  }
0x2e5: {  	vm7 =	veq.s32 v18, v4;
	s14 =	spop (v2sf);
	(v2sf) =	vpush v40, $0xF;
	[tilespmem:v2+s19+$0x0] =	vst.idx.add.s32.msk vm5, v1  }
0x2e6: {  	s10 =	spop (v2sf);
	(v2sf) =	vpush v3, $0xF;
	v3 =	vand.u32 $0x7, v49;
	[tilespmem:v2+s24+$0x0] =	vst.idx.add.f32.msk vm5, v17  }
0x2e7: {  	s22 =	spop (v2sf);
	[tilespmem:v9+s19+$0x0] =	vst.idx.add.s32.msk vm6, v1  }
0x2e8: {  	s12 =	spop (v2sf);
	[tilespmem:v9+s24+$0x0] =	vst.idx.add.f32.msk vm6, v14  }
0x2e9: {  	s16 =	spop (v2sf);
	[tilespmem:v10+s19+$0x0] =	vst.idx.add.s32.msk vm4, v1  }
0x2ea: {  	[tilespmem:v10+s24+$0x0] =	vst.idx.add.f32.msk vm4, v12;
	s11 =	spop (v2sf)  }
0x2eb: {  	(v2sf) =	vpush v22, $0xF;
	v2 =	vand.u32 $0x7, v5;
	[tilespmem:v3+s19+$0x0] =	vst.idx.add.s32.msk vm7, v1;
	s13 =	spop (v2sf)  }
0x2ec: {  	vm5 =	veq.s32 v16, v4;
	[tilespmem:v3+s24+$0x0] =	vst.idx.add.f32.msk vm7, v13;
	s1 =	spop (v2sf)  }
0x2ed: {  	(v2sf) =	vpush v26, $0xF;
	[smem:$0x7F8] =	sst s1  }
0x2ee: {  	s21 =	spop (v2sf);
	[tilespmem:v30+s24+$0x0] =	vst.idx.add.f32.msk vm0, v0  }
0x2ef: {  	[smem:$0x7FB] =	sst s21  }
0x2f0: {  	s21 =	spop (v2sf);
	[tilespmem:v2+s19+$0x0] =	vst.idx.add.s32.msk vm1, v1  }
0x2f1: {  	s15 =	spop (v2sf);
	[tilespmem:v2+s24+$0x0] =	vst.idx.add.f32.msk vm1, v7  }
0x2f2: {  	s31 =	spop (v2sf);
	[tilespmem:v32+s19+$0x0] =	vst.idx.add.s32.msk vm5, v1  }
0x2f3: {  	[smem:$0x7FC] =	sst s31  }
0x2f4: {  	s31 =	spop (v2sf);
	[tilespmem:v32+s24+$0x0] =	vst.idx.add.f32.msk vm5, v6  }
0x2f5: {  	[smem:$0x7FA] =	sst s31  }
0x2f6: {  	s31 =	spop (v2sf);
	[tilespmem:v8+s19+$0x0] =	vst.idx.add.s32.msk vm2, v1  }
0x2f7: {  	[smem:$0x7F9] =	sst s31  }
0x2f8: {  	s31 =	spop (v2sf);
	[tilespmem:v8+s24+$0x0] =	vst.idx.add.f32.msk vm2, v23  }
0x2f9: {  	[smem:$0x7FD] =	sst s31  }
0x2fa: {  	s31 =	spop (v2sf);
	[tilespmem:v19+s19+$0x0] =	vst.idx.add.s32.msk vm3, v1  }
0x2fb: {  	[dreg:$0x1a] =	wrdreg s31  }
0x2fc: {  	s31 =	spop (v2sf);
	[tilespmem:v19+s24+$0x0] =	vst.idx.add.f32.msk vm3, v24  }
0x2fd: {  	[dreg:$0x13] =	wrdreg s31;
	s31 =	simm.s32 $0x1  }
0x2fe: {  	_ =	swait.ge [sflag:s31], $0x2000  }
0x2ff: {  	[sflag:s31] =	ssyncset.done $0x0  }
0x300: {  	s1 =	simm.s32 $0x0;
	[sflag:s31] =	ssyncadd.s32 $0xFFFFE000;
	s31 =	rddreg [dreg:$0x6]  }
0x301: {  	[tilespmem:s1], [sflag:$0x1] =	stream.linear.gather [hbm4b:s31+s1], $0x2000, $0x38;
	[tilespmem:$0x7300] =	vst v63  }
0x302: {  	s31 =	simm.s32 $0x2070  }
0x303: {  	v11 =	vld [tilespmem:s31+$0xFFFFFFA0]  }
0x304: {  	v7 =	vld [tilespmem:s31+$0x0]  }
0x305: {  	v0 =	vld [tilespmem:s31+$0xFFFFFFF0]  }
0x306: {  	v2 =	vld [tilespmem:s31+$0xFFFFFFE0]  }
0x307: {  	v6 =	vld [tilespmem:s31+$0xFFFFFF90]  }
0x308: {  	v3 =	vld [tilespmem:s31+$0xFFFFFFB0]  }
0x309: {  	v9 =	vld [tilespmem:s31+$0xFFFFFFC0];
	v20 =	vand.u32 $0xFFFF0000, v11  }
0x30a: {  	v17 =	vld [tilespmem:s31+$0xFFFFFFD0];
	v5 =	vshrl.u32 v7, $0x3;
	v13 =	vshrl.u32 v7, $0x13;
	v8 =	vshrl.u32 v11, $0x3  }
0x30b: {  	v10 =	vshrl.u32 v0, $0x3;
	v12 =	vshrl.u32 v11, $0x13;
	v15 =	vshll.u32 v2, $0x10  }
0x30c: {  	v18 =	vshll.u32 v11, $0x10;
	v24 =	vshrl.u32 v6, $0x3;
	v23 =	vshll.u32 v6, $0x10  }
0x30d: {  	v31 =	vand.u32 $0x7, v3;
	v25 =	vshrl.u32 v6, $0x13;
	v22 =	vand.u32 $0xFFFF0000, v6  }
0x30e: {  	v26 =	vshrl.u32 v3, $0x3;
	v19 =	vand.u32 $0xFFFF0000, v9;
	v27 =	vshrl.u32 v3, $0x13  }
0x30f: {  	v29 =	vshrl.u32 v9, $0x3;
	v50 =	vshrl.u32 v17, $0x10;
	v51 =	vand.u32 $0x7, v17  }
0x310: {  	v52 =	vshll.u32 v17, $0x10;
	v38 =	vshrl.u32 v9, $0x13;
	v56 =	vand.u32 $0x7, v7  }
0x311: {  	v57 =	vshrl.u32 v2, $0x13;
	v58 =	vshrl.u32 v0, $0x13;
	v59 =	vand.u32 $0x7, v0  }
0x312: {  	v34 =	vshll.u32 v3, $0x10;
	v60 =	vand.u32 $0xFFFF0000, v0;
	v63 =	vand.u32 $0x7, v11  }
0x313: {  	v14 =	vand.u32 $0x1FFF, v8;
	v8 =	vshrl.u32 v2, $0x3;
	v30 =	vand.u32 $0x1FFF, v24  }
0x314: {  	vm3 =	vgt.s32 v27, v4;
	vm1 =	veq.s32 v27, v4;
	v24 =	vshrl.u32 v17, $0x3  }
0x315: {  	v27 =	vshrl.u32 v17, $0x13;
	v29 =	vand.u32 $0x1FFF, v29;
	v17 =	vand.u32 $0xFFFF0000, v17  }
0x316: {  	v53 =	vand.u32 $0x1FFF, v26;
	vm6 =	vgt.s32 v25, v4;
	v5 =	vand.u32 $0x1FFF, v5  }
0x317: {  	v10 =	vand.u32 $0x1FFF, v10;
	v33 =	vand.u32 $0x1FFF, v24;
	vm9 =	veq.s32 v5, v4  }
0x318: {  	vm0 =	vgt.s32 v14, v4;
	v21 =	vand.u32 $0x1FFF, v8;
	vm7 =	veq.s32 v33, v4  }
0x319: {  	v8 =	vshrl.u32 v3, $0x10;
	vm5 =	vgt.s32 v27, v4;
	v16 =	vnsel vm0, $0x0, v18  }
0x31a: {  	s31 =	sadd.f32 s23, s9;
	s9 =	simm.s32 $0x20F0;
	vm8 =	veq.s32 v27, v4;
	(xrf2) =	vadd.scan.msk.f32 $0xffff, v16;
	v16 =	vnsel vm6, $0x0, v22;
	vm6 =	veq.s32 v10, v4  }
0x31b: {  	v41 =	vld [tilespmem:s9+$0xFFFFFFF0];
	v27 =	vand.u32 $0x7, v50;
	vm0 =	vgt.s32 v12, v4;
	v28 =	vand.u32 $0x7, v8  }
0x31c: {  	v37 =	vld [tilespmem:s9+$0xFFFFFFE0];
	s1 =	sadd.f32 s31, s30;
	v8 =	vshll.u32 v9, $0x10;
	vm4 =	vgt.s32 v33, v4;
	v55 =	vnsel vm5, $0x0, v17  }
0x31d: {  	v36 =	vnsel vm0, $0x0, v20;
	vm0 =	vgt.s32 v29, v4;
	(xrf2) =	vadd.scan.msk.f32 $0xffff, v55;
	[tilespmem:v56+s19+$0x0] =	vst.idx.add.s32.msk vm9, v1  }
0x31e: {  	s1 =	sadd.f32 s20, s1;
	v33 =	vnsel vm0, $0x0, v8;
	(xrf2) =	vadd.scan.msk.f32 $0xffff, v36;
	v36 =	vand.u32 $0xFFFF0000, v3;
	[tilespmem:v51+s19+$0x0] =	vst.idx.add.s32.msk vm7, v1  }
0x31f: {  	vm0 =	vgt.s32 v38, v4;
	v62 =	vnsel vm3, $0x0, v36;
	vm3 =	veq.s32 v14, v4;
	[tilespmem:v51+s24+$0x0] =	vst.idx.add.f32.msk vm7, v52  }
0x320: {  	v26 =	vshrl.u32 v7, $0x10;
	s0 =	sadd.f32 s1, s0;
	v54 =	vnsel vm0, $0x0, v19;
	vm0 =	veq.s32 v13, v4;
	[tilespmem:v59+s19+$0x0] =	vst.idx.add.s32.msk vm6, v1  }
0x321: {  	v42 =	vand.u32 $0x7, v2;
	vm14 =	vgt.s32 v57, v4;
	v26 =	vand.u32 $0x7, v26;
	[tilespmem:v27+s19+$0x0] =	vst.idx.add.s32.msk vm8, v1  }
0x322: {  	v48 =	vshrl.u32 v41, $0x3;
	v45 =	vand.u32 $0xFFFF0000, v37;
	s0 =	sadd.f32 s2, s0;
	[tilespmem:v27+s24+$0x0] =	vst.idx.add.f32.msk vm8, v17;
	v27 =	vshll.u32 v7, $0x10  }
0x323: {  	vm2 =	vgt.s32 v30, v4;
	v17 =	vshrl.u32 v0, $0x10;
	v0 =	vshll.u32 v0, $0x10;
	[tilespmem:v56+s24+$0x0] =	vst.idx.add.f32.msk vm9, v27  }
0x324: {  	vm15 =	vgt.s32 v10, v4;
	vm1 =	vmmov vm1;
	s0 =	sadd.f32 s0, s25;
	vm7 =	veq.s32 v58, v4;
	[tilespmem:v59+s24+$0x0] =	vst.idx.add.f32.msk vm6, v0  }
0x325: {  	(xrf2) =	vadd.scan.msk.f32 $0xffff, v16;
	vm8 =	veq.s32 v21, v4;
	v16 =	vand.u32 $0x7, v17;
	[tilespmem:v63+s19+$0x0] =	vst.idx.add.s32.msk vm3, v1  }
0x326: {  	vm13 =	veq.s32 v29, v4;
	v48 =	vand.u32 $0x1FFF, v48;
	s0 =	sadd.f32 s3, s0;
	vm6 =	vgt.s32 v58, v4;
	[tilespmem:v26+s19+$0x0] =	vst.idx.add.s32.msk vm0, v1  }
0x327: {  	vm5 =	veq.s32 v57, v4;
	v3 =	vnsel vm6, $0x0, v60;
	vm6 =	vgt.s32 v5, v4;
	v5 =	vld [tilespmem:s9+$0xFFFFFFA0]  }
0x328: {  	v24 =	vnsel vm4, $0x0, v52;
	vm4 =	vgt.s32 v53, v4;
	v29 =	vand.u32 $0xFFFF0000, v7;
	s0 =	sadd.f32 s0, s4;
	[tilespmem:v63+s24+$0x0] =	vst.idx.add.f32.msk vm3, v18  }
0x329: {  	vm12 =	vgt.s32 v21, v4;
	v40 =	vnsel vm4, $0x0, v34;
	vm4 =	veq.s32 v12, v4;
	[tilespmem:v26+s24+$0x0] =	vst.idx.add.f32.msk vm0, v29  }
0x32a: {  	(xrf2) =	vadd.scan.msk.f32 $0xffff, v54;
	s0 =	sadd.f32 s6, s0;
	v17 =	vand.u32 $0xFFFF0000, v2;
	v2 =	vshrl.u32 v2, $0x10;
	[tilespmem:v16+s19+$0x0] =	vst.idx.add.s32.msk vm7, v1  }
0x32b: {  	v0 =	vnsel vm15, $0x0, v0;
	v59 =	vshrl.u32 v37, $0x13;
	v2 =	vand.u32 $0x7, v2;
	[tilespmem:v42+s19+$0x0] =	vst.idx.add.s32.msk vm8, v1  }
0x32c: {  	s0 =	sadd.f32 s0, s5;
	v61 =	vnsel vm14, $0x0, v17;
	v21 =	vnsel vm6, $0x0, v27;
	vm6 =	veq.s32 v30, v4;
	[tilespmem:v16+s24+$0x0] =	vst.idx.add.f32.msk vm7, v60  }
0x32d: {  	v44, _, _ =	vpop (xrf2);
	v27 =	vshrl.u32 v6, $0x10;
	(xrf2) =	vadd.scan.msk.f32 $0xffff, v3;
	v3 =	vand.u32 $0x7, v9;
	[tilespmem:v42+s24+$0x0] =	vst.idx.add.f32.msk vm8, v15  }
0x32e: {  	v10, _, _ =	vpop (xrf2);
	v30 =	vnsel vm2, $0x0, v23;
	s0 =	sadd.f32 s17, s0;
	vm7 =	vgt.s32 v13, v4;
	v13 =	vshrl.u32 v11, $0x10;
	v11 =	vld [tilespmem:s9+$0xFFFFFF90]  }
0x32f: {  	vm2 =	veq.s32 v53, v4;
	v14, _, _ =	vpop (xrf2);
	v46 =	vand.u32 $0x7, v27;
	v15 =	vnsel vm12, $0x0, v15;
	v60 =	vld [tilespmem:s9+$0xFFFFFFD0]  }
0x330: {  	s0 =	sadd.f32 s0, s26;
	v16, _, _ =	vpop (xrf2);
	vm8 =	veq.s32 v25, v4;
	v25 =	vand.u32 $0x7, v6;
	v6 =	vand.u32 $0xFFFF0000, v5;
	[tilespmem:v2+s19+$0x0] =	vst.idx.add.s32.msk vm5, v1  }
0x331: {  	(xrf2) =	vadd.scan.msk.f32 $0xffff, v62;
	v7 =	vshrl.u32 v5, $0x3;
	v32 =	vand.u32 $0x7, v13;
	(v2sf) =	vpush v16, $0xF;
	v16 =	vld [tilespmem:s9+$0x0]  }
0x332: {  	s0 =	sadd.f32 s18, s0;
	(xrf2) =	vadd.scan.msk.f32 $0xffff, v15;
	v42 =	vand.u32 $0x1FFF, v7;
	[tilespmem:v3+s19+$0x0] =	vst.idx.add.s32.msk vm13, v1;
	v7 =	vshll.u32 v5, $0x10  }
0x333: {  	[tilespmem:v2+s24+$0x0] =	vst.idx.add.f32.msk vm5, v17;
	v2 =	vshrl.u32 v9, $0x10;
	(v2sf) =	vpush v14, $0xF;
	vm5 =	veq.s32 v38, v4  }
0x334: {  	(xrf2) =	vadd.scan.msk.f32 $0xffff, v0;
	v0 =	vnsel vm7, $0x0, v29;
	s0 =	sadd.f32 s0, s7;
	v17 =	vshrl.u32 v5, $0x13;
	[tilespmem:v3+s24+$0x0] =	vst.idx.add.f32.msk vm13, v8  }
0x335: {  	v38 =	vshll.u32 v37, $0x10;
	vm7 =	vgt.s32 v42, v4;
	v9 =	vshrl.u32 v37, $0x3;
	[tilespmem:v31+s19+$0x0] =	vst.idx.add.s32.msk vm2, v1  }
0x336: {  	vm13 =	veq.s32 v48, v4;
	v2 =	vand.u32 $0x7, v2;
	(v2sf) =	vpush v44, $0xF;
	v44 =	vld [tilespmem:s9+$0xFFFFFFB0];
	(xrf2) =	vadd.scan.msk.f32 $0xffff, v61;
	s0 =	sadd.f32 s22, s0  }
0x337: {  	v3 =	vnsel vm7, $0x0, v7;
	vm14 =	vgt.s32 v17, v4;
	v43 =	vand.u32 $0x1FFF, v9;
	[tilespmem:v31+s24+$0x0] =	vst.idx.add.f32.msk vm2, v34  }
0x338: {  	v31 =	vshll.u32 v41, $0x10;
	(xrf2) =	vadd.scan.msk.f32 $0xffff, v21;
	[tilespmem:v28+s19+$0x0] =	vst.idx.add.s32.msk vm1, v1;
	v27 =	vshrl.u32 v11, $0x3;
	s0 =	sadd.f32 s0, s12  }
0x339: {  	v14 =	vld [tilespmem:s9+$0xFFFFFFC0];
	v12 =	vshll.u32 v11, $0x10;
	v21 =	vshrl.u32 v11, $0x13;
	v13 =	vand.u32 $0xFFFF0000, v11;
	(xrf2) =	vadd.scan.msk.f32 $0xffff, v0  }
0x33a: {  	[tilespmem:v25+s19+$0x0] =	vst.idx.add.s32.msk vm6, v1;
	v51 =	vshrl.u32 v60, $0x10;
	v52 =	vand.u32 $0x7, v60;
	v53 =	vshll.u32 v60, $0x10;
	s0 =	sadd.f32 s11, s0  }
0x33b: {  	v49 =	vand.u32 $0xFFFF0000, v60;
	v47 =	vshrl.u32 v16, $0x3;
	v39 =	vshrl.u32 v16, $0x13;
	[tilespmem:v25+s24+$0x0] =	vst.idx.add.f32.msk vm6, v23  }
0x33c: {  	v50 =	vand.u32 $0x1FFF, v27;
	(xrf2) =	vadd.scan.msk.f32 $0xffff, v3;
	v3 =	vshrl.u32 v60, $0x13;
	[tilespmem:v2+s19+$0x0] =	vst.idx.add.s32.msk vm5, v1;
	s0 =	sadd.f32 s0, s8  }
0x33d: {  	vm15 =	vgt.s32 v21, v4;
	v51 =	vand.u32 $0x7, v51;
	[tilespmem:v2+s24+$0x0] =	vst.idx.add.f32.msk vm5, v19;
	v2 =	vshrl.u32 v44, $0x13  }
0x33e: {  	(xrf2) =	vadd.scan.msk.f32 $0xffff, v24;
	vm7 =	vgt.s32 v2, v4;
	vm5 =	veq.s32 v2, v4;
	v2 =	vshrl.u32 v60, $0x3;
	s0 =	sadd.f32 s10, s0  }
0x33f: {  	v54, _, _ =	vpop (xrf2);
	v63 =	vand.u32 $0x7, v16;
	v15 =	vand.u32 $0xFFFF0000, v14;
	(xrf2) =	vadd.scan.msk.f32 $0xffff, v30;
	v2 =	vand.u32 $0x1FFF, v2  }
0x340: {  	v23, _, _ =	vpop (xrf2);
	[tilespmem:v32+s19+$0x0] =	vst.idx.add.s32.msk vm4, v1;
	v61 =	vshrl.u32 v14, $0x3;
	vm10 =	vgt.s32 v3, v4;
	vm3 =	veq.s32 v2, v4;
	s0 =	sadd.f32 s0, s14  }
0x341: {  	[tilespmem:v46+s19+$0x0] =	vst.idx.add.s32.msk vm8, v1;
	vm6 =	vgt.s32 v50, v4;
	v25 =	vshrl.u32 v14, $0x13;
	v57 =	vnsel vm15, $0x0, v13;
	v30, _, _ =	vpop (xrf2)  }
0x342: {  	vm12 =	veq.s32 v3, v4;
	v47 =	vand.u32 $0x1FFF, v47;
	[tilespmem:v46+s24+$0x0] =	vst.idx.add.f32.msk vm8, v22;
	v46 =	vnsel vm14, $0x0, v6;
	v26, _, _ =	vpop (xrf2);
	s0 =	sadd.f32 s13, s0  }
0x343: {  	[tilespmem:v32+s24+$0x0] =	vst.idx.add.f32.msk vm4, v20;
	vm0 =	vgt.s32 v25, v4;
	v35 =	vnsel vm10, $0x0, v49;
	vm4 =	veq.s32 v47, v4;
	v55, _, _ =	vpop (xrf2)  }
0x344: {  	v56 =	vnsel vm0, $0x0, v15;
	(xrf2) =	vadd.scan.msk.f32 $0xffff, v35;
	(v2sf) =	vpush v30, $0xF;
	vm0 =	vgt.s32 v59, v4;
	v58, _, _ =	vpop (xrf2);
	s0 =	sadd.f32 s0, s16  }
0x345: {  	v35 =	vnsel vm0, $0x0, v45;
	(xrf2) =	vadd.scan.msk.f32 $0xffff, v40;
	s18 =	sld [smem:$0x7F8];
	vm0 =	vgt.s32 v48, v4;
	[tilespmem:v28+s24+$0x0] =	vst.idx.add.f32.msk vm1, v36;
	v29, _, _ =	vpop (xrf2)  }
0x346: {  	v28 =	vshrl.u32 v16, $0x10;
	v40 =	vnsel vm0, $0x0, v31;
	vm0 =	veq.s32 v39, v4;
	v30, _, _ =	vpop (xrf2);
	[tilespmem:v52+s19+$0x0] =	vst.idx.add.s32.msk vm3, v1;
	s0 =	sadd.f32 s15, s0  }
0x347: {  	(xrf2) =	vadd.scan.msk.f32 $0xffff, v33;
	v28 =	vand.u32 $0x7, v28;
	vm11 =	vgt.s32 v2, v4;
	v32, _, _ =	vpop (xrf2);
	s20 =	sld [smem:$0x7F9];
	[tilespmem:v52+s24+$0x0] =	vst.idx.add.f32.msk vm3, v53  }
0x348: {  	v2 =	vshrl.u32 v41, $0x13;
	(xrf2) =	vadd.scan.msk.f32 $0xffff, v46;
	v3, _, _ =	vpop (xrf2);
	v52 =	vand.u32 $0x7, v41;
	[tilespmem:v51+s19+$0x0] =	vst.idx.add.s32.msk vm12, v1;
	s0 =	sadd.f32 s0, s21  }
0x349: {  	vm1 =	vgt.s32 v2, v4;
	vm2 =	veq.s32 v2, v4;
	v2 =	vshrl.u32 v41, $0x10;
	v62, _, _ =	vpop (xrf2);
	s21 =	sld [smem:$0x7FA];
	[tilespmem:v51+s24+$0x0] =	vst.idx.add.f32.msk vm12, v49  }
0x34a: {  	(xrf2) =	vadd.scan.msk.f32 $0xffff, v57;
	v57 =	vshll.u32 v16, $0x10;
	(v2sf) =	vpush v62, $0xF;
	[tilespmem:v63+s19+$0x0] =	vst.idx.add.s32.msk vm4, v1;
	s0 =	sadd.f32 s18, s0  }
0x34b: {  	vm15 =	veq.s32 v59, v4;
	v8 =	vand.u32 $0x7, v44;
	v2 =	vand.u32 $0x7, v2;
	s22 =	sld [smem:$0x7FB];
	[tilespmem:v63+s24+$0x0] =	vst.idx.add.f32.msk vm4, v57  }
0x34c: {  	v9 =	vshrl.u32 v44, $0x10;
	v0 =	vshrl.u32 v44, $0x3;
	v27 =	vand.u32 $0x1FFF, v61;
	[tilespmem:v28+s19+$0x0] =	vst.idx.add.s32.msk vm0, v1;
	s0 =	sadd.f32 s0, s20  }
0x34d: {  	v18 =	vshll.u32 v44, $0x10;
	v20 =	vand.u32 $0xFFFF0000, v44;
	vm14 =	vgt.s32 v43, v4;
	s23 =	sld [smem:$0x7FC];
	[tilespmem:v52+s19+$0x0] =	vst.idx.add.s32.msk vm13, v1  }
0x34e: {  	v19 =	vshll.u32 v14, $0x10;
	vm8 =	vgt.s32 v27, v4;
	v0 =	vand.u32 $0x1FFF, v0;
	[tilespmem:v52+s24+$0x0] =	vst.idx.add.f32.msk vm13, v31;
	s0 =	sadd.f32 s21, s0  }
0x34f: {  	v22 =	vnsel vm8, $0x0, v19;
	vm8 =	vgt.s32 v0, v4;
	v60 =	vand.u32 $0xFFFF0000, v41;
	v44, _, _ =	vpop (xrf2);
	s25 =	sld [smem:$0x7FD]  }
0x350: {  	v24 =	vnsel vm11, $0x0, v53;
	v53 =	vnsel vm1, $0x0, v60;
	vm1 =	veq.s32 v43, v4;
	v63, _, _ =	vpop (xrf2);
	[tilespmem:v2+s19+$0x0] =	vst.idx.add.s32.msk vm2, v1;
	s0 =	sadd.f32 s0, s22  }
0x351: {  	v62 =	vand.u32 $0x7, v37;
	[tilespmem:v2+s24+$0x0] =	vst.idx.add.f32.msk vm2, v60;
	vm2 =	veq.s32 v0, v4;
	v0, _, _ =	vpop (xrf2);
	(xrf2) =	vadd.scan.msk.f32 $0xffff, v56  }
0x352: {  	v9 =	vand.u32 $0x7, v9;
	v36 =	vnsel vm6, $0x0, v12;
	v37 =	vshrl.u32 v37, $0x10;
	s0 =	sadd.f32 s23, s0  }
0x353: {  	v61 =	vnsel vm7, $0x0, v20;
	v37 =	vand.u32 $0x7, v37;
	(v2sf) =	vpush v63, $0xF  }
0x354: {  	vm7 =	vgt.s32 v39, v4;
	v33 =	vnsel vm8, $0x0, v18;
	(v2sf) =	vpush v3, $0xF;
	(xrf2) =	vadd.scan.msk.f32 $0xffff, v53;
	s0 =	sadd.f32 s0, s25  }
0x355: {  	v39 =	vnsel vm14, $0x0, v38;
	s1 =	spop (v2sf);
	vm3 =	vgt.s32 v47, v4;
	(v2sf) =	vpush v58, $0xF;
	s26 =	rddreg [dreg:$0x1a]  }
0x356: {  	v47 =	vshrl.u32 v11, $0x10;
	v41 =	vnsel vm3, $0x0, v57;
	(v2sf) =	vpush v54, $0xF;
	[tilespmem:v62+s19+$0x0] =	vst.idx.add.s32.msk vm1, v1;
	s2 =	sadd.f32 s26, s0;
	s0 =	spop (v2sf)  }
0x357: {  	vm3 =	veq.s32 v42, v4;
	v42, _, _ =	vpop (xrf2);
	[tilespmem:v62+s24+$0x0] =	vst.idx.add.f32.msk vm1, v38;
	(xrf2) =	vadd.scan.msk.f32 $0xffff, v61;
	s20 =	spop (v2sf);
	(v2sf) =	vpush v0, $0xF  }
0x358: {  	s14 =	simm.s32 $0x2170;
	vm4 =	veq.s32 v50, v4;
	v3 =	vshrl.u32 v5, $0x10;
	s31 =	rddreg [dreg:$0x13];
	[tilespmem:v37+s19+$0x0] =	vst.idx.add.s32.msk vm15, v1;
	v0, _, _ =	vpop (xrf2);
	s30 =	spop (v2sf);
	(v2sf) =	vpush v55, $0xF  }
0x359: {  	s13 =	simm.s32 $0x80;
	v31 =	vand.u32 $0x7, v3;
	vm1 =	vmmov vm5;
	[tilespmem:v37+s24+$0x0] =	vst.idx.add.f32.msk vm15, v45;
	s9 =	sadd.f32 s2, s31;
	(v2sf) =	vpush v0, $0xF;
	s23 =	spop (v2sf)  }
.LBB2_26:
0x35a: {  	s13 =	sadd.s32 $0x80, s13;
	v49 =	vand.u32 $0x7, v5;
	v5 =	vld [tilespmem:s14+$0xFFFFFFA0];
	vm5 =	veq.s32 v17, v4;
	(xrf2) =	vadd.scan.msk.f32 $0xffff, v39;
	(v2sf) =	vpush v26, $0xF  }
0x35b: {  	v2 =	vand.u32 $0x7, v47;
	vm8 =	veq.s32 v27, v4;
	s2 =	sadd.f32 s23, s9;
	v0 =	vld [tilespmem:s14+$0x0];
	p1 =	slt.u32 s13, $0x1F80;
	v34, _, _ =	vpop (xrf2);
	(v2sf) =	vpush v10, $0xF  }
0x35c: {  	vm9 =	veq.s32 v21, v4;
	v3 =	vand.u32 $0x7, v14;
	v10 =	vmovc v44;
	v39 =	vld [tilespmem:s14+$0xFFFFFFF0];
	(v2sf) =	vpush v23, $0xF  }
0x35d: {  	v27 =	vand.u32 $0x7, v11;
	v11 =	vshrl.u32 v14, $0x10;
	s1 =	sadd.f32 s2, s1;
	v37 =	vld [tilespmem:s14+$0xFFFFFFE0];
	(v2sf) =	vpush v42, $0xF;
	(xrf2) =	vadd.scan.msk.f32 $0xffff, v40  }
0x35e: {  	vm6 =	veq.s32 v25, v4;
	v25 =	vand.u32 $0x7, v11;
	v14 =	vld [tilespmem:s14+$0xFFFFFFC0];
	(v2sf) =	vpush v32, $0xF;
	v23, _, _ =	vpop (xrf2)  }
0x35f: {  	v32 =	vand.u32 $0xFFFF0000, v16;
	s1 =	sadd.f32 s20, s1;
	v11 =	vld [tilespmem:s14+$0xFFFFFF90];
	v40 =	vand.u32 $0xFFFF0000, v5;
	(v2sf) =	vpush v29, $0xF  }
0x360: {  	v29 =	vnsel vm7, $0x0, v32;
	v47 =	vld [tilespmem:s14+$0xFFFFFFB0];
	v44 =	vshrl.u32 v0, $0x3;
	v42 =	vshrl.u32 v0, $0x13;
	(xrf2) =	vadd.scan.msk.f32 $0xffff, v35;
	v16 =	vmovc v0  }
0x361: {  	v0 =	vshrl.u32 v5, $0x3;
	s0 =	sadd.f32 s1, s0;
	v51 =	vshrl.u32 v39, $0x3;
	[tilespmem:v3+s19+$0x0] =	vst.idx.add.s32.msk vm8, v1;
	v35, _, _ =	vpop (xrf2);
	(v2sf) =	vpush v30, $0xF  }
0x362: {  	v17 =	vshrl.u32 v5, $0x13;
	v45 =	vand.u32 $0x1FFF, v0;
	v38 =	vshll.u32 v37, $0x10;
	[tilespmem:v3+s24+$0x0] =	vst.idx.add.f32.msk vm8, v19;
	s1 =	spop (v2sf)  }
0x363: {  	v0 =	vshll.u32 v5, $0x10;
	vm7 =	vgt.s32 v45, v4;
	v3 =	vshrl.u32 v37, $0x3;
	(xrf2) =	vadd.scan.msk.f32 $0xffff, v41;
	s0 =	sadd.f32 s1, s0;
	s4 =	spop (v2sf)  }
0x364: {  	vm10 =	vgt.s32 v17, v4;
	v30 =	vnsel vm7, $0x0, v0;
	v46 =	vand.u32 $0x1FFF, v3;
	v41 =	vld [tilespmem:s14+$0xFFFFFFD0];
	v26, _, _ =	vpop (xrf2);
	s2 =	spop (v2sf)  }
0x365: {  	v3 =	vshrl.u32 v11, $0x3;
	v52 =	vshll.u32 v11, $0x10;
	v53 =	vand.u32 $0x7, v47;
	[tilespmem:v25+s19+$0x0] =	vst.idx.add.s32.msk vm6, v1;
	s0 =	sadd.f32 s0, s30;
	s5 =	spop (v2sf)  }
0x366: {  	v21 =	vshrl.u32 v11, $0x13;
	v54 =	vand.u32 $0xFFFF0000, v11;
	v19 =	vshrl.u32 v47, $0x10;
	(xrf2) =	vadd.scan.msk.f32 $0xffff, v29;
	s1 =	spop (v2sf)  }
0x367: {  	v55 =	vshrl.u32 v47, $0x3;
	v50 =	vand.u32 $0x7, v19;
	[tilespmem:v25+s24+$0x0] =	vst.idx.add.f32.msk vm6, v15;
	v15 =	vand.u32 $0xFFFF0000, v14;
	v43, _, _ =	vpop (xrf2);
	s0 =	sadd.f32 s1, s0;
	s3 =	spop (v2sf)  }
0x368: {  	v29 =	vshrl.u32 v14, $0x3;
	v19 =	vshll.u32 v14, $0x10;
	v25 =	vshrl.u32 v47, $0x13;
	[tilespmem:v27+s19+$0x0] =	vst.idx.add.s32.msk vm4, v1;
	s1 =	spop (v2sf)  }
0x369: {  	v3 =	vand.u32 $0x1FFF, v3;
	vm7 =	vgt.s32 v25, v4;
	v56 =	vshrl.u32 v41, $0x10;
	(xrf2) =	vadd.scan.msk.f32 $0xffff, v30;
	s0 =	sadd.f32 s0, s5;
	s5 =	spop (v2sf)  }
0x36a: {  	vm6 =	veq.s32 v25, v4;
	v25 =	vshrl.u32 v41, $0x3;
	v57 =	vshrl.u32 v41, $0x13;
	[tilespmem:v27+s24+$0x0] =	vst.idx.add.f32.msk vm4, v12;
	v48, _, _ =	vpop (xrf2);
	s6 =	spop (v2sf)  }
0x36b: {  	v59 =	vand.u32 $0x7, v41;
	v58 =	vand.u32 $0x1FFF, v25;
	vm4 =	vgt.s32 v57, v4;
	v12 =	vmovc v52;
	[tilespmem:v2+s19+$0x0] =	vst.idx.add.s32.msk vm9, v1;
	s7 =	sadd.f32 s4, s0;
	s4 =	spop (v2sf)  }
0x36c: {  	vm8 =	vgt.s32 v3, v4;
	v52 =	vshll.u32 v41, $0x10;
	vm11 =	vgt.s32 v58, v4;
	s0 =	spop (v2sf);
	(xrf2) =	vadd.scan.msk.f32 $0xffff, v24  }
0x36d: {  	v27 =	vand.u32 $0x1FFF, v29;
	v25 =	vshrl.u32 v14, $0x13;
	v24 =	vnsel vm11, $0x0, v52;
	[tilespmem:v2+s24+$0x0] =	vst.idx.add.f32.msk vm9, v13;
	s20 =	spop (v2sf);
	v29, _, _ =	vpop (xrf2);
	s6 =	sadd.f32 s7, s6  }
0x36e: {  	v60 =	vand.u32 $0xFFFF0000, v41;
	v2 =	vnsel vm10, $0x0, v40;
	vm9 =	vgt.s32 v27, v4;
	v13 =	vmovc v54;
	[tilespmem:v28+s24+$0x0] =	vst.idx.add.f32.msk vm0, v32;
	s7 =	spop (v2sf)  }
0x36f: {  	v54 =	vand.u32 $0x1FFF, v55;
	v28 =	vnsel vm9, $0x0, v19;
	vm0 =	vgt.s32 v25, v4;
	(xrf2) =	vadd.scan.msk.f32 $0xffff, v36;
	s5 =	sadd.f32 s5, s6  }
0x370: {  	vm10 =	vgt.s32 v21, v4;
	vm9 =	vgt.s32 v54, v4;
	v55 =	vnsel vm0, $0x0, v15;
	[tilespmem:v49+s19+$0x0] =	vst.idx.add.s32.msk vm3, v1;
	v30, _, _ =	vpop (xrf2);
	s6 =	spop (v2sf)  }
0x371: {  	v61 =	vshrl.u32 v37, $0x13;
	v41 =	vnsel vm4, $0x0, v60;
	v36 =	vnsel vm10, $0x0, v13;
	[tilespmem:v49+s24+$0x0] =	vst.idx.add.f32.msk vm3, v7;
	s2 =	sadd.f32 s5, s2;
	v7 =	vmovc v0  }
0x372: {  	v0 =	vshll.u32 v47, $0x10;
	v49 =	vand.u32 $0xFFFF0000, v37;
	(xrf2) =	vadd.scan.msk.f32 $0xffff, v41;
	(v2sf) =	vpush v35, $0xF  }
0x373: {  	v62 =	vshrl.u32 v39, $0x13;
	v63 =	vand.u32 $0xFFFF0000, v39;
	vm0 =	vgt.s32 v61, v4;
	v32, _, _ =	vpop (xrf2);
	[tilespmem:v31+s19+$0x0] =	vst.idx.add.s32.msk vm5, v1;
	s2 =	sadd.f32 s3, s2  }
0x374: {  	v51 =	vand.u32 $0x1FFF, v51;
	vm3 =	veq.s32 v58, v4;
	v35 =	vnsel vm0, $0x0, v49;
	[tilespmem:v31+s24+$0x0] =	vst.idx.add.f32.msk vm5, v6;
	v6 =	vmovc v40  }
0x375: {  	v58 =	vshll.u32 v39, $0x10;
	vm0 =	vgt.s32 v51, v4;
	v31 =	vand.u32 $0xFFFF0000, v47;
	(xrf2) =	vadd.scan.msk.f32 $0xffff, v33;
	s2 =	sadd.f32 s2, s4  }
0x376: {  	vm12 =	veq.s32 v57, v4;
	v40 =	vnsel vm0, $0x0, v58;
	vm0 =	vgt.s32 v62, v4;
	[tilespmem:v8+s19+$0x0] =	vst.idx.add.s32.msk vm2, v1;
	v57, _, _ =	vpop (xrf2)  }
0x377: {  	v41 =	vand.u32 $0x1FFF, v44;
	v33 =	vand.u32 $0x7, v56;
	v56 =	vnsel vm0, $0x0, v63;
	[tilespmem:v8+s24+$0x0] =	vst.idx.add.f32.msk vm2, v18;
	s2 =	sadd.f32 s7, s2;
	v8 =	vmovc v53;
	v18 =	vmovc v0  }
0x378: {  	vm0 =	vgt.s32 v41, v4;
	vm2 =	veq.s32 v41, v4;
	v0 =	vshll.u32 v16, $0x10;
	(xrf2) =	vadd.scan.msk.f32 $0xffff, v22;
	v22 =	vmovc v28  }
0x379: {  	vm11 =	vgt.s32 v46, v4;
	v53 =	vnsel vm7, $0x0, v31;
	v41 =	vnsel vm0, $0x0, v0;
	[tilespmem:v9+s19+$0x0] =	vst.idx.add.s32.msk vm1, v1;
	v28, _, _ =	vpop (xrf2);
	s9 =	sadd.f32 s2, s6  }
0x37a: {  	vm10 =	veq.s32 v51, v4;
	v51 =	vand.u32 $0x7, v16;
	[tilespmem:v9+s24+$0x0] =	vst.idx.add.f32.msk vm1, v20;
	(v2sf) =	vpush v28, $0xF;
	v9 =	vmovc v50  }
0x37b: {  	vm0 =	veq.s32 v42, v4;
	v28 =	vshrl.u32 v16, $0x10;
	v20 =	vmovc v31;
	[tilespmem:v59+s19+$0x0] =	vst.idx.add.s32.msk vm3, v1;
	(xrf2) =	vadd.scan.msk.f32 $0xffff, v2  }
0x37c: {  	vm4 =	veq.s32 v3, v4;
	vm5 =	veq.s32 v61, v4;
	v28 =	vand.u32 $0x7, v28;
	[tilespmem:v59+s24+$0x0] =	vst.idx.add.f32.msk vm3, v52;
	v44, _, _ =	vpop (xrf2)  }
0x37d: {  	vm13 =	veq.s32 v62, v4;
	v47 =	vshrl.u32 v11, $0x10;
	v2 =	vand.u32 $0x7, v39;
	[tilespmem:v33+s19+$0x0] =	vst.idx.add.s32.msk vm12, v1  }
0x37e: {  	v3 =	vshrl.u32 v39, $0x10;
	vm7 =	vgt.s32 v42, v4;
	[tilespmem:v33+s24+$0x0] =	vst.idx.add.f32.msk vm12, v60;
	(xrf2) =	vadd.scan.msk.f32 $0xffff, v36  }
0x37f: {  	v3 =	vand.u32 $0x7, v3;
	vm3 =	veq.s32 v45, v4;
	v36 =	vnsel vm8, $0x0, v12;
	[tilespmem:v51+s19+$0x0] =	vst.idx.add.s32.msk vm2, v1;
	v31, _, _ =	vpop (xrf2)  }
0x380: {  	v45 =	vshrl.u32 v5, $0x10;
	v33 =	vnsel vm9, $0x0, v18;
	vm8 =	veq.s32 v46, v4;
	[tilespmem:v51+s24+$0x0] =	vst.idx.add.f32.msk vm2, v0  }
0x381: {  	vm2 =	veq.s32 v54, v4;
	v0 =	vand.u32 $0x7, v37;
	[tilespmem:v28+s19+$0x0] =	vst.idx.add.s32.msk vm0, v1;
	(xrf2) =	vadd.scan.msk.f32 $0xffff, v55;
	s30 =	spop (v2sf)  }
0x382: {  	vm1 =	vmmov vm6;
	v39 =	vnsel vm11, $0x0, v38;
	v37 =	vshrl.u32 v37, $0x10;
	[tilespmem:v2+s19+$0x0] =	vst.idx.add.s32.msk vm10, v1;
	v46, _, _ =	vpop (xrf2)  }
0x383: {  	v37 =	vand.u32 $0x7, v37;
	[tilespmem:v2+s24+$0x0] =	vst.idx.add.f32.msk vm10, v58;
	(v2sf) =	vpush v31, $0xF  }
0x384: {  	[tilespmem:v3+s19+$0x0] =	vst.idx.add.s32.msk vm13, v1;
	(xrf2) =	vadd.scan.msk.f32 $0xffff, v56;
	(v2sf) =	vpush v57, $0xF  }
.Ltmp12:
0x385: {  	[tilespmem:v3+s24+$0x0] =	vst.idx.add.f32.msk vm13, v63;
	v42, _, _ =	vpop (xrf2);
	(v2sf) =	vpush v48, $0xF;
	(pc) =	sbr.rel @p1 .LBB2_26-.Ltmp12, $4  }
0x386: {  	[tilespmem:v0+s19+$0x0] =	vst.idx.add.s32.msk vm8, v1;
	(v2sf) =	vpush v34, $0xF  }
0x387: {  	[tilespmem:v0+s24+$0x0] =	vst.idx.add.f32.msk vm8, v38;
	(xrf2) =	vadd.scan.msk.f32 $0xffff, v53;
	(v2sf) =	vpush v46, $0xF  }
0x388: {  	[tilespmem:v37+s19+$0x0] =	vst.idx.add.s32.msk vm5, v1;
	v0, _, _ =	vpop (xrf2);
	(v2sf) =	vpush v43, $0xF  }
0x389: {  	s14 =	sadd.s32 $0x80, s14;
	v31 =	vand.u32 $0x7, v45;
	[tilespmem:v37+s24+$0x0] =	vst.idx.add.f32.msk vm5, v49;
	(v2sf) =	vpush v0, $0xF;
	s23 =	spop (v2sf)  }
0x38a: {  	(xrf2) =	vadd.scan.msk.f32 $0xffff, v39  }
0x38b: {  	(xrf2) =	vadd.scan.msk.f32 $0xffff, v40  }
0x38c: {  	v0 =	vand.u32 $0xFFFF0000, v16;
	(xrf2) =	vadd.scan.msk.f32 $0xffff, v35  }
0x38d: {  	v2 =	vnsel vm7, $0x0, v0;
	(xrf2) =	vadd.scan.msk.f32 $0xffff, v41  }
0x38e: {  	(xrf2) =	vadd.scan.msk.f32 $0xffff, v2  }
0x38f: {  	(xrf2) =	vadd.scan.msk.f32 $0xffff, v24  }
0x390: {  	(xrf2) =	vadd.scan.msk.f32 $0xffff, v36  }
0x391: {  	v2, _, _ =	vpop (xrf2);
	(xrf2) =	vadd.scan.msk.f32 $0xffff, v33  }
0x392: {  	v3, _, _ =	vpop (xrf2)  }
0x393: {  	(v2sf) =	vpush v26, $0xF;
	v16, _, _ =	vpop (xrf2)  }
0x394: {  	(v2sf) =	vpush v10, $0xF;
	v10, _, _ =	vpop (xrf2)  }
0x395: {  	(v2sf) =	vpush v23, $0xF;
	v23, _, _ =	vpop (xrf2)  }
0x396: {  	(v2sf) =	vpush v42, $0xF;
	(xrf2) =	vadd.scan.msk.f32 $0xffff, v22;
	v22, _, _ =	vpop (xrf2)  }
0x397: {  	(v2sf) =	vpush v32, $0xF;
	v24, _, _ =	vpop (xrf2)  }
0x398: {  	(v2sf) =	vpush v29, $0xF;
	v26, _, _ =	vpop (xrf2)  }
0x399: {  	(v2sf) =	vpush v30, $0xF;
	v29, _, _ =	vpop (xrf2)  }
0x39a: {  	(v2sf) =	vpush v16, $0xF;
	v16, _, _ =	vpop (xrf2)  }
0x39b: {  	s3 =	spop (v2sf);
	(v2sf) =	vpush v16, $0xF;
	v16, _, _ =	vpop (xrf2)  }
0x39c: {  	s7 =	spop (v2sf);
	(v2sf) =	vpush v16, $0xF  }
0x39d: {  	s8 =	spop (v2sf);
	(v2sf) =	vpush v29, $0xF  }
0x39e: {  	s5 =	spop (v2sf)  }
0x39f: {  	vm5 =	veq.s32 v27, v4;
	s4 =	spop (v2sf);
	(v2sf) =	vpush v22, $0xF  }
0x3a0: {  	s18 =	spop (v2sf);
	(v2sf) =	vpush v2, $0xF;
	v2 =	vand.u32 $0x7, v14  }
0x3a1: {  	vm6 =	veq.s32 v25, v4;
	s13 =	spop (v2sf);
	v16, _, _ =	vpop (xrf2);
	v14 =	vshrl.u32 v14, $0x10  }
0x3a2: {  	s17 =	spop (v2sf);
	(v2sf) =	vpush v16, $0xF;
	v14 =	vand.u32 $0x7, v14  }
0x3a3: {  	s6 =	spop (v2sf);
	(v2sf) =	vpush v23, $0xF  }
0x3a4: {  	s22 =	spop (v2sf);
	(v2sf) =	vpush v10, $0xF;
	v10 =	vand.u32 $0x7, v11  }
0x3a5: {  	vm7 =	veq.s32 v21, v4;
	s15 =	spop (v2sf);
	(v2sf) =	vpush v44, $0xF;
	[tilespmem:v2+s19+$0x0] =	vst.idx.add.s32.msk vm5, v1  }
0x3a6: {  	s10 =	spop (v2sf);
	(v2sf) =	vpush v3, $0xF;
	v3 =	vand.u32 $0x7, v47;
	[tilespmem:v2+s24+$0x0] =	vst.idx.add.f32.msk vm5, v19  }
0x3a7: {  	s26 =	spop (v2sf);
	[tilespmem:v14+s19+$0x0] =	vst.idx.add.s32.msk vm6, v1  }
0x3a8: {  	s12 =	spop (v2sf);
	[tilespmem:v14+s24+$0x0] =	vst.idx.add.f32.msk vm6, v15  }
0x3a9: {  	s21 =	spop (v2sf);
	[tilespmem:v10+s19+$0x0] =	vst.idx.add.s32.msk vm4, v1  }
0x3aa: {  	[tilespmem:v10+s24+$0x0] =	vst.idx.add.f32.msk vm4, v12;
	s11 =	spop (v2sf)  }
0x3ab: {  	v2 =	vand.u32 $0x7, v5;
	[tilespmem:v3+s19+$0x0] =	vst.idx.add.s32.msk vm7, v1;
	s14 =	spop (v2sf)  }
0x3ac: {  	(v2sf) =	vpush v24, $0xF;
	[tilespmem:v3+s24+$0x0] =	vst.idx.add.f32.msk vm7, v13;
	s2 =	spop (v2sf)  }
0x3ad: {  	vm5 =	veq.s32 v17, v4;
	[smem:$0x7F2] =	sst s2  }
0x3ae: {  	(v2sf) =	vpush v26, $0xF;
	s16 =	spop (v2sf);
	[tilespmem:v28+s24+$0x0] =	vst.idx.add.f32.msk vm0, v0  }
0x3af: {  	[smem:$0x7F5] =	sst s16  }
0x3b0: {  	s25 =	spop (v2sf);
	[tilespmem:v2+s19+$0x0] =	vst.idx.add.s32.msk vm3, v1  }
0x3b1: {  	[smem:$0x7F1] =	sst s25  }
0x3b2: {  	s16 =	spop (v2sf);
	[tilespmem:v2+s24+$0x0] =	vst.idx.add.f32.msk vm3, v7  }
0x3b3: {  	s31 =	spop (v2sf);
	[tilespmem:v31+s19+$0x0] =	vst.idx.add.s32.msk vm5, v1  }
0x3b4: {  	[smem:$0x7F6] =	sst s31  }
0x3b5: {  	s25 =	spop (v2sf);
	[tilespmem:v31+s24+$0x0] =	vst.idx.add.f32.msk vm5, v6  }
0x3b6: {  	[smem:$0x7F4] =	sst s25  }
0x3b7: {  	s31 =	spop (v2sf);
	[tilespmem:v8+s19+$0x0] =	vst.idx.add.s32.msk vm2, v1  }
0x3b8: {  	[smem:$0x7F3] =	sst s31  }
0x3b9: {  	s25 =	spop (v2sf);
	[tilespmem:v8+s24+$0x0] =	vst.idx.add.f32.msk vm2, v18  }
0x3ba: {  	[smem:$0x7F7] =	sst s25  }
0x3bb: {  	s31 =	spop (v2sf);
	[tilespmem:v9+s19+$0x0] =	vst.idx.add.s32.msk vm1, v1  }
0x3bc: {  	[dreg:$0x1b] =	wrdreg s31  }
0x3bd: {  	s25 =	spop (v2sf);
	[tilespmem:v9+s24+$0x0] =	vst.idx.add.f32.msk vm1, v20  }
0x3be: {  	s31 =	simm.s32 $0x1;
	[dreg:$0x14] =	wrdreg s25  }
0x3bf: {  	_ =	swait.ge [sflag:s31], $0x2000  }
0x3c0: {  	s2 =	simm.s32 $0x0;
	[sflag:s31] =	ssyncset.done $0x0  }
0x3c1: {  	s25 =	simm.s32 $0x2000;
	[sflag:s31] =	ssyncadd.s32 $0xFFFFE000;
	s31 =	rddreg [dreg:$0x7]  }
0x3c2: {  	[tilespmem:s25], [sflag:$0x1] =	stream.linear.gather [hbm4b:s31+s2], $0x2000, $0x38;
	[tilespmem:$0x7300] =	vst v63  }
0x3c3: {  	s25 =	simm.s32 $0x40  }
0x3c4: {  	v11 =	vld [tilespmem:s25+$0xFFFFFFD0]  }
0x3c5: {  	v7 =	vld [tilespmem:s25+$0x30]  }
0x3c6: {  	v0 =	vld [tilespmem:s25+$0x20]  }
0x3c7: {  	v2 =	vld [tilespmem:s25+$0x10]  }
0x3c8: {  	v6 =	vld [tilespmem:s25+$0xFFFFFFC0]  }
0x3c9: {  	v3 =	vld [tilespmem:s25+$0xFFFFFFE0];
	_ =	sdelay $0x1  }
0x3ca: {  	v9 =	vld [tilespmem:s25+$0xFFFFFFF0];
	v20 =	vand.u32 $0xFFFF0000, v11;
	v5 =	vshrl.u32 v7, $0x3  }
0x3cb: {  	v17 =	vld [tilespmem:s25+$0x0];
	v13 =	vshrl.u32 v7, $0x13;
	v8 =	vshrl.u32 v11, $0x3;
	v10 =	vshrl.u32 v0, $0x3  }
0x3cc: {  	v12 =	vshrl.u32 v11, $0x13;
	v15 =	vshll.u32 v2, $0x10;
	v18 =	vshll.u32 v11, $0x10  }
0x3cd: {  	v24 =	vshrl.u32 v6, $0x3;
	v23 =	vshll.u32 v6, $0x10;
	v31 =	vand.u32 $0x7, v3  }
0x3ce: {  	v25 =	vshrl.u32 v6, $0x13;
	v22 =	vand.u32 $0xFFFF0000, v6;
	v26 =	vshrl.u32 v3, $0x3  }
0x3cf: {  	v19 =	vand.u32 $0xFFFF0000, v9;
	v27 =	vshrl.u32 v3, $0x13;
	v29 =	vshrl.u32 v9, $0x3  }
0x3d0: {  	v47 =	vshrl.u32 v17, $0x10;
	v34 =	vand.u32 $0x7, v17;
	v49 =	vshll.u32 v17, $0x10  }
0x3d1: {  	v38 =	vshrl.u32 v9, $0x13;
	v53 =	vand.u32 $0x7, v7;
	v54 =	vshrl.u32 v2, $0x13  }
0x3d2: {  	v55 =	vshrl.u32 v0, $0x13;
	v56 =	vand.u32 $0x7, v0;
	v57 =	vand.u32 $0xFFFF0000, v0  }
0x3d3: {  	v58 =	vand.u32 $0x7, v2;
	v36 =	vand.u32 $0xFFFF0000, v3;
	v45 =	vand.u32 $0x7, v11  }
0x3d4: {  	v14 =	vand.u32 $0x1FFF, v8;
	v8 =	vshrl.u32 v2, $0x3;
	v30 =	vand.u32 $0x1FFF, v24  }
0x3d5: {  	vm3 =	vgt.s32 v27, v4;
	vm1 =	veq.s32 v27, v4;
	v24 =	vshrl.u32 v17, $0x3  }
0x3d6: {  	v27 =	vshrl.u32 v17, $0x13;
	v29 =	vand.u32 $0x1FFF, v29;
	v17 =	vand.u32 $0xFFFF0000, v17  }
0x3d7: {  	v37 =	vand.u32 $0x1FFF, v26;
	vm6 =	vgt.s32 v25, v4;
	v5 =	vand.u32 $0x1FFF, v5  }
0x3d8: {  	v10 =	vand.u32 $0x1FFF, v10;
	v26 =	vshrl.u32 v7, $0x10;
	vm14 =	vgt.s32 v54, v4  }
0x3d9: {  	vm0 =	vgt.s32 v14, v4;
	v21 =	vand.u32 $0x1FFF, v8;
	v8 =	vshrl.u32 v3, $0x10  }
0x3da: {  	v48 =	vand.u32 $0x1FFF, v24;
	vm5 =	vgt.s32 v27, v4;
	vm9 =	veq.s32 v5, v4  }
0x3db: {  	s31 =	sadd.f32 s23, s9;
	s9 =	simm.s32 $0xC0;
	vm2 =	vgt.s32 v30, v4;
	v59 =	vnsel vm3, $0x0, v36;
	vm3 =	veq.s32 v14, v4  }
0x3dc: {  	v41 =	vld [tilespmem:s9+$0x20];
	vm8 =	veq.s32 v27, v4;
	v27 =	vand.u32 $0x7, v47;
	vm7 =	veq.s32 v48, v4  }
0x3dd: {  	s1 =	sadd.f32 s31, s1;
	v26 =	vand.u32 $0x7, v26;
	vm15 =	vgt.s32 v10, v4;
	vm1 =	vmmov vm1  }
0x3de: {  	v44 =	vld [tilespmem:s9+$0xFFFFFFE0];
	vm13 =	veq.s32 v29, v4;
	v16 =	vnsel vm0, $0x0, v18;
	vm0 =	vgt.s32 v12, v4  }
0x3df: {  	v61 =	vld [tilespmem:s9+$0x0];
	s1 =	sadd.f32 s20, s1;
	v28 =	vand.u32 $0x7, v8;
	(xrf2) =	vadd.scan.msk.f32 $0xffff, v16;
	v16 =	vnsel vm6, $0x0, v22;
	vm6 =	veq.s32 v10, v4  }
0x3e0: {  	v8 =	vshll.u32 v9, $0x10;
	vm4 =	vgt.s32 v48, v4;
	v52 =	vnsel vm5, $0x0, v17;
	[tilespmem:v53+s19+$0x0] =	vst.idx.add.s32.msk vm9, v1  }
0x3e1: {  	s0 =	sadd.f32 s1, s0;
	vm5 =	veq.s32 v54, v4;
	vm12 =	vgt.s32 v21, v4;
	v48 =	vshrl.u32 v41, $0x3;
	[tilespmem:v45+s19+$0x0] =	vst.idx.add.s32.msk vm3, v1  }
0x3e2: {  	v24 =	vnsel vm4, $0x0, v49;
	v50 =	vnsel vm0, $0x0, v20;
	vm0 =	vgt.s32 v29, v4;
	[tilespmem:v34+s19+$0x0] =	vst.idx.add.s32.msk vm7, v1  }
0x3e3: {  	s0 =	sadd.f32 s3, s0;
	v33 =	vnsel vm0, $0x0, v8;
	vm0 =	vgt.s32 v38, v4;
	(xrf2) =	vadd.scan.msk.f32 $0xffff, v52;
	[tilespmem:v45+s24+$0x0] =	vst.idx.add.f32.msk vm3, v18  }
0x3e4: {  	v51 =	vnsel vm0, $0x0, v19;
	vm0 =	veq.s32 v13, v4;
	(xrf2) =	vadd.scan.msk.f32 $0xffff, v50;
	[tilespmem:v34+s24+$0x0] =	vst.idx.add.f32.msk vm7, v49  }
0x3e5: {  	vm4 =	vgt.s32 v37, v4;
	s0 =	sadd.f32 s0, s30;
	v29 =	vand.u32 $0xFFFF0000, v7;
	(xrf2) =	vadd.scan.msk.f32 $0xffff, v16;
	[tilespmem:v56+s19+$0x0] =	vst.idx.add.s32.msk vm6, v1  }
0x3e6: {  	v48 =	vand.u32 $0x1FFF, v48;
	v52 =	vand.u32 $0x7, v61;
	(xrf2) =	vadd.scan.msk.f32 $0xffff, v51;
	[tilespmem:v27+s19+$0x0] =	vst.idx.add.s32.msk vm8, v1  }
0x3e7: {  	s0 =	sadd.f32 s4, s0;
	v51 =	vshrl.u32 v61, $0x10;
	v18 =	vshll.u32 v44, $0x10;
	[tilespmem:v27+s24+$0x0] =	vst.idx.add.f32.msk vm8, v17;
	v27 =	vshll.u32 v7, $0x10  }
0x3e8: {  	vm7 =	veq.s32 v55, v4;
	v17 =	vshrl.u32 v0, $0x10;
	v0 =	vshll.u32 v0, $0x10;
	[tilespmem:v53+s24+$0x0] =	vst.idx.add.f32.msk vm9, v27  }
0x3e9: {  	s0 =	sadd.f32 s0, s5;
	vm8 =	veq.s32 v21, v4;
	v16 =	vand.u32 $0x7, v17;
	[tilespmem:v56+s24+$0x0] =	vst.idx.add.f32.msk vm6, v0;
	vm6 =	vgt.s32 v55, v4  }
0x3ea: {  	v34 =	vshll.u32 v3, $0x10;
	[tilespmem:v26+s19+$0x0] =	vst.idx.add.s32.msk vm0, v1;
	v3 =	vnsel vm6, $0x0, v57;
	vm6 =	vgt.s32 v5, v4  }
0x3eb: {  	v51 =	vand.u32 $0x7, v51;
	s0 =	sadd.f32 s7, s0;
	v40 =	vnsel vm4, $0x0, v34;
	v5 =	vld [tilespmem:s9+$0xFFFFFFD0];
	v21 =	vnsel vm6, $0x0, v27  }
0x3ec: {  	vm6 =	veq.s32 v30, v4;
	v30 =	vnsel vm2, $0x0, v23;
	vm2 =	veq.s32 v37, v4;
	v37 =	vld [tilespmem:s9+$0x10]  }
0x3ed: {  	vm4 =	veq.s32 v12, v4;
	s0 =	sadd.f32 s0, s6;
	v17 =	vand.u32 $0xFFFF0000, v2;
	v2 =	vshrl.u32 v2, $0x10;
	[tilespmem:v26+s24+$0x0] =	vst.idx.add.f32.msk vm0, v29  }
0x3ee: {  	v0 =	vnsel vm15, $0x0, v0;
	v53 =	vshll.u32 v61, $0x10;
	v2 =	vand.u32 $0x7, v2;
	[tilespmem:v16+s19+$0x0] =	vst.idx.add.s32.msk vm7, v1  }
0x3ef: {  	v60, _, _ =	vpop (xrf2);
	s0 =	sadd.f32 s17, s0;
	v27 =	vshrl.u32 v6, $0x10;
	(xrf2) =	vadd.scan.msk.f32 $0xffff, v3;
	v3 =	vand.u32 $0x7, v9;
	[tilespmem:v58+s19+$0x0] =	vst.idx.add.s32.msk vm8, v1  }
0x3f0: {  	v43 =	vnsel vm14, $0x0, v17;
	v10, _, _ =	vpop (xrf2);
	v46 =	vand.u32 $0x7, v27;
	[tilespmem:v16+s24+$0x0] =	vst.idx.add.f32.msk vm7, v57;
	vm7 =	vgt.s32 v13, v4  }
0x3f1: {  	v14, _, _ =	vpop (xrf2);
	s0 =	sadd.f32 s0, s8;
	[tilespmem:v58+s24+$0x0] =	vst.idx.add.f32.msk vm8, v15;
	v13 =	vshrl.u32 v11, $0x10;
	v15 =	vnsel vm12, $0x0, v15;
	vm8 =	veq.s32 v25, v4  }
0x3f2: {  	(xrf2) =	vadd.scan.msk.f32 $0xffff, v59;
	v16, _, _ =	vpop (xrf2);
	v25 =	vand.u32 $0x7, v6;
	v11 =	vld [tilespmem:s9+$0xFFFFFFC0];
	v6 =	vand.u32 $0xFFFF0000, v5;
	v7 =	vshrl.u32 v5, $0x3  }
0x3f3: {  	s0 =	sadd.f32 s18, s0;
	[tilespmem:v2+s19+$0x0] =	vst.idx.add.s32.msk vm5, v1;
	v32 =	vand.u32 $0x7, v13;
	(v2sf) =	vpush v16, $0xF;
	(xrf2) =	vadd.scan.msk.f32 $0xffff, v15  }
0x3f4: {  	v42 =	vand.u32 $0x1FFF, v7;
	[tilespmem:v3+s19+$0x0] =	vst.idx.add.s32.msk vm13, v1;
	v7 =	vshll.u32 v5, $0x10;
	v59 =	vshrl.u32 v37, $0x13  }
0x3f5: {  	s0 =	sadd.f32 s0, s22;
	v45 =	vand.u32 $0xFFFF0000, v37;
	[tilespmem:v2+s24+$0x0] =	vst.idx.add.f32.msk vm5, v17;
	v2 =	vshrl.u32 v9, $0x10;
	(v2sf) =	vpush v14, $0xF  }
0x3f6: {  	v16 =	vld [tilespmem:s9+$0x30];
	vm5 =	veq.s32 v38, v4;
	(xrf2) =	vadd.scan.msk.f32 $0xffff, v0;
	v0 =	vnsel vm7, $0x0, v29;
	v17 =	vshrl.u32 v5, $0x13  }
0x3f7: {  	v38 =	vshll.u32 v37, $0x10;
	vm7 =	vgt.s32 v42, v4;
	v9 =	vshrl.u32 v37, $0x3;
	[tilespmem:v3+s24+$0x0] =	vst.idx.add.f32.msk vm13, v8;
	s0 =	sadd.f32 s26, s0  }
0x3f8: {  	v8 =	vand.u32 $0x7, v44;
	[tilespmem:v31+s19+$0x0] =	vst.idx.add.s32.msk vm2, v1;
	vm13 =	veq.s32 v48, v4;
	v2 =	vand.u32 $0x7, v2  }
0x3f9: {  	v14 =	vld [tilespmem:s9+$0xFFFFFFF0];
	(v2sf) =	vpush v60, $0xF;
	(xrf2) =	vadd.scan.msk.f32 $0xffff, v43;
	v3 =	vnsel vm7, $0x0, v7;
	vm14 =	vgt.s32 v17, v4;
	s0 =	sadd.f32 s0, s12  }
0x3fa: {  	(xrf2) =	vadd.scan.msk.f32 $0xffff, v21;
	v27 =	vshrl.u32 v11, $0x3;
	v21 =	vshrl.u32 v11, $0x13;
	[tilespmem:v25+s19+$0x0] =	vst.idx.add.s32.msk vm6, v1  }
0x3fb: {  	v13 =	vand.u32 $0xFFFF0000, v11;
	(xrf2) =	vadd.scan.msk.f32 $0xffff, v0;
	v47 =	vshrl.u32 v16, $0x3;
	[tilespmem:v25+s24+$0x0] =	vst.idx.add.f32.msk vm6, v23;
	s0 =	sadd.f32 s11, s0  }
0x3fc: {  	v39 =	vshrl.u32 v16, $0x13;
	v50 =	vand.u32 $0x1FFF, v27;
	(xrf2) =	vadd.scan.msk.f32 $0xffff, v3;
	[tilespmem:v32+s19+$0x0] =	vst.idx.add.s32.msk vm4, v1  }
0x3fd: {  	v3 =	vshrl.u32 v61, $0x13;
	vm15 =	vgt.s32 v21, v4;
	v63 =	vand.u32 $0x7, v16;
	[tilespmem:v2+s19+$0x0] =	vst.idx.add.s32.msk vm5, v1;
	s0 =	sadd.f32 s0, s13  }
0x3fe: {  	v15 =	vand.u32 $0xFFFF0000, v14;
	v49 =	vshrl.u32 v14, $0x3;
	[tilespmem:v2+s24+$0x0] =	vst.idx.add.f32.msk vm5, v19;
	v2 =	vshrl.u32 v44, $0x13  }
0x3ff: {  	(xrf2) =	vadd.scan.msk.f32 $0xffff, v24;
	vm7 =	vgt.s32 v2, v4;
	vm5 =	veq.s32 v2, v4;
	v2 =	vshrl.u32 v61, $0x3;
	s0 =	sadd.f32 s10, s0  }
0x400: {  	v54, _, _ =	vpop (xrf2);
	vm10 =	vgt.s32 v3, v4;
	v25 =	vshrl.u32 v14, $0x13;
	(xrf2) =	vadd.scan.msk.f32 $0xffff, v30;
	v2 =	vand.u32 $0x1FFF, v2  }
0x401: {  	v23, _, _ =	vpop (xrf2);
	[tilespmem:v46+s19+$0x0] =	vst.idx.add.s32.msk vm8, v1;
	v57 =	vnsel vm15, $0x0, v13;
	vm12 =	veq.s32 v3, v4;
	vm3 =	veq.s32 v2, v4;
	s0 =	sadd.f32 s0, s15  }
0x402: {  	[tilespmem:v32+s24+$0x0] =	vst.idx.add.f32.msk vm4, v20;
	v47 =	vand.u32 $0x1FFF, v47;
	v27 =	vand.u32 $0x1FFF, v49;
	v30, _, _ =	vpop (xrf2);
	v49 =	vand.u32 $0xFFFF0000, v61  }
0x403: {  	[tilespmem:v46+s24+$0x0] =	vst.idx.add.f32.msk vm8, v22;
	vm0 =	vgt.s32 v25, v4;
	vm4 =	veq.s32 v47, v4;
	v35 =	vnsel vm10, $0x0, v49;
	v26, _, _ =	vpop (xrf2);
	s0 =	sadd.f32 s14, s0  }
0x404: {  	v56 =	vnsel vm0, $0x0, v15;
	vm0 =	vgt.s32 v59, v4;
	(xrf2) =	vadd.scan.msk.f32 $0xffff, v35;
	s17 =	sld [smem:$0x7F1];
	[tilespmem:v31+s24+$0x0] =	vst.idx.add.f32.msk vm2, v34;
	v55, _, _ =	vpop (xrf2)  }
0x405: {  	v35 =	vnsel vm0, $0x0, v45;
	v31 =	vshll.u32 v41, $0x10;
	vm0 =	vgt.s32 v48, v4;
	[tilespmem:v28+s19+$0x0] =	vst.idx.add.s32.msk vm1, v1;
	v58, _, _ =	vpop (xrf2);
	s0 =	sadd.f32 s0, s21  }
0x406: {  	(v2sf) =	vpush v30, $0xF;
	(xrf2) =	vadd.scan.msk.f32 $0xffff, v40;
	v40 =	vnsel vm0, $0x0, v31;
	s18 =	sld [smem:$0x7F2];
	[tilespmem:v28+s24+$0x0] =	vst.idx.add.f32.msk vm1, v36;
	v29, _, _ =	vpop (xrf2)  }
0x407: {  	vm0 =	veq.s32 v39, v4;
	vm11 =	vgt.s32 v2, v4;
	v28 =	vshrl.u32 v16, $0x10;
	v30, _, _ =	vpop (xrf2);
	[tilespmem:v52+s19+$0x0] =	vst.idx.add.s32.msk vm3, v1;
	s0 =	sadd.f32 s16, s0  }
0x408: {  	v2 =	vshrl.u32 v41, $0x13;
	(xrf2) =	vadd.scan.msk.f32 $0xffff, v33;
	v28 =	vand.u32 $0x7, v28;
	v32, _, _ =	vpop (xrf2);
	s20 =	sld [smem:$0x7F3];
	[tilespmem:v52+s24+$0x0] =	vst.idx.add.f32.msk vm3, v53  }
0x409: {  	v46 =	vnsel vm14, $0x0, v6;
	vm1 =	vgt.s32 v2, v4;
	v3, _, _ =	vpop (xrf2);
	v52 =	vand.u32 $0x7, v41;
	[tilespmem:v51+s19+$0x0] =	vst.idx.add.s32.msk vm12, v1;
	s0 =	sadd.f32 s0, s17  }
0x40a: {  	(xrf2) =	vadd.scan.msk.f32 $0xffff, v46;
	vm2 =	veq.s32 v2, v4;
	v2 =	vshrl.u32 v41, $0x10;
	v62, _, _ =	vpop (xrf2);
	s21 =	sld [smem:$0x7F4];
	[tilespmem:v51+s24+$0x0] =	vst.idx.add.f32.msk vm12, v49  }
0x40b: {  	(xrf2) =	vadd.scan.msk.f32 $0xffff, v57;
	v57 =	vshll.u32 v16, $0x10;
	(v2sf) =	vpush v62, $0xF;
	[tilespmem:v63+s19+$0x0] =	vst.idx.add.s32.msk vm4, v1;
	s0 =	sadd.f32 s18, s0  }
0x40c: {  	v43 =	vand.u32 $0x1FFF, v9;
	v9 =	vshrl.u32 v44, $0x10;
	v2 =	vand.u32 $0x7, v2;
	s22 =	sld [smem:$0x7F5];
	[tilespmem:v63+s24+$0x0] =	vst.idx.add.f32.msk vm4, v57  }
0x40d: {  	v60 =	vand.u32 $0xFFFF0000, v41;
	v9 =	vand.u32 $0x7, v9;
	v0 =	vshrl.u32 v44, $0x3;
	[tilespmem:v28+s19+$0x0] =	vst.idx.add.s32.msk vm0, v1;
	s0 =	sadd.f32 s0, s20  }
0x40e: {  	v12 =	vshll.u32 v11, $0x10;
	v0 =	vand.u32 $0x1FFF, v0;
	vm6 =	vgt.s32 v50, v4;
	s23 =	sld [smem:$0x7F6];
	[tilespmem:v52+s19+$0x0] =	vst.idx.add.s32.msk vm13, v1  }
0x40f: {  	v20 =	vand.u32 $0xFFFF0000, v44;
	v19 =	vshll.u32 v14, $0x10;
	vm8 =	vgt.s32 v27, v4;
	[tilespmem:v52+s24+$0x0] =	vst.idx.add.f32.msk vm13, v31;
	s0 =	sadd.f32 s21, s0  }
0x410: {  	vm15 =	veq.s32 v59, v4;
	v22 =	vnsel vm8, $0x0, v19;
	vm8 =	vgt.s32 v0, v4;
	v44, _, _ =	vpop (xrf2);
	s25 =	sld [smem:$0x7F7]  }
0x411: {  	v24 =	vnsel vm11, $0x0, v53;
	v53 =	vnsel vm1, $0x0, v60;
	vm1 =	veq.s32 v43, v4;
	v63, _, _ =	vpop (xrf2);
	[tilespmem:v2+s19+$0x0] =	vst.idx.add.s32.msk vm2, v1;
	s0 =	sadd.f32 s0, s22  }
0x412: {  	v62 =	vand.u32 $0x7, v37;
	[tilespmem:v2+s24+$0x0] =	vst.idx.add.f32.msk vm2, v60;
	vm2 =	veq.s32 v0, v4;
	v0, _, _ =	vpop (xrf2);
	(xrf2) =	vadd.scan.msk.f32 $0xffff, v56  }
0x413: {  	vm14 =	vgt.s32 v43, v4;
	v61 =	vnsel vm7, $0x0, v20;
	v37 =	vshrl.u32 v37, $0x10;
	s0 =	sadd.f32 s23, s0  }
0x414: {  	vm7 =	vgt.s32 v39, v4;
	v37 =	vand.u32 $0x7, v37;
	(v2sf) =	vpush v63, $0xF  }
0x415: {  	v39 =	vnsel vm14, $0x0, v38;
	v36 =	vnsel vm6, $0x0, v12;
	(v2sf) =	vpush v3, $0xF;
	(xrf2) =	vadd.scan.msk.f32 $0xffff, v53;
	s0 =	sadd.f32 s0, s25  }
0x416: {  	v33 =	vnsel vm8, $0x0, v18;
	s1 =	spop (v2sf);
	vm3 =	vgt.s32 v47, v4;
	(v2sf) =	vpush v58, $0xF;
	s26 =	rddreg [dreg:$0x1b]  }
0x417: {  	v47 =	vshrl.u32 v11, $0x10;
	v41 =	vnsel vm3, $0x0, v57;
	(v2sf) =	vpush v54, $0xF;
	[tilespmem:v62+s19+$0x0] =	vst.idx.add.s32.msk vm1, v1;
	s2 =	sadd.f32 s26, s0;
	s0 =	spop (v2sf)  }
0x418: {  	vm3 =	veq.s32 v42, v4;
	v42, _, _ =	vpop (xrf2);
	[tilespmem:v62+s24+$0x0] =	vst.idx.add.f32.msk vm1, v38;
	(xrf2) =	vadd.scan.msk.f32 $0xffff, v61;
	s20 =	spop (v2sf);
	(v2sf) =	vpush v0, $0xF  }
0x419: {  	s13 =	simm.s32 $0x80;
	vm4 =	veq.s32 v50, v4;
	v3 =	vshrl.u32 v5, $0x10;
	s31 =	rddreg [dreg:$0x14];
	[tilespmem:v37+s19+$0x0] =	vst.idx.add.s32.msk vm15, v1;
	v0, _, _ =	vpop (xrf2);
	s30 =	spop (v2sf);
	(v2sf) =	vpush v55, $0xF  }
0x41a: {  	s14 =	simm.s32 $0x140;
	v31 =	vand.u32 $0x7, v3;
	vm1 =	vmmov vm5;
	[tilespmem:v37+s24+$0x0] =	vst.idx.add.f32.msk vm15, v45;
	s9 =	sadd.f32 s2, s31;
	(v2sf) =	vpush v0, $0xF;
	s23 =	spop (v2sf)  }
.LBB2_28:
0x41b: {  	s13 =	sadd.s32 $0x80, s13;
	v49 =	vand.u32 $0x7, v5;
	v5 =	vld [tilespmem:s14+$0xFFFFFFD0];
	vm5 =	veq.s32 v17, v4;
	(xrf2) =	vadd.scan.msk.f32 $0xffff, v39;
	(v2sf) =	vpush v26, $0xF  }
0x41c: {  	v2 =	vand.u32 $0x7, v47;
	vm8 =	veq.s32 v27, v4;
	s2 =	sadd.f32 s23, s9;
	v0 =	vld [tilespmem:s14+$0x30];
	p1 =	slt.u32 s13, $0x1F80;
	v34, _, _ =	vpop (xrf2);
	(v2sf) =	vpush v10, $0xF  }
0x41d: {  	vm9 =	veq.s32 v21, v4;
	v3 =	vand.u32 $0x7, v14;
	v10 =	vmovc v44;
	v39 =	vld [tilespmem:s14+$0x20];
	(v2sf) =	vpush v23, $0xF  }
0x41e: {  	v27 =	vand.u32 $0x7, v11;
	v11 =	vshrl.u32 v14, $0x10;
	s1 =	sadd.f32 s2, s1;
	v37 =	vld [tilespmem:s14+$0x10];
	(v2sf) =	vpush v42, $0xF;
	(xrf2) =	vadd.scan.msk.f32 $0xffff, v40  }
0x41f: {  	vm6 =	veq.s32 v25, v4;
	v25 =	vand.u32 $0x7, v11;
	v14 =	vld [tilespmem:s14+$0xFFFFFFF0];
	(v2sf) =	vpush v32, $0xF;
	v23, _, _ =	vpop (xrf2)  }
0x420: {  	v32 =	vand.u32 $0xFFFF0000, v16;
	s1 =	sadd.f32 s20, s1;
	v11 =	vld [tilespmem:s14+$0xFFFFFFC0];
	v40 =	vand.u32 $0xFFFF0000, v5;
	(v2sf) =	vpush v29, $0xF  }
0x421: {  	v29 =	vnsel vm7, $0x0, v32;
	v47 =	vld [tilespmem:s14+$0xFFFFFFE0];
	v44 =	vshrl.u32 v0, $0x3;
	v42 =	vshrl.u32 v0, $0x13;
	(xrf2) =	vadd.scan.msk.f32 $0xffff, v35;
	v16 =	vmovc v0  }
0x422: {  	v0 =	vshrl.u32 v5, $0x3;
	s0 =	sadd.f32 s1, s0;
	v51 =	vshrl.u32 v39, $0x3;
	[tilespmem:v3+s19+$0x0] =	vst.idx.add.s32.msk vm8, v1;
	v35, _, _ =	vpop (xrf2);
	(v2sf) =	vpush v30, $0xF  }
0x423: {  	v17 =	vshrl.u32 v5, $0x13;
	v45 =	vand.u32 $0x1FFF, v0;
	v38 =	vshll.u32 v37, $0x10;
	[tilespmem:v3+s24+$0x0] =	vst.idx.add.f32.msk vm8, v19;
	s1 =	spop (v2sf)  }
0x424: {  	v0 =	vshll.u32 v5, $0x10;
	vm7 =	vgt.s32 v45, v4;
	v3 =	vshrl.u32 v37, $0x3;
	(xrf2) =	vadd.scan.msk.f32 $0xffff, v41;
	s0 =	sadd.f32 s1, s0;
	s4 =	spop (v2sf)  }
0x425: {  	vm10 =	vgt.s32 v17, v4;
	v30 =	vnsel vm7, $0x0, v0;
	v46 =	vand.u32 $0x1FFF, v3;
	v41 =	vld [tilespmem:s14+$0x0];
	v26, _, _ =	vpop (xrf2);
	s2 =	spop (v2sf)  }
0x426: {  	v3 =	vshrl.u32 v11, $0x3;
	v52 =	vshll.u32 v11, $0x10;
	v53 =	vand.u32 $0x7, v47;
	[tilespmem:v25+s19+$0x0] =	vst.idx.add.s32.msk vm6, v1;
	s0 =	sadd.f32 s0, s30;
	s5 =	spop (v2sf)  }
0x427: {  	v21 =	vshrl.u32 v11, $0x13;
	v54 =	vand.u32 $0xFFFF0000, v11;
	v19 =	vshrl.u32 v47, $0x10;
	(xrf2) =	vadd.scan.msk.f32 $0xffff, v29;
	s1 =	spop (v2sf)  }
0x428: {  	v55 =	vshrl.u32 v47, $0x3;
	v50 =	vand.u32 $0x7, v19;
	[tilespmem:v25+s24+$0x0] =	vst.idx.add.f32.msk vm6, v15;
	v15 =	vand.u32 $0xFFFF0000, v14;
	v43, _, _ =	vpop (xrf2);
	s0 =	sadd.f32 s1, s0;
	s3 =	spop (v2sf)  }
0x429: {  	v29 =	vshrl.u32 v14, $0x3;
	v19 =	vshll.u32 v14, $0x10;
	v25 =	vshrl.u32 v47, $0x13;
	[tilespmem:v27+s19+$0x0] =	vst.idx.add.s32.msk vm4, v1;
	s1 =	spop (v2sf)  }
0x42a: {  	v3 =	vand.u32 $0x1FFF, v3;
	vm7 =	vgt.s32 v25, v4;
	v56 =	vshrl.u32 v41, $0x10;
	(xrf2) =	vadd.scan.msk.f32 $0xffff, v30;
	s0 =	sadd.f32 s0, s5;
	s5 =	spop (v2sf)  }
0x42b: {  	vm6 =	veq.s32 v25, v4;
	v25 =	vshrl.u32 v41, $0x3;
	v57 =	vshrl.u32 v41, $0x13;
	[tilespmem:v27+s24+$0x0] =	vst.idx.add.f32.msk vm4, v12;
	v48, _, _ =	vpop (xrf2);
	s6 =	spop (v2sf)  }
0x42c: {  	v59 =	vand.u32 $0x7, v41;
	v58 =	vand.u32 $0x1FFF, v25;
	vm4 =	vgt.s32 v57, v4;
	v12 =	vmovc v52;
	[tilespmem:v2+s19+$0x0] =	vst.idx.add.s32.msk vm9, v1;
	s7 =	sadd.f32 s4, s0;
	s4 =	spop (v2sf)  }
0x42d: {  	vm8 =	vgt.s32 v3, v4;
	v52 =	vshll.u32 v41, $0x10;
	vm11 =	vgt.s32 v58, v4;
	s0 =	spop (v2sf);
	(xrf2) =	vadd.scan.msk.f32 $0xffff, v24  }
0x42e: {  	v27 =	vand.u32 $0x1FFF, v29;
	v25 =	vshrl.u32 v14, $0x13;
	v24 =	vnsel vm11, $0x0, v52;
	[tilespmem:v2+s24+$0x0] =	vst.idx.add.f32.msk vm9, v13;
	s20 =	spop (v2sf);
	v29, _, _ =	vpop (xrf2);
	s6 =	sadd.f32 s7, s6  }
0x42f: {  	v60 =	vand.u32 $0xFFFF0000, v41;
	v2 =	vnsel vm10, $0x0, v40;
	vm9 =	vgt.s32 v27, v4;
	v13 =	vmovc v54;
	[tilespmem:v28+s24+$0x0] =	vst.idx.add.f32.msk vm0, v32;
	s7 =	spop (v2sf)  }
0x430: {  	v54 =	vand.u32 $0x1FFF, v55;
	v28 =	vnsel vm9, $0x0, v19;
	vm0 =	vgt.s32 v25, v4;
	(xrf2) =	vadd.scan.msk.f32 $0xffff, v36;
	s5 =	sadd.f32 s5, s6  }
0x431: {  	vm10 =	vgt.s32 v21, v4;
	vm9 =	vgt.s32 v54, v4;
	v55 =	vnsel vm0, $0x0, v15;
	[tilespmem:v49+s19+$0x0] =	vst.idx.add.s32.msk vm3, v1;
	v30, _, _ =	vpop (xrf2);
	s6 =	spop (v2sf)  }
0x432: {  	v61 =	vshrl.u32 v37, $0x13;
	v41 =	vnsel vm4, $0x0, v60;
	v36 =	vnsel vm10, $0x0, v13;
	[tilespmem:v49+s24+$0x0] =	vst.idx.add.f32.msk vm3, v7;
	s2 =	sadd.f32 s5, s2;
	v7 =	vmovc v0  }
0x433: {  	v0 =	vshll.u32 v47, $0x10;
	v49 =	vand.u32 $0xFFFF0000, v37;
	(xrf2) =	vadd.scan.msk.f32 $0xffff, v41;
	(v2sf) =	vpush v35, $0xF  }
0x434: {  	v62 =	vshrl.u32 v39, $0x13;
	v63 =	vand.u32 $0xFFFF0000, v39;
	vm0 =	vgt.s32 v61, v4;
	v32, _, _ =	vpop (xrf2);
	[tilespmem:v31+s19+$0x0] =	vst.idx.add.s32.msk vm5, v1;
	s2 =	sadd.f32 s3, s2  }
0x435: {  	v51 =	vand.u32 $0x1FFF, v51;
	vm3 =	veq.s32 v58, v4;
	v35 =	vnsel vm0, $0x0, v49;
	[tilespmem:v31+s24+$0x0] =	vst.idx.add.f32.msk vm5, v6;
	v6 =	vmovc v40  }
0x436: {  	v58 =	vshll.u32 v39, $0x10;
	vm0 =	vgt.s32 v51, v4;
	v31 =	vand.u32 $0xFFFF0000, v47;
	(xrf2) =	vadd.scan.msk.f32 $0xffff, v33;
	s2 =	sadd.f32 s2, s4  }
0x437: {  	vm12 =	veq.s32 v57, v4;
	v40 =	vnsel vm0, $0x0, v58;
	vm0 =	vgt.s32 v62, v4;
	[tilespmem:v8+s19+$0x0] =	vst.idx.add.s32.msk vm2, v1;
	v57, _, _ =	vpop (xrf2)  }
0x438: {  	v41 =	vand.u32 $0x1FFF, v44;
	v33 =	vand.u32 $0x7, v56;
	v56 =	vnsel vm0, $0x0, v63;
	[tilespmem:v8+s24+$0x0] =	vst.idx.add.f32.msk vm2, v18;
	s2 =	sadd.f32 s7, s2;
	v8 =	vmovc v53;
	v18 =	vmovc v0  }
0x439: {  	vm0 =	vgt.s32 v41, v4;
	vm2 =	veq.s32 v41, v4;
	v0 =	vshll.u32 v16, $0x10;
	(xrf2) =	vadd.scan.msk.f32 $0xffff, v22;
	v22 =	vmovc v28  }
0x43a: {  	vm11 =	vgt.s32 v46, v4;
	v53 =	vnsel vm7, $0x0, v31;
	v41 =	vnsel vm0, $0x0, v0;
	[tilespmem:v9+s19+$0x0] =	vst.idx.add.s32.msk vm1, v1;
	v28, _, _ =	vpop (xrf2);
	s9 =	sadd.f32 s2, s6  }
0x43b: {  	vm10 =	veq.s32 v51, v4;
	v51 =	vand.u32 $0x7, v16;
	[tilespmem:v9+s24+$0x0] =	vst.idx.add.f32.msk vm1, v20;
	(v2sf) =	vpush v28, $0xF;
	v9 =	vmovc v50  }
0x43c: {  	vm0 =	veq.s32 v42, v4;
	v28 =	vshrl.u32 v16, $0x10;
	v20 =	vmovc v31;
	[tilespmem:v59+s19+$0x0] =	vst.idx.add.s32.msk vm3, v1;
	(xrf2) =	vadd.scan.msk.f32 $0xffff, v2  }
0x43d: {  	vm4 =	veq.s32 v3, v4;
	vm5 =	veq.s32 v61, v4;
	v28 =	vand.u32 $0x7, v28;
	[tilespmem:v59+s24+$0x0] =	vst.idx.add.f32.msk vm3, v52;
	v44, _, _ =	vpop (xrf2)  }
0x43e: {  	vm13 =	veq.s32 v62, v4;
	v47 =	vshrl.u32 v11, $0x10;
	v2 =	vand.u32 $0x7, v39;
	[tilespmem:v33+s19+$0x0] =	vst.idx.add.s32.msk vm12, v1  }
0x43f: {  	v3 =	vshrl.u32 v39, $0x10;
	vm7 =	vgt.s32 v42, v4;
	[tilespmem:v33+s24+$0x0] =	vst.idx.add.f32.msk vm12, v60;
	(xrf2) =	vadd.scan.msk.f32 $0xffff, v36  }
0x440: {  	v3 =	vand.u32 $0x7, v3;
	vm3 =	veq.s32 v45, v4;
	v36 =	vnsel vm8, $0x0, v12;
	[tilespmem:v51+s19+$0x0] =	vst.idx.add.s32.msk vm2, v1;
	v31, _, _ =	vpop (xrf2)  }
0x441: {  	v45 =	vshrl.u32 v5, $0x10;
	v33 =	vnsel vm9, $0x0, v18;
	vm8 =	veq.s32 v46, v4;
	[tilespmem:v51+s24+$0x0] =	vst.idx.add.f32.msk vm2, v0  }
0x442: {  	vm2 =	veq.s32 v54, v4;
	v0 =	vand.u32 $0x7, v37;
	[tilespmem:v28+s19+$0x0] =	vst.idx.add.s32.msk vm0, v1;
	(xrf2) =	vadd.scan.msk.f32 $0xffff, v55;
	s30 =	spop (v2sf)  }
0x443: {  	vm1 =	vmmov vm6;
	v39 =	vnsel vm11, $0x0, v38;
	v37 =	vshrl.u32 v37, $0x10;
	[tilespmem:v2+s19+$0x0] =	vst.idx.add.s32.msk vm10, v1;
	v46, _, _ =	vpop (xrf2)  }
0x444: {  	v37 =	vand.u32 $0x7, v37;
	[tilespmem:v2+s24+$0x0] =	vst.idx.add.f32.msk vm10, v58;
	(v2sf) =	vpush v31, $0xF  }
0x445: {  	[tilespmem:v3+s19+$0x0] =	vst.idx.add.s32.msk vm13, v1;
	(xrf2) =	vadd.scan.msk.f32 $0xffff, v56;
	(v2sf) =	vpush v57, $0xF  }
.Ltmp13:
0x446: {  	[tilespmem:v3+s24+$0x0] =	vst.idx.add.f32.msk vm13, v63;
	v42, _, _ =	vpop (xrf2);
	(v2sf) =	vpush v48, $0xF;
	(pc) =	sbr.rel @p1 .LBB2_28-.Ltmp13, $4  }
0x447: {  	[tilespmem:v0+s19+$0x0] =	vst.idx.add.s32.msk vm8, v1;
	(v2sf) =	vpush v34, $0xF  }
0x448: {  	[tilespmem:v0+s24+$0x0] =	vst.idx.add.f32.msk vm8, v38;
	(xrf2) =	vadd.scan.msk.f32 $0xffff, v53;
	(v2sf) =	vpush v46, $0xF  }
0x449: {  	[tilespmem:v37+s19+$0x0] =	vst.idx.add.s32.msk vm5, v1;
	v0, _, _ =	vpop (xrf2);
	(v2sf) =	vpush v43, $0xF  }
0x44a: {  	s14 =	sadd.s32 $0x80, s14;
	v31 =	vand.u32 $0x7, v45;
	[tilespmem:v37+s24+$0x0] =	vst.idx.add.f32.msk vm5, v49;
	(v2sf) =	vpush v0, $0xF;
	s23 =	spop (v2sf)  }
0x44b: {  	(xrf2) =	vadd.scan.msk.f32 $0xffff, v39  }
0x44c: {  	(xrf2) =	vadd.scan.msk.f32 $0xffff, v40  }
0x44d: {  	v0 =	vand.u32 $0xFFFF0000, v16;
	(xrf2) =	vadd.scan.msk.f32 $0xffff, v35  }
0x44e: {  	v2 =	vnsel vm7, $0x0, v0;
	(xrf2) =	vadd.scan.msk.f32 $0xffff, v41  }
0x44f: {  	(xrf2) =	vadd.scan.msk.f32 $0xffff, v2  }
0x450: {  	(xrf2) =	vadd.scan.msk.f32 $0xffff, v24  }
0x451: {  	(xrf2) =	vadd.scan.msk.f32 $0xffff, v36  }
0x452: {  	v2, _, _ =	vpop (xrf2);
	(xrf2) =	vadd.scan.msk.f32 $0xffff, v33  }
0x453: {  	v3, _, _ =	vpop (xrf2)  }
0x454: {  	(v2sf) =	vpush v26, $0xF;
	v16, _, _ =	vpop (xrf2)  }
0x455: {  	(v2sf) =	vpush v10, $0xF;
	v10, _, _ =	vpop (xrf2)  }
0x456: {  	(v2sf) =	vpush v23, $0xF;
	v23, _, _ =	vpop (xrf2)  }
0x457: {  	(v2sf) =	vpush v42, $0xF;
	(xrf2) =	vadd.scan.msk.f32 $0xffff, v22;
	v22, _, _ =	vpop (xrf2)  }
0x458: {  	(v2sf) =	vpush v32, $0xF;
	v24, _, _ =	vpop (xrf2)  }
0x459: {  	(v2sf) =	vpush v29, $0xF;
	v26, _, _ =	vpop (xrf2)  }
0x45a: {  	(v2sf) =	vpush v30, $0xF;
	v29, _, _ =	vpop (xrf2)  }
0x45b: {  	(v2sf) =	vpush v16, $0xF;
	v16, _, _ =	vpop (xrf2)  }
0x45c: {  	s3 =	spop (v2sf);
	(v2sf) =	vpush v16, $0xF;
	v16, _, _ =	vpop (xrf2)  }
0x45d: {  	s7 =	spop (v2sf);
	(v2sf) =	vpush v16, $0xF  }
0x45e: {  	s8 =	spop (v2sf);
	(v2sf) =	vpush v29, $0xF  }
0x45f: {  	s5 =	spop (v2sf)  }
0x460: {  	vm5 =	veq.s32 v27, v4;
	s4 =	spop (v2sf);
	(v2sf) =	vpush v22, $0xF  }
0x461: {  	s18 =	spop (v2sf);
	(v2sf) =	vpush v2, $0xF;
	v2 =	vand.u32 $0x7, v14  }
0x462: {  	vm6 =	veq.s32 v25, v4;
	s13 =	spop (v2sf);
	v16, _, _ =	vpop (xrf2);
	v14 =	vshrl.u32 v14, $0x10  }
0x463: {  	s17 =	spop (v2sf);
	(v2sf) =	vpush v16, $0xF;
	v14 =	vand.u32 $0x7, v14  }
0x464: {  	s6 =	spop (v2sf);
	(v2sf) =	vpush v23, $0xF  }
0x465: {  	s22 =	spop (v2sf);
	(v2sf) =	vpush v10, $0xF;
	v10 =	vand.u32 $0x7, v11  }
0x466: {  	vm7 =	veq.s32 v21, v4;
	s15 =	spop (v2sf);
	(v2sf) =	vpush v44, $0xF;
	[tilespmem:v2+s19+$0x0] =	vst.idx.add.s32.msk vm5, v1  }
0x467: {  	s10 =	spop (v2sf);
	(v2sf) =	vpush v3, $0xF;
	v3 =	vand.u32 $0x7, v47;
	[tilespmem:v2+s24+$0x0] =	vst.idx.add.f32.msk vm5, v19  }
0x468: {  	s26 =	spop (v2sf);
	[tilespmem:v14+s19+$0x0] =	vst.idx.add.s32.msk vm6, v1  }
0x469: {  	s12 =	spop (v2sf);
	[tilespmem:v14+s24+$0x0] =	vst.idx.add.f32.msk vm6, v15  }
0x46a: {  	s21 =	spop (v2sf);
	[tilespmem:v10+s19+$0x0] =	vst.idx.add.s32.msk vm4, v1  }
0x46b: {  	[tilespmem:v10+s24+$0x0] =	vst.idx.add.f32.msk vm4, v12;
	s11 =	spop (v2sf)  }
0x46c: {  	(v2sf) =	vpush v24, $0xF;
	v2 =	vand.u32 $0x7, v5;
	[tilespmem:v3+s19+$0x0] =	vst.idx.add.s32.msk vm7, v1;
	s14 =	spop (v2sf)  }
0x46d: {  	vm5 =	veq.s32 v17, v4;
	[tilespmem:v3+s24+$0x0] =	vst.idx.add.f32.msk vm7, v13;
	s2 =	spop (v2sf)  }
0x46e: {  	(v2sf) =	vpush v26, $0xF;
	[smem:$0x7EB] =	sst s2  }
0x46f: {  	s25 =	spop (v2sf);
	[tilespmem:v28+s24+$0x0] =	vst.idx.add.f32.msk vm0, v0  }
0x470: {  	[smem:$0x7EE] =	sst s25  }
0x471: {  	s25 =	spop (v2sf);
	[tilespmem:v2+s19+$0x0] =	vst.idx.add.s32.msk vm3, v1  }
0x472: {  	s16 =	spop (v2sf);
	[tilespmem:v2+s24+$0x0] =	vst.idx.add.f32.msk vm3, v7  }
0x473: {  	s31 =	spop (v2sf);
	[tilespmem:v31+s19+$0x0] =	vst.idx.add.s32.msk vm5, v1  }
0x474: {  	[smem:$0x7EF] =	sst s31  }
0x475: {  	s31 =	spop (v2sf);
	[tilespmem:v31+s24+$0x0] =	vst.idx.add.f32.msk vm5, v6  }
0x476: {  	[smem:$0x7ED] =	sst s31  }
0x477: {  	s31 =	spop (v2sf);
	[tilespmem:v8+s19+$0x0] =	vst.idx.add.s32.msk vm2, v1  }
0x478: {  	[smem:$0x7EC] =	sst s31  }
0x479: {  	s31 =	spop (v2sf);
	[tilespmem:v8+s24+$0x0] =	vst.idx.add.f32.msk vm2, v18  }
0x47a: {  	[smem:$0x7F0] =	sst s31  }
0x47b: {  	s31 =	spop (v2sf);
	[tilespmem:v9+s19+$0x0] =	vst.idx.add.s32.msk vm1, v1  }
0x47c: {  	[dreg:$0x1c] =	wrdreg s31  }
0x47d: {  	s31 =	spop (v2sf);
	[tilespmem:v9+s24+$0x0] =	vst.idx.add.f32.msk vm1, v20  }
0x47e: {  	[dreg:$0x15] =	wrdreg s31;
	s31 =	simm.s32 $0x1  }
0x47f: {  	_ =	swait.ge [sflag:s31], $0x2000  }
0x480: {  	[sflag:s31] =	ssyncset.done $0x0  }
0x481: {  	s2 =	simm.s32 $0x0;
	[sflag:s31] =	ssyncadd.s32 $0xFFFFE000;
	s31 =	rddreg [dreg:$0x8]  }
0x482: {  	[tilespmem:s2], [sflag:$0x1] =	stream.linear.gather [hbm4b:s31+s2], $0x2000, $0x38;
	[tilespmem:$0x7300] =	vst v63  }
0x483: {  	s31 =	simm.s32 $0x2070  }
0x484: {  	v11 =	vld [tilespmem:s31+$0xFFFFFFA0]  }
0x485: {  	v7 =	vld [tilespmem:s31+$0x0]  }
0x486: {  	v0 =	vld [tilespmem:s31+$0xFFFFFFF0]  }
0x487: {  	v2 =	vld [tilespmem:s31+$0xFFFFFFE0]  }
0x488: {  	v6 =	vld [tilespmem:s31+$0xFFFFFF90]  }
0x489: {  	v3 =	vld [tilespmem:s31+$0xFFFFFFB0]  }
0x48a: {  	v9 =	vld [tilespmem:s31+$0xFFFFFFC0]  }
0x48b: {  	v17 =	vld [tilespmem:s31+$0xFFFFFFD0];
	v20 =	vand.u32 $0xFFFF0000, v11;
	v5 =	vshrl.u32 v7, $0x3;
	v13 =	vshrl.u32 v7, $0x13  }
0x48c: {  	v8 =	vshrl.u32 v11, $0x3;
	v10 =	vshrl.u32 v0, $0x3;
	v12 =	vshrl.u32 v11, $0x13  }
0x48d: {  	v15 =	vshll.u32 v2, $0x10;
	v18 =	vshll.u32 v11, $0x10;
	v24 =	vshrl.u32 v6, $0x3  }
0x48e: {  	v23 =	vshll.u32 v6, $0x10;
	v31 =	vand.u32 $0x7, v3;
	v25 =	vshrl.u32 v6, $0x13  }
0x48f: {  	v22 =	vand.u32 $0xFFFF0000, v6;
	v26 =	vshrl.u32 v3, $0x3;
	v19 =	vand.u32 $0xFFFF0000, v9  }
0x490: {  	v27 =	vshrl.u32 v3, $0x13;
	v29 =	vshrl.u32 v9, $0x3;
	v47 =	vshrl.u32 v17, $0x10  }
0x491: {  	v34 =	vand.u32 $0x7, v17;
	v49 =	vshll.u32 v17, $0x10;
	v38 =	vshrl.u32 v9, $0x13  }
0x492: {  	v53 =	vand.u32 $0x7, v7;
	v54 =	vshrl.u32 v2, $0x13;
	v55 =	vshrl.u32 v0, $0x13  }
0x493: {  	v56 =	vand.u32 $0x7, v0;
	v57 =	vand.u32 $0xFFFF0000, v0;
	v58 =	vand.u32 $0x7, v2  }
0x494: {  	v36 =	vand.u32 $0xFFFF0000, v3;
	v45 =	vand.u32 $0x7, v11;
	v14 =	vand.u32 $0x1FFF, v8  }
0x495: {  	v8 =	vshrl.u32 v2, $0x3;
	v30 =	vand.u32 $0x1FFF, v24;
	vm3 =	vgt.s32 v27, v4  }
0x496: {  	vm1 =	veq.s32 v27, v4;
	v24 =	vshrl.u32 v17, $0x3;
	v27 =	vshrl.u32 v17, $0x13  }
0x497: {  	v29 =	vand.u32 $0x1FFF, v29;
	v17 =	vand.u32 $0xFFFF0000, v17;
	v37 =	vand.u32 $0x1FFF, v26  }
0x498: {  	vm6 =	vgt.s32 v25, v4;
	v5 =	vand.u32 $0x1FFF, v5;
	v10 =	vand.u32 $0x1FFF, v10  }
0x499: {  	v26 =	vshrl.u32 v7, $0x10;
	vm14 =	vgt.s32 v54, v4;
	vm9 =	veq.s32 v5, v4  }
0x49a: {  	v48 =	vand.u32 $0x1FFF, v24;
	v59 =	vnsel vm3, $0x0, v36;
	vm3 =	veq.s32 v14, v4  }
0x49b: {  	s31 =	sadd.f32 s23, s9;
	s9 =	simm.s32 $0x20F0;
	vm0 =	vgt.s32 v14, v4;
	v21 =	vand.u32 $0x1FFF, v8;
	vm7 =	veq.s32 v48, v4  }
0x49c: {  	v41 =	vld [tilespmem:s9+$0xFFFFFFF0];
	v8 =	vshrl.u32 v3, $0x10;
	vm5 =	vgt.s32 v27, v4;
	vm2 =	vgt.s32 v30, v4  }
0x49d: {  	v44 =	vld [tilespmem:s9+$0xFFFFFFB0];
	s1 =	sadd.f32 s31, s1;
	vm8 =	veq.s32 v27, v4;
	v27 =	vand.u32 $0x7, v47;
	v16 =	vnsel vm0, $0x0, v18  }
0x49e: {  	v61 =	vld [tilespmem:s9+$0xFFFFFFD0];
	v26 =	vand.u32 $0x7, v26;
	(xrf2) =	vadd.scan.msk.f32 $0xffff, v16;
	v16 =	vnsel vm6, $0x0, v22;
	vm6 =	veq.s32 v10, v4  }
0x49f: {  	s1 =	sadd.f32 s20, s1;
	vm15 =	vgt.s32 v10, v4;
	vm1 =	vmmov vm1;
	vm13 =	veq.s32 v29, v4;
	[tilespmem:v53+s19+$0x0] =	vst.idx.add.s32.msk vm9, v1  }
0x4a0: {  	vm0 =	vgt.s32 v12, v4;
	v28 =	vand.u32 $0x7, v8;
	v8 =	vshll.u32 v9, $0x10;
	[tilespmem:v45+s19+$0x0] =	vst.idx.add.s32.msk vm3, v1  }
0x4a1: {  	s0 =	sadd.f32 s1, s0;
	vm4 =	vgt.s32 v48, v4;
	v50 =	vnsel vm0, $0x0, v20;
	vm0 =	vgt.s32 v29, v4;
	[tilespmem:v34+s19+$0x0] =	vst.idx.add.s32.msk vm7, v1  }
0x4a2: {  	v52 =	vnsel vm5, $0x0, v17;
	v33 =	vnsel vm0, $0x0, v8;
	vm0 =	vgt.s32 v38, v4;
	[tilespmem:v45+s24+$0x0] =	vst.idx.add.f32.msk vm3, v18  }
0x4a3: {  	s0 =	sadd.f32 s3, s0;
	vm5 =	veq.s32 v54, v4;
	v51 =	vnsel vm0, $0x0, v19;
	vm0 =	veq.s32 v13, v4;
	[tilespmem:v34+s24+$0x0] =	vst.idx.add.f32.msk vm7, v49  }
0x4a4: {  	vm12 =	vgt.s32 v21, v4;
	v48 =	vshrl.u32 v41, $0x3;
	(xrf2) =	vadd.scan.msk.f32 $0xffff, v52;
	[tilespmem:v56+s19+$0x0] =	vst.idx.add.s32.msk vm6, v1  }
0x4a5: {  	v24 =	vnsel vm4, $0x0, v49;
	vm4 =	vgt.s32 v37, v4;
	s0 =	sadd.f32 s0, s30;
	(xrf2) =	vadd.scan.msk.f32 $0xffff, v50;
	[tilespmem:v27+s19+$0x0] =	vst.idx.add.s32.msk vm8, v1  }
0x4a6: {  	v29 =	vand.u32 $0xFFFF0000, v7;
	(xrf2) =	vadd.scan.msk.f32 $0xffff, v16;
	[tilespmem:v27+s24+$0x0] =	vst.idx.add.f32.msk vm8, v17;
	v27 =	vshll.u32 v7, $0x10  }
0x4a7: {  	s0 =	sadd.f32 s4, s0;
	vm7 =	veq.s32 v55, v4;
	v17 =	vshrl.u32 v0, $0x10;
	v0 =	vshll.u32 v0, $0x10;
	[tilespmem:v53+s24+$0x0] =	vst.idx.add.f32.msk vm9, v27  }
0x4a8: {  	vm8 =	veq.s32 v21, v4;
	v16 =	vand.u32 $0x7, v17;
	[tilespmem:v56+s24+$0x0] =	vst.idx.add.f32.msk vm6, v0;
	vm6 =	vgt.s32 v55, v4  }
0x4a9: {  	s0 =	sadd.f32 s0, s5;
	v34 =	vshll.u32 v3, $0x10;
	[tilespmem:v26+s19+$0x0] =	vst.idx.add.s32.msk vm0, v1;
	v3 =	vnsel vm6, $0x0, v57;
	vm6 =	vgt.s32 v5, v4  }
0x4aa: {  	v48 =	vand.u32 $0x1FFF, v48;
	v52 =	vand.u32 $0x7, v61;
	v5 =	vld [tilespmem:s9+$0xFFFFFFA0];
	v21 =	vnsel vm6, $0x0, v27  }
0x4ab: {  	(xrf2) =	vadd.scan.msk.f32 $0xffff, v51;
	s0 =	sadd.f32 s7, s0;
	vm6 =	veq.s32 v30, v4;
	v30 =	vnsel vm2, $0x0, v23;
	vm2 =	veq.s32 v37, v4;
	v37 =	vld [tilespmem:s9+$0xFFFFFFE0]  }
0x4ac: {  	v51 =	vshrl.u32 v61, $0x10;
	v17 =	vand.u32 $0xFFFF0000, v2;
	v2 =	vshrl.u32 v2, $0x10;
	[tilespmem:v26+s24+$0x0] =	vst.idx.add.f32.msk vm0, v29  }
0x4ad: {  	v18 =	vshll.u32 v44, $0x10;
	v51 =	vand.u32 $0x7, v51;
	s0 =	sadd.f32 s0, s6;
	v2 =	vand.u32 $0x7, v2;
	[tilespmem:v16+s19+$0x0] =	vst.idx.add.s32.msk vm7, v1  }
0x4ae: {  	v40 =	vnsel vm4, $0x0, v34;
	vm4 =	veq.s32 v12, v4;
	v0 =	vnsel vm15, $0x0, v0;
	[tilespmem:v58+s19+$0x0] =	vst.idx.add.s32.msk vm8, v1  }
0x4af: {  	v60, _, _ =	vpop (xrf2);
	v27 =	vshrl.u32 v6, $0x10;
	s0 =	sadd.f32 s17, s0;
	(xrf2) =	vadd.scan.msk.f32 $0xffff, v3;
	v3 =	vand.u32 $0x7, v9;
	[tilespmem:v16+s24+$0x0] =	vst.idx.add.f32.msk vm7, v57  }
0x4b0: {  	v53 =	vshll.u32 v61, $0x10;
	v43 =	vnsel vm14, $0x0, v17;
	v10, _, _ =	vpop (xrf2);
	v46 =	vand.u32 $0x7, v27;
	[tilespmem:v58+s24+$0x0] =	vst.idx.add.f32.msk vm8, v15  }
0x4b1: {  	v14, _, _ =	vpop (xrf2);
	(xrf2) =	vadd.scan.msk.f32 $0xffff, v59;
	s0 =	sadd.f32 s0, s8;
	vm7 =	vgt.s32 v13, v4;
	v13 =	vshrl.u32 v11, $0x10;
	v15 =	vnsel vm12, $0x0, v15;
	v11 =	vld [tilespmem:s9+$0xFFFFFF90]  }
0x4b2: {  	v16, _, _ =	vpop (xrf2);
	vm8 =	veq.s32 v25, v4;
	v25 =	vand.u32 $0x7, v6;
	v6 =	vand.u32 $0xFFFF0000, v5;
	[tilespmem:v2+s19+$0x0] =	vst.idx.add.s32.msk vm5, v1  }
0x4b3: {  	s0 =	sadd.f32 s18, s0;
	v7 =	vshrl.u32 v5, $0x3;
	v32 =	vand.u32 $0x7, v13;
	(v2sf) =	vpush v16, $0xF;
	v16 =	vld [tilespmem:s9+$0x0];
	(xrf2) =	vadd.scan.msk.f32 $0xffff, v15  }
0x4b4: {  	v42 =	vand.u32 $0x1FFF, v7;
	[tilespmem:v3+s19+$0x0] =	vst.idx.add.s32.msk vm13, v1;
	v7 =	vshll.u32 v5, $0x10;
	v59 =	vshrl.u32 v37, $0x13  }
0x4b5: {  	v45 =	vand.u32 $0xFFFF0000, v37;
	[tilespmem:v2+s24+$0x0] =	vst.idx.add.f32.msk vm5, v17;
	v2 =	vshrl.u32 v9, $0x10;
	(v2sf) =	vpush v14, $0xF;
	s0 =	sadd.f32 s0, s22  }
0x4b6: {  	vm5 =	veq.s32 v38, v4;
	(xrf2) =	vadd.scan.msk.f32 $0xffff, v0;
	v14 =	vld [tilespmem:s9+$0xFFFFFFC0];
	v0 =	vnsel vm7, $0x0, v29;
	v17 =	vshrl.u32 v5, $0x13  }
0x4b7: {  	v38 =	vshll.u32 v37, $0x10;
	vm7 =	vgt.s32 v42, v4;
	v9 =	vshrl.u32 v37, $0x3;
	[tilespmem:v3+s24+$0x0] =	vst.idx.add.f32.msk vm13, v8;
	s0 =	sadd.f32 s26, s0  }
0x4b8: {  	v8 =	vand.u32 $0x7, v44;
	[tilespmem:v31+s19+$0x0] =	vst.idx.add.s32.msk vm2, v1;
	vm13 =	veq.s32 v48, v4;
	v2 =	vand.u32 $0x7, v2  }
0x4b9: {  	(v2sf) =	vpush v60, $0xF;
	(xrf2) =	vadd.scan.msk.f32 $0xffff, v43;
	v3 =	vnsel vm7, $0x0, v7;
	[tilespmem:v31+s24+$0x0] =	vst.idx.add.f32.msk vm2, v34;
	s0 =	sadd.f32 s0, s12  }
0x4ba: {  	vm14 =	vgt.s32 v17, v4;
	v31 =	vshll.u32 v41, $0x10;
	(xrf2) =	vadd.scan.msk.f32 $0xffff, v21;
	[tilespmem:v28+s19+$0x0] =	vst.idx.add.s32.msk vm1, v1  }
0x4bb: {  	v27 =	vshrl.u32 v11, $0x3;
	v21 =	vshrl.u32 v11, $0x13;
	v13 =	vand.u32 $0xFFFF0000, v11;
	[tilespmem:v25+s19+$0x0] =	vst.idx.add.s32.msk vm6, v1;
	s0 =	sadd.f32 s11, s0  }
0x4bc: {  	(xrf2) =	vadd.scan.msk.f32 $0xffff, v0;
	v47 =	vshrl.u32 v16, $0x3;
	v39 =	vshrl.u32 v16, $0x13;
	[tilespmem:v25+s24+$0x0] =	vst.idx.add.f32.msk vm6, v23  }
0x4bd: {  	v50 =	vand.u32 $0x1FFF, v27;
	(xrf2) =	vadd.scan.msk.f32 $0xffff, v3;
	v3 =	vshrl.u32 v61, $0x13;
	[tilespmem:v2+s19+$0x0] =	vst.idx.add.s32.msk vm5, v1;
	s0 =	sadd.f32 s0, s13  }
0x4be: {  	vm15 =	vgt.s32 v21, v4;
	v63 =	vand.u32 $0x7, v16;
	[tilespmem:v2+s24+$0x0] =	vst.idx.add.f32.msk vm5, v19;
	v2 =	vshrl.u32 v44, $0x13  }
0x4bf: {  	(xrf2) =	vadd.scan.msk.f32 $0xffff, v24;
	vm7 =	vgt.s32 v2, v4;
	vm5 =	veq.s32 v2, v4;
	v2 =	vshrl.u32 v61, $0x3;
	s0 =	sadd.f32 s10, s0  }
0x4c0: {  	v54, _, _ =	vpop (xrf2);
	v15 =	vand.u32 $0xFFFF0000, v14;
	v49 =	vshrl.u32 v14, $0x3;
	(xrf2) =	vadd.scan.msk.f32 $0xffff, v30;
	v2 =	vand.u32 $0x1FFF, v2  }
0x4c1: {  	v23, _, _ =	vpop (xrf2);
	[tilespmem:v32+s19+$0x0] =	vst.idx.add.s32.msk vm4, v1;
	vm10 =	vgt.s32 v3, v4;
	v25 =	vshrl.u32 v14, $0x13;
	vm3 =	veq.s32 v2, v4;
	s0 =	sadd.f32 s0, s15  }
0x4c2: {  	[tilespmem:v46+s19+$0x0] =	vst.idx.add.s32.msk vm8, v1;
	v57 =	vnsel vm15, $0x0, v13;
	vm12 =	veq.s32 v3, v4;
	v47 =	vand.u32 $0x1FFF, v47;
	v30, _, _ =	vpop (xrf2)  }
0x4c3: {  	[tilespmem:v32+s24+$0x0] =	vst.idx.add.f32.msk vm4, v20;
	v27 =	vand.u32 $0x1FFF, v49;
	v49 =	vand.u32 $0xFFFF0000, v61;
	vm0 =	vgt.s32 v25, v4;
	v26, _, _ =	vpop (xrf2);
	s0 =	sadd.f32 s14, s0  }
0x4c4: {  	[tilespmem:v46+s24+$0x0] =	vst.idx.add.f32.msk vm8, v22;
	v56 =	vnsel vm0, $0x0, v15;
	v35 =	vnsel vm10, $0x0, v49;
	vm0 =	vgt.s32 v59, v4;
	v55, _, _ =	vpop (xrf2)  }
0x4c5: {  	vm4 =	veq.s32 v47, v4;
	(v2sf) =	vpush v30, $0xF;
	(xrf2) =	vadd.scan.msk.f32 $0xffff, v35;
	v35 =	vnsel vm0, $0x0, v45;
	v58, _, _ =	vpop (xrf2);
	s0 =	sadd.f32 s0, s21  }
0x4c6: {  	s18 =	sld [smem:$0x7EB];
	vm0 =	vgt.s32 v48, v4;
	[tilespmem:v28+s24+$0x0] =	vst.idx.add.f32.msk vm1, v36;
	v28 =	vshrl.u32 v16, $0x10;
	(xrf2) =	vadd.scan.msk.f32 $0xffff, v40;
	v29, _, _ =	vpop (xrf2)  }
0x4c7: {  	v40 =	vnsel vm0, $0x0, v31;
	vm0 =	veq.s32 v39, v4;
	v28 =	vand.u32 $0x7, v28;
	v30, _, _ =	vpop (xrf2);
	[tilespmem:v52+s19+$0x0] =	vst.idx.add.s32.msk vm3, v1;
	s0 =	sadd.f32 s16, s0  }
0x4c8: {  	vm11 =	vgt.s32 v2, v4;
	v2 =	vshrl.u32 v41, $0x13;
	(xrf2) =	vadd.scan.msk.f32 $0xffff, v33;
	v32, _, _ =	vpop (xrf2);
	s20 =	sld [smem:$0x7EC];
	[tilespmem:v52+s24+$0x0] =	vst.idx.add.f32.msk vm3, v53  }
0x4c9: {  	v46 =	vnsel vm14, $0x0, v6;
	vm1 =	vgt.s32 v2, v4;
	v3, _, _ =	vpop (xrf2);
	v52 =	vand.u32 $0x7, v41;
	[tilespmem:v51+s19+$0x0] =	vst.idx.add.s32.msk vm12, v1;
	s0 =	sadd.f32 s0, s25  }
0x4ca: {  	(xrf2) =	vadd.scan.msk.f32 $0xffff, v46;
	vm2 =	veq.s32 v2, v4;
	v2 =	vshrl.u32 v41, $0x10;
	v62, _, _ =	vpop (xrf2);
	s21 =	sld [smem:$0x7ED];
	[tilespmem:v51+s24+$0x0] =	vst.idx.add.f32.msk vm12, v49  }
0x4cb: {  	(xrf2) =	vadd.scan.msk.f32 $0xffff, v57;
	v57 =	vshll.u32 v16, $0x10;
	(v2sf) =	vpush v62, $0xF;
	[tilespmem:v63+s19+$0x0] =	vst.idx.add.s32.msk vm4, v1;
	s0 =	sadd.f32 s18, s0  }
0x4cc: {  	v43 =	vand.u32 $0x1FFF, v9;
	v9 =	vshrl.u32 v44, $0x10;
	v2 =	vand.u32 $0x7, v2;
	s22 =	sld [smem:$0x7EE];
	[tilespmem:v63+s24+$0x0] =	vst.idx.add.f32.msk vm4, v57  }
0x4cd: {  	v60 =	vand.u32 $0xFFFF0000, v41;
	v9 =	vand.u32 $0x7, v9;
	v0 =	vshrl.u32 v44, $0x3;
	[tilespmem:v28+s19+$0x0] =	vst.idx.add.s32.msk vm0, v1;
	s0 =	sadd.f32 s0, s20  }
0x4ce: {  	v12 =	vshll.u32 v11, $0x10;
	v0 =	vand.u32 $0x1FFF, v0;
	vm6 =	vgt.s32 v50, v4;
	s23 =	sld [smem:$0x7EF];
	[tilespmem:v52+s19+$0x0] =	vst.idx.add.s32.msk vm13, v1  }
0x4cf: {  	v20 =	vand.u32 $0xFFFF0000, v44;
	v19 =	vshll.u32 v14, $0x10;
	vm8 =	vgt.s32 v27, v4;
	[tilespmem:v52+s24+$0x0] =	vst.idx.add.f32.msk vm13, v31;
	s0 =	sadd.f32 s21, s0  }
0x4d0: {  	vm15 =	veq.s32 v59, v4;
	v22 =	vnsel vm8, $0x0, v19;
	vm8 =	vgt.s32 v0, v4;
	v44, _, _ =	vpop (xrf2);
	s25 =	sld [smem:$0x7F0]  }
0x4d1: {  	v24 =	vnsel vm11, $0x0, v53;
	v53 =	vnsel vm1, $0x0, v60;
	vm1 =	veq.s32 v43, v4;
	v63, _, _ =	vpop (xrf2);
	[tilespmem:v2+s19+$0x0] =	vst.idx.add.s32.msk vm2, v1;
	s0 =	sadd.f32 s0, s22  }
0x4d2: {  	v62 =	vand.u32 $0x7, v37;
	[tilespmem:v2+s24+$0x0] =	vst.idx.add.f32.msk vm2, v60;
	vm2 =	veq.s32 v0, v4;
	v0, _, _ =	vpop (xrf2);
	(xrf2) =	vadd.scan.msk.f32 $0xffff, v56  }
0x4d3: {  	vm14 =	vgt.s32 v43, v4;
	v36 =	vnsel vm6, $0x0, v12;
	v37 =	vshrl.u32 v37, $0x10;
	s0 =	sadd.f32 s23, s0  }
0x4d4: {  	v61 =	vnsel vm7, $0x0, v20;
	v37 =	vand.u32 $0x7, v37;
	(v2sf) =	vpush v63, $0xF  }
0x4d5: {  	vm7 =	vgt.s32 v39, v4;
	v39 =	vnsel vm14, $0x0, v38;
	(v2sf) =	vpush v3, $0xF;
	(xrf2) =	vadd.scan.msk.f32 $0xffff, v53;
	s0 =	sadd.f32 s0, s25  }
0x4d6: {  	v33 =	vnsel vm8, $0x0, v18;
	s1 =	spop (v2sf);
	vm3 =	vgt.s32 v47, v4;
	(v2sf) =	vpush v58, $0xF;
	s26 =	rddreg [dreg:$0x1c]  }
0x4d7: {  	v47 =	vshrl.u32 v11, $0x10;
	v41 =	vnsel vm3, $0x0, v57;
	(v2sf) =	vpush v54, $0xF;
	[tilespmem:v62+s19+$0x0] =	vst.idx.add.s32.msk vm1, v1;
	s2 =	sadd.f32 s26, s0;
	s0 =	spop (v2sf)  }
0x4d8: {  	vm3 =	veq.s32 v42, v4;
	v42, _, _ =	vpop (xrf2);
	[tilespmem:v62+s24+$0x0] =	vst.idx.add.f32.msk vm1, v38;
	(xrf2) =	vadd.scan.msk.f32 $0xffff, v61;
	s20 =	spop (v2sf);
	(v2sf) =	vpush v0, $0xF  }
0x4d9: {  	s13 =	simm.s32 $0x80;
	vm4 =	veq.s32 v50, v4;
	v3 =	vshrl.u32 v5, $0x10;
	s31 =	rddreg [dreg:$0x15];
	[tilespmem:v37+s19+$0x0] =	vst.idx.add.s32.msk vm15, v1;
	v0, _, _ =	vpop (xrf2);
	s30 =	spop (v2sf);
	(v2sf) =	vpush v55, $0xF  }
0x4da: {  	s14 =	simm.s32 $0x2170;
	v31 =	vand.u32 $0x7, v3;
	vm1 =	vmmov vm5;
	[tilespmem:v37+s24+$0x0] =	vst.idx.add.f32.msk vm15, v45;
	s9 =	sadd.f32 s2, s31;
	(v2sf) =	vpush v0, $0xF;
	s23 =	spop (v2sf)  }
.LBB2_30:
0x4db: {  	s13 =	sadd.s32 $0x80, s13;
	v49 =	vand.u32 $0x7, v5;
	v5 =	vld [tilespmem:s14+$0xFFFFFFA0];
	vm5 =	veq.s32 v17, v4;
	(xrf2) =	vadd.scan.msk.f32 $0xffff, v39;
	(v2sf) =	vpush v26, $0xF  }
0x4dc: {  	v2 =	vand.u32 $0x7, v47;
	vm8 =	veq.s32 v27, v4;
	s2 =	sadd.f32 s23, s9;
	v0 =	vld [tilespmem:s14+$0x0];
	p1 =	slt.u32 s13, $0x1F80;
	v34, _, _ =	vpop (xrf2);
	(v2sf) =	vpush v10, $0xF  }
0x4dd: {  	vm9 =	veq.s32 v21, v4;
	v3 =	vand.u32 $0x7, v14;
	v10 =	vmovc v44;
	v39 =	vld [tilespmem:s14+$0xFFFFFFF0];
	(v2sf) =	vpush v23, $0xF  }
0x4de: {  	v27 =	vand.u32 $0x7, v11;
	v11 =	vshrl.u32 v14, $0x10;
	s1 =	sadd.f32 s2, s1;
	v37 =	vld [tilespmem:s14+$0xFFFFFFE0];
	(v2sf) =	vpush v42, $0xF;
	(xrf2) =	vadd.scan.msk.f32 $0xffff, v40  }
0x4df: {  	vm6 =	veq.s32 v25, v4;
	v25 =	vand.u32 $0x7, v11;
	v14 =	vld [tilespmem:s14+$0xFFFFFFC0];
	(v2sf) =	vpush v32, $0xF;
	v23, _, _ =	vpop (xrf2)  }
0x4e0: {  	v32 =	vand.u32 $0xFFFF0000, v16;
	s1 =	sadd.f32 s20, s1;
	v11 =	vld [tilespmem:s14+$0xFFFFFF90];
	v40 =	vand.u32 $0xFFFF0000, v5;
	(v2sf) =	vpush v29, $0xF  }
0x4e1: {  	v29 =	vnsel vm7, $0x0, v32;
	v47 =	vld [tilespmem:s14+$0xFFFFFFB0];
	v44 =	vshrl.u32 v0, $0x3;
	v42 =	vshrl.u32 v0, $0x13;
	(xrf2) =	vadd.scan.msk.f32 $0xffff, v35;
	v16 =	vmovc v0  }
0x4e2: {  	v0 =	vshrl.u32 v5, $0x3;
	s0 =	sadd.f32 s1, s0;
	v51 =	vshrl.u32 v39, $0x3;
	[tilespmem:v3+s19+$0x0] =	vst.idx.add.s32.msk vm8, v1;
	v35, _, _ =	vpop (xrf2);
	(v2sf) =	vpush v30, $0xF  }
0x4e3: {  	v17 =	vshrl.u32 v5, $0x13;
	v45 =	vand.u32 $0x1FFF, v0;
	v38 =	vshll.u32 v37, $0x10;
	[tilespmem:v3+s24+$0x0] =	vst.idx.add.f32.msk vm8, v19;
	s1 =	spop (v2sf)  }
0x4e4: {  	v0 =	vshll.u32 v5, $0x10;
	vm7 =	vgt.s32 v45, v4;
	v3 =	vshrl.u32 v37, $0x3;
	(xrf2) =	vadd.scan.msk.f32 $0xffff, v41;
	s0 =	sadd.f32 s1, s0;
	s4 =	spop (v2sf)  }
0x4e5: {  	vm10 =	vgt.s32 v17, v4;
	v30 =	vnsel vm7, $0x0, v0;
	v46 =	vand.u32 $0x1FFF, v3;
	v41 =	vld [tilespmem:s14+$0xFFFFFFD0];
	v26, _, _ =	vpop (xrf2);
	s2 =	spop (v2sf)  }
0x4e6: {  	v3 =	vshrl.u32 v11, $0x3;
	v52 =	vshll.u32 v11, $0x10;
	v53 =	vand.u32 $0x7, v47;
	[tilespmem:v25+s19+$0x0] =	vst.idx.add.s32.msk vm6, v1;
	s0 =	sadd.f32 s0, s30;
	s5 =	spop (v2sf)  }
0x4e7: {  	v21 =	vshrl.u32 v11, $0x13;
	v54 =	vand.u32 $0xFFFF0000, v11;
	v19 =	vshrl.u32 v47, $0x10;
	(xrf2) =	vadd.scan.msk.f32 $0xffff, v29;
	s1 =	spop (v2sf)  }
0x4e8: {  	v55 =	vshrl.u32 v47, $0x3;
	v50 =	vand.u32 $0x7, v19;
	[tilespmem:v25+s24+$0x0] =	vst.idx.add.f32.msk vm6, v15;
	v15 =	vand.u32 $0xFFFF0000, v14;
	v43, _, _ =	vpop (xrf2);
	s0 =	sadd.f32 s1, s0;
	s3 =	spop (v2sf)  }
0x4e9: {  	v29 =	vshrl.u32 v14, $0x3;
	v19 =	vshll.u32 v14, $0x10;
	v25 =	vshrl.u32 v47, $0x13;
	[tilespmem:v27+s19+$0x0] =	vst.idx.add.s32.msk vm4, v1;
	s1 =	spop (v2sf)  }
0x4ea: {  	v3 =	vand.u32 $0x1FFF, v3;
	vm7 =	vgt.s32 v25, v4;
	v56 =	vshrl.u32 v41, $0x10;
	(xrf2) =	vadd.scan.msk.f32 $0xffff, v30;
	s0 =	sadd.f32 s0, s5;
	s5 =	spop (v2sf)  }
0x4eb: {  	vm6 =	veq.s32 v25, v4;
	v25 =	vshrl.u32 v41, $0x3;
	v57 =	vshrl.u32 v41, $0x13;
	[tilespmem:v27+s24+$0x0] =	vst.idx.add.f32.msk vm4, v12;
	v48, _, _ =	vpop (xrf2);
	s6 =	spop (v2sf)  }
0x4ec: {  	v59 =	vand.u32 $0x7, v41;
	v58 =	vand.u32 $0x1FFF, v25;
	vm4 =	vgt.s32 v57, v4;
	v12 =	vmovc v52;
	[tilespmem:v2+s19+$0x0] =	vst.idx.add.s32.msk vm9, v1;
	s7 =	sadd.f32 s4, s0;
	s4 =	spop (v2sf)  }
0x4ed: {  	vm8 =	vgt.s32 v3, v4;
	v52 =	vshll.u32 v41, $0x10;
	vm11 =	vgt.s32 v58, v4;
	s0 =	spop (v2sf);
	(xrf2) =	vadd.scan.msk.f32 $0xffff, v24  }
0x4ee: {  	v27 =	vand.u32 $0x1FFF, v29;
	v25 =	vshrl.u32 v14, $0x13;
	v24 =	vnsel vm11, $0x0, v52;
	[tilespmem:v2+s24+$0x0] =	vst.idx.add.f32.msk vm9, v13;
	s20 =	spop (v2sf);
	v29, _, _ =	vpop (xrf2);
	s6 =	sadd.f32 s7, s6  }
0x4ef: {  	v60 =	vand.u32 $0xFFFF0000, v41;
	v2 =	vnsel vm10, $0x0, v40;
	vm9 =	vgt.s32 v27, v4;
	v13 =	vmovc v54;
	[tilespmem:v28+s24+$0x0] =	vst.idx.add.f32.msk vm0, v32;
	s7 =	spop (v2sf)  }
0x4f0: {  	v54 =	vand.u32 $0x1FFF, v55;
	v28 =	vnsel vm9, $0x0, v19;
	vm0 =	vgt.s32 v25, v4;
	(xrf2) =	vadd.scan.msk.f32 $0xffff, v36;
	s5 =	sadd.f32 s5, s6  }
0x4f1: {  	vm10 =	vgt.s32 v21, v4;
	vm9 =	vgt.s32 v54, v4;
	v55 =	vnsel vm0, $0x0, v15;
	[tilespmem:v49+s19+$0x0] =	vst.idx.add.s32.msk vm3, v1;
	v30, _, _ =	vpop (xrf2);
	s6 =	spop (v2sf)  }
0x4f2: {  	v61 =	vshrl.u32 v37, $0x13;
	v41 =	vnsel vm4, $0x0, v60;
	v36 =	vnsel vm10, $0x0, v13;
	[tilespmem:v49+s24+$0x0] =	vst.idx.add.f32.msk vm3, v7;
	s2 =	sadd.f32 s5, s2;
	v7 =	vmovc v0  }
0x4f3: {  	v0 =	vshll.u32 v47, $0x10;
	v49 =	vand.u32 $0xFFFF0000, v37;
	(xrf2) =	vadd.scan.msk.f32 $0xffff, v41;
	(v2sf) =	vpush v35, $0xF  }
0x4f4: {  	v62 =	vshrl.u32 v39, $0x13;
	v63 =	vand.u32 $0xFFFF0000, v39;
	vm0 =	vgt.s32 v61, v4;
	v32, _, _ =	vpop (xrf2);
	[tilespmem:v31+s19+$0x0] =	vst.idx.add.s32.msk vm5, v1;
	s2 =	sadd.f32 s3, s2  }
0x4f5: {  	v51 =	vand.u32 $0x1FFF, v51;
	vm3 =	veq.s32 v58, v4;
	v35 =	vnsel vm0, $0x0, v49;
	[tilespmem:v31+s24+$0x0] =	vst.idx.add.f32.msk vm5, v6;
	v6 =	vmovc v40  }
0x4f6: {  	v58 =	vshll.u32 v39, $0x10;
	vm0 =	vgt.s32 v51, v4;
	v31 =	vand.u32 $0xFFFF0000, v47;
	(xrf2) =	vadd.scan.msk.f32 $0xffff, v33;
	s2 =	sadd.f32 s2, s4  }
0x4f7: {  	vm12 =	veq.s32 v57, v4;
	v40 =	vnsel vm0, $0x0, v58;
	vm0 =	vgt.s32 v62, v4;
	[tilespmem:v8+s19+$0x0] =	vst.idx.add.s32.msk vm2, v1;
	v57, _, _ =	vpop (xrf2)  }
0x4f8: {  	v41 =	vand.u32 $0x1FFF, v44;
	v33 =	vand.u32 $0x7, v56;
	v56 =	vnsel vm0, $0x0, v63;
	[tilespmem:v8+s24+$0x0] =	vst.idx.add.f32.msk vm2, v18;
	s2 =	sadd.f32 s7, s2;
	v8 =	vmovc v53;
	v18 =	vmovc v0  }
0x4f9: {  	vm0 =	vgt.s32 v41, v4;
	vm2 =	veq.s32 v41, v4;
	v0 =	vshll.u32 v16, $0x10;
	(xrf2) =	vadd.scan.msk.f32 $0xffff, v22;
	v22 =	vmovc v28  }
0x4fa: {  	vm11 =	vgt.s32 v46, v4;
	v53 =	vnsel vm7, $0x0, v31;
	v41 =	vnsel vm0, $0x0, v0;
	[tilespmem:v9+s19+$0x0] =	vst.idx.add.s32.msk vm1, v1;
	v28, _, _ =	vpop (xrf2);
	s9 =	sadd.f32 s2, s6  }
0x4fb: {  	vm10 =	veq.s32 v51, v4;
	v51 =	vand.u32 $0x7, v16;
	[tilespmem:v9+s24+$0x0] =	vst.idx.add.f32.msk vm1, v20;
	(v2sf) =	vpush v28, $0xF;
	v9 =	vmovc v50  }
0x4fc: {  	vm0 =	veq.s32 v42, v4;
	v28 =	vshrl.u32 v16, $0x10;
	v20 =	vmovc v31;
	[tilespmem:v59+s19+$0x0] =	vst.idx.add.s32.msk vm3, v1;
	(xrf2) =	vadd.scan.msk.f32 $0xffff, v2  }
0x4fd: {  	vm4 =	veq.s32 v3, v4;
	vm5 =	veq.s32 v61, v4;
	v28 =	vand.u32 $0x7, v28;
	[tilespmem:v59+s24+$0x0] =	vst.idx.add.f32.msk vm3, v52;
	v44, _, _ =	vpop (xrf2)  }
0x4fe: {  	vm13 =	veq.s32 v62, v4;
	v47 =	vshrl.u32 v11, $0x10;
	v2 =	vand.u32 $0x7, v39;
	[tilespmem:v33+s19+$0x0] =	vst.idx.add.s32.msk vm12, v1  }
0x4ff: {  	v3 =	vshrl.u32 v39, $0x10;
	vm7 =	vgt.s32 v42, v4;
	[tilespmem:v33+s24+$0x0] =	vst.idx.add.f32.msk vm12, v60;
	(xrf2) =	vadd.scan.msk.f32 $0xffff, v36  }
0x500: {  	v3 =	vand.u32 $0x7, v3;
	vm3 =	veq.s32 v45, v4;
	v36 =	vnsel vm8, $0x0, v12;
	[tilespmem:v51+s19+$0x0] =	vst.idx.add.s32.msk vm2, v1;
	v31, _, _ =	vpop (xrf2)  }
0x501: {  	v45 =	vshrl.u32 v5, $0x10;
	v33 =	vnsel vm9, $0x0, v18;
	vm8 =	veq.s32 v46, v4;
	[tilespmem:v51+s24+$0x0] =	vst.idx.add.f32.msk vm2, v0  }
0x502: {  	vm2 =	veq.s32 v54, v4;
	v0 =	vand.u32 $0x7, v37;
	[tilespmem:v28+s19+$0x0] =	vst.idx.add.s32.msk vm0, v1;
	(xrf2) =	vadd.scan.msk.f32 $0xffff, v55;
	s30 =	spop (v2sf)  }
0x503: {  	vm1 =	vmmov vm6;
	v39 =	vnsel vm11, $0x0, v38;
	v37 =	vshrl.u32 v37, $0x10;
	[tilespmem:v2+s19+$0x0] =	vst.idx.add.s32.msk vm10, v1;
	v46, _, _ =	vpop (xrf2)  }
0x504: {  	v37 =	vand.u32 $0x7, v37;
	[tilespmem:v2+s24+$0x0] =	vst.idx.add.f32.msk vm10, v58;
	(v2sf) =	vpush v31, $0xF  }
0x505: {  	[tilespmem:v3+s19+$0x0] =	vst.idx.add.s32.msk vm13, v1;
	(xrf2) =	vadd.scan.msk.f32 $0xffff, v56;
	(v2sf) =	vpush v57, $0xF  }
.Ltmp14:
0x506: {  	[tilespmem:v3+s24+$0x0] =	vst.idx.add.f32.msk vm13, v63;
	v42, _, _ =	vpop (xrf2);
	(v2sf) =	vpush v48, $0xF;
	(pc) =	sbr.rel @p1 .LBB2_30-.Ltmp14, $4  }
0x507: {  	[tilespmem:v0+s19+$0x0] =	vst.idx.add.s32.msk vm8, v1;
	(v2sf) =	vpush v34, $0xF  }
0x508: {  	[tilespmem:v0+s24+$0x0] =	vst.idx.add.f32.msk vm8, v38;
	(xrf2) =	vadd.scan.msk.f32 $0xffff, v53;
	(v2sf) =	vpush v46, $0xF  }
0x509: {  	[tilespmem:v37+s19+$0x0] =	vst.idx.add.s32.msk vm5, v1;
	v0, _, _ =	vpop (xrf2);
	(v2sf) =	vpush v43, $0xF  }
0x50a: {  	s14 =	sadd.s32 $0x80, s14;
	v31 =	vand.u32 $0x7, v45;
	[tilespmem:v37+s24+$0x0] =	vst.idx.add.f32.msk vm5, v49;
	(v2sf) =	vpush v0, $0xF;
	s23 =	spop (v2sf)  }
0x50b: {  	(xrf2) =	vadd.scan.msk.f32 $0xffff, v39  }
0x50c: {  	(xrf2) =	vadd.scan.msk.f32 $0xffff, v40  }
0x50d: {  	v0 =	vand.u32 $0xFFFF0000, v16;
	(xrf2) =	vadd.scan.msk.f32 $0xffff, v35  }
0x50e: {  	v2 =	vnsel vm7, $0x0, v0;
	(xrf2) =	vadd.scan.msk.f32 $0xffff, v41  }
0x50f: {  	(xrf2) =	vadd.scan.msk.f32 $0xffff, v2  }
0x510: {  	(xrf2) =	vadd.scan.msk.f32 $0xffff, v24  }
0x511: {  	(xrf2) =	vadd.scan.msk.f32 $0xffff, v36  }
0x512: {  	v2, _, _ =	vpop (xrf2);
	(xrf2) =	vadd.scan.msk.f32 $0xffff, v33  }
0x513: {  	v3, _, _ =	vpop (xrf2)  }
0x514: {  	(v2sf) =	vpush v26, $0xF;
	v16, _, _ =	vpop (xrf2)  }
0x515: {  	(v2sf) =	vpush v10, $0xF;
	v10, _, _ =	vpop (xrf2)  }
0x516: {  	(v2sf) =	vpush v23, $0xF;
	v23, _, _ =	vpop (xrf2)  }
0x517: {  	(v2sf) =	vpush v42, $0xF;
	(xrf2) =	vadd.scan.msk.f32 $0xffff, v22;
	v22, _, _ =	vpop (xrf2)  }
0x518: {  	(v2sf) =	vpush v32, $0xF;
	v24, _, _ =	vpop (xrf2)  }
0x519: {  	(v2sf) =	vpush v29, $0xF;
	v26, _, _ =	vpop (xrf2)  }
0x51a: {  	(v2sf) =	vpush v30, $0xF;
	v29, _, _ =	vpop (xrf2)  }
0x51b: {  	(v2sf) =	vpush v16, $0xF;
	v16, _, _ =	vpop (xrf2)  }
0x51c: {  	s3 =	spop (v2sf);
	(v2sf) =	vpush v16, $0xF;
	v16, _, _ =	vpop (xrf2)  }
0x51d: {  	s7 =	spop (v2sf);
	(v2sf) =	vpush v16, $0xF  }
0x51e: {  	s8 =	spop (v2sf);
	(v2sf) =	vpush v29, $0xF  }
0x51f: {  	s5 =	spop (v2sf)  }
0x520: {  	vm5 =	veq.s32 v27, v4;
	s4 =	spop (v2sf);
	(v2sf) =	vpush v22, $0xF  }
0x521: {  	s18 =	spop (v2sf);
	(v2sf) =	vpush v2, $0xF;
	v2 =	vand.u32 $0x7, v14  }
0x522: {  	vm6 =	veq.s32 v25, v4;
	s13 =	spop (v2sf);
	v16, _, _ =	vpop (xrf2);
	v14 =	vshrl.u32 v14, $0x10  }
0x523: {  	s17 =	spop (v2sf);
	(v2sf) =	vpush v16, $0xF;
	v14 =	vand.u32 $0x7, v14  }
0x524: {  	s6 =	spop (v2sf);
	(v2sf) =	vpush v23, $0xF  }
0x525: {  	s22 =	spop (v2sf);
	(v2sf) =	vpush v10, $0xF;
	v10 =	vand.u32 $0x7, v11  }
0x526: {  	vm7 =	veq.s32 v21, v4;
	s15 =	spop (v2sf);
	(v2sf) =	vpush v44, $0xF;
	[tilespmem:v2+s19+$0x0] =	vst.idx.add.s32.msk vm5, v1  }
0x527: {  	s10 =	spop (v2sf);
	(v2sf) =	vpush v3, $0xF;
	v3 =	vand.u32 $0x7, v47;
	[tilespmem:v2+s24+$0x0] =	vst.idx.add.f32.msk vm5, v19  }
0x528: {  	s26 =	spop (v2sf);
	[tilespmem:v14+s19+$0x0] =	vst.idx.add.s32.msk vm6, v1  }
0x529: {  	s12 =	spop (v2sf);
	[tilespmem:v14+s24+$0x0] =	vst.idx.add.f32.msk vm6, v15  }
0x52a: {  	s21 =	spop (v2sf);
	[tilespmem:v10+s19+$0x0] =	vst.idx.add.s32.msk vm4, v1  }
0x52b: {  	[tilespmem:v10+s24+$0x0] =	vst.idx.add.f32.msk vm4, v12;
	s11 =	spop (v2sf)  }
0x52c: {  	v2 =	vand.u32 $0x7, v5;
	[tilespmem:v3+s19+$0x0] =	vst.idx.add.s32.msk vm7, v1;
	s14 =	spop (v2sf)  }
0x52d: {  	(v2sf) =	vpush v24, $0xF;
	[tilespmem:v3+s24+$0x0] =	vst.idx.add.f32.msk vm7, v13;
	s2 =	spop (v2sf)  }
0x52e: {  	vm5 =	veq.s32 v17, v4;
	[smem:$0x7E5] =	sst s2  }
0x52f: {  	(v2sf) =	vpush v26, $0xF;
	s16 =	spop (v2sf);
	[tilespmem:v28+s24+$0x0] =	vst.idx.add.f32.msk vm0, v0  }
0x530: {  	[smem:$0x7E8] =	sst s16  }
0x531: {  	s25 =	spop (v2sf);
	[tilespmem:v2+s19+$0x0] =	vst.idx.add.s32.msk vm3, v1  }
0x532: {  	[smem:$0x7E4] =	sst s25  }
0x533: {  	s16 =	spop (v2sf);
	[tilespmem:v2+s24+$0x0] =	vst.idx.add.f32.msk vm3, v7  }
0x534: {  	s31 =	spop (v2sf);
	[tilespmem:v31+s19+$0x0] =	vst.idx.add.s32.msk vm5, v1  }
0x535: {  	[smem:$0x7E9] =	sst s31  }
0x536: {  	s25 =	spop (v2sf);
	[tilespmem:v31+s24+$0x0] =	vst.idx.add.f32.msk vm5, v6  }
0x537: {  	[smem:$0x7E7] =	sst s25  }
0x538: {  	s31 =	spop (v2sf);
	[tilespmem:v8+s19+$0x0] =	vst.idx.add.s32.msk vm2, v1  }
0x539: {  	[smem:$0x7E6] =	sst s31  }
0x53a: {  	s25 =	spop (v2sf);
	[tilespmem:v8+s24+$0x0] =	vst.idx.add.f32.msk vm2, v18  }
0x53b: {  	[smem:$0x7EA] =	sst s25  }
0x53c: {  	s31 =	spop (v2sf);
	[tilespmem:v9+s19+$0x0] =	vst.idx.add.s32.msk vm1, v1  }
0x53d: {  	[dreg:$0x1d] =	wrdreg s31  }
0x53e: {  	s25 =	spop (v2sf);
	[tilespmem:v9+s24+$0x0] =	vst.idx.add.f32.msk vm1, v20  }
0x53f: {  	s31 =	simm.s32 $0x1;
	[dreg:$0x16] =	wrdreg s25  }
0x540: {  	_ =	swait.ge [sflag:s31], $0x2000  }
0x541: {  	s2 =	simm.s32 $0x0;
	[sflag:s31] =	ssyncset.done $0x0  }
0x542: {  	s25 =	simm.s32 $0x2000;
	[sflag:s31] =	ssyncadd.s32 $0xFFFFE000;
	s31 =	rddreg [dreg:$0x9]  }
0x543: {  	[tilespmem:s25], [sflag:$0x1] =	stream.linear.gather [hbm4b:s31+s2], $0x2000, $0x38;
	[tilespmem:$0x7300] =	vst v63  }
0x544: {  	s25 =	simm.s32 $0x40  }
0x545: {  	v11 =	vld [tilespmem:s25+$0xFFFFFFD0]  }
0x546: {  	v7 =	vld [tilespmem:s25+$0x30]  }
0x547: {  	v0 =	vld [tilespmem:s25+$0x20]  }
0x548: {  	v2 =	vld [tilespmem:s25+$0x10]  }
0x549: {  	v6 =	vld [tilespmem:s25+$0xFFFFFFC0]  }
0x54a: {  	v3 =	vld [tilespmem:s25+$0xFFFFFFE0];
	_ =	sdelay $0x1  }
0x54b: {  	v9 =	vld [tilespmem:s25+$0xFFFFFFF0];
	v20 =	vand.u32 $0xFFFF0000, v11;
	v5 =	vshrl.u32 v7, $0x3  }
0x54c: {  	v17 =	vld [tilespmem:s25+$0x0];
	v13 =	vshrl.u32 v7, $0x13;
	v8 =	vshrl.u32 v11, $0x3;
	v10 =	vshrl.u32 v0, $0x3  }
0x54d: {  	v12 =	vshrl.u32 v11, $0x13;
	v15 =	vshll.u32 v2, $0x10;
	v18 =	vshll.u32 v11, $0x10  }
0x54e: {  	v24 =	vshrl.u32 v6, $0x3;
	v23 =	vshll.u32 v6, $0x10;
	v31 =	vand.u32 $0x7, v3  }
0x54f: {  	v25 =	vshrl.u32 v6, $0x13;
	v22 =	vand.u32 $0xFFFF0000, v6;
	v26 =	vshrl.u32 v3, $0x3  }
0x550: {  	v19 =	vand.u32 $0xFFFF0000, v9;
	v27 =	vshrl.u32 v3, $0x13;
	v29 =	vshrl.u32 v9, $0x3  }
0x551: {  	v47 =	vshrl.u32 v17, $0x10;
	v34 =	vand.u32 $0x7, v17;
	v49 =	vshll.u32 v17, $0x10  }
0x552: {  	v38 =	vshrl.u32 v9, $0x13;
	v53 =	vand.u32 $0x7, v7;
	v54 =	vshrl.u32 v2, $0x13  }
0x553: {  	v55 =	vshrl.u32 v0, $0x13;
	v56 =	vand.u32 $0x7, v0;
	v57 =	vand.u32 $0xFFFF0000, v0  }
0x554: {  	v58 =	vand.u32 $0x7, v2;
	v36 =	vand.u32 $0xFFFF0000, v3;
	v45 =	vand.u32 $0x7, v11  }
0x555: {  	v14 =	vand.u32 $0x1FFF, v8;
	v8 =	vshrl.u32 v2, $0x3;
	v30 =	vand.u32 $0x1FFF, v24  }
0x556: {  	vm3 =	vgt.s32 v27, v4;
	vm1 =	veq.s32 v27, v4;
	v24 =	vshrl.u32 v17, $0x3  }
0x557: {  	v27 =	vshrl.u32 v17, $0x13;
	v29 =	vand.u32 $0x1FFF, v29;
	v17 =	vand.u32 $0xFFFF0000, v17  }
0x558: {  	v37 =	vand.u32 $0x1FFF, v26;
	vm6 =	vgt.s32 v25, v4;
	v5 =	vand.u32 $0x1FFF, v5  }
0x559: {  	v10 =	vand.u32 $0x1FFF, v10;
	v26 =	vshrl.u32 v7, $0x10;
	vm14 =	vgt.s32 v54, v4  }
0x55a: {  	vm0 =	vgt.s32 v14, v4;
	v21 =	vand.u32 $0x1FFF, v8;
	v8 =	vshrl.u32 v3, $0x10  }
0x55b: {  	v48 =	vand.u32 $0x1FFF, v24;
	vm5 =	vgt.s32 v27, v4;
	vm9 =	veq.s32 v5, v4  }
0x55c: {  	s31 =	sadd.f32 s23, s9;
	s9 =	simm.s32 $0xC0;
	vm2 =	vgt.s32 v30, v4;
	v59 =	vnsel vm3, $0x0, v36;
	vm3 =	veq.s32 v14, v4  }
0x55d: {  	v41 =	vld [tilespmem:s9+$0x20];
	vm8 =	veq.s32 v27, v4;
	v27 =	vand.u32 $0x7, v47;
	vm7 =	veq.s32 v48, v4  }
0x55e: {  	s1 =	sadd.f32 s31, s1;
	v26 =	vand.u32 $0x7, v26;
	vm15 =	vgt.s32 v10, v4;
	vm1 =	vmmov vm1  }
0x55f: {  	v44 =	vld [tilespmem:s9+$0xFFFFFFE0];
	vm13 =	veq.s32 v29, v4;
	v16 =	vnsel vm0, $0x0, v18;
	vm0 =	vgt.s32 v12, v4  }
0x560: {  	v61 =	vld [tilespmem:s9+$0x0];
	s1 =	sadd.f32 s20, s1;
	v28 =	vand.u32 $0x7, v8;
	(xrf2) =	vadd.scan.msk.f32 $0xffff, v16;
	v16 =	vnsel vm6, $0x0, v22;
	vm6 =	veq.s32 v10, v4  }
0x561: {  	v8 =	vshll.u32 v9, $0x10;
	vm4 =	vgt.s32 v48, v4;
	v52 =	vnsel vm5, $0x0, v17;
	[tilespmem:v53+s19+$0x0] =	vst.idx.add.s32.msk vm9, v1  }
0x562: {  	s0 =	sadd.f32 s1, s0;
	vm5 =	veq.s32 v54, v4;
	vm12 =	vgt.s32 v21, v4;
	v48 =	vshrl.u32 v41, $0x3;
	[tilespmem:v45+s19+$0x0] =	vst.idx.add.s32.msk vm3, v1  }
0x563: {  	v24 =	vnsel vm4, $0x0, v49;
	v50 =	vnsel vm0, $0x0, v20;
	vm0 =	vgt.s32 v29, v4;
	[tilespmem:v34+s19+$0x0] =	vst.idx.add.s32.msk vm7, v1  }
0x564: {  	s0 =	sadd.f32 s3, s0;
	v33 =	vnsel vm0, $0x0, v8;
	vm0 =	vgt.s32 v38, v4;
	(xrf2) =	vadd.scan.msk.f32 $0xffff, v52;
	[tilespmem:v45+s24+$0x0] =	vst.idx.add.f32.msk vm3, v18  }
0x565: {  	v51 =	vnsel vm0, $0x0, v19;
	vm0 =	veq.s32 v13, v4;
	(xrf2) =	vadd.scan.msk.f32 $0xffff, v50;
	[tilespmem:v34+s24+$0x0] =	vst.idx.add.f32.msk vm7, v49  }
0x566: {  	vm4 =	vgt.s32 v37, v4;
	s0 =	sadd.f32 s0, s30;
	v29 =	vand.u32 $0xFFFF0000, v7;
	(xrf2) =	vadd.scan.msk.f32 $0xffff, v16;
	[tilespmem:v56+s19+$0x0] =	vst.idx.add.s32.msk vm6, v1  }
0x567: {  	v48 =	vand.u32 $0x1FFF, v48;
	v52 =	vand.u32 $0x7, v61;
	(xrf2) =	vadd.scan.msk.f32 $0xffff, v51;
	[tilespmem:v27+s19+$0x0] =	vst.idx.add.s32.msk vm8, v1  }
0x568: {  	s0 =	sadd.f32 s4, s0;
	v51 =	vshrl.u32 v61, $0x10;
	v18 =	vshll.u32 v44, $0x10;
	[tilespmem:v27+s24+$0x0] =	vst.idx.add.f32.msk vm8, v17;
	v27 =	vshll.u32 v7, $0x10  }
0x569: {  	vm7 =	veq.s32 v55, v4;
	v17 =	vshrl.u32 v0, $0x10;
	v0 =	vshll.u32 v0, $0x10;
	[tilespmem:v53+s24+$0x0] =	vst.idx.add.f32.msk vm9, v27  }
0x56a: {  	s0 =	sadd.f32 s0, s5;
	vm8 =	veq.s32 v21, v4;
	v16 =	vand.u32 $0x7, v17;
	[tilespmem:v56+s24+$0x0] =	vst.idx.add.f32.msk vm6, v0;
	vm6 =	vgt.s32 v55, v4  }
0x56b: {  	v34 =	vshll.u32 v3, $0x10;
	[tilespmem:v26+s19+$0x0] =	vst.idx.add.s32.msk vm0, v1;
	v3 =	vnsel vm6, $0x0, v57;
	vm6 =	vgt.s32 v5, v4  }
0x56c: {  	v51 =	vand.u32 $0x7, v51;
	s0 =	sadd.f32 s7, s0;
	v40 =	vnsel vm4, $0x0, v34;
	v5 =	vld [tilespmem:s9+$0xFFFFFFD0];
	v21 =	vnsel vm6, $0x0, v27  }
0x56d: {  	vm6 =	veq.s32 v30, v4;
	v30 =	vnsel vm2, $0x0, v23;
	vm2 =	veq.s32 v37, v4;
	v37 =	vld [tilespmem:s9+$0x10]  }
0x56e: {  	vm4 =	veq.s32 v12, v4;
	s0 =	sadd.f32 s0, s6;
	v17 =	vand.u32 $0xFFFF0000, v2;
	v2 =	vshrl.u32 v2, $0x10;
	[tilespmem:v26+s24+$0x0] =	vst.idx.add.f32.msk vm0, v29  }
0x56f: {  	v0 =	vnsel vm15, $0x0, v0;
	v53 =	vshll.u32 v61, $0x10;
	v2 =	vand.u32 $0x7, v2;
	[tilespmem:v16+s19+$0x0] =	vst.idx.add.s32.msk vm7, v1  }
0x570: {  	v60, _, _ =	vpop (xrf2);
	s0 =	sadd.f32 s17, s0;
	v27 =	vshrl.u32 v6, $0x10;
	(xrf2) =	vadd.scan.msk.f32 $0xffff, v3;
	v3 =	vand.u32 $0x7, v9;
	[tilespmem:v58+s19+$0x0] =	vst.idx.add.s32.msk vm8, v1  }
0x571: {  	v43 =	vnsel vm14, $0x0, v17;
	v10, _, _ =	vpop (xrf2);
	v46 =	vand.u32 $0x7, v27;
	[tilespmem:v16+s24+$0x0] =	vst.idx.add.f32.msk vm7, v57;
	vm7 =	vgt.s32 v13, v4  }
0x572: {  	v14, _, _ =	vpop (xrf2);
	s0 =	sadd.f32 s0, s8;
	[tilespmem:v58+s24+$0x0] =	vst.idx.add.f32.msk vm8, v15;
	v13 =	vshrl.u32 v11, $0x10;
	v15 =	vnsel vm12, $0x0, v15;
	vm8 =	veq.s32 v25, v4  }
0x573: {  	(xrf2) =	vadd.scan.msk.f32 $0xffff, v59;
	v16, _, _ =	vpop (xrf2);
	v25 =	vand.u32 $0x7, v6;
	v11 =	vld [tilespmem:s9+$0xFFFFFFC0];
	v6 =	vand.u32 $0xFFFF0000, v5;
	v7 =	vshrl.u32 v5, $0x3  }
0x574: {  	s0 =	sadd.f32 s18, s0;
	[tilespmem:v2+s19+$0x0] =	vst.idx.add.s32.msk vm5, v1;
	v32 =	vand.u32 $0x7, v13;
	(v2sf) =	vpush v16, $0xF;
	(xrf2) =	vadd.scan.msk.f32 $0xffff, v15  }
0x575: {  	v42 =	vand.u32 $0x1FFF, v7;
	[tilespmem:v3+s19+$0x0] =	vst.idx.add.s32.msk vm13, v1;
	v7 =	vshll.u32 v5, $0x10;
	v59 =	vshrl.u32 v37, $0x13  }
0x576: {  	s0 =	sadd.f32 s0, s22;
	v45 =	vand.u32 $0xFFFF0000, v37;
	[tilespmem:v2+s24+$0x0] =	vst.idx.add.f32.msk vm5, v17;
	v2 =	vshrl.u32 v9, $0x10;
	(v2sf) =	vpush v14, $0xF  }
0x577: {  	v16 =	vld [tilespmem:s9+$0x30];
	vm5 =	veq.s32 v38, v4;
	(xrf2) =	vadd.scan.msk.f32 $0xffff, v0;
	v0 =	vnsel vm7, $0x0, v29;
	v17 =	vshrl.u32 v5, $0x13  }
0x578: {  	v38 =	vshll.u32 v37, $0x10;
	vm7 =	vgt.s32 v42, v4;
	v9 =	vshrl.u32 v37, $0x3;
	[tilespmem:v3+s24+$0x0] =	vst.idx.add.f32.msk vm13, v8;
	s0 =	sadd.f32 s26, s0  }
0x579: {  	v8 =	vand.u32 $0x7, v44;
	[tilespmem:v31+s19+$0x0] =	vst.idx.add.s32.msk vm2, v1;
	vm13 =	veq.s32 v48, v4;
	v2 =	vand.u32 $0x7, v2  }
0x57a: {  	v14 =	vld [tilespmem:s9+$0xFFFFFFF0];
	(v2sf) =	vpush v60, $0xF;
	(xrf2) =	vadd.scan.msk.f32 $0xffff, v43;
	v3 =	vnsel vm7, $0x0, v7;
	vm14 =	vgt.s32 v17, v4;
	s0 =	sadd.f32 s0, s12  }
0x57b: {  	(xrf2) =	vadd.scan.msk.f32 $0xffff, v21;
	v27 =	vshrl.u32 v11, $0x3;
	v21 =	vshrl.u32 v11, $0x13;
	[tilespmem:v25+s19+$0x0] =	vst.idx.add.s32.msk vm6, v1  }
0x57c: {  	v13 =	vand.u32 $0xFFFF0000, v11;
	(xrf2) =	vadd.scan.msk.f32 $0xffff, v0;
	v47 =	vshrl.u32 v16, $0x3;
	[tilespmem:v25+s24+$0x0] =	vst.idx.add.f32.msk vm6, v23;
	s0 =	sadd.f32 s11, s0  }
0x57d: {  	v39 =	vshrl.u32 v16, $0x13;
	v50 =	vand.u32 $0x1FFF, v27;
	(xrf2) =	vadd.scan.msk.f32 $0xffff, v3;
	[tilespmem:v32+s19+$0x0] =	vst.idx.add.s32.msk vm4, v1  }
0x57e: {  	v3 =	vshrl.u32 v61, $0x13;
	vm15 =	vgt.s32 v21, v4;
	v63 =	vand.u32 $0x7, v16;
	[tilespmem:v2+s19+$0x0] =	vst.idx.add.s32.msk vm5, v1;
	s0 =	sadd.f32 s0, s13  }
0x57f: {  	v15 =	vand.u32 $0xFFFF0000, v14;
	v49 =	vshrl.u32 v14, $0x3;
	[tilespmem:v2+s24+$0x0] =	vst.idx.add.f32.msk vm5, v19;
	v2 =	vshrl.u32 v44, $0x13  }
0x580: {  	(xrf2) =	vadd.scan.msk.f32 $0xffff, v24;
	vm7 =	vgt.s32 v2, v4;
	vm5 =	veq.s32 v2, v4;
	v2 =	vshrl.u32 v61, $0x3;
	s0 =	sadd.f32 s10, s0  }
0x581: {  	v54, _, _ =	vpop (xrf2);
	vm10 =	vgt.s32 v3, v4;
	v25 =	vshrl.u32 v14, $0x13;
	(xrf2) =	vadd.scan.msk.f32 $0xffff, v30;
	v2 =	vand.u32 $0x1FFF, v2  }
0x582: {  	v23, _, _ =	vpop (xrf2);
	[tilespmem:v46+s19+$0x0] =	vst.idx.add.s32.msk vm8, v1;
	v57 =	vnsel vm15, $0x0, v13;
	vm12 =	veq.s32 v3, v4;
	vm3 =	veq.s32 v2, v4;
	s0 =	sadd.f32 s0, s15  }
0x583: {  	[tilespmem:v32+s24+$0x0] =	vst.idx.add.f32.msk vm4, v20;
	v47 =	vand.u32 $0x1FFF, v47;
	v27 =	vand.u32 $0x1FFF, v49;
	v30, _, _ =	vpop (xrf2);
	v49 =	vand.u32 $0xFFFF0000, v61  }
0x584: {  	[tilespmem:v46+s24+$0x0] =	vst.idx.add.f32.msk vm8, v22;
	vm0 =	vgt.s32 v25, v4;
	vm4 =	veq.s32 v47, v4;
	v35 =	vnsel vm10, $0x0, v49;
	v26, _, _ =	vpop (xrf2);
	s0 =	sadd.f32 s14, s0  }
0x585: {  	v56 =	vnsel vm0, $0x0, v15;
	vm0 =	vgt.s32 v59, v4;
	(xrf2) =	vadd.scan.msk.f32 $0xffff, v35;
	s17 =	sld [smem:$0x7E4];
	[tilespmem:v31+s24+$0x0] =	vst.idx.add.f32.msk vm2, v34;
	v55, _, _ =	vpop (xrf2)  }
0x586: {  	v35 =	vnsel vm0, $0x0, v45;
	v31 =	vshll.u32 v41, $0x10;
	vm0 =	vgt.s32 v48, v4;
	[tilespmem:v28+s19+$0x0] =	vst.idx.add.s32.msk vm1, v1;
	v58, _, _ =	vpop (xrf2);
	s0 =	sadd.f32 s0, s21  }
0x587: {  	(v2sf) =	vpush v30, $0xF;
	(xrf2) =	vadd.scan.msk.f32 $0xffff, v40;
	v40 =	vnsel vm0, $0x0, v31;
	s18 =	sld [smem:$0x7E5];
	[tilespmem:v28+s24+$0x0] =	vst.idx.add.f32.msk vm1, v36;
	v29, _, _ =	vpop (xrf2)  }
0x588: {  	vm0 =	veq.s32 v39, v4;
	vm11 =	vgt.s32 v2, v4;
	v28 =	vshrl.u32 v16, $0x10;
	v30, _, _ =	vpop (xrf2);
	[tilespmem:v52+s19+$0x0] =	vst.idx.add.s32.msk vm3, v1;
	s0 =	sadd.f32 s16, s0  }
0x589: {  	v2 =	vshrl.u32 v41, $0x13;
	(xrf2) =	vadd.scan.msk.f32 $0xffff, v33;
	v28 =	vand.u32 $0x7, v28;
	v32, _, _ =	vpop (xrf2);
	s20 =	sld [smem:$0x7E6];
	[tilespmem:v52+s24+$0x0] =	vst.idx.add.f32.msk vm3, v53  }
0x58a: {  	v46 =	vnsel vm14, $0x0, v6;
	vm1 =	vgt.s32 v2, v4;
	v3, _, _ =	vpop (xrf2);
	v52 =	vand.u32 $0x7, v41;
	[tilespmem:v51+s19+$0x0] =	vst.idx.add.s32.msk vm12, v1;
	s0 =	sadd.f32 s0, s17  }
0x58b: {  	(xrf2) =	vadd.scan.msk.f32 $0xffff, v46;
	vm2 =	veq.s32 v2, v4;
	v2 =	vshrl.u32 v41, $0x10;
	v62, _, _ =	vpop (xrf2);
	s21 =	sld [smem:$0x7E7];
	[tilespmem:v51+s24+$0x0] =	vst.idx.add.f32.msk vm12, v49  }
0x58c: {  	(xrf2) =	vadd.scan.msk.f32 $0xffff, v57;
	v57 =	vshll.u32 v16, $0x10;
	(v2sf) =	vpush v62, $0xF;
	[tilespmem:v63+s19+$0x0] =	vst.idx.add.s32.msk vm4, v1;
	s0 =	sadd.f32 s18, s0  }
0x58d: {  	v43 =	vand.u32 $0x1FFF, v9;
	v9 =	vshrl.u32 v44, $0x10;
	v2 =	vand.u32 $0x7, v2;
	s22 =	sld [smem:$0x7E8];
	[tilespmem:v63+s24+$0x0] =	vst.idx.add.f32.msk vm4, v57  }
0x58e: {  	v60 =	vand.u32 $0xFFFF0000, v41;
	v9 =	vand.u32 $0x7, v9;
	v0 =	vshrl.u32 v44, $0x3;
	[tilespmem:v28+s19+$0x0] =	vst.idx.add.s32.msk vm0, v1;
	s0 =	sadd.f32 s0, s20  }
0x58f: {  	v12 =	vshll.u32 v11, $0x10;
	v0 =	vand.u32 $0x1FFF, v0;
	vm6 =	vgt.s32 v50, v4;
	s23 =	sld [smem:$0x7E9];
	[tilespmem:v52+s19+$0x0] =	vst.idx.add.s32.msk vm13, v1  }
0x590: {  	v20 =	vand.u32 $0xFFFF0000, v44;
	v19 =	vshll.u32 v14, $0x10;
	vm8 =	vgt.s32 v27, v4;
	[tilespmem:v52+s24+$0x0] =	vst.idx.add.f32.msk vm13, v31;
	s0 =	sadd.f32 s21, s0  }
0x591: {  	vm15 =	veq.s32 v59, v4;
	v22 =	vnsel vm8, $0x0, v19;
	vm8 =	vgt.s32 v0, v4;
	v44, _, _ =	vpop (xrf2);
	s25 =	sld [smem:$0x7EA]  }
0x592: {  	v24 =	vnsel vm11, $0x0, v53;
	v53 =	vnsel vm1, $0x0, v60;
	vm1 =	veq.s32 v43, v4;
	v63, _, _ =	vpop (xrf2);
	[tilespmem:v2+s19+$0x0] =	vst.idx.add.s32.msk vm2, v1;
	s0 =	sadd.f32 s0, s22  }
0x593: {  	v62 =	vand.u32 $0x7, v37;
	[tilespmem:v2+s24+$0x0] =	vst.idx.add.f32.msk vm2, v60;
	vm2 =	veq.s32 v0, v4;
	v0, _, _ =	vpop (xrf2);
	(xrf2) =	vadd.scan.msk.f32 $0xffff, v56  }
0x594: {  	vm14 =	vgt.s32 v43, v4;
	v61 =	vnsel vm7, $0x0, v20;
	v37 =	vshrl.u32 v37, $0x10;
	s0 =	sadd.f32 s23, s0  }
0x595: {  	vm7 =	vgt.s32 v39, v4;
	v37 =	vand.u32 $0x7, v37;
	(v2sf) =	vpush v63, $0xF  }
0x596: {  	v39 =	vnsel vm14, $0x0, v38;
	v36 =	vnsel vm6, $0x0, v12;
	(v2sf) =	vpush v3, $0xF;
	(xrf2) =	vadd.scan.msk.f32 $0xffff, v53;
	s0 =	sadd.f32 s0, s25  }
0x597: {  	v33 =	vnsel vm8, $0x0, v18;
	s1 =	spop (v2sf);
	vm3 =	vgt.s32 v47, v4;
	(v2sf) =	vpush v58, $0xF;
	s26 =	rddreg [dreg:$0x1d]  }
0x598: {  	v47 =	vshrl.u32 v11, $0x10;
	v41 =	vnsel vm3, $0x0, v57;
	(v2sf) =	vpush v54, $0xF;
	[tilespmem:v62+s19+$0x0] =	vst.idx.add.s32.msk vm1, v1;
	s2 =	sadd.f32 s26, s0;
	s0 =	spop (v2sf)  }
0x599: {  	vm3 =	veq.s32 v42, v4;
	v42, _, _ =	vpop (xrf2);
	[tilespmem:v62+s24+$0x0] =	vst.idx.add.f32.msk vm1, v38;
	(xrf2) =	vadd.scan.msk.f32 $0xffff, v61;
	s20 =	spop (v2sf);
	(v2sf) =	vpush v0, $0xF  }
0x59a: {  	s13 =	simm.s32 $0x80;
	vm4 =	veq.s32 v50, v4;
	v3 =	vshrl.u32 v5, $0x10;
	s31 =	rddreg [dreg:$0x16];
	[tilespmem:v37+s19+$0x0] =	vst.idx.add.s32.msk vm15, v1;
	v0, _, _ =	vpop (xrf2);
	s30 =	spop (v2sf);
	(v2sf) =	vpush v55, $0xF  }
0x59b: {  	s14 =	simm.s32 $0x140;
	v31 =	vand.u32 $0x7, v3;
	vm1 =	vmmov vm5;
	[tilespmem:v37+s24+$0x0] =	vst.idx.add.f32.msk vm15, v45;
	s9 =	sadd.f32 s2, s31;
	(v2sf) =	vpush v0, $0xF;
	s23 =	spop (v2sf)  }
.LBB2_32:
0x59c: {  	s13 =	sadd.s32 $0x80, s13;
	v49 =	vand.u32 $0x7, v5;
	v5 =	vld [tilespmem:s14+$0xFFFFFFD0];
	vm5 =	veq.s32 v17, v4;
	(xrf2) =	vadd.scan.msk.f32 $0xffff, v39;
	(v2sf) =	vpush v26, $0xF  }
0x59d: {  	v2 =	vand.u32 $0x7, v47;
	vm8 =	veq.s32 v27, v4;
	s2 =	sadd.f32 s23, s9;
	v0 =	vld [tilespmem:s14+$0x30];
	p1 =	slt.u32 s13, $0x1F80;
	v34, _, _ =	vpop (xrf2);
	(v2sf) =	vpush v10, $0xF  }
0x59e: {  	vm9 =	veq.s32 v21, v4;
	v3 =	vand.u32 $0x7, v14;
	v10 =	vmovc v44;
	v39 =	vld [tilespmem:s14+$0x20];
	(v2sf) =	vpush v23, $0xF  }
0x59f: {  	v27 =	vand.u32 $0x7, v11;
	v11 =	vshrl.u32 v14, $0x10;
	s1 =	sadd.f32 s2, s1;
	v37 =	vld [tilespmem:s14+$0x10];
	(v2sf) =	vpush v42, $0xF;
	(xrf2) =	vadd.scan.msk.f32 $0xffff, v40  }
0x5a0: {  	vm6 =	veq.s32 v25, v4;
	v25 =	vand.u32 $0x7, v11;
	v14 =	vld [tilespmem:s14+$0xFFFFFFF0];
	(v2sf) =	vpush v32, $0xF;
	v23, _, _ =	vpop (xrf2)  }
0x5a1: {  	v32 =	vand.u32 $0xFFFF0000, v16;
	s1 =	sadd.f32 s20, s1;
	v11 =	vld [tilespmem:s14+$0xFFFFFFC0];
	v40 =	vand.u32 $0xFFFF0000, v5;
	(v2sf) =	vpush v29, $0xF  }
0x5a2: {  	v29 =	vnsel vm7, $0x0, v32;
	v47 =	vld [tilespmem:s14+$0xFFFFFFE0];
	v44 =	vshrl.u32 v0, $0x3;
	v42 =	vshrl.u32 v0, $0x13;
	(xrf2) =	vadd.scan.msk.f32 $0xffff, v35;
	v16 =	vmovc v0  }
0x5a3: {  	v0 =	vshrl.u32 v5, $0x3;
	s0 =	sadd.f32 s1, s0;
	v51 =	vshrl.u32 v39, $0x3;
	[tilespmem:v3+s19+$0x0] =	vst.idx.add.s32.msk vm8, v1;
	v35, _, _ =	vpop (xrf2);
	(v2sf) =	vpush v30, $0xF  }
0x5a4: {  	v17 =	vshrl.u32 v5, $0x13;
	v45 =	vand.u32 $0x1FFF, v0;
	v38 =	vshll.u32 v37, $0x10;
	[tilespmem:v3+s24+$0x0] =	vst.idx.add.f32.msk vm8, v19;
	s1 =	spop (v2sf)  }
0x5a5: {  	v0 =	vshll.u32 v5, $0x10;
	vm7 =	vgt.s32 v45, v4;
	v3 =	vshrl.u32 v37, $0x3;
	(xrf2) =	vadd.scan.msk.f32 $0xffff, v41;
	s0 =	sadd.f32 s1, s0;
	s4 =	spop (v2sf)  }
0x5a6: {  	vm10 =	vgt.s32 v17, v4;
	v30 =	vnsel vm7, $0x0, v0;
	v46 =	vand.u32 $0x1FFF, v3;
	v41 =	vld [tilespmem:s14+$0x0];
	v26, _, _ =	vpop (xrf2);
	s2 =	spop (v2sf)  }
0x5a7: {  	v3 =	vshrl.u32 v11, $0x3;
	v52 =	vshll.u32 v11, $0x10;
	v53 =	vand.u32 $0x7, v47;
	[tilespmem:v25+s19+$0x0] =	vst.idx.add.s32.msk vm6, v1;
	s0 =	sadd.f32 s0, s30;
	s5 =	spop (v2sf)  }
0x5a8: {  	v21 =	vshrl.u32 v11, $0x13;
	v54 =	vand.u32 $0xFFFF0000, v11;
	v19 =	vshrl.u32 v47, $0x10;
	(xrf2) =	vadd.scan.msk.f32 $0xffff, v29;
	s1 =	spop (v2sf)  }
0x5a9: {  	v55 =	vshrl.u32 v47, $0x3;
	v50 =	vand.u32 $0x7, v19;
	[tilespmem:v25+s24+$0x0] =	vst.idx.add.f32.msk vm6, v15;
	v15 =	vand.u32 $0xFFFF0000, v14;
	v43, _, _ =	vpop (xrf2);
	s0 =	sadd.f32 s1, s0;
	s3 =	spop (v2sf)  }
0x5aa: {  	v29 =	vshrl.u32 v14, $0x3;
	v19 =	vshll.u32 v14, $0x10;
	v25 =	vshrl.u32 v47, $0x13;
	[tilespmem:v27+s19+$0x0] =	vst.idx.add.s32.msk vm4, v1;
	s1 =	spop (v2sf)  }
0x5ab: {  	v3 =	vand.u32 $0x1FFF, v3;
	vm7 =	vgt.s32 v25, v4;
	v56 =	vshrl.u32 v41, $0x10;
	(xrf2) =	vadd.scan.msk.f32 $0xffff, v30;
	s0 =	sadd.f32 s0, s5;
	s5 =	spop (v2sf)  }
0x5ac: {  	vm6 =	veq.s32 v25, v4;
	v25 =	vshrl.u32 v41, $0x3;
	v57 =	vshrl.u32 v41, $0x13;
	[tilespmem:v27+s24+$0x0] =	vst.idx.add.f32.msk vm4, v12;
	v48, _, _ =	vpop (xrf2);
	s6 =	spop (v2sf)  }
0x5ad: {  	v59 =	vand.u32 $0x7, v41;
	v58 =	vand.u32 $0x1FFF, v25;
	vm4 =	vgt.s32 v57, v4;
	v12 =	vmovc v52;
	[tilespmem:v2+s19+$0x0] =	vst.idx.add.s32.msk vm9, v1;
	s7 =	sadd.f32 s4, s0;
	s4 =	spop (v2sf)  }
0x5ae: {  	vm8 =	vgt.s32 v3, v4;
	v52 =	vshll.u32 v41, $0x10;
	vm11 =	vgt.s32 v58, v4;
	s0 =	spop (v2sf);
	(xrf2) =	vadd.scan.msk.f32 $0xffff, v24  }
0x5af: {  	v27 =	vand.u32 $0x1FFF, v29;
	v25 =	vshrl.u32 v14, $0x13;
	v24 =	vnsel vm11, $0x0, v52;
	[tilespmem:v2+s24+$0x0] =	vst.idx.add.f32.msk vm9, v13;
	s20 =	spop (v2sf);
	v29, _, _ =	vpop (xrf2);
	s6 =	sadd.f32 s7, s6  }
0x5b0: {  	v60 =	vand.u32 $0xFFFF0000, v41;
	v2 =	vnsel vm10, $0x0, v40;
	vm9 =	vgt.s32 v27, v4;
	v13 =	vmovc v54;
	[tilespmem:v28+s24+$0x0] =	vst.idx.add.f32.msk vm0, v32;
	s7 =	spop (v2sf)  }
0x5b1: {  	v54 =	vand.u32 $0x1FFF, v55;
	v28 =	vnsel vm9, $0x0, v19;
	vm0 =	vgt.s32 v25, v4;
	(xrf2) =	vadd.scan.msk.f32 $0xffff, v36;
	s5 =	sadd.f32 s5, s6  }
0x5b2: {  	vm10 =	vgt.s32 v21, v4;
	vm9 =	vgt.s32 v54, v4;
	v55 =	vnsel vm0, $0x0, v15;
	[tilespmem:v49+s19+$0x0] =	vst.idx.add.s32.msk vm3, v1;
	v30, _, _ =	vpop (xrf2);
	s6 =	spop (v2sf)  }
0x5b3: {  	v61 =	vshrl.u32 v37, $0x13;
	v41 =	vnsel vm4, $0x0, v60;
	v36 =	vnsel vm10, $0x0, v13;
	[tilespmem:v49+s24+$0x0] =	vst.idx.add.f32.msk vm3, v7;
	s2 =	sadd.f32 s5, s2;
	v7 =	vmovc v0  }
0x5b4: {  	v0 =	vshll.u32 v47, $0x10;
	v49 =	vand.u32 $0xFFFF0000, v37;
	(xrf2) =	vadd.scan.msk.f32 $0xffff, v41;
	(v2sf) =	vpush v35, $0xF  }
0x5b5: {  	v62 =	vshrl.u32 v39, $0x13;
	v63 =	vand.u32 $0xFFFF0000, v39;
	vm0 =	vgt.s32 v61, v4;
	v32, _, _ =	vpop (xrf2);
	[tilespmem:v31+s19+$0x0] =	vst.idx.add.s32.msk vm5, v1;
	s2 =	sadd.f32 s3, s2  }
0x5b6: {  	v51 =	vand.u32 $0x1FFF, v51;
	vm3 =	veq.s32 v58, v4;
	v35 =	vnsel vm0, $0x0, v49;
	[tilespmem:v31+s24+$0x0] =	vst.idx.add.f32.msk vm5, v6;
	v6 =	vmovc v40  }
0x5b7: {  	v58 =	vshll.u32 v39, $0x10;
	vm0 =	vgt.s32 v51, v4;
	v31 =	vand.u32 $0xFFFF0000, v47;
	(xrf2) =	vadd.scan.msk.f32 $0xffff, v33;
	s2 =	sadd.f32 s2, s4  }
0x5b8: {  	vm12 =	veq.s32 v57, v4;
	v40 =	vnsel vm0, $0x0, v58;
	vm0 =	vgt.s32 v62, v4;
	[tilespmem:v8+s19+$0x0] =	vst.idx.add.s32.msk vm2, v1;
	v57, _, _ =	vpop (xrf2)  }
0x5b9: {  	v41 =	vand.u32 $0x1FFF, v44;
	v33 =	vand.u32 $0x7, v56;
	v56 =	vnsel vm0, $0x0, v63;
	[tilespmem:v8+s24+$0x0] =	vst.idx.add.f32.msk vm2, v18;
	s2 =	sadd.f32 s7, s2;
	v8 =	vmovc v53;
	v18 =	vmovc v0  }
0x5ba: {  	vm0 =	vgt.s32 v41, v4;
	vm2 =	veq.s32 v41, v4;
	v0 =	vshll.u32 v16, $0x10;
	(xrf2) =	vadd.scan.msk.f32 $0xffff, v22;
	v22 =	vmovc v28  }
0x5bb: {  	vm11 =	vgt.s32 v46, v4;
	v53 =	vnsel vm7, $0x0, v31;
	v41 =	vnsel vm0, $0x0, v0;
	[tilespmem:v9+s19+$0x0] =	vst.idx.add.s32.msk vm1, v1;
	v28, _, _ =	vpop (xrf2);
	s9 =	sadd.f32 s2, s6  }
0x5bc: {  	vm10 =	veq.s32 v51, v4;
	v51 =	vand.u32 $0x7, v16;
	[tilespmem:v9+s24+$0x0] =	vst.idx.add.f32.msk vm1, v20;
	(v2sf) =	vpush v28, $0xF;
	v9 =	vmovc v50  }
0x5bd: {  	vm0 =	veq.s32 v42, v4;
	v28 =	vshrl.u32 v16, $0x10;
	v20 =	vmovc v31;
	[tilespmem:v59+s19+$0x0] =	vst.idx.add.s32.msk vm3, v1;
	(xrf2) =	vadd.scan.msk.f32 $0xffff, v2  }
0x5be: {  	vm4 =	veq.s32 v3, v4;
	vm5 =	veq.s32 v61, v4;
	v28 =	vand.u32 $0x7, v28;
	[tilespmem:v59+s24+$0x0] =	vst.idx.add.f32.msk vm3, v52;
	v44, _, _ =	vpop (xrf2)  }
0x5bf: {  	vm13 =	veq.s32 v62, v4;
	v47 =	vshrl.u32 v11, $0x10;
	v2 =	vand.u32 $0x7, v39;
	[tilespmem:v33+s19+$0x0] =	vst.idx.add.s32.msk vm12, v1  }
0x5c0: {  	v3 =	vshrl.u32 v39, $0x10;
	vm7 =	vgt.s32 v42, v4;
	[tilespmem:v33+s24+$0x0] =	vst.idx.add.f32.msk vm12, v60;
	(xrf2) =	vadd.scan.msk.f32 $0xffff, v36  }
0x5c1: {  	v3 =	vand.u32 $0x7, v3;
	vm3 =	veq.s32 v45, v4;
	v36 =	vnsel vm8, $0x0, v12;
	[tilespmem:v51+s19+$0x0] =	vst.idx.add.s32.msk vm2, v1;
	v31, _, _ =	vpop (xrf2)  }
0x5c2: {  	v45 =	vshrl.u32 v5, $0x10;
	v33 =	vnsel vm9, $0x0, v18;
	vm8 =	veq.s32 v46, v4;
	[tilespmem:v51+s24+$0x0] =	vst.idx.add.f32.msk vm2, v0  }
0x5c3: {  	vm2 =	veq.s32 v54, v4;
	v0 =	vand.u32 $0x7, v37;
	[tilespmem:v28+s19+$0x0] =	vst.idx.add.s32.msk vm0, v1;
	(xrf2) =	vadd.scan.msk.f32 $0xffff, v55;
	s30 =	spop (v2sf)  }
0x5c4: {  	vm1 =	vmmov vm6;
	v39 =	vnsel vm11, $0x0, v38;
	v37 =	vshrl.u32 v37, $0x10;
	[tilespmem:v2+s19+$0x0] =	vst.idx.add.s32.msk vm10, v1;
	v46, _, _ =	vpop (xrf2)  }
0x5c5: {  	v37 =	vand.u32 $0x7, v37;
	[tilespmem:v2+s24+$0x0] =	vst.idx.add.f32.msk vm10, v58;
	(v2sf) =	vpush v31, $0xF  }
0x5c6: {  	[tilespmem:v3+s19+$0x0] =	vst.idx.add.s32.msk vm13, v1;
	(xrf2) =	vadd.scan.msk.f32 $0xffff, v56;
	(v2sf) =	vpush v57, $0xF  }
.Ltmp15:
0x5c7: {  	[tilespmem:v3+s24+$0x0] =	vst.idx.add.f32.msk vm13, v63;
	v42, _, _ =	vpop (xrf2);
	(v2sf) =	vpush v48, $0xF;
	(pc) =	sbr.rel @p1 .LBB2_32-.Ltmp15, $4  }
0x5c8: {  	[tilespmem:v0+s19+$0x0] =	vst.idx.add.s32.msk vm8, v1;
	(v2sf) =	vpush v34, $0xF  }
0x5c9: {  	[tilespmem:v0+s24+$0x0] =	vst.idx.add.f32.msk vm8, v38;
	(xrf2) =	vadd.scan.msk.f32 $0xffff, v53;
	(v2sf) =	vpush v46, $0xF  }
0x5ca: {  	[tilespmem:v37+s19+$0x0] =	vst.idx.add.s32.msk vm5, v1;
	v0, _, _ =	vpop (xrf2);
	(v2sf) =	vpush v43, $0xF  }
0x5cb: {  	s14 =	sadd.s32 $0x80, s14;
	v31 =	vand.u32 $0x7, v45;
	[tilespmem:v37+s24+$0x0] =	vst.idx.add.f32.msk vm5, v49;
	(v2sf) =	vpush v0, $0xF;
	s23 =	spop (v2sf)  }
0x5cc: {  	(xrf2) =	vadd.scan.msk.f32 $0xffff, v39  }
0x5cd: {  	(xrf2) =	vadd.scan.msk.f32 $0xffff, v40  }
0x5ce: {  	v0 =	vand.u32 $0xFFFF0000, v16;
	(xrf2) =	vadd.scan.msk.f32 $0xffff, v35  }
0x5cf: {  	v2 =	vnsel vm7, $0x0, v0;
	(xrf2) =	vadd.scan.msk.f32 $0xffff, v41  }
0x5d0: {  	(xrf2) =	vadd.scan.msk.f32 $0xffff, v2  }
0x5d1: {  	(xrf2) =	vadd.scan.msk.f32 $0xffff, v24  }
0x5d2: {  	(xrf2) =	vadd.scan.msk.f32 $0xffff, v36  }
0x5d3: {  	v2, _, _ =	vpop (xrf2);
	(xrf2) =	vadd.scan.msk.f32 $0xffff, v33  }
0x5d4: {  	v3, _, _ =	vpop (xrf2)  }
0x5d5: {  	(v2sf) =	vpush v26, $0xF;
	v16, _, _ =	vpop (xrf2)  }
0x5d6: {  	(v2sf) =	vpush v10, $0xF;
	v10, _, _ =	vpop (xrf2)  }
0x5d7: {  	(v2sf) =	vpush v23, $0xF;
	v23, _, _ =	vpop (xrf2)  }
0x5d8: {  	(v2sf) =	vpush v42, $0xF;
	(xrf2) =	vadd.scan.msk.f32 $0xffff, v22;
	v22, _, _ =	vpop (xrf2)  }
0x5d9: {  	(v2sf) =	vpush v32, $0xF;
	v24, _, _ =	vpop (xrf2)  }
0x5da: {  	(v2sf) =	vpush v29, $0xF;
	v26, _, _ =	vpop (xrf2)  }
0x5db: {  	(v2sf) =	vpush v30, $0xF;
	v29, _, _ =	vpop (xrf2)  }
0x5dc: {  	(v2sf) =	vpush v16, $0xF;
	v16, _, _ =	vpop (xrf2)  }
0x5dd: {  	s3 =	spop (v2sf);
	(v2sf) =	vpush v16, $0xF;
	v16, _, _ =	vpop (xrf2)  }
0x5de: {  	s7 =	spop (v2sf);
	(v2sf) =	vpush v16, $0xF  }
0x5df: {  	s8 =	spop (v2sf);
	(v2sf) =	vpush v29, $0xF  }
0x5e0: {  	s5 =	spop (v2sf)  }
0x5e1: {  	vm5 =	veq.s32 v27, v4;
	s4 =	spop (v2sf);
	(v2sf) =	vpush v22, $0xF  }
0x5e2: {  	s18 =	spop (v2sf);
	(v2sf) =	vpush v2, $0xF;
	v2 =	vand.u32 $0x7, v14  }
0x5e3: {  	vm6 =	veq.s32 v25, v4;
	s13 =	spop (v2sf);
	v16, _, _ =	vpop (xrf2);
	v14 =	vshrl.u32 v14, $0x10  }
0x5e4: {  	s17 =	spop (v2sf);
	(v2sf) =	vpush v16, $0xF;
	v14 =	vand.u32 $0x7, v14  }
0x5e5: {  	s6 =	spop (v2sf);
	(v2sf) =	vpush v23, $0xF  }
0x5e6: {  	s22 =	spop (v2sf);
	(v2sf) =	vpush v10, $0xF;
	v10 =	vand.u32 $0x7, v11  }
0x5e7: {  	vm7 =	veq.s32 v21, v4;
	s15 =	spop (v2sf);
	(v2sf) =	vpush v44, $0xF;
	[tilespmem:v2+s19+$0x0] =	vst.idx.add.s32.msk vm5, v1  }
0x5e8: {  	s10 =	spop (v2sf);
	(v2sf) =	vpush v3, $0xF;
	v3 =	vand.u32 $0x7, v47;
	[tilespmem:v2+s24+$0x0] =	vst.idx.add.f32.msk vm5, v19  }
0x5e9: {  	s26 =	spop (v2sf);
	[tilespmem:v14+s19+$0x0] =	vst.idx.add.s32.msk vm6, v1  }
0x5ea: {  	s12 =	spop (v2sf);
	[tilespmem:v14+s24+$0x0] =	vst.idx.add.f32.msk vm6, v15  }
0x5eb: {  	s21 =	spop (v2sf);
	[tilespmem:v10+s19+$0x0] =	vst.idx.add.s32.msk vm4, v1  }
0x5ec: {  	[tilespmem:v10+s24+$0x0] =	vst.idx.add.f32.msk vm4, v12;
	s11 =	spop (v2sf)  }
0x5ed: {  	(v2sf) =	vpush v24, $0xF;
	v2 =	vand.u32 $0x7, v5;
	[tilespmem:v3+s19+$0x0] =	vst.idx.add.s32.msk vm7, v1;
	s14 =	spop (v2sf)  }
0x5ee: {  	vm5 =	veq.s32 v17, v4;
	[tilespmem:v3+s24+$0x0] =	vst.idx.add.f32.msk vm7, v13;
	s2 =	spop (v2sf)  }
0x5ef: {  	(v2sf) =	vpush v26, $0xF;
	[smem:$0x7DE] =	sst s2  }
0x5f0: {  	s25 =	spop (v2sf);
	[tilespmem:v28+s24+$0x0] =	vst.idx.add.f32.msk vm0, v0  }
0x5f1: {  	[smem:$0x7E1] =	sst s25  }
0x5f2: {  	s25 =	spop (v2sf);
	[tilespmem:v2+s19+$0x0] =	vst.idx.add.s32.msk vm3, v1  }
0x5f3: {  	s16 =	spop (v2sf);
	[tilespmem:v2+s24+$0x0] =	vst.idx.add.f32.msk vm3, v7  }
0x5f4: {  	s31 =	spop (v2sf);
	[tilespmem:v31+s19+$0x0] =	vst.idx.add.s32.msk vm5, v1  }
0x5f5: {  	[smem:$0x7E2] =	sst s31  }
0x5f6: {  	s31 =	spop (v2sf);
	[tilespmem:v31+s24+$0x0] =	vst.idx.add.f32.msk vm5, v6  }
0x5f7: {  	[smem:$0x7E0] =	sst s31  }
0x5f8: {  	s31 =	spop (v2sf);
	[tilespmem:v8+s19+$0x0] =	vst.idx.add.s32.msk vm2, v1  }
0x5f9: {  	[smem:$0x7DF] =	sst s31  }
0x5fa: {  	s31 =	spop (v2sf);
	[tilespmem:v8+s24+$0x0] =	vst.idx.add.f32.msk vm2, v18  }
0x5fb: {  	[smem:$0x7E3] =	sst s31  }
0x5fc: {  	s31 =	spop (v2sf);
	[tilespmem:v9+s19+$0x0] =	vst.idx.add.s32.msk vm1, v1  }
0x5fd: {  	[dreg:$0x1e] =	wrdreg s31  }
0x5fe: {  	s31 =	spop (v2sf);
	[tilespmem:v9+s24+$0x0] =	vst.idx.add.f32.msk vm1, v20  }
0x5ff: {  	[dreg:$0x17] =	wrdreg s31;
	s31 =	simm.s32 $0x1  }
0x600: {  	_ =	swait.ge [sflag:s31], $0x2000  }
0x601: {  	[sflag:s31] =	ssyncset.done $0x0  }
0x602: {  	s2 =	simm.s32 $0x0;
	[sflag:s31] =	ssyncadd.s32 $0xFFFFE000;
	s31 =	rddreg [dreg:$0xa]  }
0x603: {  	[tilespmem:s2], [sflag:$0x1] =	stream.linear.gather [hbm4b:s31+s2], $0x2000, $0x38;
	[tilespmem:$0x7300] =	vst v63  }
0x604: {  	s31 =	simm.s32 $0x2070  }
0x605: {  	v11 =	vld [tilespmem:s31+$0xFFFFFFA0]  }
0x606: {  	v7 =	vld [tilespmem:s31+$0x0]  }
0x607: {  	v0 =	vld [tilespmem:s31+$0xFFFFFFF0]  }
0x608: {  	v2 =	vld [tilespmem:s31+$0xFFFFFFE0]  }
0x609: {  	v6 =	vld [tilespmem:s31+$0xFFFFFF90]  }
0x60a: {  	v3 =	vld [tilespmem:s31+$0xFFFFFFB0]  }
0x60b: {  	v9 =	vld [tilespmem:s31+$0xFFFFFFC0]  }
0x60c: {  	v17 =	vld [tilespmem:s31+$0xFFFFFFD0];
	v20 =	vand.u32 $0xFFFF0000, v11;
	v5 =	vshrl.u32 v7, $0x3;
	v13 =	vshrl.u32 v7, $0x13  }
0x60d: {  	v8 =	vshrl.u32 v11, $0x3;
	v10 =	vshrl.u32 v0, $0x3;
	v12 =	vshrl.u32 v11, $0x13  }
0x60e: {  	v15 =	vshll.u32 v2, $0x10;
	v18 =	vshll.u32 v11, $0x10;
	v24 =	vshrl.u32 v6, $0x3  }
0x60f: {  	v23 =	vshll.u32 v6, $0x10;
	v31 =	vand.u32 $0x7, v3;
	v25 =	vshrl.u32 v6, $0x13  }
0x610: {  	v22 =	vand.u32 $0xFFFF0000, v6;
	v26 =	vshrl.u32 v3, $0x3;
	v19 =	vand.u32 $0xFFFF0000, v9  }
0x611: {  	v27 =	vshrl.u32 v3, $0x13;
	v29 =	vshrl.u32 v9, $0x3;
	v47 =	vshrl.u32 v17, $0x10  }
0x612: {  	v34 =	vand.u32 $0x7, v17;
	v49 =	vshll.u32 v17, $0x10;
	v38 =	vshrl.u32 v9, $0x13  }
0x613: {  	v53 =	vand.u32 $0x7, v7;
	v54 =	vshrl.u32 v2, $0x13;
	v55 =	vshrl.u32 v0, $0x13  }
0x614: {  	v56 =	vand.u32 $0x7, v0;
	v57 =	vand.u32 $0xFFFF0000, v0;
	v58 =	vand.u32 $0x7, v2  }
0x615: {  	v36 =	vand.u32 $0xFFFF0000, v3;
	v45 =	vand.u32 $0x7, v11;
	v14 =	vand.u32 $0x1FFF, v8  }
0x616: {  	v8 =	vshrl.u32 v2, $0x3;
	v30 =	vand.u32 $0x1FFF, v24;
	vm3 =	vgt.s32 v27, v4  }
0x617: {  	vm1 =	veq.s32 v27, v4;
	v24 =	vshrl.u32 v17, $0x3;
	v27 =	vshrl.u32 v17, $0x13  }
0x618: {  	v29 =	vand.u32 $0x1FFF, v29;
	v17 =	vand.u32 $0xFFFF0000, v17;
	v37 =	vand.u32 $0x1FFF, v26  }
0x619: {  	vm6 =	vgt.s32 v25, v4;
	v5 =	vand.u32 $0x1FFF, v5;
	v10 =	vand.u32 $0x1FFF, v10  }
0x61a: {  	v26 =	vshrl.u32 v7, $0x10;
	vm14 =	vgt.s32 v54, v4;
	vm9 =	veq.s32 v5, v4  }
0x61b: {  	v48 =	vand.u32 $0x1FFF, v24;
	v59 =	vnsel vm3, $0x0, v36;
	vm3 =	veq.s32 v14, v4  }
0x61c: {  	s31 =	sadd.f32 s23, s9;
	s9 =	simm.s32 $0x20F0;
	vm0 =	vgt.s32 v14, v4;
	v21 =	vand.u32 $0x1FFF, v8;
	vm7 =	veq.s32 v48, v4  }
0x61d: {  	v41 =	vld [tilespmem:s9+$0xFFFFFFF0];
	v8 =	vshrl.u32 v3, $0x10;
	vm5 =	vgt.s32 v27, v4;
	vm2 =	vgt.s32 v30, v4  }
0x61e: {  	v44 =	vld [tilespmem:s9+$0xFFFFFFB0];
	s1 =	sadd.f32 s31, s1;
	vm8 =	veq.s32 v27, v4;
	v27 =	vand.u32 $0x7, v47;
	v16 =	vnsel vm0, $0x0, v18  }
0x61f: {  	v61 =	vld [tilespmem:s9+$0xFFFFFFD0];
	v26 =	vand.u32 $0x7, v26;
	(xrf2) =	vadd.scan.msk.f32 $0xffff, v16;
	v16 =	vnsel vm6, $0x0, v22;
	vm6 =	veq.s32 v10, v4  }
0x620: {  	s1 =	sadd.f32 s20, s1;
	vm15 =	vgt.s32 v10, v4;
	vm1 =	vmmov vm1;
	vm13 =	veq.s32 v29, v4;
	[tilespmem:v53+s19+$0x0] =	vst.idx.add.s32.msk vm9, v1  }
0x621: {  	vm0 =	vgt.s32 v12, v4;
	v28 =	vand.u32 $0x7, v8;
	v8 =	vshll.u32 v9, $0x10;
	[tilespmem:v45+s19+$0x0] =	vst.idx.add.s32.msk vm3, v1  }
0x622: {  	s0 =	sadd.f32 s1, s0;
	vm4 =	vgt.s32 v48, v4;
	v50 =	vnsel vm0, $0x0, v20;
	vm0 =	vgt.s32 v29, v4;
	[tilespmem:v34+s19+$0x0] =	vst.idx.add.s32.msk vm7, v1  }
0x623: {  	v52 =	vnsel vm5, $0x0, v17;
	v33 =	vnsel vm0, $0x0, v8;
	vm0 =	vgt.s32 v38, v4;
	[tilespmem:v45+s24+$0x0] =	vst.idx.add.f32.msk vm3, v18  }
0x624: {  	s0 =	sadd.f32 s3, s0;
	vm5 =	veq.s32 v54, v4;
	v51 =	vnsel vm0, $0x0, v19;
	vm0 =	veq.s32 v13, v4;
	[tilespmem:v34+s24+$0x0] =	vst.idx.add.f32.msk vm7, v49  }
0x625: {  	vm12 =	vgt.s32 v21, v4;
	v48 =	vshrl.u32 v41, $0x3;
	(xrf2) =	vadd.scan.msk.f32 $0xffff, v52;
	[tilespmem:v56+s19+$0x0] =	vst.idx.add.s32.msk vm6, v1  }
0x626: {  	v24 =	vnsel vm4, $0x0, v49;
	vm4 =	vgt.s32 v37, v4;
	s0 =	sadd.f32 s0, s30;
	(xrf2) =	vadd.scan.msk.f32 $0xffff, v50;
	[tilespmem:v27+s19+$0x0] =	vst.idx.add.s32.msk vm8, v1  }
0x627: {  	v29 =	vand.u32 $0xFFFF0000, v7;
	(xrf2) =	vadd.scan.msk.f32 $0xffff, v16;
	[tilespmem:v27+s24+$0x0] =	vst.idx.add.f32.msk vm8, v17;
	v27 =	vshll.u32 v7, $0x10  }
0x628: {  	s0 =	sadd.f32 s4, s0;
	vm7 =	veq.s32 v55, v4;
	v17 =	vshrl.u32 v0, $0x10;
	v0 =	vshll.u32 v0, $0x10;
	[tilespmem:v53+s24+$0x0] =	vst.idx.add.f32.msk vm9, v27  }
0x629: {  	vm8 =	veq.s32 v21, v4;
	v16 =	vand.u32 $0x7, v17;
	[tilespmem:v56+s24+$0x0] =	vst.idx.add.f32.msk vm6, v0;
	vm6 =	vgt.s32 v55, v4  }
0x62a: {  	s0 =	sadd.f32 s0, s5;
	v34 =	vshll.u32 v3, $0x10;
	[tilespmem:v26+s19+$0x0] =	vst.idx.add.s32.msk vm0, v1;
	v3 =	vnsel vm6, $0x0, v57;
	vm6 =	vgt.s32 v5, v4  }
0x62b: {  	v48 =	vand.u32 $0x1FFF, v48;
	v52 =	vand.u32 $0x7, v61;
	v5 =	vld [tilespmem:s9+$0xFFFFFFA0];
	v21 =	vnsel vm6, $0x0, v27  }
0x62c: {  	(xrf2) =	vadd.scan.msk.f32 $0xffff, v51;
	s0 =	sadd.f32 s7, s0;
	vm6 =	veq.s32 v30, v4;
	v30 =	vnsel vm2, $0x0, v23;
	vm2 =	veq.s32 v37, v4;
	v37 =	vld [tilespmem:s9+$0xFFFFFFE0]  }
0x62d: {  	v51 =	vshrl.u32 v61, $0x10;
	v17 =	vand.u32 $0xFFFF0000, v2;
	v2 =	vshrl.u32 v2, $0x10;
	[tilespmem:v26+s24+$0x0] =	vst.idx.add.f32.msk vm0, v29  }
0x62e: {  	v18 =	vshll.u32 v44, $0x10;
	v51 =	vand.u32 $0x7, v51;
	s0 =	sadd.f32 s0, s6;
	v2 =	vand.u32 $0x7, v2;
	[tilespmem:v16+s19+$0x0] =	vst.idx.add.s32.msk vm7, v1  }
0x62f: {  	v40 =	vnsel vm4, $0x0, v34;
	vm4 =	veq.s32 v12, v4;
	v0 =	vnsel vm15, $0x0, v0;
	[tilespmem:v58+s19+$0x0] =	vst.idx.add.s32.msk vm8, v1  }
0x630: {  	v60, _, _ =	vpop (xrf2);
	v27 =	vshrl.u32 v6, $0x10;
	s0 =	sadd.f32 s17, s0;
	(xrf2) =	vadd.scan.msk.f32 $0xffff, v3;
	v3 =	vand.u32 $0x7, v9;
	[tilespmem:v16+s24+$0x0] =	vst.idx.add.f32.msk vm7, v57  }
0x631: {  	v53 =	vshll.u32 v61, $0x10;
	v43 =	vnsel vm14, $0x0, v17;
	v10, _, _ =	vpop (xrf2);
	v46 =	vand.u32 $0x7, v27;
	[tilespmem:v58+s24+$0x0] =	vst.idx.add.f32.msk vm8, v15  }
0x632: {  	v14, _, _ =	vpop (xrf2);
	(xrf2) =	vadd.scan.msk.f32 $0xffff, v59;
	s0 =	sadd.f32 s0, s8;
	vm7 =	vgt.s32 v13, v4;
	v13 =	vshrl.u32 v11, $0x10;
	v15 =	vnsel vm12, $0x0, v15;
	v11 =	vld [tilespmem:s9+$0xFFFFFF90]  }
0x633: {  	v16, _, _ =	vpop (xrf2);
	vm8 =	veq.s32 v25, v4;
	v25 =	vand.u32 $0x7, v6;
	v6 =	vand.u32 $0xFFFF0000, v5;
	[tilespmem:v2+s19+$0x0] =	vst.idx.add.s32.msk vm5, v1  }
0x634: {  	s0 =	sadd.f32 s18, s0;
	v7 =	vshrl.u32 v5, $0x3;
	v32 =	vand.u32 $0x7, v13;
	(v2sf) =	vpush v16, $0xF;
	v16 =	vld [tilespmem:s9+$0x0];
	(xrf2) =	vadd.scan.msk.f32 $0xffff, v15  }
0x635: {  	v42 =	vand.u32 $0x1FFF, v7;
	[tilespmem:v3+s19+$0x0] =	vst.idx.add.s32.msk vm13, v1;
	v7 =	vshll.u32 v5, $0x10;
	v59 =	vshrl.u32 v37, $0x13  }
0x636: {  	v45 =	vand.u32 $0xFFFF0000, v37;
	[tilespmem:v2+s24+$0x0] =	vst.idx.add.f32.msk vm5, v17;
	v2 =	vshrl.u32 v9, $0x10;
	(v2sf) =	vpush v14, $0xF;
	s0 =	sadd.f32 s0, s22  }
0x637: {  	vm5 =	veq.s32 v38, v4;
	(xrf2) =	vadd.scan.msk.f32 $0xffff, v0;
	v14 =	vld [tilespmem:s9+$0xFFFFFFC0];
	v0 =	vnsel vm7, $0x0, v29;
	v17 =	vshrl.u32 v5, $0x13  }
0x638: {  	v38 =	vshll.u32 v37, $0x10;
	vm7 =	vgt.s32 v42, v4;
	v9 =	vshrl.u32 v37, $0x3;
	[tilespmem:v3+s24+$0x0] =	vst.idx.add.f32.msk vm13, v8;
	s0 =	sadd.f32 s26, s0  }
0x639: {  	v8 =	vand.u32 $0x7, v44;
	[tilespmem:v31+s19+$0x0] =	vst.idx.add.s32.msk vm2, v1;
	vm13 =	veq.s32 v48, v4;
	v2 =	vand.u32 $0x7, v2  }
0x63a: {  	(v2sf) =	vpush v60, $0xF;
	(xrf2) =	vadd.scan.msk.f32 $0xffff, v43;
	v3 =	vnsel vm7, $0x0, v7;
	[tilespmem:v31+s24+$0x0] =	vst.idx.add.f32.msk vm2, v34;
	s0 =	sadd.f32 s0, s12  }
0x63b: {  	vm14 =	vgt.s32 v17, v4;
	v31 =	vshll.u32 v41, $0x10;
	(xrf2) =	vadd.scan.msk.f32 $0xffff, v21;
	[tilespmem:v28+s19+$0x0] =	vst.idx.add.s32.msk vm1, v1  }
0x63c: {  	v27 =	vshrl.u32 v11, $0x3;
	v21 =	vshrl.u32 v11, $0x13;
	v13 =	vand.u32 $0xFFFF0000, v11;
	[tilespmem:v25+s19+$0x0] =	vst.idx.add.s32.msk vm6, v1;
	s0 =	sadd.f32 s11, s0  }
0x63d: {  	(xrf2) =	vadd.scan.msk.f32 $0xffff, v0;
	v47 =	vshrl.u32 v16, $0x3;
	v39 =	vshrl.u32 v16, $0x13;
	[tilespmem:v25+s24+$0x0] =	vst.idx.add.f32.msk vm6, v23  }
0x63e: {  	v50 =	vand.u32 $0x1FFF, v27;
	(xrf2) =	vadd.scan.msk.f32 $0xffff, v3;
	v3 =	vshrl.u32 v61, $0x13;
	[tilespmem:v2+s19+$0x0] =	vst.idx.add.s32.msk vm5, v1;
	s0 =	sadd.f32 s0, s13  }
0x63f: {  	vm15 =	vgt.s32 v21, v4;
	v63 =	vand.u32 $0x7, v16;
	[tilespmem:v2+s24+$0x0] =	vst.idx.add.f32.msk vm5, v19;
	v2 =	vshrl.u32 v44, $0x13  }
0x640: {  	(xrf2) =	vadd.scan.msk.f32 $0xffff, v24;
	vm7 =	vgt.s32 v2, v4;
	vm5 =	veq.s32 v2, v4;
	v2 =	vshrl.u32 v61, $0x3;
	s0 =	sadd.f32 s10, s0  }
0x641: {  	v54, _, _ =	vpop (xrf2);
	v15 =	vand.u32 $0xFFFF0000, v14;
	v49 =	vshrl.u32 v14, $0x3;
	(xrf2) =	vadd.scan.msk.f32 $0xffff, v30;
	v2 =	vand.u32 $0x1FFF, v2  }
0x642: {  	v23, _, _ =	vpop (xrf2);
	[tilespmem:v32+s19+$0x0] =	vst.idx.add.s32.msk vm4, v1;
	vm10 =	vgt.s32 v3, v4;
	v25 =	vshrl.u32 v14, $0x13;
	vm3 =	veq.s32 v2, v4;
	s0 =	sadd.f32 s0, s15  }
0x643: {  	[tilespmem:v46+s19+$0x0] =	vst.idx.add.s32.msk vm8, v1;
	v57 =	vnsel vm15, $0x0, v13;
	vm12 =	veq.s32 v3, v4;
	v47 =	vand.u32 $0x1FFF, v47;
	v30, _, _ =	vpop (xrf2)  }
0x644: {  	[tilespmem:v32+s24+$0x0] =	vst.idx.add.f32.msk vm4, v20;
	v27 =	vand.u32 $0x1FFF, v49;
	v49 =	vand.u32 $0xFFFF0000, v61;
	vm0 =	vgt.s32 v25, v4;
	v26, _, _ =	vpop (xrf2);
	s0 =	sadd.f32 s14, s0  }
0x645: {  	[tilespmem:v46+s24+$0x0] =	vst.idx.add.f32.msk vm8, v22;
	v56 =	vnsel vm0, $0x0, v15;
	v35 =	vnsel vm10, $0x0, v49;
	vm0 =	vgt.s32 v59, v4;
	v55, _, _ =	vpop (xrf2)  }
0x646: {  	vm4 =	veq.s32 v47, v4;
	(v2sf) =	vpush v30, $0xF;
	(xrf2) =	vadd.scan.msk.f32 $0xffff, v35;
	v35 =	vnsel vm0, $0x0, v45;
	v58, _, _ =	vpop (xrf2);
	s0 =	sadd.f32 s0, s21  }
0x647: {  	s18 =	sld [smem:$0x7DE];
	vm0 =	vgt.s32 v48, v4;
	[tilespmem:v28+s24+$0x0] =	vst.idx.add.f32.msk vm1, v36;
	v28 =	vshrl.u32 v16, $0x10;
	(xrf2) =	vadd.scan.msk.f32 $0xffff, v40;
	v29, _, _ =	vpop (xrf2)  }
0x648: {  	v40 =	vnsel vm0, $0x0, v31;
	vm0 =	veq.s32 v39, v4;
	v28 =	vand.u32 $0x7, v28;
	v30, _, _ =	vpop (xrf2);
	[tilespmem:v52+s19+$0x0] =	vst.idx.add.s32.msk vm3, v1;
	s0 =	sadd.f32 s16, s0  }
0x649: {  	vm11 =	vgt.s32 v2, v4;
	v2 =	vshrl.u32 v41, $0x13;
	(xrf2) =	vadd.scan.msk.f32 $0xffff, v33;
	v32, _, _ =	vpop (xrf2);
	s20 =	sld [smem:$0x7DF];
	[tilespmem:v52+s24+$0x0] =	vst.idx.add.f32.msk vm3, v53  }
0x64a: {  	v46 =	vnsel vm14, $0x0, v6;
	vm1 =	vgt.s32 v2, v4;
	v3, _, _ =	vpop (xrf2);
	v52 =	vand.u32 $0x7, v41;
	[tilespmem:v51+s19+$0x0] =	vst.idx.add.s32.msk vm12, v1;
	s0 =	sadd.f32 s0, s25  }
0x64b: {  	(xrf2) =	vadd.scan.msk.f32 $0xffff, v46;
	vm2 =	veq.s32 v2, v4;
	v2 =	vshrl.u32 v41, $0x10;
	v62, _, _ =	vpop (xrf2);
	s21 =	sld [smem:$0x7E0];
	[tilespmem:v51+s24+$0x0] =	vst.idx.add.f32.msk vm12, v49  }
0x64c: {  	(xrf2) =	vadd.scan.msk.f32 $0xffff, v57;
	v57 =	vshll.u32 v16, $0x10;
	(v2sf) =	vpush v62, $0xF;
	[tilespmem:v63+s19+$0x0] =	vst.idx.add.s32.msk vm4, v1;
	s0 =	sadd.f32 s18, s0  }
0x64d: {  	v43 =	vand.u32 $0x1FFF, v9;
	v9 =	vshrl.u32 v44, $0x10;
	v2 =	vand.u32 $0x7, v2;
	s22 =	sld [smem:$0x7E1];
	[tilespmem:v63+s24+$0x0] =	vst.idx.add.f32.msk vm4, v57  }
0x64e: {  	v60 =	vand.u32 $0xFFFF0000, v41;
	v9 =	vand.u32 $0x7, v9;
	v0 =	vshrl.u32 v44, $0x3;
	[tilespmem:v28+s19+$0x0] =	vst.idx.add.s32.msk vm0, v1;
	s0 =	sadd.f32 s0, s20  }
0x64f: {  	v12 =	vshll.u32 v11, $0x10;
	v0 =	vand.u32 $0x1FFF, v0;
	vm6 =	vgt.s32 v50, v4;
	s23 =	sld [smem:$0x7E2];
	[tilespmem:v52+s19+$0x0] =	vst.idx.add.s32.msk vm13, v1  }
0x650: {  	v20 =	vand.u32 $0xFFFF0000, v44;
	v19 =	vshll.u32 v14, $0x10;
	vm8 =	vgt.s32 v27, v4;
	[tilespmem:v52+s24+$0x0] =	vst.idx.add.f32.msk vm13, v31;
	s0 =	sadd.f32 s21, s0  }
0x651: {  	vm15 =	veq.s32 v59, v4;
	v22 =	vnsel vm8, $0x0, v19;
	vm8 =	vgt.s32 v0, v4;
	v44, _, _ =	vpop (xrf2);
	s25 =	sld [smem:$0x7E3]  }
0x652: {  	v24 =	vnsel vm11, $0x0, v53;
	v53 =	vnsel vm1, $0x0, v60;
	vm1 =	veq.s32 v43, v4;
	v63, _, _ =	vpop (xrf2);
	[tilespmem:v2+s19+$0x0] =	vst.idx.add.s32.msk vm2, v1;
	s0 =	sadd.f32 s0, s22  }
0x653: {  	v62 =	vand.u32 $0x7, v37;
	[tilespmem:v2+s24+$0x0] =	vst.idx.add.f32.msk vm2, v60;
	vm2 =	veq.s32 v0, v4;
	v0, _, _ =	vpop (xrf2);
	(xrf2) =	vadd.scan.msk.f32 $0xffff, v56  }
0x654: {  	vm14 =	vgt.s32 v43, v4;
	v36 =	vnsel vm6, $0x0, v12;
	v37 =	vshrl.u32 v37, $0x10;
	s0 =	sadd.f32 s23, s0  }
0x655: {  	v61 =	vnsel vm7, $0x0, v20;
	v37 =	vand.u32 $0x7, v37;
	(v2sf) =	vpush v63, $0xF  }
0x656: {  	vm7 =	vgt.s32 v39, v4;
	v39 =	vnsel vm14, $0x0, v38;
	(v2sf) =	vpush v3, $0xF;
	(xrf2) =	vadd.scan.msk.f32 $0xffff, v53;
	s0 =	sadd.f32 s0, s25  }
0x657: {  	v33 =	vnsel vm8, $0x0, v18;
	s1 =	spop (v2sf);
	vm3 =	vgt.s32 v47, v4;
	(v2sf) =	vpush v58, $0xF;
	s26 =	rddreg [dreg:$0x1e]  }
0x658: {  	v47 =	vshrl.u32 v11, $0x10;
	v41 =	vnsel vm3, $0x0, v57;
	(v2sf) =	vpush v54, $0xF;
	[tilespmem:v62+s19+$0x0] =	vst.idx.add.s32.msk vm1, v1;
	s2 =	sadd.f32 s26, s0;
	s0 =	spop (v2sf)  }
0x659: {  	vm3 =	veq.s32 v42, v4;
	v42, _, _ =	vpop (xrf2);
	[tilespmem:v62+s24+$0x0] =	vst.idx.add.f32.msk vm1, v38;
	(xrf2) =	vadd.scan.msk.f32 $0xffff, v61;
	s20 =	spop (v2sf);
	(v2sf) =	vpush v0, $0xF  }
0x65a: {  	s13 =	simm.s32 $0x80;
	vm4 =	veq.s32 v50, v4;
	v3 =	vshrl.u32 v5, $0x10;
	s31 =	rddreg [dreg:$0x17];
	[tilespmem:v37+s19+$0x0] =	vst.idx.add.s32.msk vm15, v1;
	v0, _, _ =	vpop (xrf2);
	s30 =	spop (v2sf);
	(v2sf) =	vpush v55, $0xF  }
0x65b: {  	s14 =	simm.s32 $0x2170;
	v31 =	vand.u32 $0x7, v3;
	vm1 =	vmmov vm5;
	[tilespmem:v37+s24+$0x0] =	vst.idx.add.f32.msk vm15, v45;
	s9 =	sadd.f32 s2, s31;
	(v2sf) =	vpush v0, $0xF;
	s23 =	spop (v2sf)  }
.LBB2_34:
0x65c: {  	s13 =	sadd.s32 $0x80, s13;
	v49 =	vand.u32 $0x7, v5;
	v5 =	vld [tilespmem:s14+$0xFFFFFFA0];
	vm5 =	veq.s32 v17, v4;
	(xrf2) =	vadd.scan.msk.f32 $0xffff, v39;
	(v2sf) =	vpush v26, $0xF  }
0x65d: {  	v2 =	vand.u32 $0x7, v47;
	vm8 =	veq.s32 v27, v4;
	s2 =	sadd.f32 s23, s9;
	v0 =	vld [tilespmem:s14+$0x0];
	p1 =	slt.u32 s13, $0x1F80;
	v34, _, _ =	vpop (xrf2);
	(v2sf) =	vpush v10, $0xF  }
0x65e: {  	vm9 =	veq.s32 v21, v4;
	v3 =	vand.u32 $0x7, v14;
	v10 =	vmovc v44;
	v39 =	vld [tilespmem:s14+$0xFFFFFFF0];
	(v2sf) =	vpush v23, $0xF  }
0x65f: {  	v27 =	vand.u32 $0x7, v11;
	v11 =	vshrl.u32 v14, $0x10;
	s1 =	sadd.f32 s2, s1;
	v37 =	vld [tilespmem:s14+$0xFFFFFFE0];
	(v2sf) =	vpush v42, $0xF;
	(xrf2) =	vadd.scan.msk.f32 $0xffff, v40  }
0x660: {  	vm6 =	veq.s32 v25, v4;
	v25 =	vand.u32 $0x7, v11;
	v14 =	vld [tilespmem:s14+$0xFFFFFFC0];
	(v2sf) =	vpush v32, $0xF;
	v23, _, _ =	vpop (xrf2)  }
0x661: {  	v32 =	vand.u32 $0xFFFF0000, v16;
	s1 =	sadd.f32 s20, s1;
	v11 =	vld [tilespmem:s14+$0xFFFFFF90];
	v40 =	vand.u32 $0xFFFF0000, v5;
	(v2sf) =	vpush v29, $0xF  }
0x662: {  	v29 =	vnsel vm7, $0x0, v32;
	v47 =	vld [tilespmem:s14+$0xFFFFFFB0];
	v44 =	vshrl.u32 v0, $0x3;
	v42 =	vshrl.u32 v0, $0x13;
	(xrf2) =	vadd.scan.msk.f32 $0xffff, v35;
	v16 =	vmovc v0  }
0x663: {  	v0 =	vshrl.u32 v5, $0x3;
	s0 =	sadd.f32 s1, s0;
	v51 =	vshrl.u32 v39, $0x3;
	[tilespmem:v3+s19+$0x0] =	vst.idx.add.s32.msk vm8, v1;
	v35, _, _ =	vpop (xrf2);
	(v2sf) =	vpush v30, $0xF  }
0x664: {  	v17 =	vshrl.u32 v5, $0x13;
	v45 =	vand.u32 $0x1FFF, v0;
	v38 =	vshll.u32 v37, $0x10;
	[tilespmem:v3+s24+$0x0] =	vst.idx.add.f32.msk vm8, v19;
	s1 =	spop (v2sf)  }
0x665: {  	v0 =	vshll.u32 v5, $0x10;
	vm7 =	vgt.s32 v45, v4;
	v3 =	vshrl.u32 v37, $0x3;
	(xrf2) =	vadd.scan.msk.f32 $0xffff, v41;
	s0 =	sadd.f32 s1, s0;
	s4 =	spop (v2sf)  }
0x666: {  	vm10 =	vgt.s32 v17, v4;
	v30 =	vnsel vm7, $0x0, v0;
	v46 =	vand.u32 $0x1FFF, v3;
	v41 =	vld [tilespmem:s14+$0xFFFFFFD0];
	v26, _, _ =	vpop (xrf2);
	s2 =	spop (v2sf)  }
0x667: {  	v3 =	vshrl.u32 v11, $0x3;
	v52 =	vshll.u32 v11, $0x10;
	v53 =	vand.u32 $0x7, v47;
	[tilespmem:v25+s19+$0x0] =	vst.idx.add.s32.msk vm6, v1;
	s0 =	sadd.f32 s0, s30;
	s5 =	spop (v2sf)  }
0x668: {  	v21 =	vshrl.u32 v11, $0x13;
	v54 =	vand.u32 $0xFFFF0000, v11;
	v19 =	vshrl.u32 v47, $0x10;
	(xrf2) =	vadd.scan.msk.f32 $0xffff, v29;
	s1 =	spop (v2sf)  }
0x669: {  	v55 =	vshrl.u32 v47, $0x3;
	v50 =	vand.u32 $0x7, v19;
	[tilespmem:v25+s24+$0x0] =	vst.idx.add.f32.msk vm6, v15;
	v15 =	vand.u32 $0xFFFF0000, v14;
	v43, _, _ =	vpop (xrf2);
	s0 =	sadd.f32 s1, s0;
	s3 =	spop (v2sf)  }
0x66a: {  	v29 =	vshrl.u32 v14, $0x3;
	v19 =	vshll.u32 v14, $0x10;
	v25 =	vshrl.u32 v47, $0x13;
	[tilespmem:v27+s19+$0x0] =	vst.idx.add.s32.msk vm4, v1;
	s1 =	spop (v2sf)  }
0x66b: {  	v3 =	vand.u32 $0x1FFF, v3;
	vm7 =	vgt.s32 v25, v4;
	v56 =	vshrl.u32 v41, $0x10;
	(xrf2) =	vadd.scan.msk.f32 $0xffff, v30;
	s0 =	sadd.f32 s0, s5;
	s5 =	spop (v2sf)  }
0x66c: {  	vm6 =	veq.s32 v25, v4;
	v25 =	vshrl.u32 v41, $0x3;
	v57 =	vshrl.u32 v41, $0x13;
	[tilespmem:v27+s24+$0x0] =	vst.idx.add.f32.msk vm4, v12;
	v48, _, _ =	vpop (xrf2);
	s6 =	spop (v2sf)  }
0x66d: {  	v59 =	vand.u32 $0x7, v41;
	v58 =	vand.u32 $0x1FFF, v25;
	vm4 =	vgt.s32 v57, v4;
	v12 =	vmovc v52;
	[tilespmem:v2+s19+$0x0] =	vst.idx.add.s32.msk vm9, v1;
	s7 =	sadd.f32 s4, s0;
	s4 =	spop (v2sf)  }
0x66e: {  	vm8 =	vgt.s32 v3, v4;
	v52 =	vshll.u32 v41, $0x10;
	vm11 =	vgt.s32 v58, v4;
	s0 =	spop (v2sf);
	(xrf2) =	vadd.scan.msk.f32 $0xffff, v24  }
0x66f: {  	v27 =	vand.u32 $0x1FFF, v29;
	v25 =	vshrl.u32 v14, $0x13;
	v24 =	vnsel vm11, $0x0, v52;
	[tilespmem:v2+s24+$0x0] =	vst.idx.add.f32.msk vm9, v13;
	s20 =	spop (v2sf);
	v29, _, _ =	vpop (xrf2);
	s6 =	sadd.f32 s7, s6  }
0x670: {  	v60 =	vand.u32 $0xFFFF0000, v41;
	v2 =	vnsel vm10, $0x0, v40;
	vm9 =	vgt.s32 v27, v4;
	v13 =	vmovc v54;
	[tilespmem:v28+s24+$0x0] =	vst.idx.add.f32.msk vm0, v32;
	s7 =	spop (v2sf)  }
0x671: {  	v54 =	vand.u32 $0x1FFF, v55;
	v28 =	vnsel vm9, $0x0, v19;
	vm0 =	vgt.s32 v25, v4;
	(xrf2) =	vadd.scan.msk.f32 $0xffff, v36;
	s5 =	sadd.f32 s5, s6  }
0x672: {  	vm10 =	vgt.s32 v21, v4;
	vm9 =	vgt.s32 v54, v4;
	v55 =	vnsel vm0, $0x0, v15;
	[tilespmem:v49+s19+$0x0] =	vst.idx.add.s32.msk vm3, v1;
	v30, _, _ =	vpop (xrf2);
	s6 =	spop (v2sf)  }
0x673: {  	v61 =	vshrl.u32 v37, $0x13;
	v41 =	vnsel vm4, $0x0, v60;
	v36 =	vnsel vm10, $0x0, v13;
	[tilespmem:v49+s24+$0x0] =	vst.idx.add.f32.msk vm3, v7;
	s2 =	sadd.f32 s5, s2;
	v7 =	vmovc v0  }
0x674: {  	v0 =	vshll.u32 v47, $0x10;
	v49 =	vand.u32 $0xFFFF0000, v37;
	(xrf2) =	vadd.scan.msk.f32 $0xffff, v41;
	(v2sf) =	vpush v35, $0xF  }
0x675: {  	v62 =	vshrl.u32 v39, $0x13;
	v63 =	vand.u32 $0xFFFF0000, v39;
	vm0 =	vgt.s32 v61, v4;
	v32, _, _ =	vpop (xrf2);
	[tilespmem:v31+s19+$0x0] =	vst.idx.add.s32.msk vm5, v1;
	s2 =	sadd.f32 s3, s2  }
0x676: {  	v51 =	vand.u32 $0x1FFF, v51;
	vm3 =	veq.s32 v58, v4;
	v35 =	vnsel vm0, $0x0, v49;
	[tilespmem:v31+s24+$0x0] =	vst.idx.add.f32.msk vm5, v6;
	v6 =	vmovc v40  }
0x677: {  	v58 =	vshll.u32 v39, $0x10;
	vm0 =	vgt.s32 v51, v4;
	v31 =	vand.u32 $0xFFFF0000, v47;
	(xrf2) =	vadd.scan.msk.f32 $0xffff, v33;
	s2 =	sadd.f32 s2, s4  }
0x678: {  	vm12 =	veq.s32 v57, v4;
	v40 =	vnsel vm0, $0x0, v58;
	vm0 =	vgt.s32 v62, v4;
	[tilespmem:v8+s19+$0x0] =	vst.idx.add.s32.msk vm2, v1;
	v57, _, _ =	vpop (xrf2)  }
0x679: {  	v41 =	vand.u32 $0x1FFF, v44;
	v33 =	vand.u32 $0x7, v56;
	v56 =	vnsel vm0, $0x0, v63;
	[tilespmem:v8+s24+$0x0] =	vst.idx.add.f32.msk vm2, v18;
	s2 =	sadd.f32 s7, s2;
	v8 =	vmovc v53;
	v18 =	vmovc v0  }
0x67a: {  	vm0 =	vgt.s32 v41, v4;
	vm2 =	veq.s32 v41, v4;
	v0 =	vshll.u32 v16, $0x10;
	(xrf2) =	vadd.scan.msk.f32 $0xffff, v22;
	v22 =	vmovc v28  }
0x67b: {  	vm11 =	vgt.s32 v46, v4;
	v53 =	vnsel vm7, $0x0, v31;
	v41 =	vnsel vm0, $0x0, v0;
	[tilespmem:v9+s19+$0x0] =	vst.idx.add.s32.msk vm1, v1;
	v28, _, _ =	vpop (xrf2);
	s9 =	sadd.f32 s2, s6  }
0x67c: {  	vm10 =	veq.s32 v51, v4;
	v51 =	vand.u32 $0x7, v16;
	[tilespmem:v9+s24+$0x0] =	vst.idx.add.f32.msk vm1, v20;
	(v2sf) =	vpush v28, $0xF;
	v9 =	vmovc v50  }
0x67d: {  	vm0 =	veq.s32 v42, v4;
	v28 =	vshrl.u32 v16, $0x10;
	v20 =	vmovc v31;
	[tilespmem:v59+s19+$0x0] =	vst.idx.add.s32.msk vm3, v1;
	(xrf2) =	vadd.scan.msk.f32 $0xffff, v2  }
0x67e: {  	vm4 =	veq.s32 v3, v4;
	vm5 =	veq.s32 v61, v4;
	v28 =	vand.u32 $0x7, v28;
	[tilespmem:v59+s24+$0x0] =	vst.idx.add.f32.msk vm3, v52;
	v44, _, _ =	vpop (xrf2)  }
0x67f: {  	vm13 =	veq.s32 v62, v4;
	v47 =	vshrl.u32 v11, $0x10;
	v2 =	vand.u32 $0x7, v39;
	[tilespmem:v33+s19+$0x0] =	vst.idx.add.s32.msk vm12, v1  }
0x680: {  	v3 =	vshrl.u32 v39, $0x10;
	vm7 =	vgt.s32 v42, v4;
	[tilespmem:v33+s24+$0x0] =	vst.idx.add.f32.msk vm12, v60;
	(xrf2) =	vadd.scan.msk.f32 $0xffff, v36  }
0x681: {  	v3 =	vand.u32 $0x7, v3;
	vm3 =	veq.s32 v45, v4;
	v36 =	vnsel vm8, $0x0, v12;
	[tilespmem:v51+s19+$0x0] =	vst.idx.add.s32.msk vm2, v1;
	v31, _, _ =	vpop (xrf2)  }
0x682: {  	v45 =	vshrl.u32 v5, $0x10;
	v33 =	vnsel vm9, $0x0, v18;
	vm8 =	veq.s32 v46, v4;
	[tilespmem:v51+s24+$0x0] =	vst.idx.add.f32.msk vm2, v0  }
0x683: {  	vm2 =	veq.s32 v54, v4;
	v0 =	vand.u32 $0x7, v37;
	[tilespmem:v28+s19+$0x0] =	vst.idx.add.s32.msk vm0, v1;
	(xrf2) =	vadd.scan.msk.f32 $0xffff, v55;
	s30 =	spop (v2sf)  }
0x684: {  	vm1 =	vmmov vm6;
	v39 =	vnsel vm11, $0x0, v38;
	v37 =	vshrl.u32 v37, $0x10;
	[tilespmem:v2+s19+$0x0] =	vst.idx.add.s32.msk vm10, v1;
	v46, _, _ =	vpop (xrf2)  }
0x685: {  	v37 =	vand.u32 $0x7, v37;
	[tilespmem:v2+s24+$0x0] =	vst.idx.add.f32.msk vm10, v58;
	(v2sf) =	vpush v31, $0xF  }
0x686: {  	[tilespmem:v3+s19+$0x0] =	vst.idx.add.s32.msk vm13, v1;
	(xrf2) =	vadd.scan.msk.f32 $0xffff, v56;
	(v2sf) =	vpush v57, $0xF  }
.Ltmp16:
0x687: {  	[tilespmem:v3+s24+$0x0] =	vst.idx.add.f32.msk vm13, v63;
	v42, _, _ =	vpop (xrf2);
	(v2sf) =	vpush v48, $0xF;
	(pc) =	sbr.rel @p1 .LBB2_34-.Ltmp16, $4  }
0x688: {  	[tilespmem:v0+s19+$0x0] =	vst.idx.add.s32.msk vm8, v1;
	(v2sf) =	vpush v34, $0xF  }
0x689: {  	[tilespmem:v0+s24+$0x0] =	vst.idx.add.f32.msk vm8, v38;
	(xrf2) =	vadd.scan.msk.f32 $0xffff, v53;
	(v2sf) =	vpush v46, $0xF  }
0x68a: {  	[tilespmem:v37+s19+$0x0] =	vst.idx.add.s32.msk vm5, v1;
	v0, _, _ =	vpop (xrf2);
	(v2sf) =	vpush v43, $0xF  }
0x68b: {  	s14 =	sadd.s32 $0x80, s14;
	v31 =	vand.u32 $0x7, v45;
	[tilespmem:v37+s24+$0x0] =	vst.idx.add.f32.msk vm5, v49;
	(v2sf) =	vpush v0, $0xF;
	s23 =	spop (v2sf)  }
0x68c: {  	(xrf2) =	vadd.scan.msk.f32 $0xffff, v39  }
0x68d: {  	(xrf2) =	vadd.scan.msk.f32 $0xffff, v40  }
0x68e: {  	v0 =	vand.u32 $0xFFFF0000, v16;
	(xrf2) =	vadd.scan.msk.f32 $0xffff, v35  }
0x68f: {  	v2 =	vnsel vm7, $0x0, v0;
	(xrf2) =	vadd.scan.msk.f32 $0xffff, v41  }
0x690: {  	(xrf2) =	vadd.scan.msk.f32 $0xffff, v2  }
0x691: {  	(xrf2) =	vadd.scan.msk.f32 $0xffff, v24  }
0x692: {  	(xrf2) =	vadd.scan.msk.f32 $0xffff, v36  }
0x693: {  	v2, _, _ =	vpop (xrf2);
	(xrf2) =	vadd.scan.msk.f32 $0xffff, v33  }
0x694: {  	v3, _, _ =	vpop (xrf2)  }
0x695: {  	(v2sf) =	vpush v26, $0xF;
	v16, _, _ =	vpop (xrf2)  }
0x696: {  	(v2sf) =	vpush v10, $0xF;
	v10, _, _ =	vpop (xrf2)  }
0x697: {  	(v2sf) =	vpush v23, $0xF;
	v23, _, _ =	vpop (xrf2)  }
0x698: {  	(v2sf) =	vpush v42, $0xF;
	(xrf2) =	vadd.scan.msk.f32 $0xffff, v22;
	v22, _, _ =	vpop (xrf2)  }
0x699: {  	(v2sf) =	vpush v32, $0xF;
	v24, _, _ =	vpop (xrf2)  }
0x69a: {  	(v2sf) =	vpush v29, $0xF;
	v26, _, _ =	vpop (xrf2)  }
0x69b: {  	(v2sf) =	vpush v30, $0xF;
	v29, _, _ =	vpop (xrf2)  }
0x69c: {  	(v2sf) =	vpush v16, $0xF;
	v16, _, _ =	vpop (xrf2)  }
0x69d: {  	s3 =	spop (v2sf);
	(v2sf) =	vpush v16, $0xF;
	v16, _, _ =	vpop (xrf2)  }
0x69e: {  	s7 =	spop (v2sf);
	(v2sf) =	vpush v16, $0xF  }
0x69f: {  	s8 =	spop (v2sf);
	(v2sf) =	vpush v29, $0xF  }
0x6a0: {  	s5 =	spop (v2sf)  }
0x6a1: {  	vm5 =	veq.s32 v27, v4;
	s4 =	spop (v2sf);
	(v2sf) =	vpush v22, $0xF  }
0x6a2: {  	s18 =	spop (v2sf);
	(v2sf) =	vpush v2, $0xF;
	v2 =	vand.u32 $0x7, v14  }
0x6a3: {  	vm6 =	veq.s32 v25, v4;
	s13 =	spop (v2sf);
	v16, _, _ =	vpop (xrf2);
	v14 =	vshrl.u32 v14, $0x10  }
0x6a4: {  	s17 =	spop (v2sf);
	(v2sf) =	vpush v16, $0xF;
	v14 =	vand.u32 $0x7, v14  }
0x6a5: {  	s6 =	spop (v2sf);
	(v2sf) =	vpush v23, $0xF  }
0x6a6: {  	s22 =	spop (v2sf);
	(v2sf) =	vpush v10, $0xF;
	v10 =	vand.u32 $0x7, v11  }
0x6a7: {  	vm7 =	veq.s32 v21, v4;
	s15 =	spop (v2sf);
	(v2sf) =	vpush v44, $0xF;
	[tilespmem:v2+s19+$0x0] =	vst.idx.add.s32.msk vm5, v1  }
0x6a8: {  	s10 =	spop (v2sf);
	(v2sf) =	vpush v3, $0xF;
	v3 =	vand.u32 $0x7, v47;
	[tilespmem:v2+s24+$0x0] =	vst.idx.add.f32.msk vm5, v19  }
0x6a9: {  	s26 =	spop (v2sf);
	[tilespmem:v14+s19+$0x0] =	vst.idx.add.s32.msk vm6, v1  }
0x6aa: {  	s12 =	spop (v2sf);
	[tilespmem:v14+s24+$0x0] =	vst.idx.add.f32.msk vm6, v15  }
0x6ab: {  	s21 =	spop (v2sf);
	[tilespmem:v10+s19+$0x0] =	vst.idx.add.s32.msk vm4, v1  }
0x6ac: {  	[tilespmem:v10+s24+$0x0] =	vst.idx.add.f32.msk vm4, v12;
	s11 =	spop (v2sf)  }
0x6ad: {  	v2 =	vand.u32 $0x7, v5;
	[tilespmem:v3+s19+$0x0] =	vst.idx.add.s32.msk vm7, v1;
	s14 =	spop (v2sf)  }
0x6ae: {  	(v2sf) =	vpush v24, $0xF;
	[tilespmem:v3+s24+$0x0] =	vst.idx.add.f32.msk vm7, v13;
	s2 =	spop (v2sf)  }
0x6af: {  	vm5 =	veq.s32 v17, v4;
	[smem:$0x7D8] =	sst s2  }
0x6b0: {  	(v2sf) =	vpush v26, $0xF;
	s16 =	spop (v2sf);
	[tilespmem:v28+s24+$0x0] =	vst.idx.add.f32.msk vm0, v0  }
0x6b1: {  	[smem:$0x7DB] =	sst s16  }
0x6b2: {  	s25 =	spop (v2sf);
	[tilespmem:v2+s19+$0x0] =	vst.idx.add.s32.msk vm3, v1  }
0x6b3: {  	[smem:$0x7D7] =	sst s25  }
0x6b4: {  	s16 =	spop (v2sf);
	[tilespmem:v2+s24+$0x0] =	vst.idx.add.f32.msk vm3, v7  }
0x6b5: {  	s31 =	spop (v2sf);
	[tilespmem:v31+s19+$0x0] =	vst.idx.add.s32.msk vm5, v1  }
0x6b6: {  	[smem:$0x7DC] =	sst s31  }
0x6b7: {  	s25 =	spop (v2sf);
	[tilespmem:v31+s24+$0x0] =	vst.idx.add.f32.msk vm5, v6  }
0x6b8: {  	[smem:$0x7DA] =	sst s25  }
0x6b9: {  	s31 =	spop (v2sf);
	[tilespmem:v8+s19+$0x0] =	vst.idx.add.s32.msk vm2, v1  }
0x6ba: {  	[smem:$0x7D9] =	sst s31  }
0x6bb: {  	s25 =	spop (v2sf);
	[tilespmem:v8+s24+$0x0] =	vst.idx.add.f32.msk vm2, v18  }
0x6bc: {  	[smem:$0x7DD] =	sst s25  }
0x6bd: {  	s31 =	spop (v2sf);
	[tilespmem:v9+s19+$0x0] =	vst.idx.add.s32.msk vm1, v1  }
0x6be: {  	[dreg:$0x1f] =	wrdreg s31  }
0x6bf: {  	s25 =	spop (v2sf);
	[tilespmem:v9+s24+$0x0] =	vst.idx.add.f32.msk vm1, v20  }
0x6c0: {  	s31 =	simm.s32 $0x1;
	[dreg:$0x18] =	wrdreg s25  }
0x6c1: {  	_ =	swait.ge [sflag:s31], $0x2000  }
0x6c2: {  	s2 =	simm.s32 $0x0;
	[sflag:s31] =	ssyncset.done $0x0  }
0x6c3: {  	s25 =	simm.s32 $0x2000;
	[sflag:s31] =	ssyncadd.s32 $0xFFFFE000;
	s31 =	rddreg [dreg:$0xb]  }
0x6c4: {  	[tilespmem:s25], [sflag:$0x1] =	stream.linear.gather [hbm4b:s31+s2], $0x2000, $0x38;
	[tilespmem:$0x7300] =	vst v63  }
0x6c5: {  	s25 =	simm.s32 $0x40  }
0x6c6: {  	v11 =	vld [tilespmem:s25+$0xFFFFFFD0]  }
0x6c7: {  	v7 =	vld [tilespmem:s25+$0x30]  }
0x6c8: {  	v0 =	vld [tilespmem:s25+$0x20]  }
0x6c9: {  	v2 =	vld [tilespmem:s25+$0x10]  }
0x6ca: {  	v6 =	vld [tilespmem:s25+$0xFFFFFFC0]  }
0x6cb: {  	v3 =	vld [tilespmem:s25+$0xFFFFFFE0];
	_ =	sdelay $0x1  }
0x6cc: {  	v9 =	vld [tilespmem:s25+$0xFFFFFFF0];
	v20 =	vand.u32 $0xFFFF0000, v11;
	v5 =	vshrl.u32 v7, $0x3  }
0x6cd: {  	v17 =	vld [tilespmem:s25+$0x0];
	v13 =	vshrl.u32 v7, $0x13;
	v8 =	vshrl.u32 v11, $0x3;
	v10 =	vshrl.u32 v0, $0x3  }
0x6ce: {  	v12 =	vshrl.u32 v11, $0x13;
	v15 =	vshll.u32 v2, $0x10;
	v18 =	vshll.u32 v11, $0x10  }
0x6cf: {  	v24 =	vshrl.u32 v6, $0x3;
	v23 =	vshll.u32 v6, $0x10;
	v31 =	vand.u32 $0x7, v3  }
0x6d0: {  	v25 =	vshrl.u32 v6, $0x13;
	v22 =	vand.u32 $0xFFFF0000, v6;
	v26 =	vshrl.u32 v3, $0x3  }
0x6d1: {  	v19 =	vand.u32 $0xFFFF0000, v9;
	v27 =	vshrl.u32 v3, $0x13;
	v29 =	vshrl.u32 v9, $0x3  }
0x6d2: {  	v47 =	vshrl.u32 v17, $0x10;
	v34 =	vand.u32 $0x7, v17;
	v49 =	vshll.u32 v17, $0x10  }
0x6d3: {  	v38 =	vshrl.u32 v9, $0x13;
	v53 =	vand.u32 $0x7, v7;
	v54 =	vshrl.u32 v2, $0x13  }
0x6d4: {  	v55 =	vshrl.u32 v0, $0x13;
	v56 =	vand.u32 $0x7, v0;
	v57 =	vand.u32 $0xFFFF0000, v0  }
0x6d5: {  	v58 =	vand.u32 $0x7, v2;
	v36 =	vand.u32 $0xFFFF0000, v3;
	v45 =	vand.u32 $0x7, v11  }
0x6d6: {  	v14 =	vand.u32 $0x1FFF, v8;
	v8 =	vshrl.u32 v2, $0x3;
	v30 =	vand.u32 $0x1FFF, v24  }
0x6d7: {  	vm3 =	vgt.s32 v27, v4;
	vm1 =	veq.s32 v27, v4;
	v24 =	vshrl.u32 v17, $0x3  }
0x6d8: {  	v27 =	vshrl.u32 v17, $0x13;
	v29 =	vand.u32 $0x1FFF, v29;
	v17 =	vand.u32 $0xFFFF0000, v17  }
0x6d9: {  	v37 =	vand.u32 $0x1FFF, v26;
	vm6 =	vgt.s32 v25, v4;
	v5 =	vand.u32 $0x1FFF, v5  }
0x6da: {  	v10 =	vand.u32 $0x1FFF, v10;
	v26 =	vshrl.u32 v7, $0x10;
	vm14 =	vgt.s32 v54, v4  }
0x6db: {  	vm0 =	vgt.s32 v14, v4;
	v21 =	vand.u32 $0x1FFF, v8;
	v8 =	vshrl.u32 v3, $0x10  }
0x6dc: {  	v48 =	vand.u32 $0x1FFF, v24;
	vm5 =	vgt.s32 v27, v4;
	vm9 =	veq.s32 v5, v4  }
0x6dd: {  	s31 =	sadd.f32 s23, s9;
	s9 =	simm.s32 $0xC0;
	vm2 =	vgt.s32 v30, v4;
	v59 =	vnsel vm3, $0x0, v36;
	vm3 =	veq.s32 v14, v4  }
0x6de: {  	v41 =	vld [tilespmem:s9+$0x20];
	vm8 =	veq.s32 v27, v4;
	v27 =	vand.u32 $0x7, v47;
	vm7 =	veq.s32 v48, v4  }
0x6df: {  	s1 =	sadd.f32 s31, s1;
	v26 =	vand.u32 $0x7, v26;
	vm15 =	vgt.s32 v10, v4;
	vm1 =	vmmov vm1  }
0x6e0: {  	v44 =	vld [tilespmem:s9+$0xFFFFFFE0];
	vm13 =	veq.s32 v29, v4;
	v16 =	vnsel vm0, $0x0, v18;
	vm0 =	vgt.s32 v12, v4  }
0x6e1: {  	v61 =	vld [tilespmem:s9+$0x0];
	s1 =	sadd.f32 s20, s1;
	v28 =	vand.u32 $0x7, v8;
	(xrf2) =	vadd.scan.msk.f32 $0xffff, v16;
	v16 =	vnsel vm6, $0x0, v22;
	vm6 =	veq.s32 v10, v4  }
0x6e2: {  	v8 =	vshll.u32 v9, $0x10;
	vm4 =	vgt.s32 v48, v4;
	v52 =	vnsel vm5, $0x0, v17;
	[tilespmem:v53+s19+$0x0] =	vst.idx.add.s32.msk vm9, v1  }
0x6e3: {  	s0 =	sadd.f32 s1, s0;
	vm5 =	veq.s32 v54, v4;
	vm12 =	vgt.s32 v21, v4;
	v48 =	vshrl.u32 v41, $0x3;
	[tilespmem:v45+s19+$0x0] =	vst.idx.add.s32.msk vm3, v1  }
0x6e4: {  	v24 =	vnsel vm4, $0x0, v49;
	v50 =	vnsel vm0, $0x0, v20;
	vm0 =	vgt.s32 v29, v4;
	[tilespmem:v34+s19+$0x0] =	vst.idx.add.s32.msk vm7, v1  }
0x6e5: {  	s0 =	sadd.f32 s3, s0;
	v33 =	vnsel vm0, $0x0, v8;
	vm0 =	vgt.s32 v38, v4;
	(xrf2) =	vadd.scan.msk.f32 $0xffff, v52;
	[tilespmem:v45+s24+$0x0] =	vst.idx.add.f32.msk vm3, v18  }
0x6e6: {  	v51 =	vnsel vm0, $0x0, v19;
	vm0 =	veq.s32 v13, v4;
	(xrf2) =	vadd.scan.msk.f32 $0xffff, v50;
	[tilespmem:v34+s24+$0x0] =	vst.idx.add.f32.msk vm7, v49  }
0x6e7: {  	vm4 =	vgt.s32 v37, v4;
	s0 =	sadd.f32 s0, s30;
	v29 =	vand.u32 $0xFFFF0000, v7;
	(xrf2) =	vadd.scan.msk.f32 $0xffff, v16;
	[tilespmem:v56+s19+$0x0] =	vst.idx.add.s32.msk vm6, v1  }
0x6e8: {  	v48 =	vand.u32 $0x1FFF, v48;
	v52 =	vand.u32 $0x7, v61;
	(xrf2) =	vadd.scan.msk.f32 $0xffff, v51;
	[tilespmem:v27+s19+$0x0] =	vst.idx.add.s32.msk vm8, v1  }
0x6e9: {  	s0 =	sadd.f32 s4, s0;
	v51 =	vshrl.u32 v61, $0x10;
	v18 =	vshll.u32 v44, $0x10;
	[tilespmem:v27+s24+$0x0] =	vst.idx.add.f32.msk vm8, v17;
	v27 =	vshll.u32 v7, $0x10  }
0x6ea: {  	vm7 =	veq.s32 v55, v4;
	v17 =	vshrl.u32 v0, $0x10;
	v0 =	vshll.u32 v0, $0x10;
	[tilespmem:v53+s24+$0x0] =	vst.idx.add.f32.msk vm9, v27  }
0x6eb: {  	s0 =	sadd.f32 s0, s5;
	vm8 =	veq.s32 v21, v4;
	v16 =	vand.u32 $0x7, v17;
	[tilespmem:v56+s24+$0x0] =	vst.idx.add.f32.msk vm6, v0;
	vm6 =	vgt.s32 v55, v4  }
0x6ec: {  	v34 =	vshll.u32 v3, $0x10;
	[tilespmem:v26+s19+$0x0] =	vst.idx.add.s32.msk vm0, v1;
	v3 =	vnsel vm6, $0x0, v57;
	vm6 =	vgt.s32 v5, v4  }
0x6ed: {  	v51 =	vand.u32 $0x7, v51;
	s0 =	sadd.f32 s7, s0;
	v40 =	vnsel vm4, $0x0, v34;
	v5 =	vld [tilespmem:s9+$0xFFFFFFD0];
	v21 =	vnsel vm6, $0x0, v27  }
0x6ee: {  	vm6 =	veq.s32 v30, v4;
	v30 =	vnsel vm2, $0x0, v23;
	vm2 =	veq.s32 v37, v4;
	v37 =	vld [tilespmem:s9+$0x10]  }
0x6ef: {  	vm4 =	veq.s32 v12, v4;
	s0 =	sadd.f32 s0, s6;
	v17 =	vand.u32 $0xFFFF0000, v2;
	v2 =	vshrl.u32 v2, $0x10;
	[tilespmem:v26+s24+$0x0] =	vst.idx.add.f32.msk vm0, v29  }
0x6f0: {  	v0 =	vnsel vm15, $0x0, v0;
	v53 =	vshll.u32 v61, $0x10;
	v2 =	vand.u32 $0x7, v2;
	[tilespmem:v16+s19+$0x0] =	vst.idx.add.s32.msk vm7, v1  }
0x6f1: {  	v60, _, _ =	vpop (xrf2);
	s0 =	sadd.f32 s17, s0;
	v27 =	vshrl.u32 v6, $0x10;
	(xrf2) =	vadd.scan.msk.f32 $0xffff, v3;
	v3 =	vand.u32 $0x7, v9;
	[tilespmem:v58+s19+$0x0] =	vst.idx.add.s32.msk vm8, v1  }
0x6f2: {  	v43 =	vnsel vm14, $0x0, v17;
	v10, _, _ =	vpop (xrf2);
	v46 =	vand.u32 $0x7, v27;
	[tilespmem:v16+s24+$0x0] =	vst.idx.add.f32.msk vm7, v57;
	vm7 =	vgt.s32 v13, v4  }
0x6f3: {  	v14, _, _ =	vpop (xrf2);
	s0 =	sadd.f32 s0, s8;
	[tilespmem:v58+s24+$0x0] =	vst.idx.add.f32.msk vm8, v15;
	v13 =	vshrl.u32 v11, $0x10;
	v15 =	vnsel vm12, $0x0, v15;
	vm8 =	veq.s32 v25, v4  }
0x6f4: {  	(xrf2) =	vadd.scan.msk.f32 $0xffff, v59;
	v16, _, _ =	vpop (xrf2);
	v25 =	vand.u32 $0x7, v6;
	v11 =	vld [tilespmem:s9+$0xFFFFFFC0];
	v6 =	vand.u32 $0xFFFF0000, v5;
	v7 =	vshrl.u32 v5, $0x3  }
0x6f5: {  	s0 =	sadd.f32 s18, s0;
	[tilespmem:v2+s19+$0x0] =	vst.idx.add.s32.msk vm5, v1;
	v32 =	vand.u32 $0x7, v13;
	(v2sf) =	vpush v16, $0xF;
	(xrf2) =	vadd.scan.msk.f32 $0xffff, v15  }
0x6f6: {  	v42 =	vand.u32 $0x1FFF, v7;
	[tilespmem:v3+s19+$0x0] =	vst.idx.add.s32.msk vm13, v1;
	v7 =	vshll.u32 v5, $0x10;
	v59 =	vshrl.u32 v37, $0x13  }
0x6f7: {  	s0 =	sadd.f32 s0, s22;
	v45 =	vand.u32 $0xFFFF0000, v37;
	[tilespmem:v2+s24+$0x0] =	vst.idx.add.f32.msk vm5, v17;
	v2 =	vshrl.u32 v9, $0x10;
	(v2sf) =	vpush v14, $0xF  }
0x6f8: {  	v16 =	vld [tilespmem:s9+$0x30];
	vm5 =	veq.s32 v38, v4;
	(xrf2) =	vadd.scan.msk.f32 $0xffff, v0;
	v0 =	vnsel vm7, $0x0, v29;
	v17 =	vshrl.u32 v5, $0x13  }
0x6f9: {  	v38 =	vshll.u32 v37, $0x10;
	vm7 =	vgt.s32 v42, v4;
	v9 =	vshrl.u32 v37, $0x3;
	[tilespmem:v3+s24+$0x0] =	vst.idx.add.f32.msk vm13, v8;
	s0 =	sadd.f32 s26, s0  }
0x6fa: {  	v8 =	vand.u32 $0x7, v44;
	[tilespmem:v31+s19+$0x0] =	vst.idx.add.s32.msk vm2, v1;
	vm13 =	veq.s32 v48, v4;
	v2 =	vand.u32 $0x7, v2  }
0x6fb: {  	v14 =	vld [tilespmem:s9+$0xFFFFFFF0];
	(v2sf) =	vpush v60, $0xF;
	(xrf2) =	vadd.scan.msk.f32 $0xffff, v43;
	v3 =	vnsel vm7, $0x0, v7;
	vm14 =	vgt.s32 v17, v4;
	s0 =	sadd.f32 s0, s12  }
0x6fc: {  	(xrf2) =	vadd.scan.msk.f32 $0xffff, v21;
	v27 =	vshrl.u32 v11, $0x3;
	v21 =	vshrl.u32 v11, $0x13;
	[tilespmem:v25+s19+$0x0] =	vst.idx.add.s32.msk vm6, v1  }
0x6fd: {  	v13 =	vand.u32 $0xFFFF0000, v11;
	(xrf2) =	vadd.scan.msk.f32 $0xffff, v0;
	v47 =	vshrl.u32 v16, $0x3;
	[tilespmem:v25+s24+$0x0] =	vst.idx.add.f32.msk vm6, v23;
	s0 =	sadd.f32 s11, s0  }
0x6fe: {  	v39 =	vshrl.u32 v16, $0x13;
	v50 =	vand.u32 $0x1FFF, v27;
	(xrf2) =	vadd.scan.msk.f32 $0xffff, v3;
	[tilespmem:v32+s19+$0x0] =	vst.idx.add.s32.msk vm4, v1  }
0x6ff: {  	v3 =	vshrl.u32 v61, $0x13;
	vm15 =	vgt.s32 v21, v4;
	v63 =	vand.u32 $0x7, v16;
	[tilespmem:v2+s19+$0x0] =	vst.idx.add.s32.msk vm5, v1;
	s0 =	sadd.f32 s0, s13  }
0x700: {  	v15 =	vand.u32 $0xFFFF0000, v14;
	v49 =	vshrl.u32 v14, $0x3;
	[tilespmem:v2+s24+$0x0] =	vst.idx.add.f32.msk vm5, v19;
	v2 =	vshrl.u32 v44, $0x13  }
0x701: {  	(xrf2) =	vadd.scan.msk.f32 $0xffff, v24;
	vm7 =	vgt.s32 v2, v4;
	vm5 =	veq.s32 v2, v4;
	v2 =	vshrl.u32 v61, $0x3;
	s0 =	sadd.f32 s10, s0  }
0x702: {  	v54, _, _ =	vpop (xrf2);
	vm10 =	vgt.s32 v3, v4;
	v25 =	vshrl.u32 v14, $0x13;
	(xrf2) =	vadd.scan.msk.f32 $0xffff, v30;
	v2 =	vand.u32 $0x1FFF, v2  }
0x703: {  	v23, _, _ =	vpop (xrf2);
	[tilespmem:v46+s19+$0x0] =	vst.idx.add.s32.msk vm8, v1;
	v57 =	vnsel vm15, $0x0, v13;
	vm12 =	veq.s32 v3, v4;
	vm3 =	veq.s32 v2, v4;
	s0 =	sadd.f32 s0, s15  }
0x704: {  	[tilespmem:v32+s24+$0x0] =	vst.idx.add.f32.msk vm4, v20;
	v47 =	vand.u32 $0x1FFF, v47;
	v27 =	vand.u32 $0x1FFF, v49;
	v30, _, _ =	vpop (xrf2);
	v49 =	vand.u32 $0xFFFF0000, v61  }
0x705: {  	[tilespmem:v46+s24+$0x0] =	vst.idx.add.f32.msk vm8, v22;
	vm0 =	vgt.s32 v25, v4;
	vm4 =	veq.s32 v47, v4;
	v35 =	vnsel vm10, $0x0, v49;
	v26, _, _ =	vpop (xrf2);
	s0 =	sadd.f32 s14, s0  }
0x706: {  	v56 =	vnsel vm0, $0x0, v15;
	vm0 =	vgt.s32 v59, v4;
	(xrf2) =	vadd.scan.msk.f32 $0xffff, v35;
	s17 =	sld [smem:$0x7D7];
	[tilespmem:v31+s24+$0x0] =	vst.idx.add.f32.msk vm2, v34;
	v55, _, _ =	vpop (xrf2)  }
0x707: {  	v35 =	vnsel vm0, $0x0, v45;
	v31 =	vshll.u32 v41, $0x10;
	vm0 =	vgt.s32 v48, v4;
	[tilespmem:v28+s19+$0x0] =	vst.idx.add.s32.msk vm1, v1;
	v58, _, _ =	vpop (xrf2);
	s0 =	sadd.f32 s0, s21  }
0x708: {  	(v2sf) =	vpush v30, $0xF;
	(xrf2) =	vadd.scan.msk.f32 $0xffff, v40;
	v40 =	vnsel vm0, $0x0, v31;
	s18 =	sld [smem:$0x7D8];
	[tilespmem:v28+s24+$0x0] =	vst.idx.add.f32.msk vm1, v36;
	v29, _, _ =	vpop (xrf2)  }
0x709: {  	vm0 =	veq.s32 v39, v4;
	vm11 =	vgt.s32 v2, v4;
	v28 =	vshrl.u32 v16, $0x10;
	v30, _, _ =	vpop (xrf2);
	[tilespmem:v52+s19+$0x0] =	vst.idx.add.s32.msk vm3, v1;
	s0 =	sadd.f32 s16, s0  }
0x70a: {  	v2 =	vshrl.u32 v41, $0x13;
	(xrf2) =	vadd.scan.msk.f32 $0xffff, v33;
	v28 =	vand.u32 $0x7, v28;
	v32, _, _ =	vpop (xrf2);
	s20 =	sld [smem:$0x7D9];
	[tilespmem:v52+s24+$0x0] =	vst.idx.add.f32.msk vm3, v53  }
0x70b: {  	v46 =	vnsel vm14, $0x0, v6;
	vm1 =	vgt.s32 v2, v4;
	v3, _, _ =	vpop (xrf2);
	v52 =	vand.u32 $0x7, v41;
	[tilespmem:v51+s19+$0x0] =	vst.idx.add.s32.msk vm12, v1;
	s0 =	sadd.f32 s0, s17  }
0x70c: {  	(xrf2) =	vadd.scan.msk.f32 $0xffff, v46;
	vm2 =	veq.s32 v2, v4;
	v2 =	vshrl.u32 v41, $0x10;
	v62, _, _ =	vpop (xrf2);
	s21 =	sld [smem:$0x7DA];
	[tilespmem:v51+s24+$0x0] =	vst.idx.add.f32.msk vm12, v49  }
0x70d: {  	(xrf2) =	vadd.scan.msk.f32 $0xffff, v57;
	v57 =	vshll.u32 v16, $0x10;
	(v2sf) =	vpush v62, $0xF;
	[tilespmem:v63+s19+$0x0] =	vst.idx.add.s32.msk vm4, v1;
	s0 =	sadd.f32 s18, s0  }
0x70e: {  	v43 =	vand.u32 $0x1FFF, v9;
	v9 =	vshrl.u32 v44, $0x10;
	v2 =	vand.u32 $0x7, v2;
	s22 =	sld [smem:$0x7DB];
	[tilespmem:v63+s24+$0x0] =	vst.idx.add.f32.msk vm4, v57  }
0x70f: {  	v60 =	vand.u32 $0xFFFF0000, v41;
	v9 =	vand.u32 $0x7, v9;
	v0 =	vshrl.u32 v44, $0x3;
	[tilespmem:v28+s19+$0x0] =	vst.idx.add.s32.msk vm0, v1;
	s0 =	sadd.f32 s0, s20  }
0x710: {  	v12 =	vshll.u32 v11, $0x10;
	v0 =	vand.u32 $0x1FFF, v0;
	vm6 =	vgt.s32 v50, v4;
	s23 =	sld [smem:$0x7DC];
	[tilespmem:v52+s19+$0x0] =	vst.idx.add.s32.msk vm13, v1  }
0x711: {  	v20 =	vand.u32 $0xFFFF0000, v44;
	v19 =	vshll.u32 v14, $0x10;
	vm8 =	vgt.s32 v27, v4;
	[tilespmem:v52+s24+$0x0] =	vst.idx.add.f32.msk vm13, v31;
	s0 =	sadd.f32 s21, s0  }
0x712: {  	vm15 =	veq.s32 v59, v4;
	v22 =	vnsel vm8, $0x0, v19;
	vm8 =	vgt.s32 v0, v4;
	v44, _, _ =	vpop (xrf2);
	s25 =	sld [smem:$0x7DD]  }
0x713: {  	v24 =	vnsel vm11, $0x0, v53;
	v53 =	vnsel vm1, $0x0, v60;
	vm1 =	veq.s32 v43, v4;
	v63, _, _ =	vpop (xrf2);
	[tilespmem:v2+s19+$0x0] =	vst.idx.add.s32.msk vm2, v1;
	s0 =	sadd.f32 s0, s22  }
0x714: {  	v62 =	vand.u32 $0x7, v37;
	[tilespmem:v2+s24+$0x0] =	vst.idx.add.f32.msk vm2, v60;
	vm2 =	veq.s32 v0, v4;
	v0, _, _ =	vpop (xrf2);
	(xrf2) =	vadd.scan.msk.f32 $0xffff, v56  }
0x715: {  	vm14 =	vgt.s32 v43, v4;
	v61 =	vnsel vm7, $0x0, v20;
	v37 =	vshrl.u32 v37, $0x10;
	s0 =	sadd.f32 s23, s0  }
0x716: {  	vm7 =	vgt.s32 v39, v4;
	v37 =	vand.u32 $0x7, v37;
	(v2sf) =	vpush v63, $0xF  }
0x717: {  	v39 =	vnsel vm14, $0x0, v38;
	v36 =	vnsel vm6, $0x0, v12;
	(v2sf) =	vpush v3, $0xF;
	(xrf2) =	vadd.scan.msk.f32 $0xffff, v53;
	s0 =	sadd.f32 s0, s25  }
0x718: {  	v33 =	vnsel vm8, $0x0, v18;
	s1 =	spop (v2sf);
	vm3 =	vgt.s32 v47, v4;
	(v2sf) =	vpush v58, $0xF;
	s26 =	rddreg [dreg:$0x1f]  }
0x719: {  	v47 =	vshrl.u32 v11, $0x10;
	v41 =	vnsel vm3, $0x0, v57;
	(v2sf) =	vpush v54, $0xF;
	[tilespmem:v62+s19+$0x0] =	vst.idx.add.s32.msk vm1, v1;
	s2 =	sadd.f32 s26, s0;
	s0 =	spop (v2sf)  }
0x71a: {  	vm3 =	veq.s32 v42, v4;
	v42, _, _ =	vpop (xrf2);
	[tilespmem:v62+s24+$0x0] =	vst.idx.add.f32.msk vm1, v38;
	(xrf2) =	vadd.scan.msk.f32 $0xffff, v61;
	s20 =	spop (v2sf);
	(v2sf) =	vpush v0, $0xF  }
0x71b: {  	s13 =	simm.s32 $0x80;
	vm4 =	veq.s32 v50, v4;
	v3 =	vshrl.u32 v5, $0x10;
	s31 =	rddreg [dreg:$0x18];
	[tilespmem:v37+s19+$0x0] =	vst.idx.add.s32.msk vm15, v1;
	v0, _, _ =	vpop (xrf2);
	s30 =	spop (v2sf);
	(v2sf) =	vpush v55, $0xF  }
0x71c: {  	s14 =	simm.s32 $0x140;
	v31 =	vand.u32 $0x7, v3;
	vm1 =	vmmov vm5;
	[tilespmem:v37+s24+$0x0] =	vst.idx.add.f32.msk vm15, v45;
	s9 =	sadd.f32 s2, s31;
	(v2sf) =	vpush v0, $0xF;
	s23 =	spop (v2sf)  }
.LBB2_36:
0x71d: {  	s13 =	sadd.s32 $0x80, s13;
	v49 =	vand.u32 $0x7, v5;
	v5 =	vld [tilespmem:s14+$0xFFFFFFD0];
	vm5 =	veq.s32 v17, v4;
	(xrf2) =	vadd.scan.msk.f32 $0xffff, v39;
	(v2sf) =	vpush v26, $0xF  }
0x71e: {  	v2 =	vand.u32 $0x7, v47;
	vm8 =	veq.s32 v27, v4;
	s2 =	sadd.f32 s23, s9;
	v0 =	vld [tilespmem:s14+$0x30];
	p1 =	slt.u32 s13, $0x1F80;
	v34, _, _ =	vpop (xrf2);
	(v2sf) =	vpush v10, $0xF  }
0x71f: {  	vm9 =	veq.s32 v21, v4;
	v3 =	vand.u32 $0x7, v14;
	v10 =	vmovc v44;
	v39 =	vld [tilespmem:s14+$0x20];
	(v2sf) =	vpush v23, $0xF  }
0x720: {  	v27 =	vand.u32 $0x7, v11;
	v11 =	vshrl.u32 v14, $0x10;
	s1 =	sadd.f32 s2, s1;
	v37 =	vld [tilespmem:s14+$0x10];
	(v2sf) =	vpush v42, $0xF;
	(xrf2) =	vadd.scan.msk.f32 $0xffff, v40  }
0x721: {  	vm6 =	veq.s32 v25, v4;
	v25 =	vand.u32 $0x7, v11;
	v14 =	vld [tilespmem:s14+$0xFFFFFFF0];
	(v2sf) =	vpush v32, $0xF;
	v23, _, _ =	vpop (xrf2)  }
0x722: {  	v32 =	vand.u32 $0xFFFF0000, v16;
	s1 =	sadd.f32 s20, s1;
	v11 =	vld [tilespmem:s14+$0xFFFFFFC0];
	v40 =	vand.u32 $0xFFFF0000, v5;
	(v2sf) =	vpush v29, $0xF  }
0x723: {  	v29 =	vnsel vm7, $0x0, v32;
	v47 =	vld [tilespmem:s14+$0xFFFFFFE0];
	v44 =	vshrl.u32 v0, $0x3;
	v42 =	vshrl.u32 v0, $0x13;
	(xrf2) =	vadd.scan.msk.f32 $0xffff, v35;
	v16 =	vmovc v0  }
0x724: {  	v0 =	vshrl.u32 v5, $0x3;
	s0 =	sadd.f32 s1, s0;
	v51 =	vshrl.u32 v39, $0x3;
	[tilespmem:v3+s19+$0x0] =	vst.idx.add.s32.msk vm8, v1;
	v35, _, _ =	vpop (xrf2);
	(v2sf) =	vpush v30, $0xF  }
0x725: {  	v17 =	vshrl.u32 v5, $0x13;
	v45 =	vand.u32 $0x1FFF, v0;
	v38 =	vshll.u32 v37, $0x10;
	[tilespmem:v3+s24+$0x0] =	vst.idx.add.f32.msk vm8, v19;
	s1 =	spop (v2sf)  }
0x726: {  	v0 =	vshll.u32 v5, $0x10;
	vm7 =	vgt.s32 v45, v4;
	v3 =	vshrl.u32 v37, $0x3;
	(xrf2) =	vadd.scan.msk.f32 $0xffff, v41;
	s0 =	sadd.f32 s1, s0;
	s4 =	spop (v2sf)  }
0x727: {  	vm10 =	vgt.s32 v17, v4;
	v30 =	vnsel vm7, $0x0, v0;
	v46 =	vand.u32 $0x1FFF, v3;
	v41 =	vld [tilespmem:s14+$0x0];
	v26, _, _ =	vpop (xrf2);
	s2 =	spop (v2sf)  }
0x728: {  	v3 =	vshrl.u32 v11, $0x3;
	v52 =	vshll.u32 v11, $0x10;
	v53 =	vand.u32 $0x7, v47;
	[tilespmem:v25+s19+$0x0] =	vst.idx.add.s32.msk vm6, v1;
	s0 =	sadd.f32 s0, s30;
	s5 =	spop (v2sf)  }
0x729: {  	v21 =	vshrl.u32 v11, $0x13;
	v54 =	vand.u32 $0xFFFF0000, v11;
	v19 =	vshrl.u32 v47, $0x10;
	(xrf2) =	vadd.scan.msk.f32 $0xffff, v29;
	s1 =	spop (v2sf)  }
0x72a: {  	v55 =	vshrl.u32 v47, $0x3;
	v50 =	vand.u32 $0x7, v19;
	[tilespmem:v25+s24+$0x0] =	vst.idx.add.f32.msk vm6, v15;
	v15 =	vand.u32 $0xFFFF0000, v14;
	v43, _, _ =	vpop (xrf2);
	s0 =	sadd.f32 s1, s0;
	s3 =	spop (v2sf)  }
0x72b: {  	v29 =	vshrl.u32 v14, $0x3;
	v19 =	vshll.u32 v14, $0x10;
	v25 =	vshrl.u32 v47, $0x13;
	[tilespmem:v27+s19+$0x0] =	vst.idx.add.s32.msk vm4, v1;
	s1 =	spop (v2sf)  }
0x72c: {  	v3 =	vand.u32 $0x1FFF, v3;
	vm7 =	vgt.s32 v25, v4;
	v56 =	vshrl.u32 v41, $0x10;
	(xrf2) =	vadd.scan.msk.f32 $0xffff, v30;
	s0 =	sadd.f32 s0, s5;
	s5 =	spop (v2sf)  }
0x72d: {  	vm6 =	veq.s32 v25, v4;
	v25 =	vshrl.u32 v41, $0x3;
	v57 =	vshrl.u32 v41, $0x13;
	[tilespmem:v27+s24+$0x0] =	vst.idx.add.f32.msk vm4, v12;
	v48, _, _ =	vpop (xrf2);
	s6 =	spop (v2sf)  }
0x72e: {  	v59 =	vand.u32 $0x7, v41;
	v58 =	vand.u32 $0x1FFF, v25;
	vm4 =	vgt.s32 v57, v4;
	v12 =	vmovc v52;
	[tilespmem:v2+s19+$0x0] =	vst.idx.add.s32.msk vm9, v1;
	s7 =	sadd.f32 s4, s0;
	s4 =	spop (v2sf)  }
0x72f: {  	vm8 =	vgt.s32 v3, v4;
	v52 =	vshll.u32 v41, $0x10;
	vm11 =	vgt.s32 v58, v4;
	s0 =	spop (v2sf);
	(xrf2) =	vadd.scan.msk.f32 $0xffff, v24  }
0x730: {  	v27 =	vand.u32 $0x1FFF, v29;
	v25 =	vshrl.u32 v14, $0x13;
	v24 =	vnsel vm11, $0x0, v52;
	[tilespmem:v2+s24+$0x0] =	vst.idx.add.f32.msk vm9, v13;
	s20 =	spop (v2sf);
	v29, _, _ =	vpop (xrf2);
	s6 =	sadd.f32 s7, s6  }
0x731: {  	v60 =	vand.u32 $0xFFFF0000, v41;
	v2 =	vnsel vm10, $0x0, v40;
	vm9 =	vgt.s32 v27, v4;
	v13 =	vmovc v54;
	[tilespmem:v28+s24+$0x0] =	vst.idx.add.f32.msk vm0, v32;
	s7 =	spop (v2sf)  }
0x732: {  	v54 =	vand.u32 $0x1FFF, v55;
	v28 =	vnsel vm9, $0x0, v19;
	vm0 =	vgt.s32 v25, v4;
	(xrf2) =	vadd.scan.msk.f32 $0xffff, v36;
	s5 =	sadd.f32 s5, s6  }
0x733: {  	vm10 =	vgt.s32 v21, v4;
	vm9 =	vgt.s32 v54, v4;
	v55 =	vnsel vm0, $0x0, v15;
	[tilespmem:v49+s19+$0x0] =	vst.idx.add.s32.msk vm3, v1;
	v30, _, _ =	vpop (xrf2);
	s6 =	spop (v2sf)  }
0x734: {  	v61 =	vshrl.u32 v37, $0x13;
	v41 =	vnsel vm4, $0x0, v60;
	v36 =	vnsel vm10, $0x0, v13;
	[tilespmem:v49+s24+$0x0] =	vst.idx.add.f32.msk vm3, v7;
	s2 =	sadd.f32 s5, s2;
	v7 =	vmovc v0  }
0x735: {  	v0 =	vshll.u32 v47, $0x10;
	v49 =	vand.u32 $0xFFFF0000, v37;
	(xrf2) =	vadd.scan.msk.f32 $0xffff, v41;
	(v2sf) =	vpush v35, $0xF  }
0x736: {  	v62 =	vshrl.u32 v39, $0x13;
	v63 =	vand.u32 $0xFFFF0000, v39;
	vm0 =	vgt.s32 v61, v4;
	v32, _, _ =	vpop (xrf2);
	[tilespmem:v31+s19+$0x0] =	vst.idx.add.s32.msk vm5, v1;
	s2 =	sadd.f32 s3, s2  }
0x737: {  	v51 =	vand.u32 $0x1FFF, v51;
	vm3 =	veq.s32 v58, v4;
	v35 =	vnsel vm0, $0x0, v49;
	[tilespmem:v31+s24+$0x0] =	vst.idx.add.f32.msk vm5, v6;
	v6 =	vmovc v40  }
0x738: {  	v58 =	vshll.u32 v39, $0x10;
	vm0 =	vgt.s32 v51, v4;
	v31 =	vand.u32 $0xFFFF0000, v47;
	(xrf2) =	vadd.scan.msk.f32 $0xffff, v33;
	s2 =	sadd.f32 s2, s4  }
0x739: {  	vm12 =	veq.s32 v57, v4;
	v40 =	vnsel vm0, $0x0, v58;
	vm0 =	vgt.s32 v62, v4;
	[tilespmem:v8+s19+$0x0] =	vst.idx.add.s32.msk vm2, v1;
	v57, _, _ =	vpop (xrf2)  }
0x73a: {  	v41 =	vand.u32 $0x1FFF, v44;
	v33 =	vand.u32 $0x7, v56;
	v56 =	vnsel vm0, $0x0, v63;
	[tilespmem:v8+s24+$0x0] =	vst.idx.add.f32.msk vm2, v18;
	s2 =	sadd.f32 s7, s2;
	v8 =	vmovc v53;
	v18 =	vmovc v0  }
0x73b: {  	vm0 =	vgt.s32 v41, v4;
	vm2 =	veq.s32 v41, v4;
	v0 =	vshll.u32 v16, $0x10;
	(xrf2) =	vadd.scan.msk.f32 $0xffff, v22;
	v22 =	vmovc v28  }
0x73c: {  	vm11 =	vgt.s32 v46, v4;
	v53 =	vnsel vm7, $0x0, v31;
	v41 =	vnsel vm0, $0x0, v0;
	[tilespmem:v9+s19+$0x0] =	vst.idx.add.s32.msk vm1, v1;
	v28, _, _ =	vpop (xrf2);
	s9 =	sadd.f32 s2, s6  }
0x73d: {  	vm10 =	veq.s32 v51, v4;
	v51 =	vand.u32 $0x7, v16;
	[tilespmem:v9+s24+$0x0] =	vst.idx.add.f32.msk vm1, v20;
	(v2sf) =	vpush v28, $0xF;
	v9 =	vmovc v50  }
0x73e: {  	vm0 =	veq.s32 v42, v4;
	v28 =	vshrl.u32 v16, $0x10;
	v20 =	vmovc v31;
	[tilespmem:v59+s19+$0x0] =	vst.idx.add.s32.msk vm3, v1;
	(xrf2) =	vadd.scan.msk.f32 $0xffff, v2  }
0x73f: {  	vm4 =	veq.s32 v3, v4;
	vm5 =	veq.s32 v61, v4;
	v28 =	vand.u32 $0x7, v28;
	[tilespmem:v59+s24+$0x0] =	vst.idx.add.f32.msk vm3, v52;
	v44, _, _ =	vpop (xrf2)  }
0x740: {  	vm13 =	veq.s32 v62, v4;
	v47 =	vshrl.u32 v11, $0x10;
	v2 =	vand.u32 $0x7, v39;
	[tilespmem:v33+s19+$0x0] =	vst.idx.add.s32.msk vm12, v1  }
0x741: {  	v3 =	vshrl.u32 v39, $0x10;
	vm7 =	vgt.s32 v42, v4;
	[tilespmem:v33+s24+$0x0] =	vst.idx.add.f32.msk vm12, v60;
	(xrf2) =	vadd.scan.msk.f32 $0xffff, v36  }
0x742: {  	v3 =	vand.u32 $0x7, v3;
	vm3 =	veq.s32 v45, v4;
	v36 =	vnsel vm8, $0x0, v12;
	[tilespmem:v51+s19+$0x0] =	vst.idx.add.s32.msk vm2, v1;
	v31, _, _ =	vpop (xrf2)  }
0x743: {  	v45 =	vshrl.u32 v5, $0x10;
	v33 =	vnsel vm9, $0x0, v18;
	vm8 =	veq.s32 v46, v4;
	[tilespmem:v51+s24+$0x0] =	vst.idx.add.f32.msk vm2, v0  }
0x744: {  	vm2 =	veq.s32 v54, v4;
	v0 =	vand.u32 $0x7, v37;
	[tilespmem:v28+s19+$0x0] =	vst.idx.add.s32.msk vm0, v1;
	(xrf2) =	vadd.scan.msk.f32 $0xffff, v55;
	s30 =	spop (v2sf)  }
0x745: {  	vm1 =	vmmov vm6;
	v39 =	vnsel vm11, $0x0, v38;
	v37 =	vshrl.u32 v37, $0x10;
	[tilespmem:v2+s19+$0x0] =	vst.idx.add.s32.msk vm10, v1;
	v46, _, _ =	vpop (xrf2)  }
0x746: {  	v37 =	vand.u32 $0x7, v37;
	[tilespmem:v2+s24+$0x0] =	vst.idx.add.f32.msk vm10, v58;
	(v2sf) =	vpush v31, $0xF  }
0x747: {  	[tilespmem:v3+s19+$0x0] =	vst.idx.add.s32.msk vm13, v1;
	(xrf2) =	vadd.scan.msk.f32 $0xffff, v56;
	(v2sf) =	vpush v57, $0xF  }
.Ltmp17:
0x748: {  	[tilespmem:v3+s24+$0x0] =	vst.idx.add.f32.msk vm13, v63;
	v42, _, _ =	vpop (xrf2);
	(v2sf) =	vpush v48, $0xF;
	(pc) =	sbr.rel @p1 .LBB2_36-.Ltmp17, $4  }
0x749: {  	[tilespmem:v0+s19+$0x0] =	vst.idx.add.s32.msk vm8, v1;
	(v2sf) =	vpush v34, $0xF  }
0x74a: {  	[tilespmem:v0+s24+$0x0] =	vst.idx.add.f32.msk vm8, v38;
	(xrf2) =	vadd.scan.msk.f32 $0xffff, v53;
	(v2sf) =	vpush v46, $0xF  }
0x74b: {  	[tilespmem:v37+s19+$0x0] =	vst.idx.add.s32.msk vm5, v1;
	v0, _, _ =	vpop (xrf2);
	(v2sf) =	vpush v43, $0xF  }
0x74c: {  	s14 =	sadd.s32 $0x80, s14;
	v31 =	vand.u32 $0x7, v45;
	[tilespmem:v37+s24+$0x0] =	vst.idx.add.f32.msk vm5, v49;
	(v2sf) =	vpush v0, $0xF;
	s23 =	spop (v2sf)  }
0x74d: {  	(xrf2) =	vadd.scan.msk.f32 $0xffff, v39  }
0x74e: {  	(xrf2) =	vadd.scan.msk.f32 $0xffff, v40  }
0x74f: {  	v0 =	vand.u32 $0xFFFF0000, v16;
	(xrf2) =	vadd.scan.msk.f32 $0xffff, v35  }
0x750: {  	v2 =	vnsel vm7, $0x0, v0;
	(xrf2) =	vadd.scan.msk.f32 $0xffff, v41  }
0x751: {  	(xrf2) =	vadd.scan.msk.f32 $0xffff, v2  }
0x752: {  	(xrf2) =	vadd.scan.msk.f32 $0xffff, v24  }
0x753: {  	(xrf2) =	vadd.scan.msk.f32 $0xffff, v36  }
0x754: {  	v2, _, _ =	vpop (xrf2);
	(xrf2) =	vadd.scan.msk.f32 $0xffff, v33  }
0x755: {  	v3, _, _ =	vpop (xrf2)  }
0x756: {  	(v2sf) =	vpush v26, $0xF;
	v16, _, _ =	vpop (xrf2)  }
0x757: {  	(v2sf) =	vpush v10, $0xF;
	v10, _, _ =	vpop (xrf2)  }
0x758: {  	(v2sf) =	vpush v23, $0xF;
	v23, _, _ =	vpop (xrf2)  }
0x759: {  	(v2sf) =	vpush v42, $0xF;
	(xrf2) =	vadd.scan.msk.f32 $0xffff, v22;
	v22, _, _ =	vpop (xrf2)  }
0x75a: {  	(v2sf) =	vpush v32, $0xF;
	v24, _, _ =	vpop (xrf2)  }
0x75b: {  	(v2sf) =	vpush v29, $0xF;
	v26, _, _ =	vpop (xrf2)  }
0x75c: {  	(v2sf) =	vpush v30, $0xF;
	v29, _, _ =	vpop (xrf2)  }
0x75d: {  	(v2sf) =	vpush v16, $0xF;
	v16, _, _ =	vpop (xrf2)  }
0x75e: {  	s3 =	spop (v2sf);
	(v2sf) =	vpush v16, $0xF;
	v16, _, _ =	vpop (xrf2)  }
0x75f: {  	s7 =	spop (v2sf);
	(v2sf) =	vpush v16, $0xF  }
0x760: {  	s18 =	spop (v2sf);
	(v2sf) =	vpush v29, $0xF  }
0x761: {  	s5 =	spop (v2sf)  }
0x762: {  	vm5 =	veq.s32 v27, v4;
	s4 =	spop (v2sf);
	(v2sf) =	vpush v22, $0xF  }
0x763: {  	s8 =	spop (v2sf);
	(v2sf) =	vpush v2, $0xF;
	v2 =	vand.u32 $0x7, v14  }
0x764: {  	vm6 =	veq.s32 v25, v4;
	s13 =	spop (v2sf);
	v16, _, _ =	vpop (xrf2);
	v14 =	vshrl.u32 v14, $0x10  }
0x765: {  	s17 =	spop (v2sf);
	(v2sf) =	vpush v16, $0xF;
	v14 =	vand.u32 $0x7, v14  }
0x766: {  	s6 =	spop (v2sf);
	(v2sf) =	vpush v23, $0xF  }
0x767: {  	s22 =	spop (v2sf);
	(v2sf) =	vpush v10, $0xF;
	v10 =	vand.u32 $0x7, v11  }
0x768: {  	vm7 =	veq.s32 v21, v4;
	s15 =	spop (v2sf);
	(v2sf) =	vpush v44, $0xF;
	[tilespmem:v2+s19+$0x0] =	vst.idx.add.s32.msk vm5, v1  }
0x769: {  	s10 =	spop (v2sf);
	(v2sf) =	vpush v3, $0xF;
	v3 =	vand.u32 $0x7, v47;
	[tilespmem:v2+s24+$0x0] =	vst.idx.add.f32.msk vm5, v19  }
0x76a: {  	s26 =	spop (v2sf);
	[tilespmem:v14+s19+$0x0] =	vst.idx.add.s32.msk vm6, v1  }
0x76b: {  	s12 =	spop (v2sf);
	[tilespmem:v14+s24+$0x0] =	vst.idx.add.f32.msk vm6, v15  }
0x76c: {  	s21 =	spop (v2sf);
	[tilespmem:v10+s19+$0x0] =	vst.idx.add.s32.msk vm4, v1  }
0x76d: {  	(v2sf) =	vpush v24, $0xF;
	[tilespmem:v10+s24+$0x0] =	vst.idx.add.f32.msk vm4, v12;
	s11 =	spop (v2sf)  }
0x76e: {  	v2 =	vand.u32 $0x7, v5;
	[tilespmem:v3+s19+$0x0] =	vst.idx.add.s32.msk vm7, v1;
	s14 =	spop (v2sf)  }
0x76f: {  	vm5 =	veq.s32 v17, v4;
	(v2sf) =	vpush v26, $0xF;
	[tilespmem:v3+s24+$0x0] =	vst.idx.add.f32.msk vm7, v13;
	s2 =	spop (v2sf)  }
0x770: {  	[smem:$0x7D1] =	sst s2  }
0x771: {  	s25 =	spop (v2sf);
	[tilespmem:v28+s24+$0x0] =	vst.idx.add.f32.msk vm0, v0  }
0x772: {  	[smem:$0x7D3] =	sst s25  }
0x773: {  	s25 =	spop (v2sf);
	[tilespmem:v2+s19+$0x0] =	vst.idx.add.s32.msk vm3, v1  }
0x774: {  	s16 =	spop (v2sf);
	[tilespmem:v2+s24+$0x0] =	vst.idx.add.f32.msk vm3, v7  }
0x775: {  	s31 =	spop (v2sf);
	[tilespmem:v31+s19+$0x0] =	vst.idx.add.s32.msk vm5, v1  }
0x776: {  	[smem:$0x7D4] =	sst s31  }
0x777: {  	s31 =	spop (v2sf);
	[tilespmem:v31+s24+$0x0] =	vst.idx.add.f32.msk vm5, v6  }
0x778: {  	[smem:$0x7D2] =	sst s31  }
0x779: {  	s31 =	spop (v2sf);
	[tilespmem:v8+s19+$0x0] =	vst.idx.add.s32.msk vm2, v1  }
0x77a: {  	s2 =	spop (v2sf);
	[tilespmem:v8+s24+$0x0] =	vst.idx.add.f32.msk vm2, v18  }
0x77b: {  	[smem:$0x7D5] =	sst s2  }
0x77c: {  	s2 =	spop (v2sf);
	[tilespmem:v9+s19+$0x0] =	vst.idx.add.s32.msk vm1, v1  }
0x77d: {  	[smem:$0x7D6] =	sst s2  }
0x77e: {  	s2 =	spop (v2sf);
	[tilespmem:v9+s24+$0x0] =	vst.idx.add.f32.msk vm1, v20  }
0x77f: {  	[dreg:$0x19] =	wrdreg s2;
	s2 =	simm.s32 $0x1  }
0x780: {  	_ =	swait.ge [sflag:s2], $0x2000  }
0x781: {  	[sflag:s2] =	ssyncset.done $0x0  }
0x782: {  	[sflag:s2] =	ssyncadd.s32 $0xFFFFE000;
	s2 =	simm.s32 $0x2070  }
0x783: {  	v10 =	vld [tilespmem:s2+$0xFFFFFFA0]  }
0x784: {  	v7 =	vld [tilespmem:s2+$0x0]  }
0x785: {  	v0 =	vld [tilespmem:s2+$0xFFFFFFF0]  }
0x786: {  	v2 =	vld [tilespmem:s2+$0xFFFFFFE0]  }
0x787: {  	v6 =	vld [tilespmem:s2+$0xFFFFFF90]  }
0x788: {  	v3 =	vld [tilespmem:s2+$0xFFFFFFB0];
	_ =	sdelay $0x1  }
0x789: {  	v9 =	vld [tilespmem:s2+$0xFFFFFFC0];
	v20 =	vand.u32 $0xFFFF0000, v10;
	v5 =	vshrl.u32 v7, $0x3  }
0x78a: {  	v18 =	vld [tilespmem:s2+$0xFFFFFFD0];
	v12 =	vshrl.u32 v7, $0x13;
	v8 =	vshrl.u32 v10, $0x3;
	v13 =	vshrl.u32 v0, $0x3  }
0x78b: {  	v11 =	vshrl.u32 v10, $0x13;
	v16 =	vshll.u32 v2, $0x10;
	v17 =	vshll.u32 v10, $0x10  }
0x78c: {  	v24 =	vshrl.u32 v6, $0x3;
	v23 =	vshll.u32 v6, $0x10;
	v31 =	vand.u32 $0x7, v3  }
0x78d: {  	v25 =	vshrl.u32 v6, $0x13;
	v22 =	vand.u32 $0xFFFF0000, v6;
	v26 =	vshrl.u32 v3, $0x3  }
0x78e: {  	v19 =	vand.u32 $0xFFFF0000, v9;
	v28 =	vshrl.u32 v3, $0x13;
	v29 =	vshrl.u32 v9, $0x3  }
0x78f: {  	v47 =	vshrl.u32 v18, $0x10;
	v34 =	vand.u32 $0x7, v18;
	v49 =	vshll.u32 v18, $0x10  }
0x790: {  	v38 =	vshrl.u32 v9, $0x13;
	v52 =	vand.u32 $0x7, v7;
	v53 =	vshrl.u32 v2, $0x13  }
0x791: {  	v54 =	vshrl.u32 v0, $0x13;
	v55 =	vand.u32 $0x7, v0;
	v56 =	vshll.u32 v7, $0x10  }
0x792: {  	v35 =	vshll.u32 v3, $0x10;
	v36 =	vand.u32 $0xFFFF0000, v3;
	v14 =	vand.u32 $0x1FFF, v8  }
0x793: {  	v8 =	vshrl.u32 v2, $0x3;
	v30 =	vand.u32 $0x1FFF, v24;
	vm3 =	vgt.s32 v28, v4  }
0x794: {  	vm1 =	veq.s32 v28, v4;
	v24 =	vshrl.u32 v18, $0x3;
	v28 =	vshrl.u32 v18, $0x13  }
0x795: {  	v29 =	vand.u32 $0x1FFF, v29;
	v18 =	vand.u32 $0xFFFF0000, v18;
	v26 =	vand.u32 $0x1FFF, v26  }
0x796: {  	s9 =	sadd.f32 s23, s9;
	vm6 =	vgt.s32 v25, v4;
	v33 =	vand.u32 $0x7, v47;
	v5 =	vand.u32 $0x1FFF, v5  }
0x797: {  	v13 =	vand.u32 $0x1FFF, v13;
	vm0 =	vgt.s32 v14, v4;
	v21 =	vand.u32 $0x1FFF, v8  }
0x798: {  	s1 =	sadd.f32 s9, s1;
	v8 =	vshrl.u32 v3, $0x10;
	v48 =	vand.u32 $0x1FFF, v24;
	vm9 =	veq.s32 v5, v4  }
0x799: {  	vm5 =	vgt.s32 v28, v4;
	vm2 =	vgt.s32 v30, v4;
	v15 =	vnsel vm0, $0x0, v17  }
0x79a: {  	s1 =	sadd.f32 s20, s1;
	s20 =	simm.s32 $0x20F0;
	vm0 =	vgt.s32 v11, v4;
	v27 =	vand.u32 $0x7, v8;
	vm7 =	veq.s32 v48, v4  }
0x79b: {  	v41 =	vld [tilespmem:s20+$0xFFFFFFF0];
	v8 =	vshll.u32 v9, $0x10;
	v51 =	vnsel vm5, $0x0, v18;
	v45 =	vnsel vm2, $0x0, v23;
	(xrf2) =	vadd.scan.msk.f32 $0xffff, v15  }
0x79c: {  	v60 =	vld [tilespmem:s20+$0xFFFFFFD0];
	vm2 =	veq.s32 v26, v4;
	v50 =	vnsel vm0, $0x0, v20;
	vm0 =	vgt.s32 v29, v4;
	(xrf2) =	vadd.scan.msk.f32 $0xffff, v51  }
0x79d: {  	v47 =	vld [tilespmem:s20+$0xFFFFFFB0];
	v15 =	vnsel vm6, $0x0, v22;
	v32 =	vnsel vm0, $0x0, v8;
	vm0 =	vgt.s32 v38, v4;
	(xrf2) =	vadd.scan.msk.f32 $0xffff, v50  }
0x79e: {  	vm6 =	veq.s32 v13, v4;
	v37 =	vnsel vm0, $0x0, v19;
	(xrf2) =	vadd.scan.msk.f32 $0xffff, v15;
	[tilespmem:v52+s19+$0x0] =	vst.idx.add.s32.msk vm9, v1  }
0x79f: {  	vm15 =	vgt.s32 v13, v4;
	v13 =	vnsel vm3, $0x0, v36;
	vm3 =	veq.s32 v14, v4;
	(xrf2) =	vadd.scan.msk.f32 $0xffff, v37;
	v37 =	vld [tilespmem:s20+$0xFFFFFFE0]  }
0x7a0: {  	s0 =	sadd.f32 s1, s0;
	v57 =	vand.u32 $0xFFFF0000, v2;
	v46 =	vand.u32 $0x7, v10;
	vm8 =	veq.s32 v28, v4;
	[tilespmem:v34+s19+$0x0] =	vst.idx.add.s32.msk vm7, v1  }
0x7a1: {  	v58 =	vand.u32 $0x7, v2;
	vm14 =	vgt.s32 v53, v4;
	v2 =	vshrl.u32 v2, $0x10;
	[tilespmem:v52+s24+$0x0] =	vst.idx.add.f32.msk vm9, v56  }
0x7a2: {  	s0 =	sadd.f32 s3, s0;
	v28 =	vshrl.u32 v7, $0x10;
	v43 =	vnsel vm14, $0x0, v57;
	v2 =	vand.u32 $0x7, v2;
	[tilespmem:v31+s19+$0x0] =	vst.idx.add.s32.msk vm2, v1  }
0x7a3: {  	vm1 =	vmmov vm1;
	vm13 =	veq.s32 v29, v4;
	vm4 =	vgt.s32 v48, v4;
	[tilespmem:v34+s24+$0x0] =	vst.idx.add.f32.msk vm7, v49  }
0x7a4: {  	s0 =	sadd.f32 s0, s30;
	v28 =	vand.u32 $0x7, v28;
	vm5 =	veq.s32 v53, v4;
	vm0 =	veq.s32 v12, v4;
	[tilespmem:v55+s19+$0x0] =	vst.idx.add.s32.msk vm6, v1  }
0x7a5: {  	vm12 =	vgt.s32 v21, v4;
	v24 =	vnsel vm4, $0x0, v49;
	vm4 =	vgt.s32 v26, v4;
	[tilespmem:v46+s19+$0x0] =	vst.idx.add.s32.msk vm3, v1  }
0x7a6: {  	s0 =	sadd.f32 s4, s0;
	v53 =	vshll.u32 v60, $0x10;
	v29 =	vand.u32 $0xFFFF0000, v7;
	v40 =	vnsel vm4, $0x0, v35;
	[tilespmem:v33+s19+$0x0] =	vst.idx.add.s32.msk vm8, v1  }
0x7a7: {  	vm4 =	veq.s32 v11, v4;
	vm7 =	veq.s32 v54, v4;
	[tilespmem:v33+s24+$0x0] =	vst.idx.add.f32.msk vm8, v18;
	v18 =	vshrl.u32 v0, $0x10  }
0x7a8: {  	s0 =	sadd.f32 s0, s5;
	v51 =	vshrl.u32 v60, $0x10;
	[tilespmem:v31+s24+$0x0] =	vst.idx.add.f32.msk vm2, v35;
	vm8 =	veq.s32 v21, v4;
	v15 =	vand.u32 $0x7, v18  }
0x7a9: {  	v51 =	vand.u32 $0x7, v51;
	v52 =	vand.u32 $0x7, v60;
	v49 =	vshrl.u32 v41, $0x3;
	[tilespmem:v46+s24+$0x0] =	vst.idx.add.f32.msk vm3, v17  }
0x7aa: {  	s0 =	sadd.f32 s7, s0;
	v31 =	vshll.u32 v41, $0x10;
	[tilespmem:v28+s19+$0x0] =	vst.idx.add.s32.msk vm0, v1;
	v18 =	vand.u32 $0xFFFF0000, v0;
	v0 =	vshll.u32 v0, $0x10  }
0x7ab: {  	v17 =	vshll.u32 v47, $0x10;
	v49 =	vand.u32 $0x1FFF, v49;
	[tilespmem:v55+s24+$0x0] =	vst.idx.add.f32.msk vm6, v0;
	vm6 =	vgt.s32 v54, v4  }
0x7ac: {  	s0 =	sadd.f32 s0, s6;
	v46 =	vand.u32 $0xFFFF0000, v37;
	v3 =	vnsel vm6, $0x0, v18;
	vm6 =	vgt.s32 v5, v4;
	v5 =	vld [tilespmem:s20+$0xFFFFFFA0]  }
0x7ad: {  	v0 =	vnsel vm15, $0x0, v0;
	v21 =	vnsel vm6, $0x0, v56;
	vm6 =	veq.s32 v30, v4;
	[tilespmem:v15+s19+$0x0] =	vst.idx.add.s32.msk vm7, v1  }
0x7ae: {  	s0 =	sadd.f32 s17, s0;
	v30 =	vshrl.u32 v6, $0x10;
	(xrf2) =	vadd.scan.msk.f32 $0xffff, v3;
	v3 =	vand.u32 $0x7, v9;
	[tilespmem:v58+s19+$0x0] =	vst.idx.add.s32.msk vm8, v1  }
0x7af: {  	v30 =	vand.u32 $0x7, v30;
	(xrf2) =	vadd.scan.msk.f32 $0xffff, v13;
	[tilespmem:v15+s24+$0x0] =	vst.idx.add.f32.msk vm7, v18;
	vm7 =	vgt.s32 v12, v4  }
0x7b0: {  	s0 =	sadd.f32 s0, s18;
	[tilespmem:v58+s24+$0x0] =	vst.idx.add.f32.msk vm8, v16;
	v12 =	vshrl.u32 v10, $0x10;
	v16 =	vnsel vm12, $0x0, v16;
	vm8 =	veq.s32 v25, v4  }
0x7b1: {  	v59, _, _ =	vpop (xrf2);
	v25 =	vand.u32 $0x7, v6;
	[tilespmem:v2+s19+$0x0] =	vst.idx.add.s32.msk vm5, v1;
	v33 =	vand.u32 $0x7, v12;
	v6 =	vand.u32 $0xFFFF0000, v5  }
0x7b2: {  	s0 =	sadd.f32 s8, s0;
	v15, _, _ =	vpop (xrf2);
	(xrf2) =	vadd.scan.msk.f32 $0xffff, v16;
	v7 =	vshrl.u32 v5, $0x3;
	v16 =	vshrl.u32 v5, $0x13;
	[tilespmem:v2+s24+$0x0] =	vst.idx.add.f32.msk vm5, v57  }
0x7b3: {  	v14, _, _ =	vpop (xrf2);
	v2 =	vshrl.u32 v9, $0x10;
	vm5 =	veq.s32 v38, v4;
	(xrf2) =	vadd.scan.msk.f32 $0xffff, v0;
	v0 =	vnsel vm7, $0x0, v29  }
0x7b4: {  	s0 =	sadd.f32 s0, s22;
	v10 =	vld [tilespmem:s20+$0xFFFFFF90];
	v18, _, _ =	vpop (xrf2);
	v44 =	vand.u32 $0x1FFF, v7;
	v38 =	vshll.u32 v37, $0x10;
	v7 =	vshll.u32 v5, $0x10  }
0x7b5: {  	[tilespmem:v3+s19+$0x0] =	vst.idx.add.s32.msk vm13, v1;
	v9 =	vshrl.u32 v37, $0x3;
	vm14 =	vgt.s32 v16, v4;
	(v2sf) =	vpush v18, $0xF  }
0x7b6: {  	s0 =	sadd.f32 s26, s0;
	v12 =	vld [tilespmem:s20+$0xFFFFFFC0];
	v2 =	vand.u32 $0x7, v2;
	(xrf2) =	vadd.scan.msk.f32 $0xffff, v43;
	vm7 =	vgt.s32 v44, v4;
	v42 =	vand.u32 $0x1FFF, v9  }
0x7b7: {  	[tilespmem:v3+s24+$0x0] =	vst.idx.add.f32.msk vm13, v8;
	v8 =	vand.u32 $0x7, v47;
	v9 =	vshrl.u32 v47, $0x10;
	v43 =	vnsel vm14, $0x0, v6  }
0x7b8: {  	s0 =	sadd.f32 s0, s12;
	[tilespmem:v28+s24+$0x0] =	vst.idx.add.f32.msk vm0, v29;
	vm13 =	veq.s32 v49, v4;
	(v2sf) =	vpush v14, $0xF;
	v3 =	vnsel vm7, $0x0, v7  }
0x7b9: {  	v18 =	vld [tilespmem:s20+$0x0];
	(xrf2) =	vadd.scan.msk.f32 $0xffff, v21;
	v9 =	vand.u32 $0x7, v9;
	vm14 =	vgt.s32 v42, v4;
	(v2sf) =	vpush v59, $0xF  }
0x7ba: {  	s0 =	sadd.f32 s11, s0;
	v26 =	vshrl.u32 v10, $0x3;
	v11 =	vshll.u32 v10, $0x10;
	v21 =	vshrl.u32 v10, $0x13;
	[tilespmem:v25+s19+$0x0] =	vst.idx.add.s32.msk vm6, v1  }
0x7bb: {  	v13 =	vand.u32 $0xFFFF0000, v10;
	(xrf2) =	vadd.scan.msk.f32 $0xffff, v0;
	v59 =	vshrl.u32 v37, $0x13;
	[tilespmem:v25+s24+$0x0] =	vst.idx.add.f32.msk vm6, v23  }
0x7bc: {  	s0 =	sadd.f32 s0, s13;
	v14 =	vand.u32 $0xFFFF0000, v12;
	(xrf2) =	vadd.scan.msk.f32 $0xffff, v3;
	v3 =	vshrl.u32 v60, $0x13;
	[tilespmem:v2+s19+$0x0] =	vst.idx.add.s32.msk vm5, v1  }
0x7bd: {  	v25 =	vshrl.u32 v12, $0x13;
	(xrf2) =	vadd.scan.msk.f32 $0xffff, v24;
	[tilespmem:v2+s24+$0x0] =	vst.idx.add.f32.msk vm5, v19;
	v2 =	vshrl.u32 v47, $0x13  }
0x7be: {  	s0 =	sadd.f32 s10, s0;
	v54, _, _ =	vpop (xrf2);
	(xrf2) =	vadd.scan.msk.f32 $0xffff, v45;
	vm7 =	vgt.s32 v2, v4;
	vm5 =	veq.s32 v2, v4;
	v2 =	vshrl.u32 v60, $0x3  }
0x7bf: {  	vm15 =	vgt.s32 v21, v4;
	vm10 =	vgt.s32 v3, v4;
	[tilespmem:v30+s19+$0x0] =	vst.idx.add.s32.msk vm8, v1;
	v23, _, _ =	vpop (xrf2);
	v2 =	vand.u32 $0x1FFF, v2  }
0x7c0: {  	s0 =	sadd.f32 s0, s15;
	vm0 =	vgt.s32 v25, v4;
	v57 =	vnsel vm15, $0x0, v13;
	[tilespmem:v30+s24+$0x0] =	vst.idx.add.f32.msk vm8, v22;
	v30, _, _ =	vpop (xrf2);
	vm3 =	veq.s32 v2, v4  }
0x7c1: {  	[tilespmem:v27+s19+$0x0] =	vst.idx.add.s32.msk vm1, v1;
	vm12 =	veq.s32 v3, v4;
	v48 =	vshrl.u32 v18, $0x3;
	v39 =	vshrl.u32 v18, $0x13;
	v28, _, _ =	vpop (xrf2)  }
0x7c2: {  	s0 =	sadd.f32 s14, s0;
	[tilespmem:v33+s19+$0x0] =	vst.idx.add.s32.msk vm4, v1;
	v45 =	vand.u32 $0xFFFF0000, v60;
	v56 =	vnsel vm0, $0x0, v14;
	vm0 =	vgt.s32 v59, v4;
	v55, _, _ =	vpop (xrf2)  }
0x7c3: {  	[tilespmem:v33+s24+$0x0] =	vst.idx.add.f32.msk vm4, v20;
	v63 =	vand.u32 $0x7, v18;
	v34 =	vnsel vm10, $0x0, v45;
	v48 =	vand.u32 $0x1FFF, v48;
	v58, _, _ =	vpop (xrf2)  }
0x7c4: {  	s0 =	sadd.f32 s0, s21;
	(v2sf) =	vpush v30, $0xF;
	(xrf2) =	vadd.scan.msk.f32 $0xffff, v34;
	v34 =	vnsel vm0, $0x0, v46;
	vm4 =	veq.s32 v48, v4;
	v29, _, _ =	vpop (xrf2)  }
0x7c5: {  	s21 =	sld [smem:$0x7D1];
	vm0 =	vgt.s32 v49, v4;
	[tilespmem:v27+s24+$0x0] =	vst.idx.add.f32.msk vm1, v36;
	v27 =	vshrl.u32 v18, $0x10;
	(xrf2) =	vadd.scan.msk.f32 $0xffff, v40;
	v30, _, _ =	vpop (xrf2)  }
0x7c6: {  	s0 =	sadd.f32 s16, s0;
	v40 =	vnsel vm0, $0x0, v31;
	vm0 =	veq.s32 v39, v4;
	(xrf2) =	vadd.scan.msk.f32 $0xffff, v32;
	v33, _, _ =	vpop (xrf2);
	[tilespmem:v52+s19+$0x0] =	vst.idx.add.s32.msk vm3, v1  }
0x7c7: {  	v27 =	vand.u32 $0x7, v27;
	vm11 =	vgt.s32 v2, v4;
	v2 =	vshrl.u32 v41, $0x13;
	v3, _, _ =	vpop (xrf2);
	[tilespmem:v52+s24+$0x0] =	vst.idx.add.f32.msk vm3, v53  }
0x7c8: {  	s0 =	sadd.f32 s0, s25;
	vm1 =	vgt.s32 v2, v4;
	(xrf2) =	vadd.scan.msk.f32 $0xffff, v43;
	v62, _, _ =	vpop (xrf2);
	v52 =	vand.u32 $0x7, v41;
	[tilespmem:v51+s19+$0x0] =	vst.idx.add.s32.msk vm12, v1  }
0x7c9: {  	vm2 =	veq.s32 v2, v4;
	v2 =	vshrl.u32 v41, $0x10;
	(v2sf) =	vpush v62, $0xF;
	s22 =	sld [smem:$0x7D2];
	[tilespmem:v51+s24+$0x0] =	vst.idx.add.f32.msk vm12, v45  }
0x7ca: {  	s0 =	sadd.f32 s21, s0;
	(xrf2) =	vadd.scan.msk.f32 $0xffff, v57;
	v57 =	vshll.u32 v18, $0x10;
	v2 =	vand.u32 $0x7, v2;
	[tilespmem:v63+s19+$0x0] =	vst.idx.add.s32.msk vm4, v1  }
0x7cb: {  	v0 =	vshrl.u32 v47, $0x3;
	v61 =	vshrl.u32 v12, $0x3;
	v50 =	vand.u32 $0x1FFF, v26;
	s23 =	sld [smem:$0x7D3];
	[tilespmem:v63+s24+$0x0] =	vst.idx.add.f32.msk vm4, v57  }
0x7cc: {  	v0 =	vand.u32 $0x1FFF, v0;
	vm6 =	vgt.s32 v50, v4;
	v26 =	vand.u32 $0x1FFF, v61;
	s0 =	sadd.f32 s0, s31;
	[tilespmem:v27+s19+$0x0] =	vst.idx.add.s32.msk vm0, v1  }
0x7cd: {  	v20 =	vand.u32 $0xFFFF0000, v47;
	vm8 =	vgt.s32 v26, v4;
	v19 =	vshll.u32 v12, $0x10;
	s25 =	sld [smem:$0x7D4];
	[tilespmem:v52+s19+$0x0] =	vst.idx.add.s32.msk vm13, v1  }
0x7ce: {  	v22 =	vnsel vm8, $0x0, v19;
	vm8 =	vgt.s32 v0, v4;
	v60 =	vand.u32 $0xFFFF0000, v41;
	v41, _, _ =	vpop (xrf2);
	s0 =	sadd.f32 s22, s0;
	[tilespmem:v52+s24+$0x0] =	vst.idx.add.f32.msk vm13, v31  }
0x7cf: {  	v24 =	vnsel vm11, $0x0, v53;
	v53 =	vnsel vm1, $0x0, v60;
	vm1 =	veq.s32 v42, v4;
	v63, _, _ =	vpop (xrf2);
	s26 =	sld [smem:$0x7D5];
	[tilespmem:v2+s19+$0x0] =	vst.idx.add.s32.msk vm2, v1  }
0x7d0: {  	v62 =	vand.u32 $0x7, v37;
	s0 =	sadd.f32 s0, s23;
	[tilespmem:v2+s24+$0x0] =	vst.idx.add.f32.msk vm2, v60;
	vm2 =	veq.s32 v0, v4;
	v0, _, _ =	vpop (xrf2);
	(xrf2) =	vadd.scan.msk.f32 $0xffff, v56  }
0x7d1: {  	vm15 =	veq.s32 v59, v4;
	v36 =	vnsel vm6, $0x0, v11;
	v37 =	vshrl.u32 v37, $0x10  }
0x7d2: {  	v61 =	vnsel vm7, $0x0, v20;
	v37 =	vand.u32 $0x7, v37;
	(v2sf) =	vpush v63, $0xF;
	s0 =	sadd.f32 s25, s0  }
0x7d3: {  	vm7 =	vgt.s32 v39, v4;
	v39 =	vnsel vm14, $0x0, v38;
	(v2sf) =	vpush v3, $0xF;
	s30 =	sld [smem:$0x7D6];
	(xrf2) =	vadd.scan.msk.f32 $0xffff, v53  }
0x7d4: {  	v32 =	vnsel vm8, $0x0, v17;
	s3 =	spop (v2sf);
	vm3 =	vgt.s32 v48, v4;
	(v2sf) =	vpush v58, $0xF;
	s0 =	sadd.f32 s0, s26  }
0x7d5: {  	v43 =	vshrl.u32 v10, $0x10;
	s4 =	spop (v2sf);
	v42 =	vnsel vm3, $0x0, v57;
	(v2sf) =	vpush v54, $0xF;
	[tilespmem:v62+s19+$0x0] =	vst.idx.add.s32.msk vm1, v1  }
0x7d6: {  	vm3 =	veq.s32 v44, v4;
	s5 =	spop (v2sf);
	v44, _, _ =	vpop (xrf2);
	(v2sf) =	vpush v0, $0xF;
	[tilespmem:v62+s24+$0x0] =	vst.idx.add.f32.msk vm1, v38;
	(xrf2) =	vadd.scan.msk.f32 $0xffff, v61;
	s0 =	sadd.f32 s30, s0  }
0x7d7: {  	s1 =	simm.s32 $0x2170;
	vm4 =	veq.s32 v50, v4;
	v3 =	vshrl.u32 v5, $0x10;
	s2 =	spop (v2sf);
	v0, _, _ =	vpop (xrf2);
	(v2sf) =	vpush v55, $0xF;
	s31 =	rddreg [dreg:$0x19];
	[tilespmem:v37+s19+$0x0] =	vst.idx.add.s32.msk vm15, v1  }
0x7d8: {  	v31 =	vand.u32 $0x7, v3;
	vm1 =	vmmov vm5;
	(v2sf) =	vpush v0, $0xF;
	[tilespmem:v37+s24+$0x0] =	vst.idx.add.f32.msk vm15, v46;
	s6 =	sadd.f32 s0, s31;
	s0 =	simm.s32 $0x80;
	s7 =	spop (v2sf)  }
.LBB2_38:
0x7d9: {  	s0 =	sadd.s32 $0x80, s0;
	v49 =	vand.u32 $0x7, v5;
	v5 =	vld [tilespmem:s1+$0xFFFFFFA0];
	vm5 =	veq.s32 v16, v4;
	(xrf2) =	vadd.scan.msk.f32 $0xffff, v39;
	(v2sf) =	vpush v28, $0xF  }
0x7da: {  	v2 =	vand.u32 $0x7, v43;
	vm8 =	veq.s32 v26, v4;
	s6 =	sadd.f32 s7, s6;
	v0 =	vld [tilespmem:s1+$0x0];
	p1 =	slt.u32 s0, $0x1F80;
	v35, _, _ =	vpop (xrf2);
	(v2sf) =	vpush v15, $0xF  }
0x7db: {  	vm9 =	veq.s32 v21, v4;
	v3 =	vand.u32 $0x7, v12;
	v15 =	vmovc v41;
	v39 =	vld [tilespmem:s1+$0xFFFFFFF0];
	(v2sf) =	vpush v23, $0xF  }
0x7dc: {  	v26 =	vand.u32 $0x7, v10;
	v10 =	vshrl.u32 v12, $0x10;
	s3 =	sadd.f32 s6, s3;
	v37 =	vld [tilespmem:s1+$0xFFFFFFE0];
	(v2sf) =	vpush v44, $0xF;
	(xrf2) =	vadd.scan.msk.f32 $0xffff, v40  }
0x7dd: {  	vm6 =	veq.s32 v25, v4;
	v25 =	vand.u32 $0x7, v10;
	v12 =	vld [tilespmem:s1+$0xFFFFFFC0];
	(v2sf) =	vpush v33, $0xF;
	v23, _, _ =	vpop (xrf2)  }
0x7de: {  	v33 =	vand.u32 $0xFFFF0000, v18;
	s3 =	sadd.f32 s5, s3;
	v10 =	vld [tilespmem:s1+$0xFFFFFF90];
	v40 =	vand.u32 $0xFFFF0000, v5;
	(v2sf) =	vpush v29, $0xF  }
0x7df: {  	v29 =	vnsel vm7, $0x0, v33;
	v43 =	vld [tilespmem:s1+$0xFFFFFFB0];
	v41 =	vshrl.u32 v0, $0x3;
	v44 =	vshrl.u32 v0, $0x13;
	(xrf2) =	vadd.scan.msk.f32 $0xffff, v34;
	v18 =	vmovc v0  }
0x7e0: {  	v0 =	vshrl.u32 v5, $0x3;
	s3 =	sadd.f32 s3, s4;
	v51 =	vshrl.u32 v39, $0x3;
	[tilespmem:v3+s19+$0x0] =	vst.idx.add.s32.msk vm8, v1;
	v34, _, _ =	vpop (xrf2);
	(v2sf) =	vpush v30, $0xF  }
0x7e1: {  	v16 =	vshrl.u32 v5, $0x13;
	v46 =	vand.u32 $0x1FFF, v0;
	v38 =	vshll.u32 v37, $0x10;
	[tilespmem:v3+s24+$0x0] =	vst.idx.add.f32.msk vm8, v19;
	s4 =	spop (v2sf)  }
0x7e2: {  	v0 =	vshll.u32 v5, $0x10;
	vm7 =	vgt.s32 v46, v4;
	v3 =	vshrl.u32 v37, $0x3;
	(xrf2) =	vadd.scan.msk.f32 $0xffff, v42;
	s3 =	sadd.f32 s4, s3;
	s4 =	spop (v2sf)  }
0x7e3: {  	vm10 =	vgt.s32 v16, v4;
	v30 =	vnsel vm7, $0x0, v0;
	v47 =	vand.u32 $0x1FFF, v3;
	v42 =	vld [tilespmem:s1+$0xFFFFFFD0];
	v28, _, _ =	vpop (xrf2);
	s6 =	spop (v2sf)  }
0x7e4: {  	v3 =	vshrl.u32 v10, $0x3;
	v52 =	vshll.u32 v10, $0x10;
	v53 =	vand.u32 $0x7, v43;
	[tilespmem:v25+s19+$0x0] =	vst.idx.add.s32.msk vm6, v1;
	s2 =	sadd.f32 s3, s2;
	s5 =	spop (v2sf)  }
0x7e5: {  	v21 =	vshrl.u32 v10, $0x13;
	v54 =	vand.u32 $0xFFFF0000, v10;
	v19 =	vshrl.u32 v43, $0x10;
	(xrf2) =	vadd.scan.msk.f32 $0xffff, v29;
	s3 =	spop (v2sf)  }
0x7e6: {  	v55 =	vshrl.u32 v43, $0x3;
	v50 =	vand.u32 $0x7, v19;
	[tilespmem:v25+s24+$0x0] =	vst.idx.add.f32.msk vm6, v14;
	v14 =	vand.u32 $0xFFFF0000, v12;
	v45, _, _ =	vpop (xrf2);
	s7 =	sadd.f32 s3, s2;
	s2 =	spop (v2sf)  }
0x7e7: {  	v29 =	vshrl.u32 v12, $0x3;
	v19 =	vshll.u32 v12, $0x10;
	v25 =	vshrl.u32 v43, $0x13;
	[tilespmem:v26+s19+$0x0] =	vst.idx.add.s32.msk vm4, v1;
	s3 =	spop (v2sf)  }
0x7e8: {  	v3 =	vand.u32 $0x1FFF, v3;
	vm7 =	vgt.s32 v25, v4;
	v56 =	vshrl.u32 v42, $0x10;
	(xrf2) =	vadd.scan.msk.f32 $0xffff, v30;
	s5 =	sadd.f32 s7, s5;
	s8 =	spop (v2sf)  }
0x7e9: {  	vm6 =	veq.s32 v25, v4;
	v25 =	vshrl.u32 v42, $0x3;
	v57 =	vshrl.u32 v42, $0x13;
	[tilespmem:v26+s24+$0x0] =	vst.idx.add.f32.msk vm4, v11;
	v48, _, _ =	vpop (xrf2);
	s9 =	spop (v2sf)  }
0x7ea: {  	v59 =	vand.u32 $0x7, v42;
	v58 =	vand.u32 $0x1FFF, v25;
	vm4 =	vgt.s32 v57, v4;
	v11 =	vmovc v52;
	[tilespmem:v2+s19+$0x0] =	vst.idx.add.s32.msk vm9, v1;
	s10 =	sadd.f32 s4, s5;
	s7 =	spop (v2sf)  }
0x7eb: {  	vm8 =	vgt.s32 v3, v4;
	v52 =	vshll.u32 v42, $0x10;
	vm11 =	vgt.s32 v58, v4;
	s4 =	spop (v2sf);
	(xrf2) =	vadd.scan.msk.f32 $0xffff, v24  }
0x7ec: {  	v26 =	vand.u32 $0x1FFF, v29;
	v25 =	vshrl.u32 v12, $0x13;
	v24 =	vnsel vm11, $0x0, v52;
	[tilespmem:v2+s24+$0x0] =	vst.idx.add.f32.msk vm9, v13;
	s5 =	spop (v2sf);
	v29, _, _ =	vpop (xrf2);
	s9 =	sadd.f32 s10, s9  }
0x7ed: {  	v60 =	vand.u32 $0xFFFF0000, v42;
	v2 =	vnsel vm10, $0x0, v40;
	vm9 =	vgt.s32 v26, v4;
	v13 =	vmovc v54;
	[tilespmem:v27+s24+$0x0] =	vst.idx.add.f32.msk vm0, v33;
	s10 =	spop (v2sf)  }
0x7ee: {  	v54 =	vand.u32 $0x1FFF, v55;
	v27 =	vnsel vm9, $0x0, v19;
	vm0 =	vgt.s32 v25, v4;
	(xrf2) =	vadd.scan.msk.f32 $0xffff, v36;
	s8 =	sadd.f32 s8, s9  }
0x7ef: {  	vm10 =	vgt.s32 v21, v4;
	vm9 =	vgt.s32 v54, v4;
	v55 =	vnsel vm0, $0x0, v14;
	[tilespmem:v49+s19+$0x0] =	vst.idx.add.s32.msk vm3, v1;
	v30, _, _ =	vpop (xrf2);
	s9 =	spop (v2sf)  }
0x7f0: {  	v61 =	vshrl.u32 v37, $0x13;
	v42 =	vnsel vm4, $0x0, v60;
	v36 =	vnsel vm10, $0x0, v13;
	[tilespmem:v49+s24+$0x0] =	vst.idx.add.f32.msk vm3, v7;
	s6 =	sadd.f32 s8, s6;
	v7 =	vmovc v0  }
0x7f1: {  	v0 =	vshll.u32 v43, $0x10;
	v49 =	vand.u32 $0xFFFF0000, v37;
	(xrf2) =	vadd.scan.msk.f32 $0xffff, v42;
	(v2sf) =	vpush v34, $0xF  }
0x7f2: {  	v62 =	vshrl.u32 v39, $0x13;
	v63 =	vand.u32 $0xFFFF0000, v39;
	vm0 =	vgt.s32 v61, v4;
	v33, _, _ =	vpop (xrf2);
	[tilespmem:v31+s19+$0x0] =	vst.idx.add.s32.msk vm5, v1;
	s2 =	sadd.f32 s2, s6  }
0x7f3: {  	v51 =	vand.u32 $0x1FFF, v51;
	vm3 =	veq.s32 v58, v4;
	v34 =	vnsel vm0, $0x0, v49;
	[tilespmem:v31+s24+$0x0] =	vst.idx.add.f32.msk vm5, v6;
	v6 =	vmovc v40  }
0x7f4: {  	v58 =	vshll.u32 v39, $0x10;
	vm0 =	vgt.s32 v51, v4;
	v31 =	vand.u32 $0xFFFF0000, v43;
	(xrf2) =	vadd.scan.msk.f32 $0xffff, v32;
	s2 =	sadd.f32 s2, s7  }
0x7f5: {  	vm12 =	veq.s32 v57, v4;
	v40 =	vnsel vm0, $0x0, v58;
	vm0 =	vgt.s32 v62, v4;
	[tilespmem:v8+s19+$0x0] =	vst.idx.add.s32.msk vm2, v1;
	v57, _, _ =	vpop (xrf2)  }
0x7f6: {  	v41 =	vand.u32 $0x1FFF, v41;
	v32 =	vand.u32 $0x7, v56;
	v56 =	vnsel vm0, $0x0, v63;
	[tilespmem:v8+s24+$0x0] =	vst.idx.add.f32.msk vm2, v17;
	s2 =	sadd.f32 s10, s2;
	v8 =	vmovc v53;
	v17 =	vmovc v0  }
0x7f7: {  	vm0 =	vgt.s32 v41, v4;
	vm2 =	veq.s32 v41, v4;
	v0 =	vshll.u32 v18, $0x10;
	(xrf2) =	vadd.scan.msk.f32 $0xffff, v22;
	v22 =	vmovc v27  }
0x7f8: {  	vm11 =	vgt.s32 v47, v4;
	v53 =	vnsel vm7, $0x0, v31;
	v42 =	vnsel vm0, $0x0, v0;
	[tilespmem:v9+s19+$0x0] =	vst.idx.add.s32.msk vm1, v1;
	v27, _, _ =	vpop (xrf2);
	s6 =	sadd.f32 s2, s9  }
0x7f9: {  	vm10 =	veq.s32 v51, v4;
	v51 =	vand.u32 $0x7, v18;
	[tilespmem:v9+s24+$0x0] =	vst.idx.add.f32.msk vm1, v20;
	(v2sf) =	vpush v27, $0xF;
	v9 =	vmovc v50  }
0x7fa: {  	vm0 =	veq.s32 v44, v4;
	v27 =	vshrl.u32 v18, $0x10;
	v20 =	vmovc v31;
	[tilespmem:v59+s19+$0x0] =	vst.idx.add.s32.msk vm3, v1;
	(xrf2) =	vadd.scan.msk.f32 $0xffff, v2  }
0x7fb: {  	vm4 =	veq.s32 v3, v4;
	vm5 =	veq.s32 v61, v4;
	v27 =	vand.u32 $0x7, v27;
	[tilespmem:v59+s24+$0x0] =	vst.idx.add.f32.msk vm3, v52;
	v41, _, _ =	vpop (xrf2)  }
0x7fc: {  	vm13 =	veq.s32 v62, v4;
	v43 =	vshrl.u32 v10, $0x10;
	v2 =	vand.u32 $0x7, v39;
	[tilespmem:v32+s19+$0x0] =	vst.idx.add.s32.msk vm12, v1  }
0x7fd: {  	v3 =	vshrl.u32 v39, $0x10;
	vm7 =	vgt.s32 v44, v4;
	[tilespmem:v32+s24+$0x0] =	vst.idx.add.f32.msk vm12, v60;
	(xrf2) =	vadd.scan.msk.f32 $0xffff, v36  }
0x7fe: {  	v3 =	vand.u32 $0x7, v3;
	vm3 =	veq.s32 v46, v4;
	v36 =	vnsel vm8, $0x0, v11;
	[tilespmem:v51+s19+$0x0] =	vst.idx.add.s32.msk vm2, v1;
	v31, _, _ =	vpop (xrf2)  }
0x7ff: {  	v46 =	vshrl.u32 v5, $0x10;
	v32 =	vnsel vm9, $0x0, v17;
	vm8 =	veq.s32 v47, v4;
	[tilespmem:v51+s24+$0x0] =	vst.idx.add.f32.msk vm2, v0  }
0x800: {  	vm2 =	veq.s32 v54, v4;
	v0 =	vand.u32 $0x7, v37;
	[tilespmem:v27+s19+$0x0] =	vst.idx.add.s32.msk vm0, v1;
	(xrf2) =	vadd.scan.msk.f32 $0xffff, v55;
	s2 =	spop (v2sf)  }
0x801: {  	vm1 =	vmmov vm6;
	v39 =	vnsel vm11, $0x0, v38;
	v37 =	vshrl.u32 v37, $0x10;
	[tilespmem:v2+s19+$0x0] =	vst.idx.add.s32.msk vm10, v1;
	v47, _, _ =	vpop (xrf2)  }
0x802: {  	v37 =	vand.u32 $0x7, v37;
	[tilespmem:v2+s24+$0x0] =	vst.idx.add.f32.msk vm10, v58;
	(v2sf) =	vpush v31, $0xF  }
0x803: {  	[tilespmem:v3+s19+$0x0] =	vst.idx.add.s32.msk vm13, v1;
	(xrf2) =	vadd.scan.msk.f32 $0xffff, v56;
	(v2sf) =	vpush v57, $0xF  }
.Ltmp18:
0x804: {  	[tilespmem:v3+s24+$0x0] =	vst.idx.add.f32.msk vm13, v63;
	v44, _, _ =	vpop (xrf2);
	(v2sf) =	vpush v48, $0xF;
	(pc) =	sbr.rel @p1 .LBB2_38-.Ltmp18, $4  }
0x805: {  	[tilespmem:v0+s19+$0x0] =	vst.idx.add.s32.msk vm8, v1;
	(v2sf) =	vpush v35, $0xF  }
0x806: {  	[tilespmem:v0+s24+$0x0] =	vst.idx.add.f32.msk vm8, v38;
	(xrf2) =	vadd.scan.msk.f32 $0xffff, v53;
	(v2sf) =	vpush v47, $0xF  }
0x807: {  	[tilespmem:v37+s19+$0x0] =	vst.idx.add.s32.msk vm5, v1;
	v0, _, _ =	vpop (xrf2);
	(v2sf) =	vpush v45, $0xF  }
0x808: {  	s1 =	sadd.s32 $0x80, s1;
	v31 =	vand.u32 $0x7, v46;
	[tilespmem:v37+s24+$0x0] =	vst.idx.add.f32.msk vm5, v49;
	(v2sf) =	vpush v0, $0xF;
	s7 =	spop (v2sf)  }
0x809: {  	(xrf2) =	vadd.scan.msk.f32 $0xffff, v39  }
0x80a: {  	s0 =	sadd.f32 s7, s6;
	(xrf2) =	vadd.scan.msk.f32 $0xffff, v40  }
0x80b: {  	(v2sf) =	vpush v28, $0xF;
	v0 =	vand.u32 $0xFFFF0000, v18;
	(xrf2) =	vadd.scan.msk.f32 $0xffff, v34  }
0x80c: {  	(v2sf) =	vpush v15, $0xF;
	v2 =	vnsel vm7, $0x0, v0;
	s0 =	sadd.f32 s0, s3;
	(xrf2) =	vadd.scan.msk.f32 $0xffff, v42  }
0x80d: {  	(xrf2) =	vadd.scan.msk.f32 $0xffff, v2  }
0x80e: {  	s0 =	sadd.f32 s5, s0;
	(xrf2) =	vadd.scan.msk.f32 $0xffff, v24  }
0x80f: {  	(xrf2) =	vadd.scan.msk.f32 $0xffff, v36  }
0x810: {  	v2, _, _ =	vpop (xrf2);
	s0 =	sadd.f32 s0, s4  }
0x811: {  	v3, _, _ =	vpop (xrf2);
	s1 =	spop (v2sf)  }
0x812: {  	v54, _, _ =	vpop (xrf2);
	s0 =	sadd.f32 s1, s0;
	s17 =	spop (v2sf)  }
0x813: {  	(v2sf) =	vpush v23, $0xF;
	v55, _, _ =	vpop (xrf2);
	s18 =	spop (v2sf)  }
0x814: {  	(v2sf) =	vpush v44, $0xF;
	v23, _, _ =	vpop (xrf2);
	s0 =	sadd.f32 s0, s2;
	s20 =	spop (v2sf)  }
0x815: {  	(v2sf) =	vpush v33, $0xF;
	v56, _, _ =	vpop (xrf2);
	s21 =	spop (v2sf)  }
0x816: {  	(v2sf) =	vpush v29, $0xF;
	s0 =	sadd.f32 s21, s0;
	v57, _, _ =	vpop (xrf2)  }
0x817: {  	(xrf2) =	vadd.scan.msk.f32 $0xffff, v32;
	v58, _, _ =	vpop (xrf2)  }
0x818: {  	(v2sf) =	vpush v30, $0xF;
	s22 =	spop (v2sf);
	s0 =	sadd.f32 s0, s20;
	v59, _, _ =	vpop (xrf2)  }
0x819: {  	s23 =	spop (v2sf);
	(v2sf) =	vpush v54, $0xF;
	v60, _, _ =	vpop (xrf2)  }
0x81a: {  	s25 =	spop (v2sf);
	s0 =	sadd.f32 s17, s0;
	(v2sf) =	vpush v60, $0xF  }
0x81b: {  	(xrf2) =	vadd.scan.msk.f32 $0xffff, v22;
	s26 =	spop (v2sf)  }
0x81c: {  	s0 =	sadd.f32 s0, s26;
	_ =	sdelay $0x1  }
0x81d: {  	s0 =	sadd.f32 s25, s0;
	_ =	sdelay $0x1  }
0x81e: {  	s0 =	sadd.f32 s0, s18  }
0x81f: {  	v61, _, _ =	vpop (xrf2)  }
0x820: {  	s30 =	spop (v2sf);
	(v2sf) =	vpush v61, $0xF;
	s0 =	sadd.f32 s22, s0  }
0x821: {  	s31 =	spop (v2sf);
	(v2sf) =	vpush v59, $0xF  }
0x822: {  	s6 =	spop (v2sf);
	(v2sf) =	vpush v56, $0xF;
	s0 =	sadd.f32 s0, s30  }
0x823: {  	v62, _, _ =	vpop (xrf2);
	s7 =	spop (v2sf);
	(v2sf) =	vpush v2, $0xF  }
0x824: {  	(v2sf) =	vpush v62, $0xF;
	s0 =	sadd.f32 s7, s0  }
0x825: {  	s8 =	spop (v2sf)  }
0x826: {  	s9 =	spop (v2sf);
	s0 =	sadd.f32 s0, s8  }
0x827: {  	s10 =	spop (v2sf)  }
0x828: {  	v10 =	vand.u32 $0x7, v10;
	[tilespmem:v8+s19+$0x0] =	vst.idx.add.s32.msk vm2, v1;
	(v2sf) =	vpush v23, $0xF;
	s0 =	sadd.f32 s10, s0  }
0x829: {  	vm5 =	veq.s32 v26, v4;
	[tilespmem:v27+s24+$0x0] =	vst.idx.add.f32.msk vm0, v0;
	(v2sf) =	vpush v55, $0xF  }
0x82a: {  	[tilespmem:v8+s24+$0x0] =	vst.idx.add.f32.msk vm2, v17;
	v2 =	vand.u32 $0x7, v12;
	(v2sf) =	vpush v41, $0xF;
	s0 =	sadd.f32 s0, s23  }
0x82b: {  	v63 =	vshrl.u32 v12, $0x10;
	vm6 =	veq.s32 v25, v4;
	[tilespmem:v9+s19+$0x0] =	vst.idx.add.s32.msk vm1, v1  }
0x82c: {  	[tilespmem:v9+s24+$0x0] =	vst.idx.add.f32.msk vm1, v20;
	v12 =	vand.u32 $0x7, v63;
	s0 =	sadd.f32 s6, s0  }
0x82d: {  	vm14 =	veq.s32 v21, v4;
	[tilespmem:v10+s19+$0x0] =	vst.idx.add.s32.msk vm4, v1  }
0x82e: {  	[tilespmem:v10+s24+$0x0] =	vst.idx.add.f32.msk vm4, v11;
	(v2sf) =	vpush v3, $0xF;
	v3 =	vand.u32 $0x7, v43;
	s0 =	sadd.f32 s0, s31  }
0x82f: {  	[tilespmem:v2+s19+$0x0] =	vst.idx.add.s32.msk vm5, v1;
	(v2sf) =	vpush v57, $0xF;
	s11 =	spop (v2sf)  }
0x830: {  	[tilespmem:v2+s24+$0x0] =	vst.idx.add.f32.msk vm5, v19;
	v2 =	vand.u32 $0x7, v5;
	(v2sf) =	vpush v58, $0xF;
	s12 =	spop (v2sf);
	s0 =	sadd.f32 s11, s0  }
0x831: {  	vm15 =	veq.s32 v16, v4;
	[tilespmem:v12+s19+$0x0] =	vst.idx.add.s32.msk vm6, v1;
	s13 =	spop (v2sf)  }
0x832: {  	[tilespmem:v12+s24+$0x0] =	vst.idx.add.f32.msk vm6, v14;
	s14 =	spop (v2sf);
	s0 =	sadd.f32 s0, s9  }
0x833: {  	[tilespmem:v3+s19+$0x0] =	vst.idx.add.s32.msk vm14, v1;
	s15 =	spop (v2sf)  }
0x834: {  	[tilespmem:v3+s24+$0x0] =	vst.idx.add.f32.msk vm14, v13;
	s0 =	sadd.f32 s15, s0  }
0x835: {  	[tilespmem:v2+s19+$0x0] =	vst.idx.add.s32.msk vm3, v1  }
0x836: {  	[tilespmem:v2+s24+$0x0] =	vst.idx.add.f32.msk vm3, v7;
	s0 =	sadd.f32 s0, s14  }
0x837: {  	[tilespmem:v31+s19+$0x0] =	vst.idx.add.s32.msk vm15, v1;
	s16 =	spop (v2sf)  }
0x838: {  	[tilespmem:v31+s24+$0x0] =	vst.idx.add.f32.msk vm15, v6;
	s17 =	spop (v2sf);
	s0 =	sadd.f32 s12, s0  }
0x839: {  	s10 =	rddreg [dreg:$0xc];
	s18 =	spop (v2sf)  }
0x83a: {  	s0 =	sadd.f32 s0, s18  }
0x83b: {  	[spmem:s10] =	stream.linear.scatter [tilespmem:s19], [sflag:$0x2], $0x10, $0x38;
	[tilespmem:$0x7300] =	vst v63  }
0x83c: {  	s0 =	sadd.f32 s17, s0  }
0x83d: {  	s20 =	spop (v2sf)  }
0x83e: {  	s21 =	spop (v2sf);
	s0 =	sadd.f32 s0, s13  }
0x83f: {  	s7 =	simm.s32 $0x2;
	s22 =	spop (v2sf)  }
0x840: {  	_ =	swait.ge [sflag:s7], $0x10;
	s0 =	sadd.f32 s16, s0  }
0x841: {  	[sflag:s7] =	ssyncset.done $0x0  }
0x842: {  	[sflag:s7] =	ssyncadd.s32 $0xFFFFFFF0;
	s0 =	sadd.f32 s0, s20  }
0x843: {  	v0 =	vld [tilespmem:$0x6000]  }
0x844: {  	s0 =	sadd.f32 s21, s0;
	_ =	sdelay $0x1  }
0x845: {  	s0 =	sadd.f32 s0, s22;
	_ =	sdelay $0x1  }
0x846: {  	[tilespmem:$0x6080] =	vst v0;
	v0 =	vmov s0  }
0x847: {  	s25 =	simm.s32 $0x6080;
	s23 =	rddreg [dreg:$0xe];
	[tilespmem:$0x6090] =	vst v0  }
0x848: {  	[spmem:s23] =	stream.linear.scatter [tilespmem:s25], [sflag:$0x2], $0x20, $0x38;
	[tilespmem:$0x7300] =	vst v63  }
0x849: {  	_ =	swait.ge [sflag:s7], $0x20  }
0x84a: {  	[sflag:s7] =	ssyncset.done $0x0  }
0x84b: {  	[sflag:s7] =	ssyncadd.s32 $0xFFFFFFE0  }
0x84c: {  	[bflag:$0x0] =	sbarrier.arrive $0xFFFF  }
0x84d: {  	s8 =	simm.s32 $0x5000;
	s11 =	rddreg [dreg:$0xd]  }
0x84e: {  	[tilespmem:s8], [sflag:$0x2] =	stream.linear.gather [spmem:s11], $0x10, $0x38;
	[tilespmem:$0x7300] =	vst v63  }
0x84f: {  	_ =	swait.ge [sflag:s7], $0x10  }
0x850: {  	[sflag:s7] =	ssyncset.done $0x0  }
0x851: {  	s26 =	rddreg [dreg:$0xf];
	[sflag:s7] =	ssyncadd.s32 $0xFFFFFFF0  }
0x852: {  	[tilespmem:s25], [sflag:$0x2] =	stream.linear.gather [spmem:s26], $0x20, $0x38;
	[tilespmem:$0x7300] =	vst v63  }
0x853: {  	_ =	swait.ge [sflag:s7], $0x20  }
0x854: {  	[sflag:s7] =	ssyncset.done $0x0  }
0x855: {  	[sflag:s7] =	ssyncadd.s32 $0xFFFFFFE0  }
0x856: {  	v0 =	vld [tilespmem:$0x4000]  }
0x857: {  	v2 =	vld [tilespmem:$0x5000];
	_ =	sdelay $0x4  }
0x858: {  	v0 =	vadd.s32 v0, v2  }
0x859: {  	v21 =	vld [tilespmem:$0x1FFF0];
	[tilespmem:$0x4000] =	vst v0  }
0x85a: {  	v0 =	vld [tilespmem:$0x4000];
	_ =	sdelay $0x4  }
0x85b: {  	v0 =	vperm.xlane v0, v21;
	_ =	sdelay $0x1  }
0x85c: {  	(xrf0) =	vadd.scan.msk.s32 $0xffff, v0;
	_ =	sdelay $0x4  }
0x85d: {  	v0 =	vld @!p0 [tilespmem:$0x6090]  }
0x85e: {  	v2, _, _ =	vpop (xrf0)  }
0x85f: {  	v2 =	vperm.xlane v2, v21  }
0x860: {  	s1 =	ssub.s32 @!p0 $0x28000, s28  }
0x861: {  	v3 =	vimm.s32 @!p0 $0x0;
	vm0 =	vge.s32 @!p0 v2, s1  }
0x862: {  	(xrf0) =	vmax.scan.msk.f32 @!p0 $0xffff, v0;
	v0 =	vsel @!p0 vm0, $0x1, v3  }
0x863: {  	(xrf0) =	vadd.scan.msk.s32 @!p0 $0xffff, v0;
	_ =	sdelay $0x4  }
0x864: {  	v0, _, _ =	vpop @!p0 (xrf0)  }
0x865: {  	(v2sf) =	vpush @!p0 v0, $0xF;
	v0, _, _ =	vpop @!p0 (xrf0)  }
0x866: {  	(v2sf) =	vpush @!p0 v0, $0xF;
	_ =	sdelay $0xd  }
0x867: {  	v3 =	vld [tilespmem:$0x6080];
	s2 =	spop @!p0 (v2sf)  }
0x868: {  	v0 =	vld [tilespmem:$0x6000];
	s3 =	spop @!p0 (v2sf)  }
0x869: {  	p1 =	sgt.s32 @!p0 s3, $0x1  }
0x86a: {  	s4 =	smov.u32 s3;
	p1 =	por !p1, p0  }
0x86b: {  	s4 =	simm.s32 @p1 $0x1  }
0x86c: {  	s4 =	sadd.s32 @!p0 $0xFFFFFFFF, s4  }
0x86d: {  	v4 =	vlaneseq.u32 @!p0;
	v0 =	vadd.f32 v3, v0;
	v3 =	vmov @!p0 s4  }
0x86e: {  	vm1 =	vlt.s32 @!p0 v3, v4  }
0x86f: {  	v3 =	vnsel @!p0 vm1, $0x0, v0  }
0x870: {  	(xrf2) =	vadd.scan.msk.f32 @!p0 $0xffff, v3;
	_ =	sdelay $0x2  }
0x871: {  	v2 =	vxor.u32 @!p0 $0x80000000, v2  }
0x872: {  	v2 =	vsel @!p0 vm0, $0x7FFFFFFF, v2  }
0x873: {  	(xrf0) =	vmax.scan.msk.u32 @!p0 $0xffff, v2;
	_ =	sdelay $0x4  }
0x874: {  	v2, _, _ =	vpop @!p0 (xrf2)  }
0x875: {  	(v2sf) =	vpush @!p0 v2, $0xF;
	v2, _, _ =	vpop @!p0 (xrf0)  }
0x876: {  	(v2sf) =	vpush @!p0 v2, $0xF;
	_ =	sdelay $0xd  }
0x877: {  	s5 =	spop @!p0 (v2sf)  }
0x878: {  	s6 =	spop @!p0 (v2sf)  }
0x879: {  	s6 =	sxor.u32 @!p0 $0x80000000, s6  }
0x87a: {  	p1 =	sgt.s32 @!p0 s6, $0x0  }
0x87b: {  	p2 =	sgt.s32 @!p0 s3, $0x0;
	p1 =	por !p1, p0  }
0x87c: {  	s6 =	simm.s32 @p1 $0x0;
	p1 =	por !p2, p0  }
0x87d: {  	s6 =	simm.s32 @p1 $0x0  }
0x87e: {  	s0 =	sadd.f32 @!p0 s2, s0;
	s1 =	ssub.s32 @!p0 s1, s6  }
0x87f: {  	s2 =	sshll.u32 @!p0 s29, $0x13;
	s3 =	sshll.u32 @!p0 s4, $0x10;
	s1 =	scvt.s32.f32 @!p0 s1  }
0x880: {  	s2 =	sor.u32 @!p0 s2, s3  }
0x881: {  	s0 =	sadd.f32 @!p0 s0, s5;
	s1 =	smul.f32 @!p0 s1, s2  }
0x882: {  	_ = 	snop  }
0x883: {  	s0 =	sadd.f32 @!p0 s0, s1;
	_ =	sdelay $0x1  }
0x884: {  	[tilespmem:$0x6000] =	vst v0;
	v0 =	vmov @!p0 s0  }
0x885: {  	s2 =	rddreg [dreg:$0x10];
	s1 =	simm.s32 @!p0 $0x6180;
	s0 =	simm.s32 @!p0 $0x0;
	[tilespmem:$0x6180] =	vst @!p0 v0  }
0x886: {  	[hbm4b:s2+s0] =	stream.linear.scatter @!p0 [tilespmem:s1], [sflag:$0x2], $0x80, $0x38;
	[tilespmem:$0x7300] =	vst v63  }
0x887: {  	s0 =	simm.s32 @!p0 $0x2  }
0x888: {  	_ =	swait.ge @!p0 [sflag:s0], $0x80  }
0x889: {  	s30 =	rddreg [dreg:$0x12]  }
0x88a: {  	s31 =	rddreg [dreg:$0x11];
	s2 =	sadd.s32 $0x1, s30  }
0x88b: {  	p1 =	sne.s32 s2, s31  }
.Ltmp19:
0x88c: {  	_ = 	snop;
	(pc) =	sbr.rel @p1 .LBB2_1-.Ltmp19, $4  }
0x88d: {  	_ = 	snop  }
0x88e: {  	s12 =	simm.s32 $0x0  }
0x88f: {  	s18 =	simm.s32 $0x2000;
	[sflag:s0] =	ssyncset.done @!p0 $0x0;
	s15 =	rddreg [dreg:$0x4]  }
0x890: {  	s17 =	simm.s32 $0x1;
	v0 =	vimm.s32 $0x0;
	s16 =	rddreg [dreg:$0x5];
	[sflag:s0] =	ssyncadd.s32 @!p0 $0xFFFFFF80  }
0x891: {  	_ =	sfence.sel $0x180000  }
0x892: {  	[bflag:$0x0] =	sbarrier.arrive $0xFFFF  }
0x893: {  	_ =	strace $0x90000047  }
0x894: {  	s0 =	stileid.u32;
	[bflag:$0x2] =	sbarrier.arrive $0xFFFF  }
0x895: {  	p0 =	sne.s32 s0, $0x0;
	s0 =	rddreg [dreg:$0x3]  }
0x896: {  	s0 =	sadd.s32 @!p0 $0x100000, s0  }
0x897: {  	[sflag:s0] =	ssyncadd.tile.s32 @!p0 $0x1;
	_ =	shalt  }
.Lfunc_end2:
_tile_overlayer_lowered:
.L_overlay_start_2:
0x898: {  	(tag) =	ssettag $0x2  }
0x899: {  	s0 =	rddreg [dreg:$0x0];
	s2 =	stileid.u32  }
0x89a: {  	s1 =	rddreg [dreg:$0x1];
	p0 =	sne.s32 s2, $0x0  }
0x89b: {  	s3 =	rddreg [dreg:$0x2];
	[bflag:$0x3] =	sbarrier.arrive $0xFFFF;
	s2 =	simm.s32 @!p0 $0x1C02  }
0x89c: {  	[timem:s3], [sflag:s2] =	dma.local @!p0 [hbm:s0], s1  }
0x89d: {  	s0 =	simm.s32 @!p0 $0x2  }
0x89e: {  	_ =	swait.ge @!p0 [sflag:s0], s1  }
0x89f: {  	s1 =	ssub.s32 @!p0 $0x0, s1;
	[sflag:s0] =	ssyncset.done @!p0 $0x0  }
0x8a0: {  	[sflag:s0] =	ssyncadd.s32 @!p0 s1  }
0x8a1: {  	[bflag:$0x3] =	sbarrier.arrive $0xFFFF  }
0x8a2: {  	_ =	shalt  }

</sc_bundles>
